<compile_context>
chip_gen: v7x
topology: tpu7x:2x2x1
jax: 0.10.2.dev20260603
libtpu: 0.0.44.dev20260713+nightly
codegen_flags: <defaults>
</compile_context>

<pallas_src>
import functools

import jax
import jax.numpy as jnp
from jax import lax
from jax.experimental import pallas as pl
from jax.experimental.pallas import tpu as pltpu
from jax.experimental.pallas import tpu_sc as plsc

BATCH = 16384
FEAT = 2048
LANES = 16
NUM_CORES = 2
NUM_SUBCORES = 16
NW = NUM_CORES * NUM_SUBCORES
ROWS_PER_W = BATCH // NW
R = 4
NBUF = 4
NCHUNKS = ROWS_PER_W // R
JBLKS = FEAT // LANES


@functools.partial(
    pl.kernel,
    mesh=plsc.VectorSubcoreMesh(core_axis_name="c", subcore_axis_name="s"),
    out_type=jax.ShapeDtypeStruct((BATCH, FEAT), jnp.float32),
    compiler_params=pltpu.CompilerParams(
        needs_layout_passes=False, use_tc_tiling_on_sc=True
    ),
    scratch_types=(
        [pltpu.VMEM((FEAT,), jnp.int32)]
        + [pltpu.VMEM((R, FEAT), jnp.float32) for _ in range(2 * NBUF)]
        + [pltpu.SemaphoreType.DMA for _ in range(2 * NBUF)]
        + [pltpu.VMEM_SHARED((NUM_SUBCORES, R, FEAT), jnp.float32)]
    ),
)
def _shuffle(in_hbm, perm_hbm, out_hbm, perm_v, *bufs_and_sems):
    in_bufs = bufs_and_sems[0:NBUF]
    out_bufs = bufs_and_sems[NBUF:2 * NBUF]
    sem_in = bufs_and_sems[2 * NBUF:3 * NBUF]
    sem_out = bufs_and_sems[3 * NBUF:4 * NBUF]
    shared = bufs_and_sems[4 * NBUF]
    sid = lax.axis_index("s")

    wid = lax.axis_index("s") * NUM_CORES + lax.axis_index("c")
    row_base = wid * ROWS_PER_W

    def start_in(c, b):
        pltpu.async_copy(in_hbm.at[pl.ds(row_base + c * R, R)], in_bufs[b],
                         sem_in[b])

    def wait_in(b):
        pltpu.make_async_copy(in_hbm.at[pl.ds(0, R)], in_bufs[b],
                              sem_in[b]).wait()

    def start_out(c, b):
        pltpu.async_copy(out_bufs[b], shared.at[sid], sem_out[b])

    def wait_out(b):
        pltpu.make_async_copy(out_bufs[b], shared.at[sid],
                              sem_out[b]).wait()

    def compute(b):
        in_b, out_b = in_bufs[b], out_bufs[b]

        @plsc.parallel_loop(0, JBLKS, unroll=4)
        def _(j):
            col = j * LANES
            idx = perm_v[pl.ds(col, LANES)]
            for r in range(R):
                row_idx = jnp.full((LANES,), r, jnp.int32)
                out_b[r, pl.ds(col, LANES)] = plsc.load_gather(
                    in_b, [row_idx, idx]
                )

    for b in range(NBUF):
        start_in(b, b)
    pltpu.sync_copy(perm_hbm, perm_v)
    for b in range(NBUF):
        wait_in(b)
        compute(b)
        start_out(b, b)
        start_in(b + NBUF, b)

    @pl.loop(NBUF, NCHUNKS - NBUF, step=NBUF)
    def _(c0):
        for b in range(NBUF):
            c = c0 + b
            wait_in(b)
            wait_out(b)
            compute(b)
            start_out(c, b)
            start_in(c + NBUF, b)

    for b in range(NBUF):
        c = NCHUNKS - NBUF + b
        wait_in(b)
        wait_out(b)
        compute(b)
        start_out(c, b)
    for b in range(NBUF):
        wait_out(b)


def kernel(inputs, perm):
    out = _shuffle(inputs, perm)
    logdet = jnp.zeros((inputs.shape[0], 1), dtype=inputs.dtype)
    return (out, logdet)

# --- scband reference (transcript-rebuilt; emitter-appended) ---
"""Pipeline reference for scband-shuffle-19825569038906 (READ-ONLY COPY).

The authoritative reference and input builder live on the scoring server;
editing this copy changes nothing except your own understanding.
"""

import jax, jax.numpy as jnp
import numpy as np

NUM_INPUTS = 2048
BATCH = 16384


def setup_inputs(seed: int = 0) -> dict:
    key = jax.random.key(seed)
    inputs = jax.random.normal(key, (BATCH, NUM_INPUTS), dtype=jnp.float32)
    # fixed random permutation buffer (created once at module init)
    perm = jnp.asarray(np.random.default_rng(0).permutation(NUM_INPUTS), dtype=jnp.int32)
    return {"inputs": inputs, "perm": perm}


def reference(inputs, perm):
    # mode='direct': gather columns according to perm, log-det jacobian is zero
    out = jnp.take(inputs, perm, axis=1)
    logdet = jnp.zeros((inputs.shape[0], 1), dtype=inputs.dtype)
    return (out, logdet)

if __name__ == "__main__":
    import jax
    _d = setup_inputs()
    print(jax.jit(kernel)(*tuple(_d.values())))

</pallas_src>

<mosaic_0001>
#map = affine_map<(d0, d1) -> (0, 0)>
#map1 = affine_map<(d0, d1) -> (0)>
module attributes {stable_mosaic.version = 14 : i64} {
  func.func @_shuffle(%arg0: i32, %arg1: i32, %arg2: memref<16384x2048xf32, #tpu.memory_space<hbm>>, %arg3: memref<2048xi32, #tpu.memory_space<hbm>>, %arg4: memref<16384x2048xf32, #tpu.memory_space<hbm>>, %arg5: memref<2048xi32, #tpu.memory_space<vmem>>, %arg6: memref<4x2048xf32, #tpu.memory_space<vmem>>, %arg7: memref<4x2048xf32, #tpu.memory_space<vmem>>, %arg8: memref<4x2048xf32, #tpu.memory_space<vmem>>, %arg9: memref<4x2048xf32, #tpu.memory_space<vmem>>, %arg10: memref<4x2048xf32, #tpu.memory_space<vmem>>, %arg11: memref<4x2048xf32, #tpu.memory_space<vmem>>, %arg12: memref<4x2048xf32, #tpu.memory_space<vmem>>, %arg13: memref<4x2048xf32, #tpu.memory_space<vmem>>, %arg14: memref<!tpu.dma_semaphore, #tpu.memory_space<semaphore_mem>>, %arg15: memref<!tpu.dma_semaphore, #tpu.memory_space<semaphore_mem>>, %arg16: memref<!tpu.dma_semaphore, #tpu.memory_space<semaphore_mem>>, %arg17: memref<!tpu.dma_semaphore, #tpu.memory_space<semaphore_mem>>, %arg18: memref<!tpu.dma_semaphore, #tpu.memory_space<semaphore_mem>>, %arg19: memref<!tpu.dma_semaphore, #tpu.memory_space<semaphore_mem>>, %arg20: memref<!tpu.dma_semaphore, #tpu.memory_space<semaphore_mem>>, %arg21: memref<!tpu.dma_semaphore, #tpu.memory_space<semaphore_mem>>, %arg22: memref<16x4x2048xf32, #tpu.memory_space<vmem_shared>>) attributes {dimension_semantics = [#tpu.dimension_semantics<core_parallel>, #tpu.dimension_semantics<subcore_parallel>], iteration_bounds = array<i64: 2, 16>, scalar_prefetch = 0 : i64, scratch_operands = 18 : i64, tpu.core_type = #tpu.core_type<sc_vector_subcore>, window_params = [{transform_indices = #map}, {transform_indices = #map1}, {transform_indices = #map}]} {
    %mul3A = arith.constant 2 : i32
    %mul3A_0 = arith.muli %arg1, %mul3A : i32
    %add3A = arith.addi %mul3A_0, %arg0 : i32
    %mul3A_1 = arith.constant 512 : i32
    %mul3A_2 = arith.muli %add3A, %mul3A_1 : i32
    %add3A_3 = arith.constant 0 : i32
    %add3A_4 = arith.addi %mul3A_2, %add3A_3 : i32
    %dma_start3A = arith.constant 0 : i32
    %dma_start3A_5 = tpu.memref_slice %arg2[%add3A_4, %dma_start3A] : memref<16384x2048xf32, #tpu.memory_space<hbm>> -> memref<4x2048xf32, #tpu.memory_space<hbm>>
    %dma_start3A_6 = arith.constant 0 : i32
    %dma_start3A_7 = tpu.memref_slice %arg2[%add3A_4, %dma_start3A_6] : memref<16384x2048xf32, #tpu.memory_space<hbm>> -> memref<4x2048xf32, #tpu.memory_space<hbm>>
    tpu.enqueue_dma source(%dma_start3A_7 : memref<4x2048xf32, #tpu.memory_space<hbm>>) target(%arg6 : memref<4x2048xf32, #tpu.memory_space<vmem>>) target_semaphore(%arg14 : memref<!tpu.dma_semaphore, #tpu.memory_space<semaphore_mem>>)
    %add3A_8 = arith.constant 4 : i32
    %add3A_9 = arith.addi %mul3A_2, %add3A_8 : i32
    %dma_start3A_10 = arith.constant 0 : i32
    %dma_start3A_11 = tpu.memref_slice %arg2[%add3A_9, %dma_start3A_10] : memref<16384x2048xf32, #tpu.memory_space<hbm>> -> memref<4x2048xf32, #tpu.memory_space<hbm>>
    %dma_start3A_12 = arith.constant 0 : i32
    %dma_start3A_13 = tpu.memref_slice %arg2[%add3A_9, %dma_start3A_12] : memref<16384x2048xf32, #tpu.memory_space<hbm>> -> memref<4x2048xf32, #tpu.memory_space<hbm>>
    tpu.enqueue_dma source(%dma_start3A_13 : memref<4x2048xf32, #tpu.memory_space<hbm>>) target(%arg7 : memref<4x2048xf32, #tpu.memory_space<vmem>>) target_semaphore(%arg15 : memref<!tpu.dma_semaphore, #tpu.memory_space<semaphore_mem>>)
    %add3A_14 = arith.constant 8 : i32
    %add3A_15 = arith.addi %mul3A_2, %add3A_14 : i32
    %dma_start3A_16 = arith.constant 0 : i32
    %dma_start3A_17 = tpu.memref_slice %arg2[%add3A_15, %dma_start3A_16] : memref<16384x2048xf32, #tpu.memory_space<hbm>> -> memref<4x2048xf32, #tpu.memory_space<hbm>>
    %dma_start3A_18 = arith.constant 0 : i32
    %dma_start3A_19 = tpu.memref_slice %arg2[%add3A_15, %dma_start3A_18] : memref<16384x2048xf32, #tpu.memory_space<hbm>> -> memref<4x2048xf32, #tpu.memory_space<hbm>>
    tpu.enqueue_dma source(%dma_start3A_19 : memref<4x2048xf32, #tpu.memory_space<hbm>>) target(%arg8 : memref<4x2048xf32, #tpu.memory_space<vmem>>) target_semaphore(%arg16 : memref<!tpu.dma_semaphore, #tpu.memory_space<semaphore_mem>>)
    %add3A_20 = arith.constant 12 : i32
    %add3A_21 = arith.addi %mul3A_2, %add3A_20 : i32
    %dma_start3A_22 = arith.constant 0 : i32
    %dma_start3A_23 = tpu.memref_slice %arg2[%add3A_21, %dma_start3A_22] : memref<16384x2048xf32, #tpu.memory_space<hbm>> -> memref<4x2048xf32, #tpu.memory_space<hbm>>
    %dma_start3A_24 = arith.constant 0 : i32
    %dma_start3A_25 = tpu.memref_slice %arg2[%add3A_21, %dma_start3A_24] : memref<16384x2048xf32, #tpu.memory_space<hbm>> -> memref<4x2048xf32, #tpu.memory_space<hbm>>
    tpu.enqueue_dma source(%dma_start3A_25 : memref<4x2048xf32, #tpu.memory_space<hbm>>) target(%arg9 : memref<4x2048xf32, #tpu.memory_space<vmem>>) target_semaphore(%arg17 : memref<!tpu.dma_semaphore, #tpu.memory_space<semaphore_mem>>)
    "tpu.region"() ({
      %run_scoped3A = tpu.sem_alloc : memref<!tpu.dma_semaphore, #tpu.memory_space<semaphore_mem>>
      tpu.enqueue_dma source(%arg3 : memref<2048xi32, #tpu.memory_space<hbm>>) target(%arg5 : memref<2048xi32, #tpu.memory_space<vmem>>) target_semaphore(%run_scoped3A : memref<!tpu.dma_semaphore, #tpu.memory_space<semaphore_mem>>)
      tpu.wait_dma2 semaphore(%run_scoped3A : memref<!tpu.dma_semaphore, #tpu.memory_space<semaphore_mem>>) src(%arg3 : memref<2048xi32, #tpu.memory_space<hbm>>) dst(%arg5 : memref<2048xi32, #tpu.memory_space<vmem>>)
      tpu.yield
    }) : () -> ()
    %dma_wait3A = arith.constant 0 : i32
    %dma_wait3A_26 = arith.constant 0 : i32
    %dma_wait3A_27 = tpu.memref_slice %arg2[%dma_wait3A, %dma_wait3A_26] : memref<16384x2048xf32, #tpu.memory_space<hbm>> -> memref<4x2048xf32, #tpu.memory_space<hbm>>
    %dma_wait3A_28 = arith.constant 0 : i32
    %dma_wait3A_29 = arith.constant 0 : i32
    %dma_wait3A_30 = tpu.memref_slice %arg2[%dma_wait3A_28, %dma_wait3A_29] : memref<16384x2048xf32, #tpu.memory_space<hbm>> -> memref<4x2048xf32, #tpu.memory_space<hbm>>
    tpu.wait_dma2 semaphore(%arg14 : memref<!tpu.dma_semaphore, #tpu.memory_space<semaphore_mem>>) src(%dma_wait3A_30 : memref<4x2048xf32, #tpu.memory_space<hbm>>) dst(%arg6 : memref<4x2048xf32, #tpu.memory_space<vmem>>)
    %parallel_loop3A = arith.constant 0 : i32
    %parallel_loop3A_31 = arith.constant 128 : i32
    %parallel_loop3A_32 = arith.constant 1 : i32
    scf.for %parallel_loop3A_252 = %parallel_loop3A to %parallel_loop3A_31 step %parallel_loop3A_32  : i32 {
      %parallel_loop3A_253 = arith.constant 16 : i32
      %parallel_loop3A_254 = arith.muli %parallel_loop3A_252, %parallel_loop3A_253 : i32
      %parallel_loop3A_255 = arith.index_cast %parallel_loop3A_254 : i32 to index
      %parallel_loop3A_256 = tpu.vector_load %arg5[%parallel_loop3A_255] {strides = array<i32>} : memref<2048xi32, #tpu.memory_space<vmem>>, vector<16xi32>,
      %parallel_loop3A_257 = arith.constant 0 : i32
      %parallel_loop3A_258 = vector.broadcast %parallel_loop3A_257 : i32 to vector<16xi32>
      %parallel_loop3A_259 = tpu.vector_load_idx %arg6[%parallel_loop3A_258, %parallel_loop3A_256] : memref<4x2048xf32, #tpu.memory_space<vmem>>[vector<16xi32>, vector<16xi32>], vector<16xf32>,
      %parallel_loop3A_260 = arith.constant 0 : i32
      %parallel_loop3A_261 = arith.index_cast %parallel_loop3A_260 : i32 to index
      %parallel_loop3A_262 = arith.index_cast %parallel_loop3A_254 : i32 to index
      %parallel_loop3A_263 = tpu.vector_load %arg10[%parallel_loop3A_261, %parallel_loop3A_262] {strides = array<i32>} : memref<4x2048xf32, #tpu.memory_space<vmem>>, vector<16xf32>,
      tpu.vector_store %arg10[%parallel_loop3A_261, %parallel_loop3A_262], %parallel_loop3A_259 {strides = array<i32>} : memref<4x2048xf32, #tpu.memory_space<vmem>>, vector<16xf32>,
      %parallel_loop3A_264 = arith.constant 1 : i32
      %parallel_loop3A_265 = vector.broadcast %parallel_loop3A_264 : i32 to vector<16xi32>
      %parallel_loop3A_266 = tpu.vector_load_idx %arg6[%parallel_loop3A_265, %parallel_loop3A_256] : memref<4x2048xf32, #tpu.memory_space<vmem>>[vector<16xi32>, vector<16xi32>], vector<16xf32>,
      %parallel_loop3A_267 = arith.constant 1 : i32
      %parallel_loop3A_268 = arith.index_cast %parallel_loop3A_267 : i32 to index
      %parallel_loop3A_269 = arith.index_cast %parallel_loop3A_254 : i32 to index
      %parallel_loop3A_270 = tpu.vector_load %arg10[%parallel_loop3A_268, %parallel_loop3A_269] {strides = array<i32>} : memref<4x2048xf32, #tpu.memory_space<vmem>>, vector<16xf32>,
      tpu.vector_store %arg10[%parallel_loop3A_268, %parallel_loop3A_269], %parallel_loop3A_266 {strides = array<i32>} : memref<4x2048xf32, #tpu.memory_space<vmem>>, vector<16xf32>,
      %parallel_loop3A_271 = arith.constant 2 : i32
      %parallel_loop3A_272 = vector.broadcast %parallel_loop3A_271 : i32 to vector<16xi32>
      %parallel_loop3A_273 = tpu.vector_load_idx %arg6[%parallel_loop3A_272, %parallel_loop3A_256] : memref<4x2048xf32, #tpu.memory_space<vmem>>[vector<16xi32>, vector<16xi32>], vector<16xf32>,
      %parallel_loop3A_274 = arith.constant 2 : i32
      %parallel_loop3A_275 = arith.index_cast %parallel_loop3A_274 : i32 to index
      %parallel_loop3A_276 = arith.index_cast %parallel_loop3A_254 : i32 to index
      %parallel_loop3A_277 = tpu.vector_load %arg10[%parallel_loop3A_275, %parallel_loop3A_276] {strides = array<i32>} : memref<4x2048xf32, #tpu.memory_space<vmem>>, vector<16xf32>,
      tpu.vector_store %arg10[%parallel_loop3A_275, %parallel_loop3A_276], %parallel_loop3A_273 {strides = array<i32>} : memref<4x2048xf32, #tpu.memory_space<vmem>>, vector<16xf32>,
      %parallel_loop3A_278 = arith.constant 3 : i32
      %parallel_loop3A_279 = vector.broadcast %parallel_loop3A_278 : i32 to vector<16xi32>
      %parallel_loop3A_280 = tpu.vector_load_idx %arg6[%parallel_loop3A_279, %parallel_loop3A_256] : memref<4x2048xf32, #tpu.memory_space<vmem>>[vector<16xi32>, vector<16xi32>], vector<16xf32>,
      %parallel_loop3A_281 = arith.constant 3 : i32
      %parallel_loop3A_282 = arith.index_cast %parallel_loop3A_281 : i32 to index
      %parallel_loop3A_283 = arith.index_cast %parallel_loop3A_254 : i32 to index
      %parallel_loop3A_284 = tpu.vector_load %arg10[%parallel_loop3A_282, %parallel_loop3A_283] {strides = array<i32>} : memref<4x2048xf32, #tpu.memory_space<vmem>>, vector<16xf32>,
      tpu.vector_store %arg10[%parallel_loop3A_282, %parallel_loop3A_283], %parallel_loop3A_280 {strides = array<i32>} : memref<4x2048xf32, #tpu.memory_space<vmem>>, vector<16xf32>,
    } {sc.loop_unroll_factor = 4 : i64, sc.parallel_access}
    %dma_start3A_33 = arith.constant 0 : i32
    %dma_start3A_34 = arith.constant 0 : i32
    %dma_start3A_35 = tpu.memref_slice %arg22[%arg1, %dma_start3A_33, %dma_start3A_34] : memref<16x4x2048xf32, #tpu.memory_space<vmem_shared>> -> memref<1x4x2048xf32, #tpu.memory_space<vmem_shared>>
    %dma_start3A_36 = tpu.memref_squeeze %dma_start3A_35 : memref<1x4x2048xf32, #tpu.memory_space<vmem_shared>> -> memref<4x2048xf32, #tpu.memory_space<vmem_shared>>
    %dma_start3A_37 = arith.constant 0 : i32
    %dma_start3A_38 = arith.constant 0 : i32
    %dma_start3A_39 = tpu.memref_slice %arg22[%arg1, %dma_start3A_37, %dma_start3A_38] : memref<16x4x2048xf32, #tpu.memory_space<vmem_shared>> -> memref<1x4x2048xf32, #tpu.memory_space<vmem_shared>>
    %dma_start3A_40 = tpu.memref_squeeze %dma_start3A_39 : memref<1x4x2048xf32, #tpu.memory_space<vmem_shared>> -> memref<4x2048xf32, #tpu.memory_space<vmem_shared>>
    tpu.enqueue_dma source(%arg10 : memref<4x2048xf32, #tpu.memory_space<vmem>>) target(%dma_start3A_40 : memref<4x2048xf32, #tpu.memory_space<vmem_shared>>) target_semaphore(%arg18 : memref<!tpu.dma_semaphore, #tpu.memory_space<semaphore_mem>>)
    %add3A_41 = arith.constant 16 : i32
    %add3A_42 = arith.addi %mul3A_2, %add3A_41 : i32
    %dma_start3A_43 = arith.constant 0 : i32
    %dma_start3A_44 = tpu.memref_slice %arg2[%add3A_42, %dma_start3A_43] : memref<16384x2048xf32, #tpu.memory_space<hbm>> -> memref<4x2048xf32, #tpu.memory_space<hbm>>
    %dma_start3A_45 = arith.constant 0 : i32
    %dma_start3A_46 = tpu.memref_slice %arg2[%add3A_42, %dma_start3A_45] : memref<16384x2048xf32, #tpu.memory_space<hbm>> -> memref<4x2048xf32, #tpu.memory_space<hbm>>
    tpu.enqueue_dma source(%dma_start3A_46 : memref<4x2048xf32, #tpu.memory_space<hbm>>) target(%arg6 : memref<4x2048xf32, #tpu.memory_space<vmem>>) target_semaphore(%arg14 : memref<!tpu.dma_semaphore, #tpu.memory_space<semaphore_mem>>)
    %dma_wait3A_47 = arith.constant 0 : i32
    %dma_wait3A_48 = arith.constant 0 : i32
    %dma_wait3A_49 = tpu.memref_slice %arg2[%dma_wait3A_47, %dma_wait3A_48] : memref<16384x2048xf32, #tpu.memory_space<hbm>> -> memref<4x2048xf32, #tpu.memory_space<hbm>>
    %dma_wait3A_50 = arith.constant 0 : i32
    %dma_wait3A_51 = arith.constant 0 : i32
    %dma_wait3A_52 = tpu.memref_slice %arg2[%dma_wait3A_50, %dma_wait3A_51] : memref<16384x2048xf32, #tpu.memory_space<hbm>> -> memref<4x2048xf32, #tpu.memory_space<hbm>>
    tpu.wait_dma2 semaphore(%arg15 : memref<!tpu.dma_semaphore, #tpu.memory_space<semaphore_mem>>) src(%dma_wait3A_52 : memref<4x2048xf32, #tpu.memory_space<hbm>>) dst(%arg7 : memref<4x2048xf32, #tpu.memory_space<vmem>>)
    %parallel_loop3A_53 = arith.constant 0 : i32
    %parallel_loop3A_54 = arith.constant 128 : i32
    %parallel_loop3A_55 = arith.constant 1 : i32
    scf.for %parallel_loop3A_252 = %parallel_loop3A_53 to %parallel_loop3A_54 step %parallel_loop3A_55  : i32 {
      %parallel_loop3A_253 = arith.constant 16 : i32
      %parallel_loop3A_254 = arith.muli %parallel_loop3A_252, %parallel_loop3A_253 : i32
      %parallel_loop3A_255 = arith.index_cast %parallel_loop3A_254 : i32 to index
      %parallel_loop3A_256 = tpu.vector_load %arg5[%parallel_loop3A_255] {strides = array<i32>} : memref<2048xi32, #tpu.memory_space<vmem>>, vector<16xi32>,
      %parallel_loop3A_257 = arith.constant 0 : i32
      %parallel_loop3A_258 = vector.broadcast %parallel_loop3A_257 : i32 to vector<16xi32>
      %parallel_loop3A_259 = tpu.vector_load_idx %arg7[%parallel_loop3A_258, %parallel_loop3A_256] : memref<4x2048xf32, #tpu.memory_space<vmem>>[vector<16xi32>, vector<16xi32>], vector<16xf32>,
      %parallel_loop3A_260 = arith.constant 0 : i32
      %parallel_loop3A_261 = arith.index_cast %parallel_loop3A_260 : i32 to index
      %parallel_loop3A_262 = arith.index_cast %parallel_loop3A_254 : i32 to index
      %parallel_loop3A_263 = tpu.vector_load %arg11[%parallel_loop3A_261, %parallel_loop3A_262] {strides = array<i32>} : memref<4x2048xf32, #tpu.memory_space<vmem>>, vector<16xf32>,
      tpu.vector_store %arg11[%parallel_loop3A_261, %parallel_loop3A_262], %parallel_loop3A_259 {strides = array<i32>} : memref<4x2048xf32, #tpu.memory_space<vmem>>, vector<16xf32>,
      %parallel_loop3A_264 = arith.constant 1 : i32
      %parallel_loop3A_265 = vector.broadcast %parallel_loop3A_264 : i32 to vector<16xi32>
      %parallel_loop3A_266 = tpu.vector_load_idx %arg7[%parallel_loop3A_265, %parallel_loop3A_256] : memref<4x2048xf32, #tpu.memory_space<vmem>>[vector<16xi32>, vector<16xi32>], vector<16xf32>,
      %parallel_loop3A_267 = arith.constant 1 : i32
      %parallel_loop3A_268 = arith.index_cast %parallel_loop3A_267 : i32 to index
      %parallel_loop3A_269 = arith.index_cast %parallel_loop3A_254 : i32 to index
      %parallel_loop3A_270 = tpu.vector_load %arg11[%parallel_loop3A_268, %parallel_loop3A_269] {strides = array<i32>} : memref<4x2048xf32, #tpu.memory_space<vmem>>, vector<16xf32>,
      tpu.vector_store %arg11[%parallel_loop3A_268, %parallel_loop3A_269], %parallel_loop3A_266 {strides = array<i32>} : memref<4x2048xf32, #tpu.memory_space<vmem>>, vector<16xf32>,
      %parallel_loop3A_271 = arith.constant 2 : i32
      %parallel_loop3A_272 = vector.broadcast %parallel_loop3A_271 : i32 to vector<16xi32>
      %parallel_loop3A_273 = tpu.vector_load_idx %arg7[%parallel_loop3A_272, %parallel_loop3A_256] : memref<4x2048xf32, #tpu.memory_space<vmem>>[vector<16xi32>, vector<16xi32>], vector<16xf32>,
      %parallel_loop3A_274 = arith.constant 2 : i32
      %parallel_loop3A_275 = arith.index_cast %parallel_loop3A_274 : i32 to index
      %parallel_loop3A_276 = arith.index_cast %parallel_loop3A_254 : i32 to index
      %parallel_loop3A_277 = tpu.vector_load %arg11[%parallel_loop3A_275, %parallel_loop3A_276] {strides = array<i32>} : memref<4x2048xf32, #tpu.memory_space<vmem>>, vector<16xf32>,
      tpu.vector_store %arg11[%parallel_loop3A_275, %parallel_loop3A_276], %parallel_loop3A_273 {strides = array<i32>} : memref<4x2048xf32, #tpu.memory_space<vmem>>, vector<16xf32>,
      %parallel_loop3A_278 = arith.constant 3 : i32
      %parallel_loop3A_279 = vector.broadcast %parallel_loop3A_278 : i32 to vector<16xi32>
      %parallel_loop3A_280 = tpu.vector_load_idx %arg7[%parallel_loop3A_279, %parallel_loop3A_256] : memref<4x2048xf32, #tpu.memory_space<vmem>>[vector<16xi32>, vector<16xi32>], vector<16xf32>,
      %parallel_loop3A_281 = arith.constant 3 : i32
      %parallel_loop3A_282 = arith.index_cast %parallel_loop3A_281 : i32 to index
      %parallel_loop3A_283 = arith.index_cast %parallel_loop3A_254 : i32 to index
      %parallel_loop3A_284 = tpu.vector_load %arg11[%parallel_loop3A_282, %parallel_loop3A_283] {strides = array<i32>} : memref<4x2048xf32, #tpu.memory_space<vmem>>, vector<16xf32>,
      tpu.vector_store %arg11[%parallel_loop3A_282, %parallel_loop3A_283], %parallel_loop3A_280 {strides = array<i32>} : memref<4x2048xf32, #tpu.memory_space<vmem>>, vector<16xf32>,
    } {sc.loop_unroll_factor = 4 : i64, sc.parallel_access}
    %dma_start3A_56 = arith.constant 0 : i32
    %dma_start3A_57 = arith.constant 0 : i32
    %dma_start3A_58 = tpu.memref_slice %arg22[%arg1, %dma_start3A_56, %dma_start3A_57] : memref<16x4x2048xf32, #tpu.memory_space<vmem_shared>> -> memref<1x4x2048xf32, #tpu.memory_space<vmem_shared>>
    %dma_start3A_59 = tpu.memref_squeeze %dma_start3A_58 : memref<1x4x2048xf32, #tpu.memory_space<vmem_shared>> -> memref<4x2048xf32, #tpu.memory_space<vmem_shared>>
    %dma_start3A_60 = arith.constant 0 : i32
    %dma_start3A_61 = arith.constant 0 : i32
    %dma_start3A_62 = tpu.memref_slice %arg22[%arg1, %dma_start3A_60, %dma_start3A_61] : memref<16x4x2048xf32, #tpu.memory_space<vmem_shared>> -> memref<1x4x2048xf32, #tpu.memory_space<vmem_shared>>
    %dma_start3A_63 = tpu.memref_squeeze %dma_start3A_62 : memref<1x4x2048xf32, #tpu.memory_space<vmem_shared>> -> memref<4x2048xf32, #tpu.memory_space<vmem_shared>>
    tpu.enqueue_dma source(%arg11 : memref<4x2048xf32, #tpu.memory_space<vmem>>) target(%dma_start3A_63 : memref<4x2048xf32, #tpu.memory_space<vmem_shared>>) target_semaphore(%arg19 : memref<!tpu.dma_semaphore, #tpu.memory_space<semaphore_mem>>)
    %add3A_64 = arith.constant 20 : i32
    %add3A_65 = arith.addi %mul3A_2, %add3A_64 : i32
    %dma_start3A_66 = arith.constant 0 : i32
    %dma_start3A_67 = tpu.memref_slice %arg2[%add3A_65, %dma_start3A_66] : memref<16384x2048xf32, #tpu.memory_space<hbm>> -> memref<4x2048xf32, #tpu.memory_space<hbm>>
    %dma_start3A_68 = arith.constant 0 : i32
    %dma_start3A_69 = tpu.memref_slice %arg2[%add3A_65, %dma_start3A_68] : memref<16384x2048xf32, #tpu.memory_space<hbm>> -> memref<4x2048xf32, #tpu.memory_space<hbm>>
    tpu.enqueue_dma source(%dma_start3A_69 : memref<4x2048xf32, #tpu.memory_space<hbm>>) target(%arg7 : memref<4x2048xf32, #tpu.memory_space<vmem>>) target_semaphore(%arg15 : memref<!tpu.dma_semaphore, #tpu.memory_space<semaphore_mem>>)
    %dma_wait3A_70 = arith.constant 0 : i32
    %dma_wait3A_71 = arith.constant 0 : i32
    %dma_wait3A_72 = tpu.memref_slice %arg2[%dma_wait3A_70, %dma_wait3A_71] : memref<16384x2048xf32, #tpu.memory_space<hbm>> -> memref<4x2048xf32, #tpu.memory_space<hbm>>
    %dma_wait3A_73 = arith.constant 0 : i32
    %dma_wait3A_74 = arith.constant 0 : i32
    %dma_wait3A_75 = tpu.memref_slice %arg2[%dma_wait3A_73, %dma_wait3A_74] : memref<16384x2048xf32, #tpu.memory_space<hbm>> -> memref<4x2048xf32, #tpu.memory_space<hbm>>
    tpu.wait_dma2 semaphore(%arg16 : memref<!tpu.dma_semaphore, #tpu.memory_space<semaphore_mem>>) src(%dma_wait3A_75 : memref<4x2048xf32, #tpu.memory_space<hbm>>) dst(%arg8 : memref<4x2048xf32, #tpu.memory_space<vmem>>)
    %parallel_loop3A_76 = arith.constant 0 : i32
    %parallel_loop3A_77 = arith.constant 128 : i32
    %parallel_loop3A_78 = arith.constant 1 : i32
    scf.for %parallel_loop3A_252 = %parallel_loop3A_76 to %parallel_loop3A_77 step %parallel_loop3A_78  : i32 {
      %parallel_loop3A_253 = arith.constant 16 : i32
      %parallel_loop3A_254 = arith.muli %parallel_loop3A_252, %parallel_loop3A_253 : i32
      %parallel_loop3A_255 = arith.index_cast %parallel_loop3A_254 : i32 to index
      %parallel_loop3A_256 = tpu.vector_load %arg5[%parallel_loop3A_255] {strides = array<i32>} : memref<2048xi32, #tpu.memory_space<vmem>>, vector<16xi32>,
      %parallel_loop3A_257 = arith.constant 0 : i32
      %parallel_loop3A_258 = vector.broadcast %parallel_loop3A_257 : i32 to vector<16xi32>
      %parallel_loop3A_259 = tpu.vector_load_idx %arg8[%parallel_loop3A_258, %parallel_loop3A_256] : memref<4x2048xf32, #tpu.memory_space<vmem>>[vector<16xi32>, vector<16xi32>], vector<16xf32>,
      %parallel_loop3A_260 = arith.constant 0 : i32
      %parallel_loop3A_261 = arith.index_cast %parallel_loop3A_260 : i32 to index
      %parallel_loop3A_262 = arith.index_cast %parallel_loop3A_254 : i32 to index
      %parallel_loop3A_263 = tpu.vector_load %arg12[%parallel_loop3A_261, %parallel_loop3A_262] {strides = array<i32>} : memref<4x2048xf32, #tpu.memory_space<vmem>>, vector<16xf32>,
      tpu.vector_store %arg12[%parallel_loop3A_261, %parallel_loop3A_262], %parallel_loop3A_259 {strides = array<i32>} : memref<4x2048xf32, #tpu.memory_space<vmem>>, vector<16xf32>,
      %parallel_loop3A_264 = arith.constant 1 : i32
      %parallel_loop3A_265 = vector.broadcast %parallel_loop3A_264 : i32 to vector<16xi32>
      %parallel_loop3A_266 = tpu.vector_load_idx %arg8[%parallel_loop3A_265, %parallel_loop3A_256] : memref<4x2048xf32, #tpu.memory_space<vmem>>[vector<16xi32>, vector<16xi32>], vector<16xf32>,
      %parallel_loop3A_267 = arith.constant 1 : i32
      %parallel_loop3A_268 = arith.index_cast %parallel_loop3A_267 : i32 to index
      %parallel_loop3A_269 = arith.index_cast %parallel_loop3A_254 : i32 to index
      %parallel_loop3A_270 = tpu.vector_load %arg12[%parallel_loop3A_268, %parallel_loop3A_269] {strides = array<i32>} : memref<4x2048xf32, #tpu.memory_space<vmem>>, vector<16xf32>,
      tpu.vector_store %arg12[%parallel_loop3A_268, %parallel_loop3A_269], %parallel_loop3A_266 {strides = array<i32>} : memref<4x2048xf32, #tpu.memory_space<vmem>>, vector<16xf32>,
      %parallel_loop3A_271 = arith.constant 2 : i32
      %parallel_loop3A_272 = vector.broadcast %parallel_loop3A_271 : i32 to vector<16xi32>
      %parallel_loop3A_273 = tpu.vector_load_idx %arg8[%parallel_loop3A_272, %parallel_loop3A_256] : memref<4x2048xf32, #tpu.memory_space<vmem>>[vector<16xi32>, vector<16xi32>], vector<16xf32>,
      %parallel_loop3A_274 = arith.constant 2 : i32
      %parallel_loop3A_275 = arith.index_cast %parallel_loop3A_274 : i32 to index
      %parallel_loop3A_276 = arith.index_cast %parallel_loop3A_254 : i32 to index
      %parallel_loop3A_277 = tpu.vector_load %arg12[%parallel_loop3A_275, %parallel_loop3A_276] {strides = array<i32>} : memref<4x2048xf32, #tpu.memory_space<vmem>>, vector<16xf32>,
      tpu.vector_store %arg12[%parallel_loop3A_275, %parallel_loop3A_276], %parallel_loop3A_273 {strides = array<i32>} : memref<4x2048xf32, #tpu.memory_space<vmem>>, vector<16xf32>,
      %parallel_loop3A_278 = arith.constant 3 : i32
      %parallel_loop3A_279 = vector.broadcast %parallel_loop3A_278 : i32 to vector<16xi32>
      %parallel_loop3A_280 = tpu.vector_load_idx %arg8[%parallel_loop3A_279, %parallel_loop3A_256] : memref<4x2048xf32, #tpu.memory_space<vmem>>[vector<16xi32>, vector<16xi32>], vector<16xf32>,
      %parallel_loop3A_281 = arith.constant 3 : i32
      %parallel_loop3A_282 = arith.index_cast %parallel_loop3A_281 : i32 to index
      %parallel_loop3A_283 = arith.index_cast %parallel_loop3A_254 : i32 to index
      %parallel_loop3A_284 = tpu.vector_load %arg12[%parallel_loop3A_282, %parallel_loop3A_283] {strides = array<i32>} : memref<4x2048xf32, #tpu.memory_space<vmem>>, vector<16xf32>,
      tpu.vector_store %arg12[%parallel_loop3A_282, %parallel_loop3A_283], %parallel_loop3A_280 {strides = array<i32>} : memref<4x2048xf32, #tpu.memory_space<vmem>>, vector<16xf32>,
    } {sc.loop_unroll_factor = 4 : i64, sc.parallel_access}
    %dma_start3A_79 = arith.constant 0 : i32
    %dma_start3A_80 = arith.constant 0 : i32
    %dma_start3A_81 = tpu.memref_slice %arg22[%arg1, %dma_start3A_79, %dma_start3A_80] : memref<16x4x2048xf32, #tpu.memory_space<vmem_shared>> -> memref<1x4x2048xf32, #tpu.memory_space<vmem_shared>>
    %dma_start3A_82 = tpu.memref_squeeze %dma_start3A_81 : memref<1x4x2048xf32, #tpu.memory_space<vmem_shared>> -> memref<4x2048xf32, #tpu.memory_space<vmem_shared>>
    %dma_start3A_83 = arith.constant 0 : i32
    %dma_start3A_84 = arith.constant 0 : i32
    %dma_start3A_85 = tpu.memref_slice %arg22[%arg1, %dma_start3A_83, %dma_start3A_84] : memref<16x4x2048xf32, #tpu.memory_space<vmem_shared>> -> memref<1x4x2048xf32, #tpu.memory_space<vmem_shared>>
    %dma_start3A_86 = tpu.memref_squeeze %dma_start3A_85 : memref<1x4x2048xf32, #tpu.memory_space<vmem_shared>> -> memref<4x2048xf32, #tpu.memory_space<vmem_shared>>
    tpu.enqueue_dma source(%arg12 : memref<4x2048xf32, #tpu.memory_space<vmem>>) target(%dma_start3A_86 : memref<4x2048xf32, #tpu.memory_space<vmem_shared>>) target_semaphore(%arg20 : memref<!tpu.dma_semaphore, #tpu.memory_space<semaphore_mem>>)
    %add3A_87 = arith.constant 24 : i32
    %add3A_88 = arith.addi %mul3A_2, %add3A_87 : i32
    %dma_start3A_89 = arith.constant 0 : i32
    %dma_start3A_90 = tpu.memref_slice %arg2[%add3A_88, %dma_start3A_89] : memref<16384x2048xf32, #tpu.memory_space<hbm>> -> memref<4x2048xf32, #tpu.memory_space<hbm>>
    %dma_start3A_91 = arith.constant 0 : i32
    %dma_start3A_92 = tpu.memref_slice %arg2[%add3A_88, %dma_start3A_91] : memref<16384x2048xf32, #tpu.memory_space<hbm>> -> memref<4x2048xf32, #tpu.memory_space<hbm>>
    tpu.enqueue_dma source(%dma_start3A_92 : memref<4x2048xf32, #tpu.memory_space<hbm>>) target(%arg8 : memref<4x2048xf32, #tpu.memory_space<vmem>>) target_semaphore(%arg16 : memref<!tpu.dma_semaphore, #tpu.memory_space<semaphore_mem>>)
    %dma_wait3A_93 = arith.constant 0 : i32
    %dma_wait3A_94 = arith.constant 0 : i32
    %dma_wait3A_95 = tpu.memref_slice %arg2[%dma_wait3A_93, %dma_wait3A_94] : memref<16384x2048xf32, #tpu.memory_space<hbm>> -> memref<4x2048xf32, #tpu.memory_space<hbm>>
    %dma_wait3A_96 = arith.constant 0 : i32
    %dma_wait3A_97 = arith.constant 0 : i32
    %dma_wait3A_98 = tpu.memref_slice %arg2[%dma_wait3A_96, %dma_wait3A_97] : memref<16384x2048xf32, #tpu.memory_space<hbm>> -> memref<4x2048xf32, #tpu.memory_space<hbm>>
    tpu.wait_dma2 semaphore(%arg17 : memref<!tpu.dma_semaphore, #tpu.memory_space<semaphore_mem>>) src(%dma_wait3A_98 : memref<4x2048xf32, #tpu.memory_space<hbm>>) dst(%arg9 : memref<4x2048xf32, #tpu.memory_space<vmem>>)
    %parallel_loop3A_99 = arith.constant 0 : i32
    %parallel_loop3A_100 = arith.constant 128 : i32
    %parallel_loop3A_101 = arith.constant 1 : i32
    scf.for %parallel_loop3A_252 = %parallel_loop3A_99 to %parallel_loop3A_100 step %parallel_loop3A_101  : i32 {
      %parallel_loop3A_253 = arith.constant 16 : i32
      %parallel_loop3A_254 = arith.muli %parallel_loop3A_252, %parallel_loop3A_253 : i32
      %parallel_loop3A_255 = arith.index_cast %parallel_loop3A_254 : i32 to index
      %parallel_loop3A_256 = tpu.vector_load %arg5[%parallel_loop3A_255] {strides = array<i32>} : memref<2048xi32, #tpu.memory_space<vmem>>, vector<16xi32>,
      %parallel_loop3A_257 = arith.constant 0 : i32
      %parallel_loop3A_258 = vector.broadcast %parallel_loop3A_257 : i32 to vector<16xi32>
      %parallel_loop3A_259 = tpu.vector_load_idx %arg9[%parallel_loop3A_258, %parallel_loop3A_256] : memref<4x2048xf32, #tpu.memory_space<vmem>>[vector<16xi32>, vector<16xi32>], vector<16xf32>,
      %parallel_loop3A_260 = arith.constant 0 : i32
      %parallel_loop3A_261 = arith.index_cast %parallel_loop3A_260 : i32 to index
      %parallel_loop3A_262 = arith.index_cast %parallel_loop3A_254 : i32 to index
      %parallel_loop3A_263 = tpu.vector_load %arg13[%parallel_loop3A_261, %parallel_loop3A_262] {strides = array<i32>} : memref<4x2048xf32, #tpu.memory_space<vmem>>, vector<16xf32>,
      tpu.vector_store %arg13[%parallel_loop3A_261, %parallel_loop3A_262], %parallel_loop3A_259 {strides = array<i32>} : memref<4x2048xf32, #tpu.memory_space<vmem>>, vector<16xf32>,
      %parallel_loop3A_264 = arith.constant 1 : i32
      %parallel_loop3A_265 = vector.broadcast %parallel_loop3A_264 : i32 to vector<16xi32>
      %parallel_loop3A_266 = tpu.vector_load_idx %arg9[%parallel_loop3A_265, %parallel_loop3A_256] : memref<4x2048xf32, #tpu.memory_space<vmem>>[vector<16xi32>, vector<16xi32>], vector<16xf32>,
      %parallel_loop3A_267 = arith.constant 1 : i32
      %parallel_loop3A_268 = arith.index_cast %parallel_loop3A_267 : i32 to index
      %parallel_loop3A_269 = arith.index_cast %parallel_loop3A_254 : i32 to index
      %parallel_loop3A_270 = tpu.vector_load %arg13[%parallel_loop3A_268, %parallel_loop3A_269] {strides = array<i32>} : memref<4x2048xf32, #tpu.memory_space<vmem>>, vector<16xf32>,
      tpu.vector_store %arg13[%parallel_loop3A_268, %parallel_loop3A_269], %parallel_loop3A_266 {strides = array<i32>} : memref<4x2048xf32, #tpu.memory_space<vmem>>, vector<16xf32>,
      %parallel_loop3A_271 = arith.constant 2 : i32
      %parallel_loop3A_272 = vector.broadcast %parallel_loop3A_271 : i32 to vector<16xi32>
      %parallel_loop3A_273 = tpu.vector_load_idx %arg9[%parallel_loop3A_272, %parallel_loop3A_256] : memref<4x2048xf32, #tpu.memory_space<vmem>>[vector<16xi32>, vector<16xi32>], vector<16xf32>,
      %parallel_loop3A_274 = arith.constant 2 : i32
      %parallel_loop3A_275 = arith.index_cast %parallel_loop3A_274 : i32 to index
      %parallel_loop3A_276 = arith.index_cast %parallel_loop3A_254 : i32 to index
      %parallel_loop3A_277 = tpu.vector_load %arg13[%parallel_loop3A_275, %parallel_loop3A_276] {strides = array<i32>} : memref<4x2048xf32, #tpu.memory_space<vmem>>, vector<16xf32>,
      tpu.vector_store %arg13[%parallel_loop3A_275, %parallel_loop3A_276], %parallel_loop3A_273 {strides = array<i32>} : memref<4x2048xf32, #tpu.memory_space<vmem>>, vector<16xf32>,
      %parallel_loop3A_278 = arith.constant 3 : i32
      %parallel_loop3A_279 = vector.broadcast %parallel_loop3A_278 : i32 to vector<16xi32>
      %parallel_loop3A_280 = tpu.vector_load_idx %arg9[%parallel_loop3A_279, %parallel_loop3A_256] : memref<4x2048xf32, #tpu.memory_space<vmem>>[vector<16xi32>, vector<16xi32>], vector<16xf32>,
      %parallel_loop3A_281 = arith.constant 3 : i32
      %parallel_loop3A_282 = arith.index_cast %parallel_loop3A_281 : i32 to index
      %parallel_loop3A_283 = arith.index_cast %parallel_loop3A_254 : i32 to index
      %parallel_loop3A_284 = tpu.vector_load %arg13[%parallel_loop3A_282, %parallel_loop3A_283] {strides = array<i32>} : memref<4x2048xf32, #tpu.memory_space<vmem>>, vector<16xf32>,
      tpu.vector_store %arg13[%parallel_loop3A_282, %parallel_loop3A_283], %parallel_loop3A_280 {strides = array<i32>} : memref<4x2048xf32, #tpu.memory_space<vmem>>, vector<16xf32>,
    } {sc.loop_unroll_factor = 4 : i64, sc.parallel_access}
    %dma_start3A_102 = arith.constant 0 : i32
    %dma_start3A_103 = arith.constant 0 : i32
    %dma_start3A_104 = tpu.memref_slice %arg22[%arg1, %dma_start3A_102, %dma_start3A_103] : memref<16x4x2048xf32, #tpu.memory_space<vmem_shared>> -> memref<1x4x2048xf32, #tpu.memory_space<vmem_shared>>
    %dma_start3A_105 = tpu.memref_squeeze %dma_start3A_104 : memref<1x4x2048xf32, #tpu.memory_space<vmem_shared>> -> memref<4x2048xf32, #tpu.memory_space<vmem_shared>>
    %dma_start3A_106 = arith.constant 0 : i32
    %dma_start3A_107 = arith.constant 0 : i32
    %dma_start3A_108 = tpu.memref_slice %arg22[%arg1, %dma_start3A_106, %dma_start3A_107] : memref<16x4x2048xf32, #tpu.memory_space<vmem_shared>> -> memref<1x4x2048xf32, #tpu.memory_space<vmem_shared>>
    %dma_start3A_109 = tpu.memref_squeeze %dma_start3A_108 : memref<1x4x2048xf32, #tpu.memory_space<vmem_shared>> -> memref<4x2048xf32, #tpu.memory_space<vmem_shared>>
    tpu.enqueue_dma source(%arg13 : memref<4x2048xf32, #tpu.memory_space<vmem>>) target(%dma_start3A_109 : memref<4x2048xf32, #tpu.memory_space<vmem_shared>>) target_semaphore(%arg21 : memref<!tpu.dma_semaphore, #tpu.memory_space<semaphore_mem>>)
    %add3A_110 = arith.constant 28 : i32
    %add3A_111 = arith.addi %mul3A_2, %add3A_110 : i32
    %dma_start3A_112 = arith.constant 0 : i32
    %dma_start3A_113 = tpu.memref_slice %arg2[%add3A_111, %dma_start3A_112] : memref<16384x2048xf32, #tpu.memory_space<hbm>> -> memref<4x2048xf32, #tpu.memory_space<hbm>>
    %dma_start3A_114 = arith.constant 0 : i32
    %dma_start3A_115 = tpu.memref_slice %arg2[%add3A_111, %dma_start3A_114] : memref<16384x2048xf32, #tpu.memory_space<hbm>> -> memref<4x2048xf32, #tpu.memory_space<hbm>>
    tpu.enqueue_dma source(%dma_start3A_115 : memref<4x2048xf32, #tpu.memory_space<hbm>>) target(%arg9 : memref<4x2048xf32, #tpu.memory_space<vmem>>) target_semaphore(%arg17 : memref<!tpu.dma_semaphore, #tpu.memory_space<semaphore_mem>>)
    %scan3A = arith.constant 0 : i32
    %scan3A_116 = arith.constant 30 : i32
    %scan3A_117 = arith.addi %scan3A, %scan3A_116 : i32
    %scan3A_118 = arith.constant 1 : i32
    scf.for %scan3A_252 = %scan3A to %scan3A_117 step %scan3A_118  : i32 {
      %mul3A_253 = arith.constant 4 : i32
      %mul3A_254 = arith.muli %scan3A_252, %mul3A_253 : i32
      %add3A_255 = arith.constant 4 : i32
      %add3A_256 = arith.addi %add3A_255, %mul3A_254 : i32
      %add3A_257 = arith.constant 0 : i32
      %add3A_258 = arith.addi %add3A_256, %add3A_257 : i32
      %dma_wait3A_259 = arith.constant 0 : i32
      %dma_wait3A_260 = arith.constant 0 : i32
      %dma_wait3A_261 = tpu.memref_slice %arg2[%dma_wait3A_259, %dma_wait3A_260] : memref<16384x2048xf32, #tpu.memory_space<hbm>> -> memref<4x2048xf32, #tpu.memory_space<hbm>>
      %dma_wait3A_262 = arith.constant 0 : i32
      %dma_wait3A_263 = arith.constant 0 : i32
      %dma_wait3A_264 = tpu.memref_slice %arg2[%dma_wait3A_262, %dma_wait3A_263] : memref<16384x2048xf32, #tpu.memory_space<hbm>> -> memref<4x2048xf32, #tpu.memory_space<hbm>>
      tpu.wait_dma2 semaphore(%arg14 : memref<!tpu.dma_semaphore, #tpu.memory_space<semaphore_mem>>) src(%dma_wait3A_264 : memref<4x2048xf32, #tpu.memory_space<hbm>>) dst(%arg6 : memref<4x2048xf32, #tpu.memory_space<vmem>>)
      %dma_wait3A_265 = arith.constant 0 : i32
      %dma_wait3A_266 = arith.constant 0 : i32
      %dma_wait3A_267 = tpu.memref_slice %arg22[%arg1, %dma_wait3A_265, %dma_wait3A_266] : memref<16x4x2048xf32, #tpu.memory_space<vmem_shared>> -> memref<1x4x2048xf32, #tpu.memory_space<vmem_shared>>
      %dma_wait3A_268 = tpu.memref_squeeze %dma_wait3A_267 : memref<1x4x2048xf32, #tpu.memory_space<vmem_shared>> -> memref<4x2048xf32, #tpu.memory_space<vmem_shared>>
      %dma_wait3A_269 = arith.constant 0 : i32
      %dma_wait3A_270 = arith.constant 0 : i32
      %dma_wait3A_271 = tpu.memref_slice %arg22[%arg1, %dma_wait3A_269, %dma_wait3A_270] : memref<16x4x2048xf32, #tpu.memory_space<vmem_shared>> -> memref<1x4x2048xf32, #tpu.memory_space<vmem_shared>>
      %dma_wait3A_272 = tpu.memref_squeeze %dma_wait3A_271 : memref<1x4x2048xf32, #tpu.memory_space<vmem_shared>> -> memref<4x2048xf32, #tpu.memory_space<vmem_shared>>
      tpu.wait_dma2 semaphore(%arg18 : memref<!tpu.dma_semaphore, #tpu.memory_space<semaphore_mem>>) src(%arg10 : memref<4x2048xf32, #tpu.memory_space<vmem>>) dst(%dma_wait3A_272 : memref<4x2048xf32, #tpu.memory_space<vmem_shared>>)
      %parallel_loop3A_273 = arith.constant 0 : i32
      %parallel_loop3A_274 = arith.constant 128 : i32
      %parallel_loop3A_275 = arith.constant 1 : i32
      scf.for %parallel_loop3A_401 = %parallel_loop3A_273 to %parallel_loop3A_274 step %parallel_loop3A_275  : i32 {
        %parallel_loop3A_402 = arith.constant 16 : i32
        %parallel_loop3A_403 = arith.muli %parallel_loop3A_401, %parallel_loop3A_402 : i32
        %parallel_loop3A_404 = arith.index_cast %parallel_loop3A_403 : i32 to index
        %parallel_loop3A_405 = tpu.vector_load %arg5[%parallel_loop3A_404] {strides = array<i32>} : memref<2048xi32, #tpu.memory_space<vmem>>, vector<16xi32>,
        %parallel_loop3A_406 = arith.constant 0 : i32
        %parallel_loop3A_407 = vector.broadcast %parallel_loop3A_406 : i32 to vector<16xi32>
        %parallel_loop3A_408 = tpu.vector_load_idx %arg6[%parallel_loop3A_407, %parallel_loop3A_405] : memref<4x2048xf32, #tpu.memory_space<vmem>>[vector<16xi32>, vector<16xi32>], vector<16xf32>,
        %parallel_loop3A_409 = arith.constant 0 : i32
        %parallel_loop3A_410 = arith.index_cast %parallel_loop3A_409 : i32 to index
        %parallel_loop3A_411 = arith.index_cast %parallel_loop3A_403 : i32 to index
        %parallel_loop3A_412 = tpu.vector_load %arg10[%parallel_loop3A_410, %parallel_loop3A_411] {strides = array<i32>} : memref<4x2048xf32, #tpu.memory_space<vmem>>, vector<16xf32>,
        tpu.vector_store %arg10[%parallel_loop3A_410, %parallel_loop3A_411], %parallel_loop3A_408 {strides = array<i32>} : memref<4x2048xf32, #tpu.memory_space<vmem>>, vector<16xf32>,
        %parallel_loop3A_413 = arith.constant 1 : i32
        %parallel_loop3A_414 = vector.broadcast %parallel_loop3A_413 : i32 to vector<16xi32>
        %parallel_loop3A_415 = tpu.vector_load_idx %arg6[%parallel_loop3A_414, %parallel_loop3A_405] : memref<4x2048xf32, #tpu.memory_space<vmem>>[vector<16xi32>, vector<16xi32>], vector<16xf32>,
        %parallel_loop3A_416 = arith.constant 1 : i32
        %parallel_loop3A_417 = arith.index_cast %parallel_loop3A_416 : i32 to index
        %parallel_loop3A_418 = arith.index_cast %parallel_loop3A_403 : i32 to index
        %parallel_loop3A_419 = tpu.vector_load %arg10[%parallel_loop3A_417, %parallel_loop3A_418] {strides = array<i32>} : memref<4x2048xf32, #tpu.memory_space<vmem>>, vector<16xf32>,
        tpu.vector_store %arg10[%parallel_loop3A_417, %parallel_loop3A_418], %parallel_loop3A_415 {strides = array<i32>} : memref<4x2048xf32, #tpu.memory_space<vmem>>, vector<16xf32>,
        %parallel_loop3A_420 = arith.constant 2 : i32
        %parallel_loop3A_421 = vector.broadcast %parallel_loop3A_420 : i32 to vector<16xi32>
        %parallel_loop3A_422 = tpu.vector_load_idx %arg6[%parallel_loop3A_421, %parallel_loop3A_405] : memref<4x2048xf32, #tpu.memory_space<vmem>>[vector<16xi32>, vector<16xi32>], vector<16xf32>,
        %parallel_loop3A_423 = arith.constant 2 : i32
        %parallel_loop3A_424 = arith.index_cast %parallel_loop3A_423 : i32 to index
        %parallel_loop3A_425 = arith.index_cast %parallel_loop3A_403 : i32 to index
        %parallel_loop3A_426 = tpu.vector_load %arg10[%parallel_loop3A_424, %parallel_loop3A_425] {strides = array<i32>} : memref<4x2048xf32, #tpu.memory_space<vmem>>, vector<16xf32>,
        tpu.vector_store %arg10[%parallel_loop3A_424, %parallel_loop3A_425], %parallel_loop3A_422 {strides = array<i32>} : memref<4x2048xf32, #tpu.memory_space<vmem>>, vector<16xf32>,
        %parallel_loop3A_427 = arith.constant 3 : i32
        %parallel_loop3A_428 = vector.broadcast %parallel_loop3A_427 : i32 to vector<16xi32>
        %parallel_loop3A_429 = tpu.vector_load_idx %arg6[%parallel_loop3A_428, %parallel_loop3A_405] : memref<4x2048xf32, #tpu.memory_space<vmem>>[vector<16xi32>, vector<16xi32>], vector<16xf32>,
        %parallel_loop3A_430 = arith.constant 3 : i32
        %parallel_loop3A_431 = arith.index_cast %parallel_loop3A_430 : i32 to index
        %parallel_loop3A_432 = arith.index_cast %parallel_loop3A_403 : i32 to index
        %parallel_loop3A_433 = tpu.vector_load %arg10[%parallel_loop3A_431, %parallel_loop3A_432] {strides = array<i32>} : memref<4x2048xf32, #tpu.memory_space<vmem>>, vector<16xf32>,
        tpu.vector_store %arg10[%parallel_loop3A_431, %parallel_loop3A_432], %parallel_loop3A_429 {strides = array<i32>} : memref<4x2048xf32, #tpu.memory_space<vmem>>, vector<16xf32>,
      } {sc.loop_unroll_factor = 4 : i64, sc.parallel_access}
      %dma_start3A_276 = arith.constant 0 : i32
      %dma_start3A_277 = arith.constant 0 : i32
      %dma_start3A_278 = tpu.memref_slice %arg22[%arg1, %dma_start3A_276, %dma_start3A_277] : memref<16x4x2048xf32, #tpu.memory_space<vmem_shared>> -> memref<1x4x2048xf32, #tpu.memory_space<vmem_shared>>
      %dma_start3A_279 = tpu.memref_squeeze %dma_start3A_278 : memref<1x4x2048xf32, #tpu.memory_space<vmem_shared>> -> memref<4x2048xf32, #tpu.memory_space<vmem_shared>>
      %dma_start3A_280 = arith.constant 0 : i32
      %dma_start3A_281 = arith.constant 0 : i32
      %dma_start3A_282 = tpu.memref_slice %arg22[%arg1, %dma_start3A_280, %dma_start3A_281] : memref<16x4x2048xf32, #tpu.memory_space<vmem_shared>> -> memref<1x4x2048xf32, #tpu.memory_space<vmem_shared>>
      %dma_start3A_283 = tpu.memref_squeeze %dma_start3A_282 : memref<1x4x2048xf32, #tpu.memory_space<vmem_shared>> -> memref<4x2048xf32, #tpu.memory_space<vmem_shared>>
      tpu.enqueue_dma source(%arg10 : memref<4x2048xf32, #tpu.memory_space<vmem>>) target(%dma_start3A_283 : memref<4x2048xf32, #tpu.memory_space<vmem_shared>>) target_semaphore(%arg18 : memref<!tpu.dma_semaphore, #tpu.memory_space<semaphore_mem>>)
      %add3A_284 = arith.constant 4 : i32
      %add3A_285 = arith.addi %add3A_258, %add3A_284 : i32
      %mul3A_286 = arith.constant 4 : i32
      %mul3A_287 = arith.muli %add3A_285, %mul3A_286 : i32
      %add3A_288 = arith.addi %mul3A_2, %mul3A_287 : i32
      %dma_start3A_289 = arith.constant 0 : i32
      %dma_start3A_290 = tpu.memref_slice %arg2[%add3A_288, %dma_start3A_289] : memref<16384x2048xf32, #tpu.memory_space<hbm>> -> memref<4x2048xf32, #tpu.memory_space<hbm>>
      %dma_start3A_291 = arith.constant 0 : i32
      %dma_start3A_292 = tpu.memref_slice %arg2[%add3A_288, %dma_start3A_291] : memref<16384x2048xf32, #tpu.memory_space<hbm>> -> memref<4x2048xf32, #tpu.memory_space<hbm>>
      tpu.enqueue_dma source(%dma_start3A_292 : memref<4x2048xf32, #tpu.memory_space<hbm>>) target(%arg6 : memref<4x2048xf32, #tpu.memory_space<vmem>>) target_semaphore(%arg14 : memref<!tpu.dma_semaphore, #tpu.memory_space<semaphore_mem>>)
      %add3A_293 = arith.constant 1 : i32
      %add3A_294 = arith.addi %add3A_256, %add3A_293 : i32
      %dma_wait3A_295 = arith.constant 0 : i32
      %dma_wait3A_296 = arith.constant 0 : i32
      %dma_wait3A_297 = tpu.memref_slice %arg2[%dma_wait3A_295, %dma_wait3A_296] : memref<16384x2048xf32, #tpu.memory_space<hbm>> -> memref<4x2048xf32, #tpu.memory_space<hbm>>
      %dma_wait3A_298 = arith.constant 0 : i32
      %dma_wait3A_299 = arith.constant 0 : i32
      %dma_wait3A_300 = tpu.memref_slice %arg2[%dma_wait3A_298, %dma_wait3A_299] : memref<16384x2048xf32, #tpu.memory_space<hbm>> -> memref<4x2048xf32, #tpu.memory_space<hbm>>
      tpu.wait_dma2 semaphore(%arg15 : memref<!tpu.dma_semaphore, #tpu.memory_space<semaphore_mem>>) src(%dma_wait3A_300 : memref<4x2048xf32, #tpu.memory_space<hbm>>) dst(%arg7 : memref<4x2048xf32, #tpu.memory_space<vmem>>)
      %dma_wait3A_301 = arith.constant 0 : i32
      %dma_wait3A_302 = arith.constant 0 : i32
      %dma_wait3A_303 = tpu.memref_slice %arg22[%arg1, %dma_wait3A_301, %dma_wait3A_302] : memref<16x4x2048xf32, #tpu.memory_space<vmem_shared>> -> memref<1x4x2048xf32, #tpu.memory_space<vmem_shared>>
      %dma_wait3A_304 = tpu.memref_squeeze %dma_wait3A_303 : memref<1x4x2048xf32, #tpu.memory_space<vmem_shared>> -> memref<4x2048xf32, #tpu.memory_space<vmem_shared>>
      %dma_wait3A_305 = arith.constant 0 : i32
      %dma_wait3A_306 = arith.constant 0 : i32
      %dma_wait3A_307 = tpu.memref_slice %arg22[%arg1, %dma_wait3A_305, %dma_wait3A_306] : memref<16x4x2048xf32, #tpu.memory_space<vmem_shared>> -> memref<1x4x2048xf32, #tpu.memory_space<vmem_shared>>
      %dma_wait3A_308 = tpu.memref_squeeze %dma_wait3A_307 : memref<1x4x2048xf32, #tpu.memory_space<vmem_shared>> -> memref<4x2048xf32, #tpu.memory_space<vmem_shared>>
      tpu.wait_dma2 semaphore(%arg19 : memref<!tpu.dma_semaphore, #tpu.memory_space<semaphore_mem>>) src(%arg11 : memref<4x2048xf32, #tpu.memory_space<vmem>>) dst(%dma_wait3A_308 : memref<4x2048xf32, #tpu.memory_space<vmem_shared>>)
      %parallel_loop3A_309 = arith.constant 0 : i32
      %parallel_loop3A_310 = arith.constant 128 : i32
      %parallel_loop3A_311 = arith.constant 1 : i32
      scf.for %parallel_loop3A_401 = %parallel_loop3A_309 to %parallel_loop3A_310 step %parallel_loop3A_311  : i32 {
        %parallel_loop3A_402 = arith.constant 16 : i32
        %parallel_loop3A_403 = arith.muli %parallel_loop3A_401, %parallel_loop3A_402 : i32
        %parallel_loop3A_404 = arith.index_cast %parallel_loop3A_403 : i32 to index
        %parallel_loop3A_405 = tpu.vector_load %arg5[%parallel_loop3A_404] {strides = array<i32>} : memref<2048xi32, #tpu.memory_space<vmem>>, vector<16xi32>,
        %parallel_loop3A_406 = arith.constant 0 : i32
        %parallel_loop3A_407 = vector.broadcast %parallel_loop3A_406 : i32 to vector<16xi32>
        %parallel_loop3A_408 = tpu.vector_load_idx %arg7[%parallel_loop3A_407, %parallel_loop3A_405] : memref<4x2048xf32, #tpu.memory_space<vmem>>[vector<16xi32>, vector<16xi32>], vector<16xf32>,
        %parallel_loop3A_409 = arith.constant 0 : i32
        %parallel_loop3A_410 = arith.index_cast %parallel_loop3A_409 : i32 to index
        %parallel_loop3A_411 = arith.index_cast %parallel_loop3A_403 : i32 to index
        %parallel_loop3A_412 = tpu.vector_load %arg11[%parallel_loop3A_410, %parallel_loop3A_411] {strides = array<i32>} : memref<4x2048xf32, #tpu.memory_space<vmem>>, vector<16xf32>,
        tpu.vector_store %arg11[%parallel_loop3A_410, %parallel_loop3A_411], %parallel_loop3A_408 {strides = array<i32>} : memref<4x2048xf32, #tpu.memory_space<vmem>>, vector<16xf32>,
        %parallel_loop3A_413 = arith.constant 1 : i32
        %parallel_loop3A_414 = vector.broadcast %parallel_loop3A_413 : i32 to vector<16xi32>
        %parallel_loop3A_415 = tpu.vector_load_idx %arg7[%parallel_loop3A_414, %parallel_loop3A_405] : memref<4x2048xf32, #tpu.memory_space<vmem>>[vector<16xi32>, vector<16xi32>], vector<16xf32>,
        %parallel_loop3A_416 = arith.constant 1 : i32
        %parallel_loop3A_417 = arith.index_cast %parallel_loop3A_416 : i32 to index
        %parallel_loop3A_418 = arith.index_cast %parallel_loop3A_403 : i32 to index
        %parallel_loop3A_419 = tpu.vector_load %arg11[%parallel_loop3A_417, %parallel_loop3A_418] {strides = array<i32>} : memref<4x2048xf32, #tpu.memory_space<vmem>>, vector<16xf32>,
        tpu.vector_store %arg11[%parallel_loop3A_417, %parallel_loop3A_418], %parallel_loop3A_415 {strides = array<i32>} : memref<4x2048xf32, #tpu.memory_space<vmem>>, vector<16xf32>,
        %parallel_loop3A_420 = arith.constant 2 : i32
        %parallel_loop3A_421 = vector.broadcast %parallel_loop3A_420 : i32 to vector<16xi32>
        %parallel_loop3A_422 = tpu.vector_load_idx %arg7[%parallel_loop3A_421, %parallel_loop3A_405] : memref<4x2048xf32, #tpu.memory_space<vmem>>[vector<16xi32>, vector<16xi32>], vector<16xf32>,
        %parallel_loop3A_423 = arith.constant 2 : i32
        %parallel_loop3A_424 = arith.index_cast %parallel_loop3A_423 : i32 to index
        %parallel_loop3A_425 = arith.index_cast %parallel_loop3A_403 : i32 to index
        %parallel_loop3A_426 = tpu.vector_load %arg11[%parallel_loop3A_424, %parallel_loop3A_425] {strides = array<i32>} : memref<4x2048xf32, #tpu.memory_space<vmem>>, vector<16xf32>,
        tpu.vector_store %arg11[%parallel_loop3A_424, %parallel_loop3A_425], %parallel_loop3A_422 {strides = array<i32>} : memref<4x2048xf32, #tpu.memory_space<vmem>>, vector<16xf32>,
        %parallel_loop3A_427 = arith.constant 3 : i32
        %parallel_loop3A_428 = vector.broadcast %parallel_loop3A_427 : i32 to vector<16xi32>
        %parallel_loop3A_429 = tpu.vector_load_idx %arg7[%parallel_loop3A_428, %parallel_loop3A_405] : memref<4x2048xf32, #tpu.memory_space<vmem>>[vector<16xi32>, vector<16xi32>], vector<16xf32>,
        %parallel_loop3A_430 = arith.constant 3 : i32
        %parallel_loop3A_431 = arith.index_cast %parallel_loop3A_430 : i32 to index
        %parallel_loop3A_432 = arith.index_cast %parallel_loop3A_403 : i32 to index
        %parallel_loop3A_433 = tpu.vector_load %arg11[%parallel_loop3A_431, %parallel_loop3A_432] {strides = array<i32>} : memref<4x2048xf32, #tpu.memory_space<vmem>>, vector<16xf32>,
        tpu.vector_store %arg11[%parallel_loop3A_431, %parallel_loop3A_432], %parallel_loop3A_429 {strides = array<i32>} : memref<4x2048xf32, #tpu.memory_space<vmem>>, vector<16xf32>,
      } {sc.loop_unroll_factor = 4 : i64, sc.parallel_access}
      %dma_start3A_312 = arith.constant 0 : i32
      %dma_start3A_313 = arith.constant 0 : i32
      %dma_start3A_314 = tpu.memref_slice %arg22[%arg1, %dma_start3A_312, %dma_start3A_313] : memref<16x4x2048xf32, #tpu.memory_space<vmem_shared>> -> memref<1x4x2048xf32, #tpu.memory_space<vmem_shared>>
      %dma_start3A_315 = tpu.memref_squeeze %dma_start3A_314 : memref<1x4x2048xf32, #tpu.memory_space<vmem_shared>> -> memref<4x2048xf32, #tpu.memory_space<vmem_shared>>
      %dma_start3A_316 = arith.constant 0 : i32
      %dma_start3A_317 = arith.constant 0 : i32
      %dma_start3A_318 = tpu.memref_slice %arg22[%arg1, %dma_start3A_316, %dma_start3A_317] : memref<16x4x2048xf32, #tpu.memory_space<vmem_shared>> -> memref<1x4x2048xf32, #tpu.memory_space<vmem_shared>>
      %dma_start3A_319 = tpu.memref_squeeze %dma_start3A_318 : memref<1x4x2048xf32, #tpu.memory_space<vmem_shared>> -> memref<4x2048xf32, #tpu.memory_space<vmem_shared>>
      tpu.enqueue_dma source(%arg11 : memref<4x2048xf32, #tpu.memory_space<vmem>>) target(%dma_start3A_319 : memref<4x2048xf32, #tpu.memory_space<vmem_shared>>) target_semaphore(%arg19 : memref<!tpu.dma_semaphore, #tpu.memory_space<semaphore_mem>>)
      %add3A_320 = arith.constant 4 : i32
      %add3A_321 = arith.addi %add3A_294, %add3A_320 : i32
      %mul3A_322 = arith.constant 4 : i32
      %mul3A_323 = arith.muli %add3A_321, %mul3A_322 : i32
      %add3A_324 = arith.addi %mul3A_2, %mul3A_323 : i32
      %dma_start3A_325 = arith.constant 0 : i32
      %dma_start3A_326 = tpu.memref_slice %arg2[%add3A_324, %dma_start3A_325] : memref<16384x2048xf32, #tpu.memory_space<hbm>> -> memref<4x2048xf32, #tpu.memory_space<hbm>>
      %dma_start3A_327 = arith.constant 0 : i32
      %dma_start3A_328 = tpu.memref_slice %arg2[%add3A_324, %dma_start3A_327] : memref<16384x2048xf32, #tpu.memory_space<hbm>> -> memref<4x2048xf32, #tpu.memory_space<hbm>>
      tpu.enqueue_dma source(%dma_start3A_328 : memref<4x2048xf32, #tpu.memory_space<hbm>>) target(%arg7 : memref<4x2048xf32, #tpu.memory_space<vmem>>) target_semaphore(%arg15 : memref<!tpu.dma_semaphore, #tpu.memory_space<semaphore_mem>>)
      %add3A_329 = arith.constant 2 : i32
      %add3A_330 = arith.addi %add3A_256, %add3A_329 : i32
      %dma_wait3A_331 = arith.constant 0 : i32
      %dma_wait3A_332 = arith.constant 0 : i32
      %dma_wait3A_333 = tpu.memref_slice %arg2[%dma_wait3A_331, %dma_wait3A_332] : memref<16384x2048xf32, #tpu.memory_space<hbm>> -> memref<4x2048xf32, #tpu.memory_space<hbm>>
      %dma_wait3A_334 = arith.constant 0 : i32
      %dma_wait3A_335 = arith.constant 0 : i32
      %dma_wait3A_336 = tpu.memref_slice %arg2[%dma_wait3A_334, %dma_wait3A_335] : memref<16384x2048xf32, #tpu.memory_space<hbm>> -> memref<4x2048xf32, #tpu.memory_space<hbm>>
      tpu.wait_dma2 semaphore(%arg16 : memref<!tpu.dma_semaphore, #tpu.memory_space<semaphore_mem>>) src(%dma_wait3A_336 : memref<4x2048xf32, #tpu.memory_space<hbm>>) dst(%arg8 : memref<4x2048xf32, #tpu.memory_space<vmem>>)
      %dma_wait3A_337 = arith.constant 0 : i32
      %dma_wait3A_338 = arith.constant 0 : i32
      %dma_wait3A_339 = tpu.memref_slice %arg22[%arg1, %dma_wait3A_337, %dma_wait3A_338] : memref<16x4x2048xf32, #tpu.memory_space<vmem_shared>> -> memref<1x4x2048xf32, #tpu.memory_space<vmem_shared>>
      %dma_wait3A_340 = tpu.memref_squeeze %dma_wait3A_339 : memref<1x4x2048xf32, #tpu.memory_space<vmem_shared>> -> memref<4x2048xf32, #tpu.memory_space<vmem_shared>>
      %dma_wait3A_341 = arith.constant 0 : i32
      %dma_wait3A_342 = arith.constant 0 : i32
      %dma_wait3A_343 = tpu.memref_slice %arg22[%arg1, %dma_wait3A_341, %dma_wait3A_342] : memref<16x4x2048xf32, #tpu.memory_space<vmem_shared>> -> memref<1x4x2048xf32, #tpu.memory_space<vmem_shared>>
      %dma_wait3A_344 = tpu.memref_squeeze %dma_wait3A_343 : memref<1x4x2048xf32, #tpu.memory_space<vmem_shared>> -> memref<4x2048xf32, #tpu.memory_space<vmem_shared>>
      tpu.wait_dma2 semaphore(%arg20 : memref<!tpu.dma_semaphore, #tpu.memory_space<semaphore_mem>>) src(%arg12 : memref<4x2048xf32, #tpu.memory_space<vmem>>) dst(%dma_wait3A_344 : memref<4x2048xf32, #tpu.memory_space<vmem_shared>>)
      %parallel_loop3A_345 = arith.constant 0 : i32
      %parallel_loop3A_346 = arith.constant 128 : i32
      %parallel_loop3A_347 = arith.constant 1 : i32
      scf.for %parallel_loop3A_401 = %parallel_loop3A_345 to %parallel_loop3A_346 step %parallel_loop3A_347  : i32 {
        %parallel_loop3A_402 = arith.constant 16 : i32
        %parallel_loop3A_403 = arith.muli %parallel_loop3A_401, %parallel_loop3A_402 : i32
        %parallel_loop3A_404 = arith.index_cast %parallel_loop3A_403 : i32 to index
        %parallel_loop3A_405 = tpu.vector_load %arg5[%parallel_loop3A_404] {strides = array<i32>} : memref<2048xi32, #tpu.memory_space<vmem>>, vector<16xi32>,
        %parallel_loop3A_406 = arith.constant 0 : i32
        %parallel_loop3A_407 = vector.broadcast %parallel_loop3A_406 : i32 to vector<16xi32>
        %parallel_loop3A_408 = tpu.vector_load_idx %arg8[%parallel_loop3A_407, %parallel_loop3A_405] : memref<4x2048xf32, #tpu.memory_space<vmem>>[vector<16xi32>, vector<16xi32>], vector<16xf32>,
        %parallel_loop3A_409 = arith.constant 0 : i32
        %parallel_loop3A_410 = arith.index_cast %parallel_loop3A_409 : i32 to index
        %parallel_loop3A_411 = arith.index_cast %parallel_loop3A_403 : i32 to index
        %parallel_loop3A_412 = tpu.vector_load %arg12[%parallel_loop3A_410, %parallel_loop3A_411] {strides = array<i32>} : memref<4x2048xf32, #tpu.memory_space<vmem>>, vector<16xf32>,
        tpu.vector_store %arg12[%parallel_loop3A_410, %parallel_loop3A_411], %parallel_loop3A_408 {strides = array<i32>} : memref<4x2048xf32, #tpu.memory_space<vmem>>, vector<16xf32>,
        %parallel_loop3A_413 = arith.constant 1 : i32
        %parallel_loop3A_414 = vector.broadcast %parallel_loop3A_413 : i32 to vector<16xi32>
        %parallel_loop3A_415 = tpu.vector_load_idx %arg8[%parallel_loop3A_414, %parallel_loop3A_405] : memref<4x2048xf32, #tpu.memory_space<vmem>>[vector<16xi32>, vector<16xi32>], vector<16xf32>,
        %parallel_loop3A_416 = arith.constant 1 : i32
        %parallel_loop3A_417 = arith.index_cast %parallel_loop3A_416 : i32 to index
        %parallel_loop3A_418 = arith.index_cast %parallel_loop3A_403 : i32 to index
        %parallel_loop3A_419 = tpu.vector_load %arg12[%parallel_loop3A_417, %parallel_loop3A_418] {strides = array<i32>} : memref<4x2048xf32, #tpu.memory_space<vmem>>, vector<16xf32>,
        tpu.vector_store %arg12[%parallel_loop3A_417, %parallel_loop3A_418], %parallel_loop3A_415 {strides = array<i32>} : memref<4x2048xf32, #tpu.memory_space<vmem>>, vector<16xf32>,
        %parallel_loop3A_420 = arith.constant 2 : i32
        %parallel_loop3A_421 = vector.broadcast %parallel_loop3A_420 : i32 to vector<16xi32>
        %parallel_loop3A_422 = tpu.vector_load_idx %arg8[%parallel_loop3A_421, %parallel_loop3A_405] : memref<4x2048xf32, #tpu.memory_space<vmem>>[vector<16xi32>, vector<16xi32>], vector<16xf32>,
        %parallel_loop3A_423 = arith.constant 2 : i32
        %parallel_loop3A_424 = arith.index_cast %parallel_loop3A_423 : i32 to index
        %parallel_loop3A_425 = arith.index_cast %parallel_loop3A_403 : i32 to index
        %parallel_loop3A_426 = tpu.vector_load %arg12[%parallel_loop3A_424, %parallel_loop3A_425] {strides = array<i32>} : memref<4x2048xf32, #tpu.memory_space<vmem>>, vector<16xf32>,
        tpu.vector_store %arg12[%parallel_loop3A_424, %parallel_loop3A_425], %parallel_loop3A_422 {strides = array<i32>} : memref<4x2048xf32, #tpu.memory_space<vmem>>, vector<16xf32>,
        %parallel_loop3A_427 = arith.constant 3 : i32
        %parallel_loop3A_428 = vector.broadcast %parallel_loop3A_427 : i32 to vector<16xi32>
        %parallel_loop3A_429 = tpu.vector_load_idx %arg8[%parallel_loop3A_428, %parallel_loop3A_405] : memref<4x2048xf32, #tpu.memory_space<vmem>>[vector<16xi32>, vector<16xi32>], vector<16xf32>,
        %parallel_loop3A_430 = arith.constant 3 : i32
        %parallel_loop3A_431 = arith.index_cast %parallel_loop3A_430 : i32 to index
        %parallel_loop3A_432 = arith.index_cast %parallel_loop3A_403 : i32 to index
        %parallel_loop3A_433 = tpu.vector_load %arg12[%parallel_loop3A_431, %parallel_loop3A_432] {strides = array<i32>} : memref<4x2048xf32, #tpu.memory_space<vmem>>, vector<16xf32>,
        tpu.vector_store %arg12[%parallel_loop3A_431, %parallel_loop3A_432], %parallel_loop3A_429 {strides = array<i32>} : memref<4x2048xf32, #tpu.memory_space<vmem>>, vector<16xf32>,
      } {sc.loop_unroll_factor = 4 : i64, sc.parallel_access}
      %dma_start3A_348 = arith.constant 0 : i32
      %dma_start3A_349 = arith.constant 0 : i32
      %dma_start3A_350 = tpu.memref_slice %arg22[%arg1, %dma_start3A_348, %dma_start3A_349] : memref<16x4x2048xf32, #tpu.memory_space<vmem_shared>> -> memref<1x4x2048xf32, #tpu.memory_space<vmem_shared>>
      %dma_start3A_351 = tpu.memref_squeeze %dma_start3A_350 : memref<1x4x2048xf32, #tpu.memory_space<vmem_shared>> -> memref<4x2048xf32, #tpu.memory_space<vmem_shared>>
      %dma_start3A_352 = arith.constant 0 : i32
      %dma_start3A_353 = arith.constant 0 : i32
      %dma_start3A_354 = tpu.memref_slice %arg22[%arg1, %dma_start3A_352, %dma_start3A_353] : memref<16x4x2048xf32, #tpu.memory_space<vmem_shared>> -> memref<1x4x2048xf32, #tpu.memory_space<vmem_shared>>
      %dma_start3A_355 = tpu.memref_squeeze %dma_start3A_354 : memref<1x4x2048xf32, #tpu.memory_space<vmem_shared>> -> memref<4x2048xf32, #tpu.memory_space<vmem_shared>>
      tpu.enqueue_dma source(%arg12 : memref<4x2048xf32, #tpu.memory_space<vmem>>) target(%dma_start3A_355 : memref<4x2048xf32, #tpu.memory_space<vmem_shared>>) target_semaphore(%arg20 : memref<!tpu.dma_semaphore, #tpu.memory_space<semaphore_mem>>)
      %add3A_356 = arith.constant 4 : i32
      %add3A_357 = arith.addi %add3A_330, %add3A_356 : i32
      %mul3A_358 = arith.constant 4 : i32
      %mul3A_359 = arith.muli %add3A_357, %mul3A_358 : i32
      %add3A_360 = arith.addi %mul3A_2, %mul3A_359 : i32
      %dma_start3A_361 = arith.constant 0 : i32
      %dma_start3A_362 = tpu.memref_slice %arg2[%add3A_360, %dma_start3A_361] : memref<16384x2048xf32, #tpu.memory_space<hbm>> -> memref<4x2048xf32, #tpu.memory_space<hbm>>
      %dma_start3A_363 = arith.constant 0 : i32
      %dma_start3A_364 = tpu.memref_slice %arg2[%add3A_360, %dma_start3A_363] : memref<16384x2048xf32, #tpu.memory_space<hbm>> -> memref<4x2048xf32, #tpu.memory_space<hbm>>
      tpu.enqueue_dma source(%dma_start3A_364 : memref<4x2048xf32, #tpu.memory_space<hbm>>) target(%arg8 : memref<4x2048xf32, #tpu.memory_space<vmem>>) target_semaphore(%arg16 : memref<!tpu.dma_semaphore, #tpu.memory_space<semaphore_mem>>)
      %add3A_365 = arith.constant 3 : i32
      %add3A_366 = arith.addi %add3A_256, %add3A_365 : i32
      %dma_wait3A_367 = arith.constant 0 : i32
      %dma_wait3A_368 = arith.constant 0 : i32
      %dma_wait3A_369 = tpu.memref_slice %arg2[%dma_wait3A_367, %dma_wait3A_368] : memref<16384x2048xf32, #tpu.memory_space<hbm>> -> memref<4x2048xf32, #tpu.memory_space<hbm>>
      %dma_wait3A_370 = arith.constant 0 : i32
      %dma_wait3A_371 = arith.constant 0 : i32
      %dma_wait3A_372 = tpu.memref_slice %arg2[%dma_wait3A_370, %dma_wait3A_371] : memref<16384x2048xf32, #tpu.memory_space<hbm>> -> memref<4x2048xf32, #tpu.memory_space<hbm>>
      tpu.wait_dma2 semaphore(%arg17 : memref<!tpu.dma_semaphore, #tpu.memory_space<semaphore_mem>>) src(%dma_wait3A_372 : memref<4x2048xf32, #tpu.memory_space<hbm>>) dst(%arg9 : memref<4x2048xf32, #tpu.memory_space<vmem>>)
      %dma_wait3A_373 = arith.constant 0 : i32
      %dma_wait3A_374 = arith.constant 0 : i32
      %dma_wait3A_375 = tpu.memref_slice %arg22[%arg1, %dma_wait3A_373, %dma_wait3A_374] : memref<16x4x2048xf32, #tpu.memory_space<vmem_shared>> -> memref<1x4x2048xf32, #tpu.memory_space<vmem_shared>>
      %dma_wait3A_376 = tpu.memref_squeeze %dma_wait3A_375 : memref<1x4x2048xf32, #tpu.memory_space<vmem_shared>> -> memref<4x2048xf32, #tpu.memory_space<vmem_shared>>
      %dma_wait3A_377 = arith.constant 0 : i32
      %dma_wait3A_378 = arith.constant 0 : i32
      %dma_wait3A_379 = tpu.memref_slice %arg22[%arg1, %dma_wait3A_377, %dma_wait3A_378] : memref<16x4x2048xf32, #tpu.memory_space<vmem_shared>> -> memref<1x4x2048xf32, #tpu.memory_space<vmem_shared>>
      %dma_wait3A_380 = tpu.memref_squeeze %dma_wait3A_379 : memref<1x4x2048xf32, #tpu.memory_space<vmem_shared>> -> memref<4x2048xf32, #tpu.memory_space<vmem_shared>>
      tpu.wait_dma2 semaphore(%arg21 : memref<!tpu.dma_semaphore, #tpu.memory_space<semaphore_mem>>) src(%arg13 : memref<4x2048xf32, #tpu.memory_space<vmem>>) dst(%dma_wait3A_380 : memref<4x2048xf32, #tpu.memory_space<vmem_shared>>)
      %parallel_loop3A_381 = arith.constant 0 : i32
      %parallel_loop3A_382 = arith.constant 128 : i32
      %parallel_loop3A_383 = arith.constant 1 : i32
      scf.for %parallel_loop3A_401 = %parallel_loop3A_381 to %parallel_loop3A_382 step %parallel_loop3A_383  : i32 {
        %parallel_loop3A_402 = arith.constant 16 : i32
        %parallel_loop3A_403 = arith.muli %parallel_loop3A_401, %parallel_loop3A_402 : i32
        %parallel_loop3A_404 = arith.index_cast %parallel_loop3A_403 : i32 to index
        %parallel_loop3A_405 = tpu.vector_load %arg5[%parallel_loop3A_404] {strides = array<i32>} : memref<2048xi32, #tpu.memory_space<vmem>>, vector<16xi32>,
        %parallel_loop3A_406 = arith.constant 0 : i32
        %parallel_loop3A_407 = vector.broadcast %parallel_loop3A_406 : i32 to vector<16xi32>
        %parallel_loop3A_408 = tpu.vector_load_idx %arg9[%parallel_loop3A_407, %parallel_loop3A_405] : memref<4x2048xf32, #tpu.memory_space<vmem>>[vector<16xi32>, vector<16xi32>], vector<16xf32>,
        %parallel_loop3A_409 = arith.constant 0 : i32
        %parallel_loop3A_410 = arith.index_cast %parallel_loop3A_409 : i32 to index
        %parallel_loop3A_411 = arith.index_cast %parallel_loop3A_403 : i32 to index
        %parallel_loop3A_412 = tpu.vector_load %arg13[%parallel_loop3A_410, %parallel_loop3A_411] {strides = array<i32>} : memref<4x2048xf32, #tpu.memory_space<vmem>>, vector<16xf32>,
        tpu.vector_store %arg13[%parallel_loop3A_410, %parallel_loop3A_411], %parallel_loop3A_408 {strides = array<i32>} : memref<4x2048xf32, #tpu.memory_space<vmem>>, vector<16xf32>,
        %parallel_loop3A_413 = arith.constant 1 : i32
        %parallel_loop3A_414 = vector.broadcast %parallel_loop3A_413 : i32 to vector<16xi32>
        %parallel_loop3A_415 = tpu.vector_load_idx %arg9[%parallel_loop3A_414, %parallel_loop3A_405] : memref<4x2048xf32, #tpu.memory_space<vmem>>[vector<16xi32>, vector<16xi32>], vector<16xf32>,
        %parallel_loop3A_416 = arith.constant 1 : i32
        %parallel_loop3A_417 = arith.index_cast %parallel_loop3A_416 : i32 to index
        %parallel_loop3A_418 = arith.index_cast %parallel_loop3A_403 : i32 to index
        %parallel_loop3A_419 = tpu.vector_load %arg13[%parallel_loop3A_417, %parallel_loop3A_418] {strides = array<i32>} : memref<4x2048xf32, #tpu.memory_space<vmem>>, vector<16xf32>,
        tpu.vector_store %arg13[%parallel_loop3A_417, %parallel_loop3A_418], %parallel_loop3A_415 {strides = array<i32>} : memref<4x2048xf32, #tpu.memory_space<vmem>>, vector<16xf32>,
        %parallel_loop3A_420 = arith.constant 2 : i32
        %parallel_loop3A_421 = vector.broadcast %parallel_loop3A_420 : i32 to vector<16xi32>
        %parallel_loop3A_422 = tpu.vector_load_idx %arg9[%parallel_loop3A_421, %parallel_loop3A_405] : memref<4x2048xf32, #tpu.memory_space<vmem>>[vector<16xi32>, vector<16xi32>], vector<16xf32>,
        %parallel_loop3A_423 = arith.constant 2 : i32
        %parallel_loop3A_424 = arith.index_cast %parallel_loop3A_423 : i32 to index
        %parallel_loop3A_425 = arith.index_cast %parallel_loop3A_403 : i32 to index
        %parallel_loop3A_426 = tpu.vector_load %arg13[%parallel_loop3A_424, %parallel_loop3A_425] {strides = array<i32>} : memref<4x2048xf32, #tpu.memory_space<vmem>>, vector<16xf32>,
        tpu.vector_store %arg13[%parallel_loop3A_424, %parallel_loop3A_425], %parallel_loop3A_422 {strides = array<i32>} : memref<4x2048xf32, #tpu.memory_space<vmem>>, vector<16xf32>,
        %parallel_loop3A_427 = arith.constant 3 : i32
        %parallel_loop3A_428 = vector.broadcast %parallel_loop3A_427 : i32 to vector<16xi32>
        %parallel_loop3A_429 = tpu.vector_load_idx %arg9[%parallel_loop3A_428, %parallel_loop3A_405] : memref<4x2048xf32, #tpu.memory_space<vmem>>[vector<16xi32>, vector<16xi32>], vector<16xf32>,
        %parallel_loop3A_430 = arith.constant 3 : i32
        %parallel_loop3A_431 = arith.index_cast %parallel_loop3A_430 : i32 to index
        %parallel_loop3A_432 = arith.index_cast %parallel_loop3A_403 : i32 to index
        %parallel_loop3A_433 = tpu.vector_load %arg13[%parallel_loop3A_431, %parallel_loop3A_432] {strides = array<i32>} : memref<4x2048xf32, #tpu.memory_space<vmem>>, vector<16xf32>,
        tpu.vector_store %arg13[%parallel_loop3A_431, %parallel_loop3A_432], %parallel_loop3A_429 {strides = array<i32>} : memref<4x2048xf32, #tpu.memory_space<vmem>>, vector<16xf32>,
      } {sc.loop_unroll_factor = 4 : i64, sc.parallel_access}
      %dma_start3A_384 = arith.constant 0 : i32
      %dma_start3A_385 = arith.constant 0 : i32
      %dma_start3A_386 = tpu.memref_slice %arg22[%arg1, %dma_start3A_384, %dma_start3A_385] : memref<16x4x2048xf32, #tpu.memory_space<vmem_shared>> -> memref<1x4x2048xf32, #tpu.memory_space<vmem_shared>>
      %dma_start3A_387 = tpu.memref_squeeze %dma_start3A_386 : memref<1x4x2048xf32, #tpu.memory_space<vmem_shared>> -> memref<4x2048xf32, #tpu.memory_space<vmem_shared>>
      %dma_start3A_388 = arith.constant 0 : i32
      %dma_start3A_389 = arith.constant 0 : i32
      %dma_start3A_390 = tpu.memref_slice %arg22[%arg1, %dma_start3A_388, %dma_start3A_389] : memref<16x4x2048xf32, #tpu.memory_space<vmem_shared>> -> memref<1x4x2048xf32, #tpu.memory_space<vmem_shared>>
      %dma_start3A_391 = tpu.memref_squeeze %dma_start3A_390 : memref<1x4x2048xf32, #tpu.memory_space<vmem_shared>> -> memref<4x2048xf32, #tpu.memory_space<vmem_shared>>
      tpu.enqueue_dma source(%arg13 : memref<4x2048xf32, #tpu.memory_space<vmem>>) target(%dma_start3A_391 : memref<4x2048xf32, #tpu.memory_space<vmem_shared>>) target_semaphore(%arg21 : memref<!tpu.dma_semaphore, #tpu.memory_space<semaphore_mem>>)
      %add3A_392 = arith.constant 4 : i32
      %add3A_393 = arith.addi %add3A_366, %add3A_392 : i32
      %mul3A_394 = arith.constant 4 : i32
      %mul3A_395 = arith.muli %add3A_393, %mul3A_394 : i32
      %add3A_396 = arith.addi %mul3A_2, %mul3A_395 : i32
      %dma_start3A_397 = arith.constant 0 : i32
      %dma_start3A_398 = tpu.memref_slice %arg2[%add3A_396, %dma_start3A_397] : memref<16384x2048xf32, #tpu.memory_space<hbm>> -> memref<4x2048xf32, #tpu.memory_space<hbm>>
      %dma_start3A_399 = arith.constant 0 : i32
      %dma_start3A_400 = tpu.memref_slice %arg2[%add3A_396, %dma_start3A_399] : memref<16384x2048xf32, #tpu.memory_space<hbm>> -> memref<4x2048xf32, #tpu.memory_space<hbm>>
      tpu.enqueue_dma source(%dma_start3A_400 : memref<4x2048xf32, #tpu.memory_space<hbm>>) target(%arg9 : memref<4x2048xf32, #tpu.memory_space<vmem>>) target_semaphore(%arg17 : memref<!tpu.dma_semaphore, #tpu.memory_space<semaphore_mem>>)
    }
    %scan3A_119 = arith.constant 30 : i32
    %dma_wait3A_120 = arith.constant 0 : i32
    %dma_wait3A_121 = arith.constant 0 : i32
    %dma_wait3A_122 = tpu.memref_slice %arg2[%dma_wait3A_120, %dma_wait3A_121] : memref<16384x2048xf32, #tpu.memory_space<hbm>> -> memref<4x2048xf32, #tpu.memory_space<hbm>>
    %dma_wait3A_123 = arith.constant 0 : i32
    %dma_wait3A_124 = arith.constant 0 : i32
    %dma_wait3A_125 = tpu.memref_slice %arg2[%dma_wait3A_123, %dma_wait3A_124] : memref<16384x2048xf32, #tpu.memory_space<hbm>> -> memref<4x2048xf32, #tpu.memory_space<hbm>>
    tpu.wait_dma2 semaphore(%arg14 : memref<!tpu.dma_semaphore, #tpu.memory_space<semaphore_mem>>) src(%dma_wait3A_125 : memref<4x2048xf32, #tpu.memory_space<hbm>>) dst(%arg6 : memref<4x2048xf32, #tpu.memory_space<vmem>>)
    %dma_wait3A_126 = arith.constant 0 : i32
    %dma_wait3A_127 = arith.constant 0 : i32
    %dma_wait3A_128 = tpu.memref_slice %arg22[%arg1, %dma_wait3A_126, %dma_wait3A_127] : memref<16x4x2048xf32, #tpu.memory_space<vmem_shared>> -> memref<1x4x2048xf32, #tpu.memory_space<vmem_shared>>
    %dma_wait3A_129 = tpu.memref_squeeze %dma_wait3A_128 : memref<1x4x2048xf32, #tpu.memory_space<vmem_shared>> -> memref<4x2048xf32, #tpu.memory_space<vmem_shared>>
    %dma_wait3A_130 = arith.constant 0 : i32
    %dma_wait3A_131 = arith.constant 0 : i32
    %dma_wait3A_132 = tpu.memref_slice %arg22[%arg1, %dma_wait3A_130, %dma_wait3A_131] : memref<16x4x2048xf32, #tpu.memory_space<vmem_shared>> -> memref<1x4x2048xf32, #tpu.memory_space<vmem_shared>>
    %dma_wait3A_133 = tpu.memref_squeeze %dma_wait3A_132 : memref<1x4x2048xf32, #tpu.memory_space<vmem_shared>> -> memref<4x2048xf32, #tpu.memory_space<vmem_shared>>
    tpu.wait_dma2 semaphore(%arg18 : memref<!tpu.dma_semaphore, #tpu.memory_space<semaphore_mem>>) src(%arg10 : memref<4x2048xf32, #tpu.memory_space<vmem>>) dst(%dma_wait3A_133 : memref<4x2048xf32, #tpu.memory_space<vmem_shared>>)
    %parallel_loop3A_134 = arith.constant 0 : i32
    %parallel_loop3A_135 = arith.constant 128 : i32
    %parallel_loop3A_136 = arith.constant 1 : i32
    scf.for %parallel_loop3A_252 = %parallel_loop3A_134 to %parallel_loop3A_135 step %parallel_loop3A_136  : i32 {
      %parallel_loop3A_253 = arith.constant 16 : i32
      %parallel_loop3A_254 = arith.muli %parallel_loop3A_252, %parallel_loop3A_253 : i32
      %parallel_loop3A_255 = arith.index_cast %parallel_loop3A_254 : i32 to index
      %parallel_loop3A_256 = tpu.vector_load %arg5[%parallel_loop3A_255] {strides = array<i32>} : memref<2048xi32, #tpu.memory_space<vmem>>, vector<16xi32>,
      %parallel_loop3A_257 = arith.constant 0 : i32
      %parallel_loop3A_258 = vector.broadcast %parallel_loop3A_257 : i32 to vector<16xi32>
      %parallel_loop3A_259 = tpu.vector_load_idx %arg6[%parallel_loop3A_258, %parallel_loop3A_256] : memref<4x2048xf32, #tpu.memory_space<vmem>>[vector<16xi32>, vector<16xi32>], vector<16xf32>,
      %parallel_loop3A_260 = arith.constant 0 : i32
      %parallel_loop3A_261 = arith.index_cast %parallel_loop3A_260 : i32 to index
      %parallel_loop3A_262 = arith.index_cast %parallel_loop3A_254 : i32 to index
      %parallel_loop3A_263 = tpu.vector_load %arg10[%parallel_loop3A_261, %parallel_loop3A_262] {strides = array<i32>} : memref<4x2048xf32, #tpu.memory_space<vmem>>, vector<16xf32>,
      tpu.vector_store %arg10[%parallel_loop3A_261, %parallel_loop3A_262], %parallel_loop3A_259 {strides = array<i32>} : memref<4x2048xf32, #tpu.memory_space<vmem>>, vector<16xf32>,
      %parallel_loop3A_264 = arith.constant 1 : i32
      %parallel_loop3A_265 = vector.broadcast %parallel_loop3A_264 : i32 to vector<16xi32>
      %parallel_loop3A_266 = tpu.vector_load_idx %arg6[%parallel_loop3A_265, %parallel_loop3A_256] : memref<4x2048xf32, #tpu.memory_space<vmem>>[vector<16xi32>, vector<16xi32>], vector<16xf32>,
      %parallel_loop3A_267 = arith.constant 1 : i32
      %parallel_loop3A_268 = arith.index_cast %parallel_loop3A_267 : i32 to index
      %parallel_loop3A_269 = arith.index_cast %parallel_loop3A_254 : i32 to index
      %parallel_loop3A_270 = tpu.vector_load %arg10[%parallel_loop3A_268, %parallel_loop3A_269] {strides = array<i32>} : memref<4x2048xf32, #tpu.memory_space<vmem>>, vector<16xf32>,
      tpu.vector_store %arg10[%parallel_loop3A_268, %parallel_loop3A_269], %parallel_loop3A_266 {strides = array<i32>} : memref<4x2048xf32, #tpu.memory_space<vmem>>, vector<16xf32>,
      %parallel_loop3A_271 = arith.constant 2 : i32
      %parallel_loop3A_272 = vector.broadcast %parallel_loop3A_271 : i32 to vector<16xi32>
      %parallel_loop3A_273 = tpu.vector_load_idx %arg6[%parallel_loop3A_272, %parallel_loop3A_256] : memref<4x2048xf32, #tpu.memory_space<vmem>>[vector<16xi32>, vector<16xi32>], vector<16xf32>,
      %parallel_loop3A_274 = arith.constant 2 : i32
      %parallel_loop3A_275 = arith.index_cast %parallel_loop3A_274 : i32 to index
      %parallel_loop3A_276 = arith.index_cast %parallel_loop3A_254 : i32 to index
      %parallel_loop3A_277 = tpu.vector_load %arg10[%parallel_loop3A_275, %parallel_loop3A_276] {strides = array<i32>} : memref<4x2048xf32, #tpu.memory_space<vmem>>, vector<16xf32>,
      tpu.vector_store %arg10[%parallel_loop3A_275, %parallel_loop3A_276], %parallel_loop3A_273 {strides = array<i32>} : memref<4x2048xf32, #tpu.memory_space<vmem>>, vector<16xf32>,
      %parallel_loop3A_278 = arith.constant 3 : i32
      %parallel_loop3A_279 = vector.broadcast %parallel_loop3A_278 : i32 to vector<16xi32>
      %parallel_loop3A_280 = tpu.vector_load_idx %arg6[%parallel_loop3A_279, %parallel_loop3A_256] : memref<4x2048xf32, #tpu.memory_space<vmem>>[vector<16xi32>, vector<16xi32>], vector<16xf32>,
      %parallel_loop3A_281 = arith.constant 3 : i32
      %parallel_loop3A_282 = arith.index_cast %parallel_loop3A_281 : i32 to index
      %parallel_loop3A_283 = arith.index_cast %parallel_loop3A_254 : i32 to index
      %parallel_loop3A_284 = tpu.vector_load %arg10[%parallel_loop3A_282, %parallel_loop3A_283] {strides = array<i32>} : memref<4x2048xf32, #tpu.memory_space<vmem>>, vector<16xf32>,
      tpu.vector_store %arg10[%parallel_loop3A_282, %parallel_loop3A_283], %parallel_loop3A_280 {strides = array<i32>} : memref<4x2048xf32, #tpu.memory_space<vmem>>, vector<16xf32>,
    } {sc.loop_unroll_factor = 4 : i64, sc.parallel_access}
    %dma_start3A_137 = arith.constant 0 : i32
    %dma_start3A_138 = arith.constant 0 : i32
    %dma_start3A_139 = tpu.memref_slice %arg22[%arg1, %dma_start3A_137, %dma_start3A_138] : memref<16x4x2048xf32, #tpu.memory_space<vmem_shared>> -> memref<1x4x2048xf32, #tpu.memory_space<vmem_shared>>
    %dma_start3A_140 = tpu.memref_squeeze %dma_start3A_139 : memref<1x4x2048xf32, #tpu.memory_space<vmem_shared>> -> memref<4x2048xf32, #tpu.memory_space<vmem_shared>>
    %dma_start3A_141 = arith.constant 0 : i32
    %dma_start3A_142 = arith.constant 0 : i32
    %dma_start3A_143 = tpu.memref_slice %arg22[%arg1, %dma_start3A_141, %dma_start3A_142] : memref<16x4x2048xf32, #tpu.memory_space<vmem_shared>> -> memref<1x4x2048xf32, #tpu.memory_space<vmem_shared>>
    %dma_start3A_144 = tpu.memref_squeeze %dma_start3A_143 : memref<1x4x2048xf32, #tpu.memory_space<vmem_shared>> -> memref<4x2048xf32, #tpu.memory_space<vmem_shared>>
    tpu.enqueue_dma source(%arg10 : memref<4x2048xf32, #tpu.memory_space<vmem>>) target(%dma_start3A_144 : memref<4x2048xf32, #tpu.memory_space<vmem_shared>>) target_semaphore(%arg18 : memref<!tpu.dma_semaphore, #tpu.memory_space<semaphore_mem>>)
    %dma_wait3A_145 = arith.constant 0 : i32
    %dma_wait3A_146 = arith.constant 0 : i32
    %dma_wait3A_147 = tpu.memref_slice %arg2[%dma_wait3A_145, %dma_wait3A_146] : memref<16384x2048xf32, #tpu.memory_space<hbm>> -> memref<4x2048xf32, #tpu.memory_space<hbm>>
    %dma_wait3A_148 = arith.constant 0 : i32
    %dma_wait3A_149 = arith.constant 0 : i32
    %dma_wait3A_150 = tpu.memref_slice %arg2[%dma_wait3A_148, %dma_wait3A_149] : memref<16384x2048xf32, #tpu.memory_space<hbm>> -> memref<4x2048xf32, #tpu.memory_space<hbm>>
    tpu.wait_dma2 semaphore(%arg15 : memref<!tpu.dma_semaphore, #tpu.memory_space<semaphore_mem>>) src(%dma_wait3A_150 : memref<4x2048xf32, #tpu.memory_space<hbm>>) dst(%arg7 : memref<4x2048xf32, #tpu.memory_space<vmem>>)
    %dma_wait3A_151 = arith.constant 0 : i32
    %dma_wait3A_152 = arith.constant 0 : i32
    %dma_wait3A_153 = tpu.memref_slice %arg22[%arg1, %dma_wait3A_151, %dma_wait3A_152] : memref<16x4x2048xf32, #tpu.memory_space<vmem_shared>> -> memref<1x4x2048xf32, #tpu.memory_space<vmem_shared>>
    %dma_wait3A_154 = tpu.memref_squeeze %dma_wait3A_153 : memref<1x4x2048xf32, #tpu.memory_space<vmem_shared>> -> memref<4x2048xf32, #tpu.memory_space<vmem_shared>>
    %dma_wait3A_155 = arith.constant 0 : i32
    %dma_wait3A_156 = arith.constant 0 : i32
    %dma_wait3A_157 = tpu.memref_slice %arg22[%arg1, %dma_wait3A_155, %dma_wait3A_156] : memref<16x4x2048xf32, #tpu.memory_space<vmem_shared>> -> memref<1x4x2048xf32, #tpu.memory_space<vmem_shared>>
    %dma_wait3A_158 = tpu.memref_squeeze %dma_wait3A_157 : memref<1x4x2048xf32, #tpu.memory_space<vmem_shared>> -> memref<4x2048xf32, #tpu.memory_space<vmem_shared>>
    tpu.wait_dma2 semaphore(%arg19 : memref<!tpu.dma_semaphore, #tpu.memory_space<semaphore_mem>>) src(%arg11 : memref<4x2048xf32, #tpu.memory_space<vmem>>) dst(%dma_wait3A_158 : memref<4x2048xf32, #tpu.memory_space<vmem_shared>>)
    %parallel_loop3A_159 = arith.constant 0 : i32
    %parallel_loop3A_160 = arith.constant 128 : i32
    %parallel_loop3A_161 = arith.constant 1 : i32
    scf.for %parallel_loop3A_252 = %parallel_loop3A_159 to %parallel_loop3A_160 step %parallel_loop3A_161  : i32 {
      %parallel_loop3A_253 = arith.constant 16 : i32
      %parallel_loop3A_254 = arith.muli %parallel_loop3A_252, %parallel_loop3A_253 : i32
      %parallel_loop3A_255 = arith.index_cast %parallel_loop3A_254 : i32 to index
      %parallel_loop3A_256 = tpu.vector_load %arg5[%parallel_loop3A_255] {strides = array<i32>} : memref<2048xi32, #tpu.memory_space<vmem>>, vector<16xi32>,
      %parallel_loop3A_257 = arith.constant 0 : i32
      %parallel_loop3A_258 = vector.broadcast %parallel_loop3A_257 : i32 to vector<16xi32>
      %parallel_loop3A_259 = tpu.vector_load_idx %arg7[%parallel_loop3A_258, %parallel_loop3A_256] : memref<4x2048xf32, #tpu.memory_space<vmem>>[vector<16xi32>, vector<16xi32>], vector<16xf32>,
      %parallel_loop3A_260 = arith.constant 0 : i32
      %parallel_loop3A_261 = arith.index_cast %parallel_loop3A_260 : i32 to index
      %parallel_loop3A_262 = arith.index_cast %parallel_loop3A_254 : i32 to index
      %parallel_loop3A_263 = tpu.vector_load %arg11[%parallel_loop3A_261, %parallel_loop3A_262] {strides = array<i32>} : memref<4x2048xf32, #tpu.memory_space<vmem>>, vector<16xf32>,
      tpu.vector_store %arg11[%parallel_loop3A_261, %parallel_loop3A_262], %parallel_loop3A_259 {strides = array<i32>} : memref<4x2048xf32, #tpu.memory_space<vmem>>, vector<16xf32>,
      %parallel_loop3A_264 = arith.constant 1 : i32
      %parallel_loop3A_265 = vector.broadcast %parallel_loop3A_264 : i32 to vector<16xi32>
      %parallel_loop3A_266 = tpu.vector_load_idx %arg7[%parallel_loop3A_265, %parallel_loop3A_256] : memref<4x2048xf32, #tpu.memory_space<vmem>>[vector<16xi32>, vector<16xi32>], vector<16xf32>,
      %parallel_loop3A_267 = arith.constant 1 : i32
      %parallel_loop3A_268 = arith.index_cast %parallel_loop3A_267 : i32 to index
      %parallel_loop3A_269 = arith.index_cast %parallel_loop3A_254 : i32 to index
      %parallel_loop3A_270 = tpu.vector_load %arg11[%parallel_loop3A_268, %parallel_loop3A_269] {strides = array<i32>} : memref<4x2048xf32, #tpu.memory_space<vmem>>, vector<16xf32>,
      tpu.vector_store %arg11[%parallel_loop3A_268, %parallel_loop3A_269], %parallel_loop3A_266 {strides = array<i32>} : memref<4x2048xf32, #tpu.memory_space<vmem>>, vector<16xf32>,
      %parallel_loop3A_271 = arith.constant 2 : i32
      %parallel_loop3A_272 = vector.broadcast %parallel_loop3A_271 : i32 to vector<16xi32>
      %parallel_loop3A_273 = tpu.vector_load_idx %arg7[%parallel_loop3A_272, %parallel_loop3A_256] : memref<4x2048xf32, #tpu.memory_space<vmem>>[vector<16xi32>, vector<16xi32>], vector<16xf32>,
      %parallel_loop3A_274 = arith.constant 2 : i32
      %parallel_loop3A_275 = arith.index_cast %parallel_loop3A_274 : i32 to index
      %parallel_loop3A_276 = arith.index_cast %parallel_loop3A_254 : i32 to index
      %parallel_loop3A_277 = tpu.vector_load %arg11[%parallel_loop3A_275, %parallel_loop3A_276] {strides = array<i32>} : memref<4x2048xf32, #tpu.memory_space<vmem>>, vector<16xf32>,
      tpu.vector_store %arg11[%parallel_loop3A_275, %parallel_loop3A_276], %parallel_loop3A_273 {strides = array<i32>} : memref<4x2048xf32, #tpu.memory_space<vmem>>, vector<16xf32>,
      %parallel_loop3A_278 = arith.constant 3 : i32
      %parallel_loop3A_279 = vector.broadcast %parallel_loop3A_278 : i32 to vector<16xi32>
      %parallel_loop3A_280 = tpu.vector_load_idx %arg7[%parallel_loop3A_279, %parallel_loop3A_256] : memref<4x2048xf32, #tpu.memory_space<vmem>>[vector<16xi32>, vector<16xi32>], vector<16xf32>,
      %parallel_loop3A_281 = arith.constant 3 : i32
      %parallel_loop3A_282 = arith.index_cast %parallel_loop3A_281 : i32 to index
      %parallel_loop3A_283 = arith.index_cast %parallel_loop3A_254 : i32 to index
      %parallel_loop3A_284 = tpu.vector_load %arg11[%parallel_loop3A_282, %parallel_loop3A_283] {strides = array<i32>} : memref<4x2048xf32, #tpu.memory_space<vmem>>, vector<16xf32>,
      tpu.vector_store %arg11[%parallel_loop3A_282, %parallel_loop3A_283], %parallel_loop3A_280 {strides = array<i32>} : memref<4x2048xf32, #tpu.memory_space<vmem>>, vector<16xf32>,
    } {sc.loop_unroll_factor = 4 : i64, sc.parallel_access}
    %dma_start3A_162 = arith.constant 0 : i32
    %dma_start3A_163 = arith.constant 0 : i32
    %dma_start3A_164 = tpu.memref_slice %arg22[%arg1, %dma_start3A_162, %dma_start3A_163] : memref<16x4x2048xf32, #tpu.memory_space<vmem_shared>> -> memref<1x4x2048xf32, #tpu.memory_space<vmem_shared>>
    %dma_start3A_165 = tpu.memref_squeeze %dma_start3A_164 : memref<1x4x2048xf32, #tpu.memory_space<vmem_shared>> -> memref<4x2048xf32, #tpu.memory_space<vmem_shared>>
    %dma_start3A_166 = arith.constant 0 : i32
    %dma_start3A_167 = arith.constant 0 : i32
    %dma_start3A_168 = tpu.memref_slice %arg22[%arg1, %dma_start3A_166, %dma_start3A_167] : memref<16x4x2048xf32, #tpu.memory_space<vmem_shared>> -> memref<1x4x2048xf32, #tpu.memory_space<vmem_shared>>
    %dma_start3A_169 = tpu.memref_squeeze %dma_start3A_168 : memref<1x4x2048xf32, #tpu.memory_space<vmem_shared>> -> memref<4x2048xf32, #tpu.memory_space<vmem_shared>>
    tpu.enqueue_dma source(%arg11 : memref<4x2048xf32, #tpu.memory_space<vmem>>) target(%dma_start3A_169 : memref<4x2048xf32, #tpu.memory_space<vmem_shared>>) target_semaphore(%arg19 : memref<!tpu.dma_semaphore, #tpu.memory_space<semaphore_mem>>)
    %dma_wait3A_170 = arith.constant 0 : i32
    %dma_wait3A_171 = arith.constant 0 : i32
    %dma_wait3A_172 = tpu.memref_slice %arg2[%dma_wait3A_170, %dma_wait3A_171] : memref<16384x2048xf32, #tpu.memory_space<hbm>> -> memref<4x2048xf32, #tpu.memory_space<hbm>>
    %dma_wait3A_173 = arith.constant 0 : i32
    %dma_wait3A_174 = arith.constant 0 : i32
    %dma_wait3A_175 = tpu.memref_slice %arg2[%dma_wait3A_173, %dma_wait3A_174] : memref<16384x2048xf32, #tpu.memory_space<hbm>> -> memref<4x2048xf32, #tpu.memory_space<hbm>>
    tpu.wait_dma2 semaphore(%arg16 : memref<!tpu.dma_semaphore, #tpu.memory_space<semaphore_mem>>) src(%dma_wait3A_175 : memref<4x2048xf32, #tpu.memory_space<hbm>>) dst(%arg8 : memref<4x2048xf32, #tpu.memory_space<vmem>>)
    %dma_wait3A_176 = arith.constant 0 : i32
    %dma_wait3A_177 = arith.constant 0 : i32
    %dma_wait3A_178 = tpu.memref_slice %arg22[%arg1, %dma_wait3A_176, %dma_wait3A_177] : memref<16x4x2048xf32, #tpu.memory_space<vmem_shared>> -> memref<1x4x2048xf32, #tpu.memory_space<vmem_shared>>
    %dma_wait3A_179 = tpu.memref_squeeze %dma_wait3A_178 : memref<1x4x2048xf32, #tpu.memory_space<vmem_shared>> -> memref<4x2048xf32, #tpu.memory_space<vmem_shared>>
    %dma_wait3A_180 = arith.constant 0 : i32
    %dma_wait3A_181 = arith.constant 0 : i32
    %dma_wait3A_182 = tpu.memref_slice %arg22[%arg1, %dma_wait3A_180, %dma_wait3A_181] : memref<16x4x2048xf32, #tpu.memory_space<vmem_shared>> -> memref<1x4x2048xf32, #tpu.memory_space<vmem_shared>>
    %dma_wait3A_183 = tpu.memref_squeeze %dma_wait3A_182 : memref<1x4x2048xf32, #tpu.memory_space<vmem_shared>> -> memref<4x2048xf32, #tpu.memory_space<vmem_shared>>
    tpu.wait_dma2 semaphore(%arg20 : memref<!tpu.dma_semaphore, #tpu.memory_space<semaphore_mem>>) src(%arg12 : memref<4x2048xf32, #tpu.memory_space<vmem>>) dst(%dma_wait3A_183 : memref<4x2048xf32, #tpu.memory_space<vmem_shared>>)
    %parallel_loop3A_184 = arith.constant 0 : i32
    %parallel_loop3A_185 = arith.constant 128 : i32
    %parallel_loop3A_186 = arith.constant 1 : i32
    scf.for %parallel_loop3A_252 = %parallel_loop3A_184 to %parallel_loop3A_185 step %parallel_loop3A_186  : i32 {
      %parallel_loop3A_253 = arith.constant 16 : i32
      %parallel_loop3A_254 = arith.muli %parallel_loop3A_252, %parallel_loop3A_253 : i32
      %parallel_loop3A_255 = arith.index_cast %parallel_loop3A_254 : i32 to index
      %parallel_loop3A_256 = tpu.vector_load %arg5[%parallel_loop3A_255] {strides = array<i32>} : memref<2048xi32, #tpu.memory_space<vmem>>, vector<16xi32>,
      %parallel_loop3A_257 = arith.constant 0 : i32
      %parallel_loop3A_258 = vector.broadcast %parallel_loop3A_257 : i32 to vector<16xi32>
      %parallel_loop3A_259 = tpu.vector_load_idx %arg8[%parallel_loop3A_258, %parallel_loop3A_256] : memref<4x2048xf32, #tpu.memory_space<vmem>>[vector<16xi32>, vector<16xi32>], vector<16xf32>,
      %parallel_loop3A_260 = arith.constant 0 : i32
      %parallel_loop3A_261 = arith.index_cast %parallel_loop3A_260 : i32 to index
      %parallel_loop3A_262 = arith.index_cast %parallel_loop3A_254 : i32 to index
      %parallel_loop3A_263 = tpu.vector_load %arg12[%parallel_loop3A_261, %parallel_loop3A_262] {strides = array<i32>} : memref<4x2048xf32, #tpu.memory_space<vmem>>, vector<16xf32>,
      tpu.vector_store %arg12[%parallel_loop3A_261, %parallel_loop3A_262], %parallel_loop3A_259 {strides = array<i32>} : memref<4x2048xf32, #tpu.memory_space<vmem>>, vector<16xf32>,
      %parallel_loop3A_264 = arith.constant 1 : i32
      %parallel_loop3A_265 = vector.broadcast %parallel_loop3A_264 : i32 to vector<16xi32>
      %parallel_loop3A_266 = tpu.vector_load_idx %arg8[%parallel_loop3A_265, %parallel_loop3A_256] : memref<4x2048xf32, #tpu.memory_space<vmem>>[vector<16xi32>, vector<16xi32>], vector<16xf32>,
      %parallel_loop3A_267 = arith.constant 1 : i32
      %parallel_loop3A_268 = arith.index_cast %parallel_loop3A_267 : i32 to index
      %parallel_loop3A_269 = arith.index_cast %parallel_loop3A_254 : i32 to index
      %parallel_loop3A_270 = tpu.vector_load %arg12[%parallel_loop3A_268, %parallel_loop3A_269] {strides = array<i32>} : memref<4x2048xf32, #tpu.memory_space<vmem>>, vector<16xf32>,
      tpu.vector_store %arg12[%parallel_loop3A_268, %parallel_loop3A_269], %parallel_loop3A_266 {strides = array<i32>} : memref<4x2048xf32, #tpu.memory_space<vmem>>, vector<16xf32>,
      %parallel_loop3A_271 = arith.constant 2 : i32
      %parallel_loop3A_272 = vector.broadcast %parallel_loop3A_271 : i32 to vector<16xi32>
      %parallel_loop3A_273 = tpu.vector_load_idx %arg8[%parallel_loop3A_272, %parallel_loop3A_256] : memref<4x2048xf32, #tpu.memory_space<vmem>>[vector<16xi32>, vector<16xi32>], vector<16xf32>,
      %parallel_loop3A_274 = arith.constant 2 : i32
      %parallel_loop3A_275 = arith.index_cast %parallel_loop3A_274 : i32 to index
      %parallel_loop3A_276 = arith.index_cast %parallel_loop3A_254 : i32 to index
      %parallel_loop3A_277 = tpu.vector_load %arg12[%parallel_loop3A_275, %parallel_loop3A_276] {strides = array<i32>} : memref<4x2048xf32, #tpu.memory_space<vmem>>, vector<16xf32>,
      tpu.vector_store %arg12[%parallel_loop3A_275, %parallel_loop3A_276], %parallel_loop3A_273 {strides = array<i32>} : memref<4x2048xf32, #tpu.memory_space<vmem>>, vector<16xf32>,
      %parallel_loop3A_278 = arith.constant 3 : i32
      %parallel_loop3A_279 = vector.broadcast %parallel_loop3A_278 : i32 to vector<16xi32>
      %parallel_loop3A_280 = tpu.vector_load_idx %arg8[%parallel_loop3A_279, %parallel_loop3A_256] : memref<4x2048xf32, #tpu.memory_space<vmem>>[vector<16xi32>, vector<16xi32>], vector<16xf32>,
      %parallel_loop3A_281 = arith.constant 3 : i32
      %parallel_loop3A_282 = arith.index_cast %parallel_loop3A_281 : i32 to index
      %parallel_loop3A_283 = arith.index_cast %parallel_loop3A_254 : i32 to index
      %parallel_loop3A_284 = tpu.vector_load %arg12[%parallel_loop3A_282, %parallel_loop3A_283] {strides = array<i32>} : memref<4x2048xf32, #tpu.memory_space<vmem>>, vector<16xf32>,
      tpu.vector_store %arg12[%parallel_loop3A_282, %parallel_loop3A_283], %parallel_loop3A_280 {strides = array<i32>} : memref<4x2048xf32, #tpu.memory_space<vmem>>, vector<16xf32>,
    } {sc.loop_unroll_factor = 4 : i64, sc.parallel_access}
    %dma_start3A_187 = arith.constant 0 : i32
    %dma_start3A_188 = arith.constant 0 : i32
    %dma_start3A_189 = tpu.memref_slice %arg22[%arg1, %dma_start3A_187, %dma_start3A_188] : memref<16x4x2048xf32, #tpu.memory_space<vmem_shared>> -> memref<1x4x2048xf32, #tpu.memory_space<vmem_shared>>
    %dma_start3A_190 = tpu.memref_squeeze %dma_start3A_189 : memref<1x4x2048xf32, #tpu.memory_space<vmem_shared>> -> memref<4x2048xf32, #tpu.memory_space<vmem_shared>>
    %dma_start3A_191 = arith.constant 0 : i32
    %dma_start3A_192 = arith.constant 0 : i32
    %dma_start3A_193 = tpu.memref_slice %arg22[%arg1, %dma_start3A_191, %dma_start3A_192] : memref<16x4x2048xf32, #tpu.memory_space<vmem_shared>> -> memref<1x4x2048xf32, #tpu.memory_space<vmem_shared>>
    %dma_start3A_194 = tpu.memref_squeeze %dma_start3A_193 : memref<1x4x2048xf32, #tpu.memory_space<vmem_shared>> -> memref<4x2048xf32, #tpu.memory_space<vmem_shared>>
    tpu.enqueue_dma source(%arg12 : memref<4x2048xf32, #tpu.memory_space<vmem>>) target(%dma_start3A_194 : memref<4x2048xf32, #tpu.memory_space<vmem_shared>>) target_semaphore(%arg20 : memref<!tpu.dma_semaphore, #tpu.memory_space<semaphore_mem>>)
    %dma_wait3A_195 = arith.constant 0 : i32
    %dma_wait3A_196 = arith.constant 0 : i32
    %dma_wait3A_197 = tpu.memref_slice %arg2[%dma_wait3A_195, %dma_wait3A_196] : memref<16384x2048xf32, #tpu.memory_space<hbm>> -> memref<4x2048xf32, #tpu.memory_space<hbm>>
    %dma_wait3A_198 = arith.constant 0 : i32
    %dma_wait3A_199 = arith.constant 0 : i32
    %dma_wait3A_200 = tpu.memref_slice %arg2[%dma_wait3A_198, %dma_wait3A_199] : memref<16384x2048xf32, #tpu.memory_space<hbm>> -> memref<4x2048xf32, #tpu.memory_space<hbm>>
    tpu.wait_dma2 semaphore(%arg17 : memref<!tpu.dma_semaphore, #tpu.memory_space<semaphore_mem>>) src(%dma_wait3A_200 : memref<4x2048xf32, #tpu.memory_space<hbm>>) dst(%arg9 : memref<4x2048xf32, #tpu.memory_space<vmem>>)
    %dma_wait3A_201 = arith.constant 0 : i32
    %dma_wait3A_202 = arith.constant 0 : i32
    %dma_wait3A_203 = tpu.memref_slice %arg22[%arg1, %dma_wait3A_201, %dma_wait3A_202] : memref<16x4x2048xf32, #tpu.memory_space<vmem_shared>> -> memref<1x4x2048xf32, #tpu.memory_space<vmem_shared>>
    %dma_wait3A_204 = tpu.memref_squeeze %dma_wait3A_203 : memref<1x4x2048xf32, #tpu.memory_space<vmem_shared>> -> memref<4x2048xf32, #tpu.memory_space<vmem_shared>>
    %dma_wait3A_205 = arith.constant 0 : i32
    %dma_wait3A_206 = arith.constant 0 : i32
    %dma_wait3A_207 = tpu.memref_slice %arg22[%arg1, %dma_wait3A_205, %dma_wait3A_206] : memref<16x4x2048xf32, #tpu.memory_space<vmem_shared>> -> memref<1x4x2048xf32, #tpu.memory_space<vmem_shared>>
    %dma_wait3A_208 = tpu.memref_squeeze %dma_wait3A_207 : memref<1x4x2048xf32, #tpu.memory_space<vmem_shared>> -> memref<4x2048xf32, #tpu.memory_space<vmem_shared>>
    tpu.wait_dma2 semaphore(%arg21 : memref<!tpu.dma_semaphore, #tpu.memory_space<semaphore_mem>>) src(%arg13 : memref<4x2048xf32, #tpu.memory_space<vmem>>) dst(%dma_wait3A_208 : memref<4x2048xf32, #tpu.memory_space<vmem_shared>>)
    %parallel_loop3A_209 = arith.constant 0 : i32
    %parallel_loop3A_210 = arith.constant 128 : i32
    %parallel_loop3A_211 = arith.constant 1 : i32
    scf.for %parallel_loop3A_252 = %parallel_loop3A_209 to %parallel_loop3A_210 step %parallel_loop3A_211  : i32 {
      %parallel_loop3A_253 = arith.constant 16 : i32
      %parallel_loop3A_254 = arith.muli %parallel_loop3A_252, %parallel_loop3A_253 : i32
      %parallel_loop3A_255 = arith.index_cast %parallel_loop3A_254 : i32 to index
      %parallel_loop3A_256 = tpu.vector_load %arg5[%parallel_loop3A_255] {strides = array<i32>} : memref<2048xi32, #tpu.memory_space<vmem>>, vector<16xi32>,
      %parallel_loop3A_257 = arith.constant 0 : i32
      %parallel_loop3A_258 = vector.broadcast %parallel_loop3A_257 : i32 to vector<16xi32>
      %parallel_loop3A_259 = tpu.vector_load_idx %arg9[%parallel_loop3A_258, %parallel_loop3A_256] : memref<4x2048xf32, #tpu.memory_space<vmem>>[vector<16xi32>, vector<16xi32>], vector<16xf32>,
      %parallel_loop3A_260 = arith.constant 0 : i32
      %parallel_loop3A_261 = arith.index_cast %parallel_loop3A_260 : i32 to index
      %parallel_loop3A_262 = arith.index_cast %parallel_loop3A_254 : i32 to index
      %parallel_loop3A_263 = tpu.vector_load %arg13[%parallel_loop3A_261, %parallel_loop3A_262] {strides = array<i32>} : memref<4x2048xf32, #tpu.memory_space<vmem>>, vector<16xf32>,
      tpu.vector_store %arg13[%parallel_loop3A_261, %parallel_loop3A_262], %parallel_loop3A_259 {strides = array<i32>} : memref<4x2048xf32, #tpu.memory_space<vmem>>, vector<16xf32>,
      %parallel_loop3A_264 = arith.constant 1 : i32
      %parallel_loop3A_265 = vector.broadcast %parallel_loop3A_264 : i32 to vector<16xi32>
      %parallel_loop3A_266 = tpu.vector_load_idx %arg9[%parallel_loop3A_265, %parallel_loop3A_256] : memref<4x2048xf32, #tpu.memory_space<vmem>>[vector<16xi32>, vector<16xi32>], vector<16xf32>,
      %parallel_loop3A_267 = arith.constant 1 : i32
      %parallel_loop3A_268 = arith.index_cast %parallel_loop3A_267 : i32 to index
      %parallel_loop3A_269 = arith.index_cast %parallel_loop3A_254 : i32 to index
      %parallel_loop3A_270 = tpu.vector_load %arg13[%parallel_loop3A_268, %parallel_loop3A_269] {strides = array<i32>} : memref<4x2048xf32, #tpu.memory_space<vmem>>, vector<16xf32>,
      tpu.vector_store %arg13[%parallel_loop3A_268, %parallel_loop3A_269], %parallel_loop3A_266 {strides = array<i32>} : memref<4x2048xf32, #tpu.memory_space<vmem>>, vector<16xf32>,
      %parallel_loop3A_271 = arith.constant 2 : i32
      %parallel_loop3A_272 = vector.broadcast %parallel_loop3A_271 : i32 to vector<16xi32>
      %parallel_loop3A_273 = tpu.vector_load_idx %arg9[%parallel_loop3A_272, %parallel_loop3A_256] : memref<4x2048xf32, #tpu.memory_space<vmem>>[vector<16xi32>, vector<16xi32>], vector<16xf32>,
      %parallel_loop3A_274 = arith.constant 2 : i32
      %parallel_loop3A_275 = arith.index_cast %parallel_loop3A_274 : i32 to index
      %parallel_loop3A_276 = arith.index_cast %parallel_loop3A_254 : i32 to index
      %parallel_loop3A_277 = tpu.vector_load %arg13[%parallel_loop3A_275, %parallel_loop3A_276] {strides = array<i32>} : memref<4x2048xf32, #tpu.memory_space<vmem>>, vector<16xf32>,
      tpu.vector_store %arg13[%parallel_loop3A_275, %parallel_loop3A_276], %parallel_loop3A_273 {strides = array<i32>} : memref<4x2048xf32, #tpu.memory_space<vmem>>, vector<16xf32>,
      %parallel_loop3A_278 = arith.constant 3 : i32
      %parallel_loop3A_279 = vector.broadcast %parallel_loop3A_278 : i32 to vector<16xi32>
      %parallel_loop3A_280 = tpu.vector_load_idx %arg9[%parallel_loop3A_279, %parallel_loop3A_256] : memref<4x2048xf32, #tpu.memory_space<vmem>>[vector<16xi32>, vector<16xi32>], vector<16xf32>,
      %parallel_loop3A_281 = arith.constant 3 : i32
      %parallel_loop3A_282 = arith.index_cast %parallel_loop3A_281 : i32 to index
      %parallel_loop3A_283 = arith.index_cast %parallel_loop3A_254 : i32 to index
      %parallel_loop3A_284 = tpu.vector_load %arg13[%parallel_loop3A_282, %parallel_loop3A_283] {strides = array<i32>} : memref<4x2048xf32, #tpu.memory_space<vmem>>, vector<16xf32>,
      tpu.vector_store %arg13[%parallel_loop3A_282, %parallel_loop3A_283], %parallel_loop3A_280 {strides = array<i32>} : memref<4x2048xf32, #tpu.memory_space<vmem>>, vector<16xf32>,
    } {sc.loop_unroll_factor = 4 : i64, sc.parallel_access}
    %dma_start3A_212 = arith.constant 0 : i32
    %dma_start3A_213 = arith.constant 0 : i32
    %dma_start3A_214 = tpu.memref_slice %arg22[%arg1, %dma_start3A_212, %dma_start3A_213] : memref<16x4x2048xf32, #tpu.memory_space<vmem_shared>> -> memref<1x4x2048xf32, #tpu.memory_space<vmem_shared>>
    %dma_start3A_215 = tpu.memref_squeeze %dma_start3A_214 : memref<1x4x2048xf32, #tpu.memory_space<vmem_shared>> -> memref<4x2048xf32, #tpu.memory_space<vmem_shared>>
    %dma_start3A_216 = arith.constant 0 : i32
    %dma_start3A_217 = arith.constant 0 : i32
    %dma_start3A_218 = tpu.memref_slice %arg22[%arg1, %dma_start3A_216, %dma_start3A_217] : memref<16x4x2048xf32, #tpu.memory_space<vmem_shared>> -> memref<1x4x2048xf32, #tpu.memory_space<vmem_shared>>
    %dma_start3A_219 = tpu.memref_squeeze %dma_start3A_218 : memref<1x4x2048xf32, #tpu.memory_space<vmem_shared>> -> memref<4x2048xf32, #tpu.memory_space<vmem_shared>>
    tpu.enqueue_dma source(%arg13 : memref<4x2048xf32, #tpu.memory_space<vmem>>) target(%dma_start3A_219 : memref<4x2048xf32, #tpu.memory_space<vmem_shared>>) target_semaphore(%arg21 : memref<!tpu.dma_semaphore, #tpu.memory_space<semaphore_mem>>)
    %dma_wait3A_220 = arith.constant 0 : i32
    %dma_wait3A_221 = arith.constant 0 : i32
    %dma_wait3A_222 = tpu.memref_slice %arg22[%arg1, %dma_wait3A_220, %dma_wait3A_221] : memref<16x4x2048xf32, #tpu.memory_space<vmem_shared>> -> memref<1x4x2048xf32, #tpu.memory_space<vmem_shared>>
    %dma_wait3A_223 = tpu.memref_squeeze %dma_wait3A_222 : memref<1x4x2048xf32, #tpu.memory_space<vmem_shared>> -> memref<4x2048xf32, #tpu.memory_space<vmem_shared>>
    %dma_wait3A_224 = arith.constant 0 : i32
    %dma_wait3A_225 = arith.constant 0 : i32
    %dma_wait3A_226 = tpu.memref_slice %arg22[%arg1, %dma_wait3A_224, %dma_wait3A_225] : memref<16x4x2048xf32, #tpu.memory_space<vmem_shared>> -> memref<1x4x2048xf32, #tpu.memory_space<vmem_shared>>
    %dma_wait3A_227 = tpu.memref_squeeze %dma_wait3A_226 : memref<1x4x2048xf32, #tpu.memory_space<vmem_shared>> -> memref<4x2048xf32, #tpu.memory_space<vmem_shared>>
    tpu.wait_dma2 semaphore(%arg18 : memref<!tpu.dma_semaphore, #tpu.memory_space<semaphore_mem>>) src(%arg10 : memref<4x2048xf32, #tpu.memory_space<vmem>>) dst(%dma_wait3A_227 : memref<4x2048xf32, #tpu.memory_space<vmem_shared>>)
    %dma_wait3A_228 = arith.constant 0 : i32
    %dma_wait3A_229 = arith.constant 0 : i32
    %dma_wait3A_230 = tpu.memref_slice %arg22[%arg1, %dma_wait3A_228, %dma_wait3A_229] : memref<16x4x2048xf32, #tpu.memory_space<vmem_shared>> -> memref<1x4x2048xf32, #tpu.memory_space<vmem_shared>>
    %dma_wait3A_231 = tpu.memref_squeeze %dma_wait3A_230 : memref<1x4x2048xf32, #tpu.memory_space<vmem_shared>> -> memref<4x2048xf32, #tpu.memory_space<vmem_shared>>
    %dma_wait3A_232 = arith.constant 0 : i32
    %dma_wait3A_233 = arith.constant 0 : i32
    %dma_wait3A_234 = tpu.memref_slice %arg22[%arg1, %dma_wait3A_232, %dma_wait3A_233] : memref<16x4x2048xf32, #tpu.memory_space<vmem_shared>> -> memref<1x4x2048xf32, #tpu.memory_space<vmem_shared>>
    %dma_wait3A_235 = tpu.memref_squeeze %dma_wait3A_234 : memref<1x4x2048xf32, #tpu.memory_space<vmem_shared>> -> memref<4x2048xf32, #tpu.memory_space<vmem_shared>>
    tpu.wait_dma2 semaphore(%arg19 : memref<!tpu.dma_semaphore, #tpu.memory_space<semaphore_mem>>) src(%arg11 : memref<4x2048xf32, #tpu.memory_space<vmem>>) dst(%dma_wait3A_235 : memref<4x2048xf32, #tpu.memory_space<vmem_shared>>)
    %dma_wait3A_236 = arith.constant 0 : i32
    %dma_wait3A_237 = arith.constant 0 : i32
    %dma_wait3A_238 = tpu.memref_slice %arg22[%arg1, %dma_wait3A_236, %dma_wait3A_237] : memref<16x4x2048xf32, #tpu.memory_space<vmem_shared>> -> memref<1x4x2048xf32, #tpu.memory_space<vmem_shared>>
    %dma_wait3A_239 = tpu.memref_squeeze %dma_wait3A_238 : memref<1x4x2048xf32, #tpu.memory_space<vmem_shared>> -> memref<4x2048xf32, #tpu.memory_space<vmem_shared>>
    %dma_wait3A_240 = arith.constant 0 : i32
    %dma_wait3A_241 = arith.constant 0 : i32
    %dma_wait3A_242 = tpu.memref_slice %arg22[%arg1, %dma_wait3A_240, %dma_wait3A_241] : memref<16x4x2048xf32, #tpu.memory_space<vmem_shared>> -> memref<1x4x2048xf32, #tpu.memory_space<vmem_shared>>
    %dma_wait3A_243 = tpu.memref_squeeze %dma_wait3A_242 : memref<1x4x2048xf32, #tpu.memory_space<vmem_shared>> -> memref<4x2048xf32, #tpu.memory_space<vmem_shared>>
    tpu.wait_dma2 semaphore(%arg20 : memref<!tpu.dma_semaphore, #tpu.memory_space<semaphore_mem>>) src(%arg12 : memref<4x2048xf32, #tpu.memory_space<vmem>>) dst(%dma_wait3A_243 : memref<4x2048xf32, #tpu.memory_space<vmem_shared>>)
    %dma_wait3A_244 = arith.constant 0 : i32
    %dma_wait3A_245 = arith.constant 0 : i32
    %dma_wait3A_246 = tpu.memref_slice %arg22[%arg1, %dma_wait3A_244, %dma_wait3A_245] : memref<16x4x2048xf32, #tpu.memory_space<vmem_shared>> -> memref<1x4x2048xf32, #tpu.memory_space<vmem_shared>>
    %dma_wait3A_247 = tpu.memref_squeeze %dma_wait3A_246 : memref<1x4x2048xf32, #tpu.memory_space<vmem_shared>> -> memref<4x2048xf32, #tpu.memory_space<vmem_shared>>
    %dma_wait3A_248 = arith.constant 0 : i32
    %dma_wait3A_249 = arith.constant 0 : i32
    %dma_wait3A_250 = tpu.memref_slice %arg22[%arg1, %dma_wait3A_248, %dma_wait3A_249] : memref<16x4x2048xf32, #tpu.memory_space<vmem_shared>> -> memref<1x4x2048xf32, #tpu.memory_space<vmem_shared>>
    %dma_wait3A_251 = tpu.memref_squeeze %dma_wait3A_250 : memref<1x4x2048xf32, #tpu.memory_space<vmem_shared>> -> memref<4x2048xf32, #tpu.memory_space<vmem_shared>>
    tpu.wait_dma2 semaphore(%arg21 : memref<!tpu.dma_semaphore, #tpu.memory_space<semaphore_mem>>) src(%arg13 : memref<4x2048xf32, #tpu.memory_space<vmem>>) dst(%dma_wait3A_251 : memref<4x2048xf32, #tpu.memory_space<vmem_shared>>)
    return
  }
}

</mosaic_0001>

<sc_bundles>
// kernel: kernel.3.cloned.1.call-start
scs
__scs_entry_jumppad:
0x0: {  	(pc) =	sbr.rel $0x88, $3  }
0x1: {  	(tag) =	ssettag $0x0;
	lr =	simm.s32 $0x1  }
0x2: {  	[smem:$0x3F9F] =	sst lr;
	_ =	strace $0xD0000000  }
0x3: {  	_ = 	snop  }
0x4: {  	_ = 	snop  }
0x5: {  	_ = 	snop  }
0x6: {  	_ = 	snop  }
0x7: {  	_ = 	snop  }
__scs_overlays_trampoline_lowered:
0x8: {  	[smem:$0x3FAE] =	sst s0  }
0x9: {  	[smem:$0x3FAF] =	sst s1  }
0xa: {  	[smem:$0x3FB0] =	sst s2  }
0xb: {  	[smem:$0x3FB1] =	sst s3  }
0xc: {  	[smem:$0x3FB2] =	sst s4  }
0xd: {  	[smem:$0x3FB3] =	sst s5  }
0xe: {  	[smem:$0x3FB4] =	sst s6  }
0xf: {  	[smem:$0x3FB5] =	sst s7  }
0x10: {  	[smem:$0x3FB6] =	sst s8  }
0x11: {  	[smem:$0x3FB7] =	sst s9;
	s0 =	simm.s32 @!p0 $0x0  }
0x12: {  	s1 =	sld [smem:$0x3F9D];
	s0 =	simm.s32 @p0 $0x1  }
0x13: {  	[smem:$0x3FB8] =	sst s0;
	s0 =	simm.s32 @!p1 $0x0  }
0x14: {  	s2 =	sld [smem:$0x3F9C];
	s0 =	simm.s32 @p1 $0x1  }
0x15: {  	[smem:$0x3FB9] =	sst s0;
	s0 =	simm.s32 @!p2 $0x0  }
0x16: {  	s3 =	sld [smem:$0x3FDB];
	s0 =	simm.s32 @p2 $0x1  }
0x17: {  	s4 =	simm.s32 $0x1BF5;
	[smem:$0x3FBB] =	sst s0  }
0x18: {  	s0 =	sld [smem:$0x3F9E];
	_ =	swait.ge [sflag:s4], $0x0  }
0x19: {  	s7 =	sld [smem:$0x3F9F]  }
0x1a: {  	s8 =	sadd.s32 $0xFFFFE003, lr  }
0x1b: {  	s9 =	sadd.s32 $0xFFFFFEF7, lr;
	s5 =	simm.s32 $0xFFFFFFFF;
	p2 =	slt.u32 s8, $0xFFFFF086  }
0x1c: {  	p1 =	slt.u32 s9, $0xF7A;
	s5 =	simm.s32 @!p2 $0x0  }
0x1d: {  	s5 =	simm.s32 @p1 $0x1;
	p0 =	seq.s32 s7, s2  }
0x1e: {  	s7 =	smul.u32 @!p0 $0xF7A, s2;
	p2 =	seq.s32 @!p0 s5, $0x0  }
0x1f: {  	s9 =	smul.u32 $0xF7A, s1;
	s8 =	simm.s32 @!p0 $0x1BF5;
	p2 =	por !p2, p0  }
0x20: {  	[sflag:s8] =	ssyncset.s32 @!p0 $0xFFFFF086;
	s6 =	sadd.s32 @!p0 s3, s7;
	s7 =	simm.s32 @!p0 $0x108  }
0x21: {  	s3 =	sadd.s32 s3, s9;
	s6 =	sadd.s32 @!p0 $0x88, s6;
	s7 =	simm.s32 @p2 $0x1082  }
0x22: {  	[simem:s7], [sflag:s8] =	dma.local @!p0 [hbm:s6], $0xF7A  }
0x23: {  	s9 =	sor.u32 $0xD0000000, s2;
	s6 =	simm.s32 $0x108;
	_ =	swait.ge @!p0 [sflag:s8], $0x0  }
0x24: {  	s3 =	sadd.s32 $0x88, s3;
	s6 =	simm.s32 @!p1 $0x1082;
	[sflag:s4] =	ssyncset.s32 $0xFFFFF086  }
0x25: {  	[simem:s6], [sflag:s4] =	dma.local [hbm:s3], $0xF7A  }
0x26: {  	[smem:$0x3F9F] =	sst s1;
	(tag) =	ssettag s2;
	_ =	strace s9  }
0x27: {  	s1 =	sld [smem:$0x3FAF]  }
0x28: {  	s2 =	sld [smem:$0x3FB0]  }
0x29: {  	s4 =	sld [smem:$0x3FB2]  }
0x2a: {  	p0 =	seq.s32 s5, $0x0;
	s5 =	sld [smem:$0x3FB3]  }
0x2b: {  	s6 =	sld [smem:$0x3FB4]  }
0x2c: {  	s7 =	sld [smem:$0x3FB5]  }
0x2d: {  	s3 =	simm.s32 $0x108;
	s8 =	sld [smem:$0x3FB6]  }
0x2e: {  	s3 =	simm.s32 @!p0 $0x1082;
	s9 =	sld [smem:$0x3FB7]  }
0x2f: {  	lr =	sadd.s32 s0, s3;
	s0 =	sld [smem:$0x3FAE]  }
0x30: {  	s3 =	sld [smem:$0x3FB1]  }
0x31: {  	[smem:$0x3FBA] =	sst s10  }
0x32: {  	s10 =	sld [smem:$0x3FB8];
	_ =	sdelay $0x3  }
0x33: {  	p0 =	seq.s32 s10, $0x1;
	s10 =	sld [smem:$0x3FBA];
	_ =	sdelay $0x3  }
0x34: {  	[smem:$0x3FBA] =	sst s10  }
0x35: {  	s10 =	sld [smem:$0x3FB9];
	_ =	sdelay $0x3  }
0x36: {  	p1 =	seq.s32 s10, $0x1;
	s10 =	sld [smem:$0x3FBA];
	_ =	sdelay $0x3  }
0x37: {  	[smem:$0x3FBA] =	sst s10  }
0x38: {  	s10 =	sld [smem:$0x3FBB]  }
0x39: {  	_ = 	snop;
	(pc) =	sbr.ind lr, $3  }
0x3a: {  	_ = 	snop  }
0x3b: {  	_ = 	snop  }
0x3c: {  	p2 =	seq.s32 s10, $0x1;
	s10 =	sld [smem:$0x3FBA]  }
0x3d: {  	_ =	shalt  }
0x3e: {  	_ =	shalt  }
0x3f: {  	_ =	shalt  }
0x40: {  	_ =	shalt  }
0x41: {  	_ =	shalt  }
0x42: {  	_ =	shalt  }
0x43: {  	_ =	shalt  }
0x44: {  	_ =	shalt  }
0x45: {  	_ =	shalt  }
0x46: {  	_ =	shalt  }
0x47: {  	_ =	shalt  }
0x48: {  	_ =	shalt  }
0x49: {  	_ =	shalt  }
0x4a: {  	_ =	shalt  }
0x4b: {  	_ =	shalt  }
0x4c: {  	_ =	shalt  }
0x4d: {  	_ =	shalt  }
0x4e: {  	_ =	shalt  }
0x4f: {  	_ =	shalt  }
0x50: {  	_ =	shalt  }
0x51: {  	_ =	shalt  }
0x52: {  	_ =	shalt  }
0x53: {  	_ =	shalt  }
0x54: {  	_ =	shalt  }
0x55: {  	_ =	shalt  }
0x56: {  	_ =	shalt  }
0x57: {  	_ =	shalt  }
0x58: {  	_ =	shalt  }
0x59: {  	_ =	shalt  }
0x5a: {  	_ =	shalt  }
0x5b: {  	_ =	shalt  }
0x5c: {  	_ =	shalt  }
0x5d: {  	_ =	shalt  }
0x5e: {  	_ =	shalt  }
0x5f: {  	_ =	shalt  }
0x60: {  	_ =	shalt  }
0x61: {  	_ =	shalt  }
0x62: {  	_ =	shalt  }
0x63: {  	_ =	shalt  }
0x64: {  	_ =	shalt  }
0x65: {  	_ =	shalt  }
0x66: {  	_ =	shalt  }
0x67: {  	_ =	shalt  }
0x68: {  	_ =	shalt  }
0x69: {  	_ =	shalt  }
0x6a: {  	_ =	shalt  }
0x6b: {  	_ =	shalt  }
0x6c: {  	_ =	shalt  }
0x6d: {  	_ =	shalt  }
0x6e: {  	_ =	shalt  }
0x6f: {  	_ =	shalt  }
0x70: {  	_ =	shalt  }
0x71: {  	_ =	shalt  }
0x72: {  	_ =	shalt  }
0x73: {  	_ =	shalt  }
0x74: {  	_ =	shalt  }
0x75: {  	_ =	shalt  }
0x76: {  	_ =	shalt  }
0x77: {  	_ =	shalt  }
0x78: {  	_ =	shalt  }
0x79: {  	_ =	shalt  }
0x7a: {  	_ =	shalt  }
0x7b: {  	_ =	shalt  }
0x7c: {  	_ =	shalt  }
0x7d: {  	_ =	shalt  }
0x7e: {  	_ =	shalt  }
0x7f: {  	_ =	shalt  }
0x80: {  	_ =	shalt  }
0x81: {  	_ =	shalt  }
0x82: {  	_ =	shalt  }
0x83: {  	_ =	shalt  }
0x84: {  	_ =	shalt  }
0x85: {  	_ =	shalt  }
0x86: {  	_ =	shalt  }
0x87: {  	_ =	shalt  }
.Lfunc_end0:
.L_simem_size_0:
called_computation_lowered:
.L_overlay_start_0:
0x88: {  	s2 =	sld [smem:$0x3FD9]  }
0x89: {  	s3 =	sld [smem:$0x3FFE];
	_ =	sdelay $0x1  }
0x8a: {  	s1 =	srdreg.scid  }
0x8b: {  	s0 =	sand.u32 $0x1, s1  }
0x8c: {  	s18 =	sshll.u32 s0, $0xA;
	s2 =	sadd.s32 s3, s2  }
0x8d: {  	s2 =	sadd.s32 s2, s18  }
0x8e: {  	[smem:$0x3FC6] =	sst s2  }
0x8f: {  	_ = 	snop  }
0x90: {  	s2 =	sld [smem:$0x3FC9]  }
0x91: {  	s19 =	sld [smem:$0x3FC8];
	(tm) =	ssettm $0x1  }
0x92: {  	s4 =	sld [smem:$0x3FFB];
	_ =	sdelay $0x3  }
0x93: {  	_ =	strace s4  }
0x94: {  	s4 =	sld [smem:$0x3FFC];
	_ =	sdelay $0x3  }
0x95: {  	_ =	strace s4  }
0x96: {  	s4 =	sld [smem:$0x3FFD];
	_ =	sdelay $0x3  }
0x97: {  	_ =	strace s4  }
0x98: {  	_ =	strace $0x8FFFFFFF  }
0x99: {  	s20 =	sld [smem:$0x3FDB];
	_ =	sdelay $0x1  }
0x9a: {  	s5 =	simm.s32 $_scs_section_size  }
0x9b: {  	s6 =	simm.s32 $_size__tile_overlayer_lowered;
	s7 =	simm.s32 $_tile_overlayer_lowered  }
0x9c: {  	s23 =	simm.s32 $0x1BFF;
	s22 =	sshll.u32 s7, $0x1;
	s4 =	sadd.s32 s5, s20  }
0x9d: {  	s8 =	simm.s32 $0x0;
	s21 =	sshll.u32 s6, $0x1;
	s6 =	sadd.s32 s22, s4  }
0x9e: {  	[timem:s8], [sflag:s23] =	dma.local [hbm:s6], s21  }
0x9f: {  	_ =	swait.ge [sflag:s23], s21  }
0xa0: {  	s5 =	ssub.s32 $0x0, s21;
	[sflag:s23] =	ssyncset.done $0x0  }
0xa1: {  	[sflag:s23] =	ssyncadd.s32 s5;
	_ =	sdelay $0x1  }
0xa2: {  	s24 =	simm.s32 $0x1B8B  }
0xa3: {  	_ =	swait.ge [sflag:s24], $0x1  }
0xa4: {  	[sflag:s24] =	ssyncset.done $0x0  }
0xa5: {  	s25 =	simm.s32 $0x1B8E;
	[sflag:s24] =	ssyncadd.s32 $0xFFFFFFFF  }
0xa6: {  	s26 =	simm.s32 $execute0_lowered;
	[smem:$0x3FD2] =	sst s25  }
0xa7: {  	s5 =	sshll.u32 s26, $0x1;
	_ =	strace $0x80000046;
	[dreg:$0x1] =	wrdreg $0xFFFFFFFF  }
0xa8: {  	s28 =	simm.s32 $_size_execute0_lowered;
	s4 =	sadd.s32 s4, s5;
	[dreg:$0x0] =	wrdreg $0x0  }
0xa9: {  	s5 =	sshll.u32 s28, $0x1;
	[dreg:$0x2] =	wrdreg s4  }
0xaa: {  	[dreg:$0x3] =	wrdreg s5  }
0xab: {  	[dreg:$0x4] =	wrdreg $0xC0  }
0xac: {  	_ =	task [dreg:s8], $0x5FFFF  }
0xad: {  	[dreg:$0x1] =	wrdreg $0xFFFFFFFF  }
0xae: {  	[dreg:$0x0] =	wrdreg $0x60  }
0xaf: {  	[dreg:$0x2] =	wrdreg s2  }
0xb0: {  	[dreg:$0x3] =	wrdreg s19  }
0xb1: {  	[dreg:$0x4] =	wrdreg $0x108000  }
0xb2: {  	[dreg:$0x5] =	wrdreg $0x9  }
0xb3: {  	_ =	task.clear_ibuf [dreg:s8], $0x6FFFF;
	_ =	strace $0x90000046  }
0xb4: {  	s29 =	simm.s32 $0x9;
	_ =	strace $0x80000048  }
0xb5: {  	_ =	swait.ge [sflag:s29], $0x1  }
0xb6: {  	[sflag:s29] =	ssyncadd.s32 $0xFFFFFFFF  }
0xb7: {  	_ =	strace $0x90000048  }
0xb8: {  	_ =	sfence  }
0xb9: {  	s30 =	sld [smem:$0x0];
	_ =	sdelay $0x2  }
0xba: {  	s31 =	sshll.u32 s1, $0xD;
	s1 =	sshrl.u32 s1, $0x2  }
0xbb: {  	s3 =	sand.u32 $0x4000, s31;
	s1 =	sadd.s32 s1, s30  }
0xbc: {  	s0 =	sor.u32 s3, s0;
	s1 =	sshll.u32 s1, $0x11  }
0xbd: {  	s0 =	sor.u32 s1, s0  }
0xbe: {  	s0 =	sadd.s32 $0x8F2B, s0  }
0xbf: {  	[sflag:s0] =	ssyncadd.remote.s32 $0x1  }
0xc0: {  	_ =	sfence.sel $0xFFFF  }
0xc1: {  	[dreg:$0x0] =	wrdreg $0xFFFFFFFF;
	(pc) =	sbr.abs _section_cstart, $3  }
0xc2: {  	[dreg:$0x1] =	wrdreg $0xFFFFFFFF  }
0xc3: {  	_ =	task.clear_ibuf [dreg:s8], $0x2FFFF;
	_ =	strace $0x9FFFFFFF  }
0xc4: {  	(tm) =	ssettm $0x7FFFFFFF  }
0xc5: {  	_ =	shalt  }
tec
execute0_lowered:
.L_overlay_start_1:
0x0: {  	(tag) =	ssettag $0x1  }
0x1: {  	s5 =	rddreg [dreg:$0x0]  }
0x2: {  	s0 =	rddreg [dreg:$0x2];
	s2 =	simm.s32 $0x0;
	s1 =	srdreg.scid  }
0x3: {  	s6 =	stileid.u32;
	[smem:$0x7FF] =	sst s2;
	s1 =	sand.u32 $0x1, s1  }
0x4: {  	s3 =	sshll.u32 s6, $0xA;
	s19 =	ssub.s32 $0x2, s1;
	s1 =	sshll.u32 s1, $0x9  }
0x5: {  	s20 =	sadd.s32 $0x40, s5;
	_ =	strace $0x80000047;
	s1 =	sor.u32 s1, s3  }
0x6: {  	[dreg:$0x4] =	wrdreg s20;
	s4 =	sshrl.u32 s19, $0x1;
	s29 =	sor.u32 $0x20, s1  }
0x7: {  	s3 =	sshll.u32 s1, $0x8;
	s30 =	sor.u32 $0x28, s1;
	[dreg:$0xd] =	wrdreg s29  }
0x8: {  	s5 =	sadd.s32 s5, s3;
	s3 =	sadd.s32 s3, s20;
	[dreg:$0xe] =	wrdreg s30  }
0x9: {  	s2 =	ssub.s32 s19, s4;
	[dreg:$0x6] =	wrdreg s3  }
0xa: {  	s31 =	smax.u32 s2, $0x1;
	[dreg:$0x5] =	wrdreg s5  }
0xb: {  	s21 =	sshll.u32 s6, $0xD;
	s22 =	sadd.s32 $0x800, s5;
	[dreg:$0xf] =	wrdreg s31  }
0xc: {  	s10 =	sadd.s32 s21, s0;
	s23 =	sadd.s32 $0x840, s5;
	[dreg:$0x7] =	wrdreg s22  }
0xd: {  	s21 =	simm.s32 $0x2800;
	s24 =	sadd.s32 $0x1000, s5;
	[dreg:$0x8] =	wrdreg s23  }
0xe: {  	s19 =	simm.s32 $0x400;
	s25 =	sadd.s32 $0x1040, s5;
	[dreg:$0x9] =	wrdreg s24  }
0xf: {  	s20 =	simm.s32 $0x800;
	s26 =	sadd.s32 $0x1800, s5;
	[dreg:$0xa] =	wrdreg s25  }
0x10: {  	s2 =	simm.s32 $0x0;
	s28 =	sadd.s32 $0x1840, s5;
	[dreg:$0xb] =	wrdreg s26  }
0x11: {  	[dreg:$0xc] =	wrdreg s28;
	s22 =	simm.s32 $0x4800;
	s23 =	simm.s32 $0x6800  }
.LBB2_1:
0x12: {  	[dreg:$0x10] =	wrdreg s2  }
0x13: {  	s0 =	rddreg [dreg:$0x5];
	s1 =	simm.s32 $0x200;
	s6 =	simm.s32 $0x400  }
0x14: {  	[tilespmem:s20], [sflag:$0x1] =	stream.strided.gather [hbm4b:s0+s1], $0x2000, s6, s1, $0x38;
	[tilespmem:$0x12800] =	vst v63  }
0x15: {  	s7 =	rddreg [dreg:$0x6]  }
0x16: {  	[tilespmem:s21], [sflag:$0x2] =	stream.strided.gather [hbm4b:s7+s1], $0x2000, s6, s1, $0x38;
	[tilespmem:$0x12800] =	vst v63  }
0x17: {  	s8 =	rddreg [dreg:$0x7]  }
0x18: {  	[tilespmem:s22], [sflag:$0x3] =	stream.strided.gather [hbm4b:s8+s1], $0x2000, s6, s1, $0x38;
	[tilespmem:$0x12800] =	vst v63  }
0x19: {  	s9 =	rddreg [dreg:$0x8]  }
0x1a: {  	[tilespmem:s23], [sflag:$0x4] =	stream.strided.gather [hbm4b:s9+s1], $0x2000, s6, s1, $0x38;
	[tilespmem:$0x12800] =	vst v63  }
0x1b: {  	s11 =	rddreg [dreg:$0x1];
	s4 =	simm.s32 $0x0;
	s12 =	simm.s32 $0x9  }
0x1c: {  	[tilespmem:s4], [sflag:$0x9] =	stream.linear.gather [hbm4b:s11+s4], $0x800, $0x38;
	[tilespmem:$0x12800] =	vst v63  }
0x1d: {  	_ =	swait.ge [sflag:s12], $0x800  }
0x1e: {  	[sflag:s12] =	ssyncset.done $0x0  }
0x1f: {  	s3 =	simm.s32 $0x1;
	[sflag:s12] =	ssyncadd.s32 $0xFFFFF800  }
0x20: {  	s13 =	sand.u32 $0x40, s4;
	_ =	swait.ge [sflag:s3], $0x2000  }
0x21: {  	s15 =	sand.u32 $0x780, s4;
	s16 =	sor.u32 $0x30, s13;
	[sflag:s3] =	ssyncset.done $0x0  }
0x22: {  	s17 =	sor.u32 s16, s15;
	[sflag:s3] =	ssyncadd.s32 $0xFFFFE000  }
0x23: {  	s7 =	sor.u32 $0x10, s13;
	v0 =	vld [tilespmem:s17+$0x0]  }
0x24: {  	s18 =	sor.u32 s7, s15;
	s8 =	sor.u32 $0x20, s13  }
0x25: {  	s1 =	sor.u32 s8, s15;
	v1 =	vld [tilespmem:s18+$0x0]  }
0x26: {  	v2 =	vld [tilespmem:s1+$0x0];
	_ =	sdelay $0x1  }
0x27: {  	v3 =	vshll.u32 v0, $0x2  }
0x28: {  	v0 =	vand.u32 $0x7F, v0;
	v3 =	vand.u32 $0xFFFFFE00, v3  }
0x29: {  	v0 =	vor.u32 v0, v3;
	v3 =	vshll.u32 v1, $0x2  }
0x2a: {  	v4 =	vshll.u32 v2, $0x2;
	v1 =	vand.u32 $0x7F, v1;
	v3 =	vand.u32 $0xFFFFFE00, v3  }
0x2b: {  	v2 =	vand.u32 $0x7F, v2;
	v1 =	vor.u32 v1, v3;
	v3 =	vand.u32 $0xFFFFFE00, v4  }
0x2c: {  	v2 =	vor.u32 v2, v3  }
0x2d: {  	s25 =	simm.s32 $0x0  }
0x2e: {  	s26 =	simm.s32 $0x40;
	v6 =	vld [tilespmem:s25+$0x0]  }
0x2f: {  	s3 =	sand.u32 $0x40, s26;
	v3 =	vld.idx.msk [tilespmem:v0+s20+$0x0], $0xffff  }
0x30: {  	s30 =	sand.u32 $0x780, s26;
	s31 =	sor.u32 $0x30, s3;
	v5 =	vld.idx.msk [tilespmem:v1+s20+$0x0], $0xffff  }
0x31: {  	s24 =	sand.u32 $0x1E00, s4;
	s9 =	sor.u32 s31, s30;
	v4 =	vor.u32 $0x80, v0;
	v7 =	vld.idx.msk [tilespmem:v2+s20+$0x0], $0xffff  }
0x32: {  	s6 =	sadd.s32 $0x8800, s24;
	s11 =	sor.u32 $0x10, s3;
	v9 =	vld [tilespmem:s9+$0x0];
	v8 =	vor.u32 $0x80, v2  }
0x33: {  	s1 =	sor.u32 s16, s6;
	s14 =	sor.u32 $0x20, s3;
	s12 =	sor.u32 s11, s30  }
0x34: {  	s7 =	sor.u32 s7, s6;
	s2 =	sor.u32 s14, s30;
	v10 =	vld [tilespmem:s12+$0x0];
	v11 =	vshll.u32 v6, $0x2;
	[tilespmem:s1+$0x0] =	vst v3;
	v3 =	vor.u32 $0x80, v1  }
0x35: {  	s8 =	sor.u32 s8, s6;
	v13 =	vld [tilespmem:s2+$0x0];
	v6 =	vand.u32 $0x7F, v6;
	v11 =	vand.u32 $0xFFFFFE00, v11;
	[tilespmem:s7+$0x0] =	vst v5  }
0x36: {  	v4 =	vld.idx.msk [tilespmem:v4+s20+$0x0], $0xffff;
	v5 =	vor.u32 v6, v11;
	[tilespmem:s8+$0x0] =	vst v7  }
0x37: {  	v12 =	vor.u32 $0x100, v0;
	v11 =	vshll.u32 v9, $0x2;
	v8 =	vld.idx.msk [tilespmem:v8+s20+$0x0], $0xffff  }
0x38: {  	v9 =	vand.u32 $0x7F, v9;
	v7 =	vor.u32 $0x100, v2;
	v11 =	vand.u32 $0xFFFFFE00, v11  }
0x39: {  	v9 =	vor.u32 v9, v11;
	v3 =	vld.idx.msk [tilespmem:v3+s20+$0x0], $0xffff  }
0x3a: {  	v6 =	vor.u32 $0x100, v1  }
0x3b: {  	p0 =	por $0x0, $0x0;
	v0 =	vor.u32 $0x180, v0;
	[tilespmem:s1+$0x80] =	vst v4;
	v4 =	vshll.u32 v10, $0x2;
	s1 =	simm.s32 $0x1;
	v14 =	vld.idx.msk [tilespmem:v5+s20+$0x0], $0xffff  }
0x3c: {  	v11 =	vshll.u32 v13, $0x2;
	v10 =	vand.u32 $0x7F, v10;
	v12 =	vld.idx.msk [tilespmem:v12+s20+$0x0], $0xffff;
	v4 =	vand.u32 $0xFFFFFE00, v4;
	s1 =	simm.s32 @!p0 $0x0;
	[tilespmem:s8+$0x80] =	vst v8  }
0x3d: {  	s24 =	simm.s32 $0x40;
	s25 =	simm.s32 $0x80;
	v11 =	vand.u32 $0xFFFFFE00, v11;
	s1 =	sshll.u32 s1, $0x6;
	v4 =	vor.u32 v10, v4;
	v10 =	vand.u32 $0x7F, v13;
	v7 =	vld.idx.msk [tilespmem:v7+s20+$0x0], $0xffff  }
0x3e: {  	s9 =	sor.u32 s13, s6;
	s12 =	sand.u32 $0x40, s25;
	s1 =	sadd.s32 $0x0, s1;
	[tilespmem:s7+$0x80] =	vst v3;
	v3 =	vor.u32 v10, v11;
	v10 =	vld.idx.msk [tilespmem:v9+s20+$0x0], $0xffff  }
0x3f: {  	s6 =	sor.u32 $0x30, s12;
	v8 =	vor.u32 $0x80, v5;
	s2 =	sadd.s32 $0x30, s1;
	s7 =	sand.u32 $0x780, s25;
	v6 =	vld.idx.msk [tilespmem:v6+s20+$0x0], $0xffff  }
0x40: {  	s5 =	sor.u32 $0x100, s2;
	s30 =	sor.u32 s6, s7;
	[tilespmem:s9+$0x0] =	vst v14;
	v14 =	vld [tilespmem:s24+$0x0]  }
0x41: {  	s8 =	simm.s32 $0x100;
	[tilespmem:s5+$0x8800] =	vst v12;
	v16 =	vld [tilespmem:s30+$0x0]  }
0x42: {  	s18 =	sand.u32 $0x1E00, s8;
	v11 =	vld.idx.msk [tilespmem:v0+s20+$0x0], $0xffff;
	v0 =	vor.u32 $0x80, v9  }
0x43: {  	v1 =	vor.u32 $0x180, v1;
	s0 =	sadd.s32 $0x8800, s18;
	v12 =	vld.idx.msk [tilespmem:v4+s20+$0x0], $0xffff  }
0x44: {  	s13 =	sor.u32 $0x10, s12;
	s15 =	sadd.s32 $0x10, s1;
	s26 =	sor.u32 s31, s0;
	v8 =	vld.idx.msk [tilespmem:v8+s20+$0x0], $0xffff  }
0x45: {  	s16 =	sor.u32 $0x100, s15;
	s17 =	sor.u32 s13, s7;
	v13 =	vld.idx.msk [tilespmem:v3+s20+$0x0], $0xffff;
	[tilespmem:s26+$0x0] =	vst v10;
	v10 =	vor.u32 $0x80, v4  }
0x46: {  	v15 =	vor.u32 $0x80, v3;
	[tilespmem:s16+$0x8800] =	vst v6;
	v6 =	vld [tilespmem:s17+$0x0]  }
0x47: {  	s4 =	sor.u32 $0x20, s12;
	v17 =	vor.u32 $0x100, v5;
	v0 =	vld.idx.msk [tilespmem:v0+s20+$0x0], $0xffff  }
0x48: {  	v19 =	vor.u32 $0x100, v9;
	s7 =	sor.u32 s4, s7;
	s11 =	sor.u32 s11, s0;
	v18 =	vld.idx.msk [tilespmem:v1+s20+$0x0], $0xffff;
	v1 =	vshll.u32 v14, $0x2  }
0x49: {  	v2 =	vor.u32 $0x180, v2;
	s31 =	sor.u32 s14, s0;
	v20 =	vld [tilespmem:s7+$0x0];
	v14 =	vand.u32 $0x7F, v14;
	v1 =	vand.u32 $0xFFFFFE00, v1;
	[tilespmem:s11+$0x0] =	vst v12  }
0x4a: {  	v12 =	vor.u32 v14, v1;
	v1 =	vld.idx.msk [tilespmem:v10+s20+$0x0], $0xffff;
	[tilespmem:s31+$0x0] =	vst v13  }
0x4b: {  	s5 =	sadd.s32 $0x20, s1;
	v14 =	vor.u32 $0x100, v3;
	[tilespmem:s9+$0x80] =	vst v8;
	v8 =	vshll.u32 v16, $0x2;
	v10 =	vor.u32 $0x100, v4;
	v15 =	vld.idx.msk [tilespmem:v15+s20+$0x0], $0xffff  }
0x4c: {  	p0 =	por !p0, !p0;
	s14 =	sor.u32 $0x100, s5;
	s9 =	simm.s32 $0x1;
	v21 =	vld.idx.msk [tilespmem:v17+s20+$0x0], $0xffff;
	v13 =	vand.u32 $0x7F, v16;
	v8 =	vand.u32 $0xFFFFFE00, v8;
	[tilespmem:s26+$0x80] =	vst v0;
	v0 =	vshll.u32 v6, $0x2  }
0x4d: {  	s2 =	sor.u32 $0x180, s2;
	[tilespmem:s14+$0x8800] =	vst v7;
	s9 =	simm.s32 @!p0 $0x0;
	v7 =	vld.idx.msk [tilespmem:v19+s20+$0x0], $0xffff;
	v16 =	vand.u32 $0xFFFFFE00, v0;
	v0 =	vor.u32 v13, v8  }
0x4e: {  	[tilespmem:s2+$0x8800] =	vst v11;
	s17 =	sshll.u32 s9, $0x6;
	v8 =	vshll.u32 v20, $0x2;
	v19 =	vld.idx.msk [tilespmem:v2+s20+$0x0], $0xffff;
	v2 =	vand.u32 $0x7F, v6;
	v6 =	vor.u32 $0x180, v9  }
0x4f: {  	s18 =	sor.u32 $0x100, s1;
	s25 =	sor.u32 $0x180, s15;
	s2 =	sadd.s32 $0x100, s17;
	v22 =	vld.idx.msk [tilespmem:v12+s20+$0x0], $0xffff;
	v8 =	vand.u32 $0xFFFFFE00, v8;
	v23 =	vor.u32 v2, v16;
	v2 =	vand.u32 $0x7F, v20;
	[tilespmem:s11+$0x80] =	vst v1  }
0x50: {  	s24 =	sor.u32 s3, s0;
	s3 =	simm.s32 $0x200;
	s28 =	sadd.s32 $0x30, s2;
	v20 =	vor.u32 v2, v8;
	v13 =	vld.idx.msk [tilespmem:v10+s20+$0x0], $0xffff;
	[tilespmem:s31+$0x80] =	vst v15  }
0x51: {  	s7 =	sor.u32 $0x180, s5;
	s14 =	sor.u32 $0x180, s1;
	v3 =	vor.u32 $0x180, v3;
	[tilespmem:s25+$0x8800] =	vst v18;
	s30 =	sor.u32 $0x100, s28;
	v14 =	vld.idx.msk [tilespmem:v14+s20+$0x0], $0xffff  }
0x52: {  	s1 =	simm.s32 $0x8;
	v4 =	vor.u32 $0x180, v4;
	s25 =	simm.s32 $0xC0;
	s26 =	sadd.s32 $0x10, s2;
	v9 =	vor.u32 $0x80, v12;
	v1 =	vor.u32 $0x180, v5;
	v17 =	vld.idx.msk [tilespmem:v0+s20+$0x0], $0xffff;
	[tilespmem:s30+$0x8800] =	vst v7  }
0x53: {  	s17 =	sor.u32 $0x100, s2;
	s15 =	sor.u32 $0x180, s2;
	s0 =	sor.u32 $0x100, s26;
	v5 =	vor.u32 $0x100, v12;
	[tilespmem:s18+$0x8800] =	vst v21;
	v2 =	vor.u32 $0x180, v12;
	v10 =	vor.u32 $0x80, v23;
	v16 =	vld.idx.msk [tilespmem:v6+s20+$0x0], $0xffff  }
0x54: {  	s16 =	sor.u32 $0x180, s26;
	s31 =	sadd.s32 $0x20, s2;
	v11 =	vor.u32 $0x180, v23;
	s2 =	sand.u32 $0x1E00, s3;
	v12 =	vor.u32 $0x80, v20;
	[tilespmem:s7+$0x8800] =	vst v19;
	v19 =	vor.u32 $0x80, v0;
	v15 =	vld.idx.msk [tilespmem:v23+s20+$0x0], $0xffff  }
0x55: {  	s29 =	sor.u32 $0x100, s31;
	s11 =	sor.u32 $0x180, s31;
	v8 =	vor.u32 $0x180, v20;
	v7 =	vor.u32 $0x100, v20;
	[tilespmem:s24+$0x0] =	vst v22;
	s7 =	simm.s32 $0x80;
	v6 =	vor.u32 $0x100, v23;
	v18 =	vld.idx.msk [tilespmem:v20+s20+$0x0], $0xffff  }
.LBB2_2:
0x56: {  	s8 =	sand.u32 $0x780, s25;
	v20 =	vld [tilespmem:s7+$0x0];
	s2 =	sadd.s32 $0x8800, s2;
	[tilespmem:s0+$0x8800] =	vst v13;
	s26 =	smov.u32 s14  }
0x57: {  	s0 =	sand.u32 $0x40, s25;
	s1 =	sadd.s32 $0x4, s1;
	s7 =	sor.u32 s6, s2;
	v13 =	vld.idx.msk [tilespmem:v9+s20+$0x0], $0xffff;
	[tilespmem:s29+$0x8800] =	vst v14  }
0x58: {  	s9 =	sor.u32 $0x180, s28;
	s6 =	sor.u32 $0x30, s0;
	p1 =	slt.u32 s1, $0x7C;
	[tilespmem:s7+$0x0] =	vst v17;
	v14 =	vld.idx.msk [tilespmem:v4+s20+$0x0], $0xffff;
	v4 =	vmov v11  }
0x59: {  	s14 =	sor.u32 $0x10, s0;
	s28 =	sor.u32 $0x20, s0;
	s29 =	sor.u32 s6, s8;
	v11 =	vld.idx.msk [tilespmem:v19+s20+$0x0], $0xffff;
	[tilespmem:s9+$0x8800] =	vst v16  }
0x5a: {  	s9 =	sor.u32 s14, s8;
	s8 =	sor.u32 s28, s8;
	v16 =	vld [tilespmem:s29+$0x0];
	s29 =	sor.u32 s12, s2  }
0x5b: {  	s12 =	smov.u32 s0;
	v17 =	vld [tilespmem:s9+$0x0];
	v9 =	vand.u32 $0x7F, v20;
	v19 =	vshll.u32 v20, $0x2;
	s9 =	sor.u32 s13, s2;
	s2 =	sor.u32 s4, s2;
	v20 =	vor.u32 $0x100, v0  }
0x5c: {  	s13 =	smov.u32 s14;
	s4 =	smov.u32 s28;
	s14 =	smov.u32 s15;
	v21 =	vld [tilespmem:s8+$0x0];
	v19 =	vand.u32 $0xFFFFFE00, v19;
	[tilespmem:s9+$0x0] =	vst v15  }
0x5d: {  	v15 =	vor.u32 v9, v19;
	v10 =	vld.idx.msk [tilespmem:v10+s20+$0x0], $0xffff;
	[tilespmem:s2+$0x0] =	vst v18  }
0x5e: {  	v9 =	vor.u32 $0x80, v15;
	v18 =	vor.u32 $0x100, v15;
	v19 =	vor.u32 $0x180, v15;
	v12 =	vld.idx.msk [tilespmem:v12+s20+$0x0], $0xffff;
	[tilespmem:s24+$0x80] =	vst v13;
	s24 =	smov.u32 s29  }
0x5f: {  	p0 =	por !p0, !p0;
	s0 =	simm.s32 $0x1;
	v13 =	vshll.u32 v16, $0x2;
	[tilespmem:s7+$0x80] =	vst v11;
	v22 =	vld.idx.msk [tilespmem:v5+s20+$0x0], $0xffff;
	v5 =	vmov v18  }
0x60: {  	s0 =	simm.s32 @!p0 $0x0;
	v16 =	vand.u32 $0x7F, v16;
	v11 =	vshll.u32 v17, $0x2;
	v13 =	vand.u32 $0xFFFFFE00, v13;
	v18 =	vld.idx.msk [tilespmem:v20+s20+$0x0], $0xffff;
	[tilespmem:s16+$0x8800] =	vst v14  }
0x61: {  	s0 =	sshll.u32 s0, $0x6;
	v11 =	vand.u32 $0xFFFFFE00, v11;
	v14 =	vshll.u32 v21, $0x2;
	v16 =	vor.u32 v16, v13;
	v20 =	vld.idx.msk [tilespmem:v3+s20+$0x0], $0xffff;
	v3 =	vmovc v8  }
0x62: {  	s7 =	sadd.s32 s0, s3;
	v8 =	vand.u32 $0x7F, v17;
	v13 =	vand.u32 $0xFFFFFE00, v14;
	v23 =	vld.idx.msk [tilespmem:v15+s20+$0x0], $0xffff;
	v15 =	vor.u32 $0x180, v0;
	v0 =	vmovc v16  }
0x63: {  	s8 =	sadd.s32 $0x10, s7;
	v24 =	vor.u32 v8, v11;
	v8 =	vand.u32 $0x7F, v21;
	[tilespmem:s9+$0x80] =	vst v10;
	v21 =	vld.idx.msk [tilespmem:v1+s20+$0x0], $0xffff;
	v1 =	vmovc v2;
	v2 =	vmov v19  }
0x64: {  	s28 =	sadd.s32 $0x30, s7;
	s0 =	sor.u32 $0x100, s8;
	v10 =	vor.u32 $0x80, v24;
	v25 =	vor.u32 v8, v13;
	v13 =	vld.idx.msk [tilespmem:v6+s20+$0x0], $0xffff;
	v6 =	vor.u32 $0x100, v24;
	[tilespmem:s2+$0x80] =	vst v12;
	s2 =	sadd.s32 $0x20, s7  }
.Ltmp0:
0x65: {  	v11 =	vor.u32 $0x180, v24;
	s9 =	sor.u32 $0x100, s28;
	v12 =	vor.u32 $0x80, v25;
	v14 =	vld.idx.msk [tilespmem:v7+s20+$0x0], $0xffff;
	v7 =	vor.u32 $0x100, v25;
	s29 =	sor.u32 $0x100, s2;
	[tilespmem:s17+$0x8800] =	vst v22;
	(pc) =	sbr.rel @p1 .LBB2_2-.Ltmp0, $4  }
0x66: {  	s16 =	sor.u32 $0x180, s8;
	v8 =	vor.u32 $0x180, v25;
	s17 =	sor.u32 $0x100, s7;
	s2 =	sor.u32 $0x180, s2;
	v17 =	vld.idx.msk [tilespmem:v16+s20+$0x0], $0xffff;
	[tilespmem:s9+$0x8800] =	vst v18  }
0x67: {  	s15 =	sor.u32 $0x180, s7;
	v16 =	vld.idx.msk [tilespmem:v15+s20+$0x0], $0xffff;
	[tilespmem:s11+$0x8800] =	vst v20;
	s11 =	smov.u32 s2  }
0x68: {  	s3 =	sadd.s32 $0x100, s3;
	v19 =	vor.u32 $0x80, v0;
	v15 =	vld.idx.msk [tilespmem:v24+s20+$0x0], $0xffff;
	[tilespmem:s24+$0x0] =	vst v23  }
0x69: {  	s25 =	sadd.s32 $0x40, s25;
	s7 =	sshra.s32 s3, $0x2;
	s2 =	sand.u32 $0x1E00, s3;
	v18 =	vld.idx.msk [tilespmem:v25+s20+$0x0], $0xffff;
	[tilespmem:s26+$0x8800] =	vst v21  }
0x6a: {  	v20 =	vld [tilespmem:s7+$0x0];
	_ =	sdelay $0x4  }
0x6b: {  	v21 =	vshll.u32 v20, $0x2  }
0x6c: {  	v20 =	vand.u32 $0x7F, v20;
	v21 =	vand.u32 $0xFFFFFE00, v21  }
0x6d: {  	v20 =	vor.u32 v20, v21;
	_ =	sdelay $0x3  }
0x6e: {  	s1 =	sadd.s32 $0x8800, s2;
	[tilespmem:s0+$0x8800] =	vst v13  }
0x6f: {  	[tilespmem:s29+$0x8800] =	vst v14;
	s8 =	sor.u32 s6, s1;
	v13 =	vld.idx.msk [tilespmem:v20+s20+$0x0], $0xffff  }
0x70: {  	v9 =	vld.idx.msk [tilespmem:v9+s20+$0x0], $0xffff;
	s4 =	sor.u32 s4, s1;
	[tilespmem:s8+$0x0] =	vst v17;
	v14 =	vor.u32 $0x80, v20  }
0x71: {  	s2 =	sor.u32 s13, s1;
	v4 =	vld.idx.msk [tilespmem:v4+s20+$0x0], $0xffff;
	[tilespmem:s4+$0x0] =	vst v18  }
0x72: {  	s9 =	sor.u32 $0x180, s28;
	[tilespmem:s2+$0x0] =	vst v15;
	v12 =	vld.idx.msk [tilespmem:v12+s20+$0x0], $0xffff  }
0x73: {  	s1 =	sor.u32 s12, s1;
	[tilespmem:s9+$0x8800] =	vst v16;
	v10 =	vld.idx.msk [tilespmem:v10+s20+$0x0], $0xffff  }
0x74: {  	v17 =	vld.idx.msk [tilespmem:v19+s20+$0x0], $0xffff;
	[tilespmem:s1+$0x0] =	vst v13  }
0x75: {  	v15 =	vor.u32 $0x100, v0;
	[tilespmem:s24+$0x80] =	vst v9;
	v9 =	vld.idx.msk [tilespmem:v14+s20+$0x0], $0xffff  }
0x76: {  	v5 =	vld.idx.msk [tilespmem:v5+s20+$0x0], $0xffff;
	[tilespmem:s16+$0x8800] =	vst v4;
	v13 =	vor.u32 $0x100, v20  }
0x77: {  	p0 =	por !p0, !p0;
	s0 =	simm.s32 $0x1;
	v3 =	vld.idx.msk [tilespmem:v3+s20+$0x0], $0xffff;
	[tilespmem:s4+$0x80] =	vst v12  }
0x78: {  	s0 =	simm.s32 @!p0 $0x0;
	[tilespmem:s2+$0x80] =	vst v10;
	v4 =	vld.idx.msk [tilespmem:v7+s20+$0x0], $0xffff  }
0x79: {  	s0 =	sshll.u32 s0, $0x6;
	[tilespmem:s8+$0x80] =	vst v17;
	v6 =	vld.idx.msk [tilespmem:v6+s20+$0x0], $0xffff  }
0x7a: {  	s0 =	sadd.s32 s0, s3;
	v14 =	vld.idx.msk [tilespmem:v15+s20+$0x0], $0xffff;
	[tilespmem:s1+$0x80] =	vst v9  }
0x7b: {  	v0 =	vor.u32 $0x180, v0;
	s24 =	sadd.s32 $0x20, s0;
	[tilespmem:s17+$0x8800] =	vst v5;
	v5 =	vld.idx.msk [tilespmem:v13+s20+$0x0], $0xffff  }
0x7c: {  	v1 =	vld.idx.msk [tilespmem:v1+s20+$0x0], $0xffff;
	s16 =	sadd.s32 $0x10, s0;
	s26 =	sor.u32 $0x100, s24;
	[tilespmem:s11+$0x8800] =	vst v3;
	v7 =	vor.u32 $0x180, v20  }
0x7d: {  	s13 =	sadd.s32 $0x30, s0;
	s25 =	sor.u32 $0x100, s16;
	v2 =	vld.idx.msk [tilespmem:v2+s20+$0x0], $0xffff;
	[tilespmem:s26+$0x8800] =	vst v4  }
0x7e: {  	s18 =	sor.u32 $0x100, s13;
	[tilespmem:s25+$0x8800] =	vst v6;
	v3 =	vld.idx.msk [tilespmem:v8+s20+$0x0], $0xffff  }
0x7f: {  	s30 =	sor.u32 $0x100, s0;
	v4 =	vld.idx.msk [tilespmem:v11+s20+$0x0], $0xffff;
	[tilespmem:s18+$0x8800] =	vst v14  }
0x80: {  	v0 =	vld.idx.msk [tilespmem:v0+s20+$0x0], $0xffff;
	[tilespmem:s30+$0x8800] =	vst v5  }
0x81: {  	[tilespmem:s14+$0x8800] =	vst v1;
	v1 =	vld.idx.msk [tilespmem:v7+s20+$0x0], $0xffff  }
0x82: {  	s31 =	sor.u32 $0x180, s24;
	[tilespmem:s15+$0x8800] =	vst v2  }
0x83: {  	[tilespmem:s31+$0x8800] =	vst v3;
	s1 =	sor.u32 $0x180, s16  }
0x84: {  	s2 =	sor.u32 $0x180, s13;
	[tilespmem:s1+$0x8800] =	vst v4  }
0x85: {  	s0 =	sor.u32 $0x180, s0;
	[tilespmem:s2+$0x8800] =	vst v0  }
0x86: {  	s5 =	simm.s32 $0x2;
	s1 =	simm.s32 $0x8800;
	[tilespmem:s0+$0x8800] =	vst v1  }
0x87: {  	[spmem:s10] =	stream.linear.scatter [tilespmem:s1], [sflag:$0x5], $0x2000, $0x38;
	[tilespmem:$0x12800] =	vst v63  }
0x88: {  	s3 =	simm.s32 $0x200;
	s4 =	simm.s32 $0x0;
	s2 =	rddreg [dreg:$0x9]  }
0x89: {  	[tilespmem:s20], [sflag:$0x1] =	stream.strided.gather [hbm4b:s2+s3], $0x2000, s19, s3, $0x38;
	[tilespmem:$0x12800] =	vst v63  }
0x8a: {  	s6 =	sand.u32 $0x40, s4;
	_ =	swait.ge [sflag:s5], $0x2000  }
0x8b: {  	s15 =	sand.u32 $0x780, s4;
	s16 =	sor.u32 $0x30, s6;
	[sflag:s5] =	ssyncset.done $0x0  }
0x8c: {  	s17 =	sor.u32 s16, s15;
	[sflag:s5] =	ssyncadd.s32 $0xFFFFE000  }
0x8d: {  	s18 =	sor.u32 $0x10, s6;
	v0 =	vld [tilespmem:s17+$0x0]  }
0x8e: {  	s8 =	sor.u32 $0x20, s6;
	s24 =	sor.u32 s18, s15  }
0x8f: {  	s2 =	sor.u32 s8, s15;
	v1 =	vld [tilespmem:s24+$0x0]  }
0x90: {  	v2 =	vld [tilespmem:s2+$0x0];
	_ =	sdelay $0x1  }
0x91: {  	v3 =	vshll.u32 v0, $0x2  }
0x92: {  	v0 =	vand.u32 $0x7F, v0;
	v3 =	vand.u32 $0xFFFFFE00, v3  }
0x93: {  	v0 =	vor.u32 v0, v3;
	v3 =	vshll.u32 v1, $0x2  }
0x94: {  	v4 =	vshll.u32 v2, $0x2;
	v1 =	vand.u32 $0x7F, v1;
	v3 =	vand.u32 $0xFFFFFE00, v3  }
0x95: {  	v2 =	vand.u32 $0x7F, v2;
	v1 =	vor.u32 v1, v3;
	v3 =	vand.u32 $0xFFFFFE00, v4  }
0x96: {  	v2 =	vor.u32 v2, v3  }
0x97: {  	s25 =	simm.s32 $0x0  }
0x98: {  	s9 =	simm.s32 $0x40;
	v6 =	vld [tilespmem:s25+$0x0]  }
0x99: {  	s3 =	sand.u32 $0x40, s9;
	v3 =	vld.idx.msk [tilespmem:v0+s21+$0x0], $0xffff  }
0x9a: {  	s11 =	sand.u32 $0x780, s9;
	s13 =	sor.u32 $0x30, s3;
	v5 =	vld.idx.msk [tilespmem:v1+s21+$0x0], $0xffff  }
0x9b: {  	s1 =	sand.u32 $0x1E00, s4;
	s9 =	sor.u32 s13, s11;
	v4 =	vor.u32 $0x80, v0;
	v7 =	vld.idx.msk [tilespmem:v2+s21+$0x0], $0xffff  }
0x9c: {  	s26 =	sadd.s32 $0xA800, s1;
	s14 =	sor.u32 $0x10, s3;
	v9 =	vld [tilespmem:s9+$0x0];
	v8 =	vor.u32 $0x80, v2  }
0x9d: {  	s1 =	sor.u32 s16, s26;
	s31 =	sor.u32 $0x20, s3;
	s30 =	sor.u32 s14, s11  }
0x9e: {  	s7 =	sor.u32 s18, s26;
	v10 =	vld [tilespmem:s30+$0x0];
	s2 =	sor.u32 s31, s11;
	v11 =	vshll.u32 v6, $0x2;
	[tilespmem:s1+$0x0] =	vst v3;
	v3 =	vor.u32 $0x80, v1  }
0x9f: {  	s8 =	sor.u32 s8, s26;
	v13 =	vld [tilespmem:s2+$0x0];
	v6 =	vand.u32 $0x7F, v6;
	v11 =	vand.u32 $0xFFFFFE00, v11;
	[tilespmem:s7+$0x0] =	vst v5  }
0xa0: {  	v4 =	vld.idx.msk [tilespmem:v4+s21+$0x0], $0xffff;
	v5 =	vor.u32 v6, v11;
	[tilespmem:s8+$0x0] =	vst v7  }
0xa1: {  	v12 =	vor.u32 $0x100, v0;
	v11 =	vshll.u32 v9, $0x2;
	v8 =	vld.idx.msk [tilespmem:v8+s21+$0x0], $0xffff  }
0xa2: {  	v9 =	vand.u32 $0x7F, v9;
	v7 =	vor.u32 $0x100, v2;
	v11 =	vand.u32 $0xFFFFFE00, v11  }
0xa3: {  	v9 =	vor.u32 v9, v11;
	v3 =	vld.idx.msk [tilespmem:v3+s21+$0x0], $0xffff  }
0xa4: {  	v6 =	vor.u32 $0x100, v1  }
0xa5: {  	p0 =	por $0x0, $0x0;
	v0 =	vor.u32 $0x180, v0;
	[tilespmem:s1+$0x80] =	vst v4;
	v4 =	vshll.u32 v10, $0x2;
	s1 =	simm.s32 $0x1;
	v14 =	vld.idx.msk [tilespmem:v5+s21+$0x0], $0xffff  }
0xa6: {  	v11 =	vshll.u32 v13, $0x2;
	v10 =	vand.u32 $0x7F, v10;
	v12 =	vld.idx.msk [tilespmem:v12+s21+$0x0], $0xffff;
	v4 =	vand.u32 $0xFFFFFE00, v4;
	s1 =	simm.s32 @!p0 $0x0;
	[tilespmem:s8+$0x80] =	vst v8  }
0xa7: {  	s16 =	simm.s32 $0x40;
	s17 =	simm.s32 $0x80;
	v11 =	vand.u32 $0xFFFFFE00, v11;
	s1 =	sshll.u32 s1, $0x6;
	v4 =	vor.u32 v10, v4;
	v10 =	vand.u32 $0x7F, v13;
	v7 =	vld.idx.msk [tilespmem:v7+s21+$0x0], $0xffff  }
0xa8: {  	s9 =	sor.u32 s6, s26;
	s12 =	sand.u32 $0x40, s17;
	s1 =	sadd.s32 $0x0, s1;
	[tilespmem:s7+$0x80] =	vst v3;
	v3 =	vor.u32 v10, v11;
	v10 =	vld.idx.msk [tilespmem:v9+s21+$0x0], $0xffff  }
0xa9: {  	s6 =	sor.u32 $0x30, s12;
	v8 =	vor.u32 $0x80, v5;
	s2 =	sadd.s32 $0x30, s1;
	s7 =	sand.u32 $0x780, s17;
	v6 =	vld.idx.msk [tilespmem:v6+s21+$0x0], $0xffff  }
0xaa: {  	s5 =	sor.u32 $0x100, s2;
	s25 =	sor.u32 s6, s7;
	[tilespmem:s9+$0x0] =	vst v14;
	v14 =	vld [tilespmem:s16+$0x0]  }
0xab: {  	s8 =	simm.s32 $0x100;
	[tilespmem:s5+$0xA800] =	vst v12;
	v16 =	vld [tilespmem:s25+$0x0]  }
0xac: {  	s15 =	sand.u32 $0x1E00, s8;
	v11 =	vld.idx.msk [tilespmem:v0+s21+$0x0], $0xffff;
	v0 =	vor.u32 $0x80, v9  }
0xad: {  	v1 =	vor.u32 $0x180, v1;
	s0 =	sadd.s32 $0xA800, s15;
	v12 =	vld.idx.msk [tilespmem:v4+s21+$0x0], $0xffff  }
0xae: {  	s24 =	sadd.s32 $0x10, s1;
	s18 =	sor.u32 s13, s0;
	s13 =	sor.u32 $0x10, s12;
	v8 =	vld.idx.msk [tilespmem:v8+s21+$0x0], $0xffff  }
0xaf: {  	s26 =	sor.u32 $0x100, s24;
	s30 =	sor.u32 s13, s7;
	v13 =	vld.idx.msk [tilespmem:v3+s21+$0x0], $0xffff;
	[tilespmem:s18+$0x0] =	vst v10;
	v10 =	vor.u32 $0x80, v4  }
0xb0: {  	v15 =	vor.u32 $0x80, v3;
	[tilespmem:s26+$0xA800] =	vst v6;
	v6 =	vld [tilespmem:s30+$0x0]  }
0xb1: {  	s4 =	sor.u32 $0x20, s12;
	v17 =	vor.u32 $0x100, v5;
	v0 =	vld.idx.msk [tilespmem:v0+s21+$0x0], $0xffff  }
0xb2: {  	v19 =	vor.u32 $0x100, v9;
	s11 =	sor.u32 s14, s0;
	s7 =	sor.u32 s4, s7;
	v18 =	vld.idx.msk [tilespmem:v1+s21+$0x0], $0xffff;
	v1 =	vshll.u32 v14, $0x2  }
0xb3: {  	v2 =	vor.u32 $0x180, v2;
	s31 =	sor.u32 s31, s0;
	v20 =	vld [tilespmem:s7+$0x0];
	v14 =	vand.u32 $0x7F, v14;
	v1 =	vand.u32 $0xFFFFFE00, v1;
	[tilespmem:s11+$0x0] =	vst v12  }
0xb4: {  	v12 =	vor.u32 v14, v1;
	v1 =	vld.idx.msk [tilespmem:v10+s21+$0x0], $0xffff;
	[tilespmem:s31+$0x0] =	vst v13  }
0xb5: {  	s5 =	sadd.s32 $0x20, s1;
	v14 =	vor.u32 $0x100, v3;
	[tilespmem:s9+$0x80] =	vst v8;
	v8 =	vshll.u32 v16, $0x2;
	v10 =	vor.u32 $0x100, v4;
	v15 =	vld.idx.msk [tilespmem:v15+s21+$0x0], $0xffff  }
0xb6: {  	p0 =	por !p0, !p0;
	s14 =	sor.u32 $0x100, s5;
	s9 =	simm.s32 $0x1;
	v63 =	vld.idx.msk [tilespmem:v17+s21+$0x0], $0xffff;
	v13 =	vand.u32 $0x7F, v16;
	v8 =	vand.u32 $0xFFFFFE00, v8;
	[tilespmem:s18+$0x80] =	vst v0;
	v0 =	vshll.u32 v6, $0x2  }
0xb7: {  	s2 =	sor.u32 $0x180, s2;
	[tilespmem:s14+$0xA800] =	vst v7;
	s9 =	simm.s32 @!p0 $0x0;
	v7 =	vld.idx.msk [tilespmem:v19+s21+$0x0], $0xffff;
	v16 =	vand.u32 $0xFFFFFE00, v0;
	v0 =	vor.u32 v13, v8  }
0xb8: {  	[tilespmem:s2+$0xA800] =	vst v11;
	s17 =	sshll.u32 s9, $0x6;
	v8 =	vshll.u32 v20, $0x2;
	v19 =	vld.idx.msk [tilespmem:v2+s21+$0x0], $0xffff;
	v2 =	vand.u32 $0x7F, v6;
	v6 =	vor.u32 $0x180, v9  }
0xb9: {  	s25 =	sor.u32 $0x180, s24;
	s24 =	sor.u32 s3, s0;
	s2 =	sadd.s32 $0x100, s17;
	v22 =	vld.idx.msk [tilespmem:v12+s21+$0x0], $0xffff;
	v8 =	vand.u32 $0xFFFFFE00, v8;
	v23 =	vor.u32 v2, v16;
	v2 =	vand.u32 $0x7F, v20;
	[tilespmem:s11+$0x80] =	vst v1  }
0xba: {  	s3 =	simm.s32 $0x200;
	s7 =	sor.u32 $0x180, s5;
	s28 =	sadd.s32 $0x30, s2;
	v20 =	vor.u32 v2, v8;
	v13 =	vld.idx.msk [tilespmem:v10+s21+$0x0], $0xffff;
	[tilespmem:s31+$0x80] =	vst v15  }
0xbb: {  	s14 =	sor.u32 $0x180, s1;
	v3 =	vor.u32 $0x180, v3;
	[tilespmem:s25+$0xA800] =	vst v18;
	s25 =	simm.s32 $0xC0;
	s30 =	sor.u32 $0x100, s28;
	v14 =	vld.idx.msk [tilespmem:v14+s21+$0x0], $0xffff  }
0xbc: {  	v4 =	vor.u32 $0x180, v4;
	s18 =	sor.u32 $0x100, s1;
	s1 =	simm.s32 $0x8;
	s26 =	sadd.s32 $0x10, s2;
	v9 =	vor.u32 $0x80, v12;
	v1 =	vor.u32 $0x180, v5;
	v17 =	vld.idx.msk [tilespmem:v0+s21+$0x0], $0xffff;
	[tilespmem:s30+$0xA800] =	vst v7  }
0xbd: {  	s17 =	sor.u32 $0x100, s2;
	s15 =	sor.u32 $0x180, s2;
	s0 =	sor.u32 $0x100, s26;
	v5 =	vor.u32 $0x100, v12;
	[tilespmem:s18+$0xA800] =	vst v63;
	v2 =	vor.u32 $0x180, v12;
	v10 =	vor.u32 $0x80, v23;
	v16 =	vld.idx.msk [tilespmem:v6+s21+$0x0], $0xffff  }
0xbe: {  	s16 =	sor.u32 $0x180, s26;
	s31 =	sadd.s32 $0x20, s2;
	v11 =	vor.u32 $0x180, v23;
	s2 =	sand.u32 $0x1E00, s3;
	v12 =	vor.u32 $0x80, v20;
	[tilespmem:s7+$0xA800] =	vst v19;
	v19 =	vor.u32 $0x80, v0;
	v15 =	vld.idx.msk [tilespmem:v23+s21+$0x0], $0xffff  }
0xbf: {  	s29 =	sor.u32 $0x100, s31;
	s11 =	sor.u32 $0x180, s31;
	v8 =	vor.u32 $0x180, v20;
	v7 =	vor.u32 $0x100, v20;
	[tilespmem:s24+$0x0] =	vst v22;
	s7 =	simm.s32 $0x80;
	v6 =	vor.u32 $0x100, v23;
	v18 =	vld.idx.msk [tilespmem:v20+s21+$0x0], $0xffff  }
.LBB2_4:
0xc0: {  	s8 =	sand.u32 $0x780, s25;
	v20 =	vld [tilespmem:s7+$0x0];
	s2 =	sadd.s32 $0xA800, s2;
	[tilespmem:s0+$0xA800] =	vst v13;
	s26 =	smov.u32 s14  }
0xc1: {  	s0 =	sand.u32 $0x40, s25;
	s1 =	sadd.s32 $0x4, s1;
	s7 =	sor.u32 s6, s2;
	v13 =	vld.idx.msk [tilespmem:v9+s21+$0x0], $0xffff;
	[tilespmem:s29+$0xA800] =	vst v14  }
0xc2: {  	s9 =	sor.u32 $0x180, s28;
	s6 =	sor.u32 $0x30, s0;
	p1 =	slt.u32 s1, $0x7C;
	[tilespmem:s7+$0x0] =	vst v17;
	v14 =	vld.idx.msk [tilespmem:v4+s21+$0x0], $0xffff;
	v4 =	vmov v11  }
0xc3: {  	s14 =	sor.u32 $0x10, s0;
	s28 =	sor.u32 $0x20, s0;
	s29 =	sor.u32 s6, s8;
	v11 =	vld.idx.msk [tilespmem:v19+s21+$0x0], $0xffff;
	[tilespmem:s9+$0xA800] =	vst v16  }
0xc4: {  	s9 =	sor.u32 s14, s8;
	s8 =	sor.u32 s28, s8;
	v16 =	vld [tilespmem:s29+$0x0];
	s29 =	sor.u32 s12, s2  }
0xc5: {  	s12 =	smov.u32 s0;
	v17 =	vld [tilespmem:s9+$0x0];
	v9 =	vand.u32 $0x7F, v20;
	v19 =	vshll.u32 v20, $0x2;
	s9 =	sor.u32 s13, s2;
	s2 =	sor.u32 s4, s2;
	v20 =	vor.u32 $0x100, v0  }
0xc6: {  	s13 =	smov.u32 s14;
	s4 =	smov.u32 s28;
	s14 =	smov.u32 s15;
	v21 =	vld [tilespmem:s8+$0x0];
	v19 =	vand.u32 $0xFFFFFE00, v19;
	[tilespmem:s9+$0x0] =	vst v15  }
0xc7: {  	v15 =	vor.u32 v9, v19;
	v10 =	vld.idx.msk [tilespmem:v10+s21+$0x0], $0xffff;
	[tilespmem:s2+$0x0] =	vst v18  }
0xc8: {  	v9 =	vor.u32 $0x80, v15;
	v18 =	vor.u32 $0x100, v15;
	v19 =	vor.u32 $0x180, v15;
	v12 =	vld.idx.msk [tilespmem:v12+s21+$0x0], $0xffff;
	[tilespmem:s24+$0x80] =	vst v13;
	s24 =	smov.u32 s29  }
0xc9: {  	p0 =	por !p0, !p0;
	s0 =	simm.s32 $0x1;
	v13 =	vshll.u32 v16, $0x2;
	[tilespmem:s7+$0x80] =	vst v11;
	v22 =	vld.idx.msk [tilespmem:v5+s21+$0x0], $0xffff;
	v5 =	vmov v18  }
0xca: {  	s0 =	simm.s32 @!p0 $0x0;
	v16 =	vand.u32 $0x7F, v16;
	v11 =	vshll.u32 v17, $0x2;
	v13 =	vand.u32 $0xFFFFFE00, v13;
	v18 =	vld.idx.msk [tilespmem:v20+s21+$0x0], $0xffff;
	[tilespmem:s16+$0xA800] =	vst v14  }
0xcb: {  	s0 =	sshll.u32 s0, $0x6;
	v11 =	vand.u32 $0xFFFFFE00, v11;
	v14 =	vshll.u32 v21, $0x2;
	v16 =	vor.u32 v16, v13;
	v20 =	vld.idx.msk [tilespmem:v3+s21+$0x0], $0xffff;
	v3 =	vmovc v8  }
0xcc: {  	s7 =	sadd.s32 s0, s3;
	v8 =	vand.u32 $0x7F, v17;
	v13 =	vand.u32 $0xFFFFFE00, v14;
	v23 =	vld.idx.msk [tilespmem:v15+s21+$0x0], $0xffff;
	v15 =	vor.u32 $0x180, v0;
	v0 =	vmovc v16  }
0xcd: {  	s8 =	sadd.s32 $0x10, s7;
	v24 =	vor.u32 v8, v11;
	v8 =	vand.u32 $0x7F, v21;
	[tilespmem:s9+$0x80] =	vst v10;
	v21 =	vld.idx.msk [tilespmem:v1+s21+$0x0], $0xffff;
	v1 =	vmovc v2;
	v2 =	vmov v19  }
0xce: {  	s28 =	sadd.s32 $0x30, s7;
	s0 =	sor.u32 $0x100, s8;
	v10 =	vor.u32 $0x80, v24;
	v25 =	vor.u32 v8, v13;
	v13 =	vld.idx.msk [tilespmem:v6+s21+$0x0], $0xffff;
	v6 =	vor.u32 $0x100, v24;
	[tilespmem:s2+$0x80] =	vst v12;
	s2 =	sadd.s32 $0x20, s7  }
.Ltmp1:
0xcf: {  	v11 =	vor.u32 $0x180, v24;
	s9 =	sor.u32 $0x100, s28;
	v12 =	vor.u32 $0x80, v25;
	v14 =	vld.idx.msk [tilespmem:v7+s21+$0x0], $0xffff;
	v7 =	vor.u32 $0x100, v25;
	s29 =	sor.u32 $0x100, s2;
	[tilespmem:s17+$0xA800] =	vst v22;
	(pc) =	sbr.rel @p1 .LBB2_4-.Ltmp1, $4  }
0xd0: {  	s16 =	sor.u32 $0x180, s8;
	v8 =	vor.u32 $0x180, v25;
	s17 =	sor.u32 $0x100, s7;
	s2 =	sor.u32 $0x180, s2;
	v17 =	vld.idx.msk [tilespmem:v16+s21+$0x0], $0xffff;
	[tilespmem:s9+$0xA800] =	vst v18  }
0xd1: {  	s15 =	sor.u32 $0x180, s7;
	v16 =	vld.idx.msk [tilespmem:v15+s21+$0x0], $0xffff;
	[tilespmem:s11+$0xA800] =	vst v20;
	s11 =	smov.u32 s2  }
0xd2: {  	s3 =	sadd.s32 $0x100, s3;
	v19 =	vor.u32 $0x80, v0;
	v15 =	vld.idx.msk [tilespmem:v24+s21+$0x0], $0xffff;
	[tilespmem:s24+$0x0] =	vst v23  }
0xd3: {  	s25 =	sadd.s32 $0x40, s25;
	s7 =	sshra.s32 s3, $0x2;
	s2 =	sand.u32 $0x1E00, s3;
	v18 =	vld.idx.msk [tilespmem:v25+s21+$0x0], $0xffff;
	[tilespmem:s26+$0xA800] =	vst v21  }
0xd4: {  	v20 =	vld [tilespmem:s7+$0x0];
	_ =	sdelay $0x4  }
0xd5: {  	v21 =	vshll.u32 v20, $0x2  }
0xd6: {  	v20 =	vand.u32 $0x7F, v20;
	v21 =	vand.u32 $0xFFFFFE00, v21  }
0xd7: {  	v20 =	vor.u32 v20, v21;
	_ =	sdelay $0x3  }
0xd8: {  	s1 =	sadd.s32 $0xA800, s2;
	[tilespmem:s0+$0xA800] =	vst v13  }
0xd9: {  	[tilespmem:s29+$0xA800] =	vst v14;
	s8 =	sor.u32 s6, s1;
	v13 =	vld.idx.msk [tilespmem:v20+s21+$0x0], $0xffff  }
0xda: {  	v9 =	vld.idx.msk [tilespmem:v9+s21+$0x0], $0xffff;
	s4 =	sor.u32 s4, s1;
	[tilespmem:s8+$0x0] =	vst v17;
	v14 =	vor.u32 $0x80, v20  }
0xdb: {  	s2 =	sor.u32 s13, s1;
	v4 =	vld.idx.msk [tilespmem:v4+s21+$0x0], $0xffff;
	[tilespmem:s4+$0x0] =	vst v18  }
0xdc: {  	s9 =	sor.u32 $0x180, s28;
	[tilespmem:s2+$0x0] =	vst v15;
	v12 =	vld.idx.msk [tilespmem:v12+s21+$0x0], $0xffff  }
0xdd: {  	s1 =	sor.u32 s12, s1;
	[tilespmem:s9+$0xA800] =	vst v16;
	v10 =	vld.idx.msk [tilespmem:v10+s21+$0x0], $0xffff  }
0xde: {  	v17 =	vld.idx.msk [tilespmem:v19+s21+$0x0], $0xffff;
	[tilespmem:s1+$0x0] =	vst v13  }
0xdf: {  	v15 =	vor.u32 $0x100, v0;
	[tilespmem:s24+$0x80] =	vst v9;
	v9 =	vld.idx.msk [tilespmem:v14+s21+$0x0], $0xffff  }
0xe0: {  	v5 =	vld.idx.msk [tilespmem:v5+s21+$0x0], $0xffff;
	[tilespmem:s16+$0xA800] =	vst v4;
	v13 =	vor.u32 $0x100, v20  }
0xe1: {  	p0 =	por !p0, !p0;
	s0 =	simm.s32 $0x1;
	v3 =	vld.idx.msk [tilespmem:v3+s21+$0x0], $0xffff;
	[tilespmem:s4+$0x80] =	vst v12  }
0xe2: {  	s0 =	simm.s32 @!p0 $0x0;
	[tilespmem:s2+$0x80] =	vst v10;
	v4 =	vld.idx.msk [tilespmem:v7+s21+$0x0], $0xffff  }
0xe3: {  	s0 =	sshll.u32 s0, $0x6;
	[tilespmem:s8+$0x80] =	vst v17;
	v6 =	vld.idx.msk [tilespmem:v6+s21+$0x0], $0xffff  }
0xe4: {  	s0 =	sadd.s32 s0, s3;
	v14 =	vld.idx.msk [tilespmem:v15+s21+$0x0], $0xffff;
	[tilespmem:s1+$0x80] =	vst v9  }
0xe5: {  	v0 =	vor.u32 $0x180, v0;
	s24 =	sadd.s32 $0x20, s0;
	[tilespmem:s17+$0xA800] =	vst v5;
	v5 =	vld.idx.msk [tilespmem:v13+s21+$0x0], $0xffff  }
0xe6: {  	v1 =	vld.idx.msk [tilespmem:v1+s21+$0x0], $0xffff;
	s16 =	sadd.s32 $0x10, s0;
	s26 =	sor.u32 $0x100, s24;
	[tilespmem:s11+$0xA800] =	vst v3;
	v7 =	vor.u32 $0x180, v20  }
0xe7: {  	s13 =	sadd.s32 $0x30, s0;
	s25 =	sor.u32 $0x100, s16;
	v2 =	vld.idx.msk [tilespmem:v2+s21+$0x0], $0xffff;
	[tilespmem:s26+$0xA800] =	vst v4  }
0xe8: {  	s18 =	sor.u32 $0x100, s13;
	[tilespmem:s25+$0xA800] =	vst v6;
	v3 =	vld.idx.msk [tilespmem:v8+s21+$0x0], $0xffff  }
0xe9: {  	s30 =	sor.u32 $0x100, s0;
	v4 =	vld.idx.msk [tilespmem:v11+s21+$0x0], $0xffff;
	[tilespmem:s18+$0xA800] =	vst v14  }
0xea: {  	v0 =	vld.idx.msk [tilespmem:v0+s21+$0x0], $0xffff;
	[tilespmem:s30+$0xA800] =	vst v5  }
0xeb: {  	[tilespmem:s14+$0xA800] =	vst v1;
	v1 =	vld.idx.msk [tilespmem:v7+s21+$0x0], $0xffff  }
0xec: {  	s31 =	sor.u32 $0x180, s24;
	[tilespmem:s15+$0xA800] =	vst v2  }
0xed: {  	[tilespmem:s31+$0xA800] =	vst v3;
	s1 =	sor.u32 $0x180, s16  }
0xee: {  	s2 =	sor.u32 $0x180, s13;
	[tilespmem:s1+$0xA800] =	vst v4  }
0xef: {  	s0 =	sor.u32 $0x180, s0;
	[tilespmem:s2+$0xA800] =	vst v0  }
0xf0: {  	s5 =	simm.s32 $0x3;
	s1 =	simm.s32 $0xA800;
	[tilespmem:s0+$0xA800] =	vst v1  }
0xf1: {  	[spmem:s10] =	stream.linear.scatter [tilespmem:s1], [sflag:$0x6], $0x2000, $0x38;
	[tilespmem:$0x12800] =	vst v63  }
0xf2: {  	s3 =	simm.s32 $0x200;
	s4 =	simm.s32 $0x0;
	s2 =	rddreg [dreg:$0xa]  }
0xf3: {  	[tilespmem:s21], [sflag:$0x2] =	stream.strided.gather [hbm4b:s2+s3], $0x2000, s19, s3, $0x38;
	[tilespmem:$0x12800] =	vst v63  }
0xf4: {  	s6 =	sand.u32 $0x40, s4;
	_ =	swait.ge [sflag:s5], $0x2000  }
0xf5: {  	s15 =	sand.u32 $0x780, s4;
	s16 =	sor.u32 $0x30, s6;
	[sflag:s5] =	ssyncset.done $0x0  }
0xf6: {  	s17 =	sor.u32 s16, s15;
	[sflag:s5] =	ssyncadd.s32 $0xFFFFE000  }
0xf7: {  	s18 =	sor.u32 $0x10, s6;
	v0 =	vld [tilespmem:s17+$0x0]  }
0xf8: {  	s8 =	sor.u32 $0x20, s6;
	s24 =	sor.u32 s18, s15  }
0xf9: {  	s2 =	sor.u32 s8, s15;
	v1 =	vld [tilespmem:s24+$0x0]  }
0xfa: {  	v2 =	vld [tilespmem:s2+$0x0];
	_ =	sdelay $0x1  }
0xfb: {  	v3 =	vshll.u32 v0, $0x2  }
0xfc: {  	v0 =	vand.u32 $0x7F, v0;
	v3 =	vand.u32 $0xFFFFFE00, v3  }
0xfd: {  	v0 =	vor.u32 v0, v3;
	v3 =	vshll.u32 v1, $0x2  }
0xfe: {  	v4 =	vshll.u32 v2, $0x2;
	v1 =	vand.u32 $0x7F, v1;
	v3 =	vand.u32 $0xFFFFFE00, v3  }
0xff: {  	v2 =	vand.u32 $0x7F, v2;
	v1 =	vor.u32 v1, v3;
	v3 =	vand.u32 $0xFFFFFE00, v4  }
0x100: {  	v2 =	vor.u32 v2, v3  }
0x101: {  	s25 =	simm.s32 $0x0  }
0x102: {  	s9 =	simm.s32 $0x40;
	v6 =	vld [tilespmem:s25+$0x0]  }
0x103: {  	s3 =	sand.u32 $0x40, s9;
	v3 =	vld.idx.msk [tilespmem:v0+s22+$0x0], $0xffff  }
0x104: {  	s11 =	sand.u32 $0x780, s9;
	s13 =	sor.u32 $0x30, s3;
	v5 =	vld.idx.msk [tilespmem:v1+s22+$0x0], $0xffff  }
0x105: {  	s1 =	sand.u32 $0x1E00, s4;
	s9 =	sor.u32 s13, s11;
	v4 =	vor.u32 $0x80, v0;
	v7 =	vld.idx.msk [tilespmem:v2+s22+$0x0], $0xffff  }
0x106: {  	s26 =	sadd.s32 $0xC800, s1;
	s14 =	sor.u32 $0x10, s3;
	v9 =	vld [tilespmem:s9+$0x0];
	v8 =	vor.u32 $0x80, v2  }
0x107: {  	s1 =	sor.u32 s16, s26;
	s31 =	sor.u32 $0x20, s3;
	s30 =	sor.u32 s14, s11  }
0x108: {  	s7 =	sor.u32 s18, s26;
	v10 =	vld [tilespmem:s30+$0x0];
	s2 =	sor.u32 s31, s11;
	v11 =	vshll.u32 v6, $0x2;
	[tilespmem:s1+$0x0] =	vst v3;
	v3 =	vor.u32 $0x80, v1  }
0x109: {  	s8 =	sor.u32 s8, s26;
	v13 =	vld [tilespmem:s2+$0x0];
	v6 =	vand.u32 $0x7F, v6;
	v11 =	vand.u32 $0xFFFFFE00, v11;
	[tilespmem:s7+$0x0] =	vst v5  }
0x10a: {  	v4 =	vld.idx.msk [tilespmem:v4+s22+$0x0], $0xffff;
	v5 =	vor.u32 v6, v11;
	[tilespmem:s8+$0x0] =	vst v7  }
0x10b: {  	v12 =	vor.u32 $0x100, v0;
	v11 =	vshll.u32 v9, $0x2;
	v8 =	vld.idx.msk [tilespmem:v8+s22+$0x0], $0xffff  }
0x10c: {  	v9 =	vand.u32 $0x7F, v9;
	v7 =	vor.u32 $0x100, v2;
	v11 =	vand.u32 $0xFFFFFE00, v11  }
0x10d: {  	v9 =	vor.u32 v9, v11;
	v3 =	vld.idx.msk [tilespmem:v3+s22+$0x0], $0xffff  }
0x10e: {  	v6 =	vor.u32 $0x100, v1  }
0x10f: {  	p0 =	por $0x0, $0x0;
	v0 =	vor.u32 $0x180, v0;
	[tilespmem:s1+$0x80] =	vst v4;
	v4 =	vshll.u32 v10, $0x2;
	s1 =	simm.s32 $0x1;
	v14 =	vld.idx.msk [tilespmem:v5+s22+$0x0], $0xffff  }
0x110: {  	v11 =	vshll.u32 v13, $0x2;
	v10 =	vand.u32 $0x7F, v10;
	v12 =	vld.idx.msk [tilespmem:v12+s22+$0x0], $0xffff;
	v4 =	vand.u32 $0xFFFFFE00, v4;
	s1 =	simm.s32 @!p0 $0x0;
	[tilespmem:s8+$0x80] =	vst v8  }
0x111: {  	s16 =	simm.s32 $0x40;
	s17 =	simm.s32 $0x80;
	v11 =	vand.u32 $0xFFFFFE00, v11;
	s1 =	sshll.u32 s1, $0x6;
	v4 =	vor.u32 v10, v4;
	v10 =	vand.u32 $0x7F, v13;
	v7 =	vld.idx.msk [tilespmem:v7+s22+$0x0], $0xffff  }
0x112: {  	s9 =	sor.u32 s6, s26;
	s12 =	sand.u32 $0x40, s17;
	s1 =	sadd.s32 $0x0, s1;
	[tilespmem:s7+$0x80] =	vst v3;
	v3 =	vor.u32 v10, v11;
	v10 =	vld.idx.msk [tilespmem:v9+s22+$0x0], $0xffff  }
0x113: {  	s6 =	sor.u32 $0x30, s12;
	v8 =	vor.u32 $0x80, v5;
	s2 =	sadd.s32 $0x30, s1;
	s7 =	sand.u32 $0x780, s17;
	v6 =	vld.idx.msk [tilespmem:v6+s22+$0x0], $0xffff  }
0x114: {  	s5 =	sor.u32 $0x100, s2;
	s25 =	sor.u32 s6, s7;
	[tilespmem:s9+$0x0] =	vst v14;
	v14 =	vld [tilespmem:s16+$0x0]  }
0x115: {  	s8 =	simm.s32 $0x100;
	[tilespmem:s5+$0xC800] =	vst v12;
	v16 =	vld [tilespmem:s25+$0x0]  }
0x116: {  	s15 =	sand.u32 $0x1E00, s8;
	v11 =	vld.idx.msk [tilespmem:v0+s22+$0x0], $0xffff;
	v0 =	vor.u32 $0x80, v9  }
0x117: {  	v1 =	vor.u32 $0x180, v1;
	s0 =	sadd.s32 $0xC800, s15;
	v12 =	vld.idx.msk [tilespmem:v4+s22+$0x0], $0xffff  }
0x118: {  	s24 =	sadd.s32 $0x10, s1;
	s18 =	sor.u32 s13, s0;
	s13 =	sor.u32 $0x10, s12;
	v8 =	vld.idx.msk [tilespmem:v8+s22+$0x0], $0xffff  }
0x119: {  	s26 =	sor.u32 $0x100, s24;
	s30 =	sor.u32 s13, s7;
	v13 =	vld.idx.msk [tilespmem:v3+s22+$0x0], $0xffff;
	[tilespmem:s18+$0x0] =	vst v10;
	v10 =	vor.u32 $0x80, v4  }
0x11a: {  	v15 =	vor.u32 $0x80, v3;
	[tilespmem:s26+$0xC800] =	vst v6;
	v6 =	vld [tilespmem:s30+$0x0]  }
0x11b: {  	s4 =	sor.u32 $0x20, s12;
	v17 =	vor.u32 $0x100, v5;
	v0 =	vld.idx.msk [tilespmem:v0+s22+$0x0], $0xffff  }
0x11c: {  	v19 =	vor.u32 $0x100, v9;
	s11 =	sor.u32 s14, s0;
	s7 =	sor.u32 s4, s7;
	v18 =	vld.idx.msk [tilespmem:v1+s22+$0x0], $0xffff;
	v1 =	vshll.u32 v14, $0x2  }
0x11d: {  	v2 =	vor.u32 $0x180, v2;
	s31 =	sor.u32 s31, s0;
	v20 =	vld [tilespmem:s7+$0x0];
	v14 =	vand.u32 $0x7F, v14;
	v1 =	vand.u32 $0xFFFFFE00, v1;
	[tilespmem:s11+$0x0] =	vst v12  }
0x11e: {  	v12 =	vor.u32 v14, v1;
	v1 =	vld.idx.msk [tilespmem:v10+s22+$0x0], $0xffff;
	[tilespmem:s31+$0x0] =	vst v13  }
0x11f: {  	s5 =	sadd.s32 $0x20, s1;
	v14 =	vor.u32 $0x100, v3;
	[tilespmem:s9+$0x80] =	vst v8;
	v8 =	vshll.u32 v16, $0x2;
	v10 =	vor.u32 $0x100, v4;
	v15 =	vld.idx.msk [tilespmem:v15+s22+$0x0], $0xffff  }
0x120: {  	p0 =	por !p0, !p0;
	s14 =	sor.u32 $0x100, s5;
	s9 =	simm.s32 $0x1;
	v63 =	vld.idx.msk [tilespmem:v17+s22+$0x0], $0xffff;
	v13 =	vand.u32 $0x7F, v16;
	v8 =	vand.u32 $0xFFFFFE00, v8;
	[tilespmem:s18+$0x80] =	vst v0;
	v0 =	vshll.u32 v6, $0x2  }
0x121: {  	s2 =	sor.u32 $0x180, s2;
	[tilespmem:s14+$0xC800] =	vst v7;
	s9 =	simm.s32 @!p0 $0x0;
	v7 =	vld.idx.msk [tilespmem:v19+s22+$0x0], $0xffff;
	v16 =	vand.u32 $0xFFFFFE00, v0;
	v0 =	vor.u32 v13, v8  }
0x122: {  	[tilespmem:s2+$0xC800] =	vst v11;
	s17 =	sshll.u32 s9, $0x6;
	v8 =	vshll.u32 v20, $0x2;
	v19 =	vld.idx.msk [tilespmem:v2+s22+$0x0], $0xffff;
	v2 =	vand.u32 $0x7F, v6;
	v6 =	vor.u32 $0x180, v9  }
0x123: {  	s25 =	sor.u32 $0x180, s24;
	s24 =	sor.u32 s3, s0;
	s2 =	sadd.s32 $0x100, s17;
	v22 =	vld.idx.msk [tilespmem:v12+s22+$0x0], $0xffff;
	v8 =	vand.u32 $0xFFFFFE00, v8;
	v23 =	vor.u32 v2, v16;
	v2 =	vand.u32 $0x7F, v20;
	[tilespmem:s11+$0x80] =	vst v1  }
0x124: {  	s3 =	simm.s32 $0x200;
	s7 =	sor.u32 $0x180, s5;
	s28 =	sadd.s32 $0x30, s2;
	v20 =	vor.u32 v2, v8;
	v13 =	vld.idx.msk [tilespmem:v10+s22+$0x0], $0xffff;
	[tilespmem:s31+$0x80] =	vst v15  }
0x125: {  	s14 =	sor.u32 $0x180, s1;
	v3 =	vor.u32 $0x180, v3;
	[tilespmem:s25+$0xC800] =	vst v18;
	s25 =	simm.s32 $0xC0;
	s30 =	sor.u32 $0x100, s28;
	v14 =	vld.idx.msk [tilespmem:v14+s22+$0x0], $0xffff  }
0x126: {  	v4 =	vor.u32 $0x180, v4;
	s18 =	sor.u32 $0x100, s1;
	s1 =	simm.s32 $0x8;
	s26 =	sadd.s32 $0x10, s2;
	v9 =	vor.u32 $0x80, v12;
	v1 =	vor.u32 $0x180, v5;
	v17 =	vld.idx.msk [tilespmem:v0+s22+$0x0], $0xffff;
	[tilespmem:s30+$0xC800] =	vst v7  }
0x127: {  	s17 =	sor.u32 $0x100, s2;
	s15 =	sor.u32 $0x180, s2;
	s0 =	sor.u32 $0x100, s26;
	v5 =	vor.u32 $0x100, v12;
	[tilespmem:s18+$0xC800] =	vst v63;
	v2 =	vor.u32 $0x180, v12;
	v10 =	vor.u32 $0x80, v23;
	v16 =	vld.idx.msk [tilespmem:v6+s22+$0x0], $0xffff  }
0x128: {  	s16 =	sor.u32 $0x180, s26;
	s31 =	sadd.s32 $0x20, s2;
	v11 =	vor.u32 $0x180, v23;
	s2 =	sand.u32 $0x1E00, s3;
	v12 =	vor.u32 $0x80, v20;
	[tilespmem:s7+$0xC800] =	vst v19;
	v19 =	vor.u32 $0x80, v0;
	v15 =	vld.idx.msk [tilespmem:v23+s22+$0x0], $0xffff  }
0x129: {  	s29 =	sor.u32 $0x100, s31;
	s11 =	sor.u32 $0x180, s31;
	v8 =	vor.u32 $0x180, v20;
	v7 =	vor.u32 $0x100, v20;
	[tilespmem:s24+$0x0] =	vst v22;
	s7 =	simm.s32 $0x80;
	v6 =	vor.u32 $0x100, v23;
	v18 =	vld.idx.msk [tilespmem:v20+s22+$0x0], $0xffff  }
.LBB2_6:
0x12a: {  	s8 =	sand.u32 $0x780, s25;
	v20 =	vld [tilespmem:s7+$0x0];
	s2 =	sadd.s32 $0xC800, s2;
	[tilespmem:s0+$0xC800] =	vst v13;
	s26 =	smov.u32 s14  }
0x12b: {  	s0 =	sand.u32 $0x40, s25;
	s1 =	sadd.s32 $0x4, s1;
	s7 =	sor.u32 s6, s2;
	v13 =	vld.idx.msk [tilespmem:v9+s22+$0x0], $0xffff;
	[tilespmem:s29+$0xC800] =	vst v14  }
0x12c: {  	s9 =	sor.u32 $0x180, s28;
	s6 =	sor.u32 $0x30, s0;
	p1 =	slt.u32 s1, $0x7C;
	[tilespmem:s7+$0x0] =	vst v17;
	v14 =	vld.idx.msk [tilespmem:v4+s22+$0x0], $0xffff;
	v4 =	vmov v11  }
0x12d: {  	s14 =	sor.u32 $0x10, s0;
	s28 =	sor.u32 $0x20, s0;
	s29 =	sor.u32 s6, s8;
	v11 =	vld.idx.msk [tilespmem:v19+s22+$0x0], $0xffff;
	[tilespmem:s9+$0xC800] =	vst v16  }
0x12e: {  	s9 =	sor.u32 s14, s8;
	s8 =	sor.u32 s28, s8;
	v16 =	vld [tilespmem:s29+$0x0];
	s29 =	sor.u32 s12, s2  }
0x12f: {  	s12 =	smov.u32 s0;
	v17 =	vld [tilespmem:s9+$0x0];
	v9 =	vand.u32 $0x7F, v20;
	v19 =	vshll.u32 v20, $0x2;
	s9 =	sor.u32 s13, s2;
	s2 =	sor.u32 s4, s2;
	v20 =	vor.u32 $0x100, v0  }
0x130: {  	s13 =	smov.u32 s14;
	s4 =	smov.u32 s28;
	s14 =	smov.u32 s15;
	v21 =	vld [tilespmem:s8+$0x0];
	v19 =	vand.u32 $0xFFFFFE00, v19;
	[tilespmem:s9+$0x0] =	vst v15  }
0x131: {  	v15 =	vor.u32 v9, v19;
	v10 =	vld.idx.msk [tilespmem:v10+s22+$0x0], $0xffff;
	[tilespmem:s2+$0x0] =	vst v18  }
0x132: {  	v9 =	vor.u32 $0x80, v15;
	v18 =	vor.u32 $0x100, v15;
	v19 =	vor.u32 $0x180, v15;
	v12 =	vld.idx.msk [tilespmem:v12+s22+$0x0], $0xffff;
	[tilespmem:s24+$0x80] =	vst v13;
	s24 =	smov.u32 s29  }
0x133: {  	p0 =	por !p0, !p0;
	s0 =	simm.s32 $0x1;
	v13 =	vshll.u32 v16, $0x2;
	[tilespmem:s7+$0x80] =	vst v11;
	v22 =	vld.idx.msk [tilespmem:v5+s22+$0x0], $0xffff;
	v5 =	vmov v18  }
0x134: {  	s0 =	simm.s32 @!p0 $0x0;
	v16 =	vand.u32 $0x7F, v16;
	v11 =	vshll.u32 v17, $0x2;
	v13 =	vand.u32 $0xFFFFFE00, v13;
	v18 =	vld.idx.msk [tilespmem:v20+s22+$0x0], $0xffff;
	[tilespmem:s16+$0xC800] =	vst v14  }
0x135: {  	s0 =	sshll.u32 s0, $0x6;
	v11 =	vand.u32 $0xFFFFFE00, v11;
	v14 =	vshll.u32 v21, $0x2;
	v16 =	vor.u32 v16, v13;
	v20 =	vld.idx.msk [tilespmem:v3+s22+$0x0], $0xffff;
	v3 =	vmovc v8  }
0x136: {  	s7 =	sadd.s32 s0, s3;
	v8 =	vand.u32 $0x7F, v17;
	v13 =	vand.u32 $0xFFFFFE00, v14;
	v23 =	vld.idx.msk [tilespmem:v15+s22+$0x0], $0xffff;
	v15 =	vor.u32 $0x180, v0;
	v0 =	vmovc v16  }
0x137: {  	s8 =	sadd.s32 $0x10, s7;
	v24 =	vor.u32 v8, v11;
	v8 =	vand.u32 $0x7F, v21;
	[tilespmem:s9+$0x80] =	vst v10;
	v21 =	vld.idx.msk [tilespmem:v1+s22+$0x0], $0xffff;
	v1 =	vmovc v2;
	v2 =	vmov v19  }
0x138: {  	s28 =	sadd.s32 $0x30, s7;
	s0 =	sor.u32 $0x100, s8;
	v10 =	vor.u32 $0x80, v24;
	v25 =	vor.u32 v8, v13;
	v13 =	vld.idx.msk [tilespmem:v6+s22+$0x0], $0xffff;
	v6 =	vor.u32 $0x100, v24;
	[tilespmem:s2+$0x80] =	vst v12;
	s2 =	sadd.s32 $0x20, s7  }
.Ltmp2:
0x139: {  	v11 =	vor.u32 $0x180, v24;
	s9 =	sor.u32 $0x100, s28;
	v12 =	vor.u32 $0x80, v25;
	v14 =	vld.idx.msk [tilespmem:v7+s22+$0x0], $0xffff;
	v7 =	vor.u32 $0x100, v25;
	s29 =	sor.u32 $0x100, s2;
	[tilespmem:s17+$0xC800] =	vst v22;
	(pc) =	sbr.rel @p1 .LBB2_6-.Ltmp2, $4  }
0x13a: {  	s16 =	sor.u32 $0x180, s8;
	v8 =	vor.u32 $0x180, v25;
	s17 =	sor.u32 $0x100, s7;
	s2 =	sor.u32 $0x180, s2;
	v17 =	vld.idx.msk [tilespmem:v16+s22+$0x0], $0xffff;
	[tilespmem:s9+$0xC800] =	vst v18  }
0x13b: {  	s15 =	sor.u32 $0x180, s7;
	v16 =	vld.idx.msk [tilespmem:v15+s22+$0x0], $0xffff;
	[tilespmem:s11+$0xC800] =	vst v20;
	s11 =	smov.u32 s2  }
0x13c: {  	s3 =	sadd.s32 $0x100, s3;
	v19 =	vor.u32 $0x80, v0;
	v15 =	vld.idx.msk [tilespmem:v24+s22+$0x0], $0xffff;
	[tilespmem:s24+$0x0] =	vst v23  }
0x13d: {  	s25 =	sadd.s32 $0x40, s25;
	s7 =	sshra.s32 s3, $0x2;
	s2 =	sand.u32 $0x1E00, s3;
	v18 =	vld.idx.msk [tilespmem:v25+s22+$0x0], $0xffff;
	[tilespmem:s26+$0xC800] =	vst v21  }
0x13e: {  	v20 =	vld [tilespmem:s7+$0x0];
	_ =	sdelay $0x4  }
0x13f: {  	v21 =	vshll.u32 v20, $0x2  }
0x140: {  	v20 =	vand.u32 $0x7F, v20;
	v21 =	vand.u32 $0xFFFFFE00, v21  }
0x141: {  	v20 =	vor.u32 v20, v21;
	_ =	sdelay $0x3  }
0x142: {  	s1 =	sadd.s32 $0xC800, s2;
	[tilespmem:s0+$0xC800] =	vst v13  }
0x143: {  	[tilespmem:s29+$0xC800] =	vst v14;
	s8 =	sor.u32 s6, s1;
	v13 =	vld.idx.msk [tilespmem:v20+s22+$0x0], $0xffff  }
0x144: {  	v9 =	vld.idx.msk [tilespmem:v9+s22+$0x0], $0xffff;
	s4 =	sor.u32 s4, s1;
	[tilespmem:s8+$0x0] =	vst v17;
	v14 =	vor.u32 $0x80, v20  }
0x145: {  	s2 =	sor.u32 s13, s1;
	v4 =	vld.idx.msk [tilespmem:v4+s22+$0x0], $0xffff;
	[tilespmem:s4+$0x0] =	vst v18  }
0x146: {  	s9 =	sor.u32 $0x180, s28;
	[tilespmem:s2+$0x0] =	vst v15;
	v12 =	vld.idx.msk [tilespmem:v12+s22+$0x0], $0xffff  }
0x147: {  	s1 =	sor.u32 s12, s1;
	[tilespmem:s9+$0xC800] =	vst v16;
	v10 =	vld.idx.msk [tilespmem:v10+s22+$0x0], $0xffff  }
0x148: {  	v17 =	vld.idx.msk [tilespmem:v19+s22+$0x0], $0xffff;
	[tilespmem:s1+$0x0] =	vst v13  }
0x149: {  	v15 =	vor.u32 $0x100, v0;
	[tilespmem:s24+$0x80] =	vst v9;
	v9 =	vld.idx.msk [tilespmem:v14+s22+$0x0], $0xffff  }
0x14a: {  	v5 =	vld.idx.msk [tilespmem:v5+s22+$0x0], $0xffff;
	[tilespmem:s16+$0xC800] =	vst v4;
	v13 =	vor.u32 $0x100, v20  }
0x14b: {  	p0 =	por !p0, !p0;
	s0 =	simm.s32 $0x1;
	v3 =	vld.idx.msk [tilespmem:v3+s22+$0x0], $0xffff;
	[tilespmem:s4+$0x80] =	vst v12  }
0x14c: {  	s0 =	simm.s32 @!p0 $0x0;
	[tilespmem:s2+$0x80] =	vst v10;
	v4 =	vld.idx.msk [tilespmem:v7+s22+$0x0], $0xffff  }
0x14d: {  	s0 =	sshll.u32 s0, $0x6;
	[tilespmem:s8+$0x80] =	vst v17;
	v6 =	vld.idx.msk [tilespmem:v6+s22+$0x0], $0xffff  }
0x14e: {  	s0 =	sadd.s32 s0, s3;
	v14 =	vld.idx.msk [tilespmem:v15+s22+$0x0], $0xffff;
	[tilespmem:s1+$0x80] =	vst v9  }
0x14f: {  	v0 =	vor.u32 $0x180, v0;
	s24 =	sadd.s32 $0x20, s0;
	[tilespmem:s17+$0xC800] =	vst v5;
	v5 =	vld.idx.msk [tilespmem:v13+s22+$0x0], $0xffff  }
0x150: {  	v1 =	vld.idx.msk [tilespmem:v1+s22+$0x0], $0xffff;
	s16 =	sadd.s32 $0x10, s0;
	s26 =	sor.u32 $0x100, s24;
	[tilespmem:s11+$0xC800] =	vst v3;
	v7 =	vor.u32 $0x180, v20  }
0x151: {  	s13 =	sadd.s32 $0x30, s0;
	s25 =	sor.u32 $0x100, s16;
	v2 =	vld.idx.msk [tilespmem:v2+s22+$0x0], $0xffff;
	[tilespmem:s26+$0xC800] =	vst v4  }
0x152: {  	s18 =	sor.u32 $0x100, s13;
	[tilespmem:s25+$0xC800] =	vst v6;
	v3 =	vld.idx.msk [tilespmem:v8+s22+$0x0], $0xffff  }
0x153: {  	s30 =	sor.u32 $0x100, s0;
	v4 =	vld.idx.msk [tilespmem:v11+s22+$0x0], $0xffff;
	[tilespmem:s18+$0xC800] =	vst v14  }
0x154: {  	v0 =	vld.idx.msk [tilespmem:v0+s22+$0x0], $0xffff;
	[tilespmem:s30+$0xC800] =	vst v5  }
0x155: {  	[tilespmem:s14+$0xC800] =	vst v1;
	v1 =	vld.idx.msk [tilespmem:v7+s22+$0x0], $0xffff  }
0x156: {  	s31 =	sor.u32 $0x180, s24;
	[tilespmem:s15+$0xC800] =	vst v2  }
0x157: {  	[tilespmem:s31+$0xC800] =	vst v3;
	s1 =	sor.u32 $0x180, s16  }
0x158: {  	s2 =	sor.u32 $0x180, s13;
	[tilespmem:s1+$0xC800] =	vst v4  }
0x159: {  	s0 =	sor.u32 $0x180, s0;
	[tilespmem:s2+$0xC800] =	vst v0  }
0x15a: {  	s5 =	simm.s32 $0x4;
	s1 =	simm.s32 $0xC800;
	[tilespmem:s0+$0xC800] =	vst v1  }
0x15b: {  	[spmem:s10] =	stream.linear.scatter [tilespmem:s1], [sflag:$0x7], $0x2000, $0x38;
	[tilespmem:$0x12800] =	vst v63  }
0x15c: {  	s3 =	simm.s32 $0x200;
	s4 =	simm.s32 $0x0;
	s2 =	rddreg [dreg:$0xb]  }
0x15d: {  	[tilespmem:s22], [sflag:$0x3] =	stream.strided.gather [hbm4b:s2+s3], $0x2000, s19, s3, $0x38;
	[tilespmem:$0x12800] =	vst v63  }
0x15e: {  	s6 =	sand.u32 $0x40, s4;
	_ =	swait.ge [sflag:s5], $0x2000  }
0x15f: {  	s15 =	sand.u32 $0x780, s4;
	s16 =	sor.u32 $0x30, s6;
	[sflag:s5] =	ssyncset.done $0x0  }
0x160: {  	s17 =	sor.u32 s16, s15;
	[sflag:s5] =	ssyncadd.s32 $0xFFFFE000  }
0x161: {  	s18 =	sor.u32 $0x10, s6;
	v0 =	vld [tilespmem:s17+$0x0]  }
0x162: {  	s8 =	sor.u32 $0x20, s6;
	s24 =	sor.u32 s18, s15  }
0x163: {  	s2 =	sor.u32 s8, s15;
	v1 =	vld [tilespmem:s24+$0x0]  }
0x164: {  	v2 =	vld [tilespmem:s2+$0x0];
	_ =	sdelay $0x1  }
0x165: {  	v3 =	vshll.u32 v0, $0x2  }
0x166: {  	v0 =	vand.u32 $0x7F, v0;
	v3 =	vand.u32 $0xFFFFFE00, v3  }
0x167: {  	v0 =	vor.u32 v0, v3;
	v3 =	vshll.u32 v1, $0x2  }
0x168: {  	v4 =	vshll.u32 v2, $0x2;
	v1 =	vand.u32 $0x7F, v1;
	v3 =	vand.u32 $0xFFFFFE00, v3  }
0x169: {  	v2 =	vand.u32 $0x7F, v2;
	v1 =	vor.u32 v1, v3;
	v3 =	vand.u32 $0xFFFFFE00, v4  }
0x16a: {  	v2 =	vor.u32 v2, v3  }
0x16b: {  	s25 =	simm.s32 $0x0  }
0x16c: {  	s9 =	simm.s32 $0x40;
	v6 =	vld [tilespmem:s25+$0x0]  }
0x16d: {  	s3 =	sand.u32 $0x40, s9;
	v3 =	vld.idx.msk [tilespmem:v0+s23+$0x0], $0xffff  }
0x16e: {  	s11 =	sand.u32 $0x780, s9;
	s13 =	sor.u32 $0x30, s3;
	v5 =	vld.idx.msk [tilespmem:v1+s23+$0x0], $0xffff  }
0x16f: {  	s1 =	sand.u32 $0x1E00, s4;
	s9 =	sor.u32 s13, s11;
	v4 =	vor.u32 $0x80, v0;
	v7 =	vld.idx.msk [tilespmem:v2+s23+$0x0], $0xffff  }
0x170: {  	s26 =	sadd.s32 $0xE800, s1;
	s14 =	sor.u32 $0x10, s3;
	v9 =	vld [tilespmem:s9+$0x0];
	v8 =	vor.u32 $0x80, v2  }
0x171: {  	s1 =	sor.u32 s16, s26;
	s31 =	sor.u32 $0x20, s3;
	s30 =	sor.u32 s14, s11  }
0x172: {  	s7 =	sor.u32 s18, s26;
	v10 =	vld [tilespmem:s30+$0x0];
	s2 =	sor.u32 s31, s11;
	v11 =	vshll.u32 v6, $0x2;
	[tilespmem:s1+$0x0] =	vst v3;
	v3 =	vor.u32 $0x80, v1  }
0x173: {  	s8 =	sor.u32 s8, s26;
	v13 =	vld [tilespmem:s2+$0x0];
	v6 =	vand.u32 $0x7F, v6;
	v11 =	vand.u32 $0xFFFFFE00, v11;
	[tilespmem:s7+$0x0] =	vst v5  }
0x174: {  	v4 =	vld.idx.msk [tilespmem:v4+s23+$0x0], $0xffff;
	v5 =	vor.u32 v6, v11;
	[tilespmem:s8+$0x0] =	vst v7  }
0x175: {  	v12 =	vor.u32 $0x100, v0;
	v11 =	vshll.u32 v9, $0x2;
	v8 =	vld.idx.msk [tilespmem:v8+s23+$0x0], $0xffff  }
0x176: {  	v9 =	vand.u32 $0x7F, v9;
	v7 =	vor.u32 $0x100, v2;
	v11 =	vand.u32 $0xFFFFFE00, v11  }
0x177: {  	v9 =	vor.u32 v9, v11;
	v3 =	vld.idx.msk [tilespmem:v3+s23+$0x0], $0xffff  }
0x178: {  	v6 =	vor.u32 $0x100, v1  }
0x179: {  	p0 =	por $0x0, $0x0;
	v0 =	vor.u32 $0x180, v0;
	[tilespmem:s1+$0x80] =	vst v4;
	v4 =	vshll.u32 v10, $0x2;
	s1 =	simm.s32 $0x1;
	v14 =	vld.idx.msk [tilespmem:v5+s23+$0x0], $0xffff  }
0x17a: {  	v11 =	vshll.u32 v13, $0x2;
	v10 =	vand.u32 $0x7F, v10;
	v12 =	vld.idx.msk [tilespmem:v12+s23+$0x0], $0xffff;
	v4 =	vand.u32 $0xFFFFFE00, v4;
	s1 =	simm.s32 @!p0 $0x0;
	[tilespmem:s8+$0x80] =	vst v8  }
0x17b: {  	s16 =	simm.s32 $0x40;
	s17 =	simm.s32 $0x80;
	v11 =	vand.u32 $0xFFFFFE00, v11;
	s1 =	sshll.u32 s1, $0x6;
	v4 =	vor.u32 v10, v4;
	v10 =	vand.u32 $0x7F, v13;
	v7 =	vld.idx.msk [tilespmem:v7+s23+$0x0], $0xffff  }
0x17c: {  	s9 =	sor.u32 s6, s26;
	s12 =	sand.u32 $0x40, s17;
	s1 =	sadd.s32 $0x0, s1;
	[tilespmem:s7+$0x80] =	vst v3;
	v3 =	vor.u32 v10, v11;
	v10 =	vld.idx.msk [tilespmem:v9+s23+$0x0], $0xffff  }
0x17d: {  	s6 =	sor.u32 $0x30, s12;
	v8 =	vor.u32 $0x80, v5;
	s2 =	sadd.s32 $0x30, s1;
	s7 =	sand.u32 $0x780, s17;
	v6 =	vld.idx.msk [tilespmem:v6+s23+$0x0], $0xffff  }
0x17e: {  	s5 =	sor.u32 $0x100, s2;
	s25 =	sor.u32 s6, s7;
	[tilespmem:s9+$0x0] =	vst v14;
	v14 =	vld [tilespmem:s16+$0x0]  }
0x17f: {  	s8 =	simm.s32 $0x100;
	[tilespmem:s5+$0xE800] =	vst v12;
	v16 =	vld [tilespmem:s25+$0x0]  }
0x180: {  	s15 =	sand.u32 $0x1E00, s8;
	v11 =	vld.idx.msk [tilespmem:v0+s23+$0x0], $0xffff;
	v0 =	vor.u32 $0x80, v9  }
0x181: {  	v1 =	vor.u32 $0x180, v1;
	s0 =	sadd.s32 $0xE800, s15;
	v12 =	vld.idx.msk [tilespmem:v4+s23+$0x0], $0xffff  }
0x182: {  	s24 =	sadd.s32 $0x10, s1;
	s18 =	sor.u32 s13, s0;
	s13 =	sor.u32 $0x10, s12;
	v8 =	vld.idx.msk [tilespmem:v8+s23+$0x0], $0xffff  }
0x183: {  	s26 =	sor.u32 $0x100, s24;
	s30 =	sor.u32 s13, s7;
	v13 =	vld.idx.msk [tilespmem:v3+s23+$0x0], $0xffff;
	[tilespmem:s18+$0x0] =	vst v10;
	v10 =	vor.u32 $0x80, v4  }
0x184: {  	v15 =	vor.u32 $0x80, v3;
	[tilespmem:s26+$0xE800] =	vst v6;
	v6 =	vld [tilespmem:s30+$0x0]  }
0x185: {  	s4 =	sor.u32 $0x20, s12;
	v17 =	vor.u32 $0x100, v5;
	v0 =	vld.idx.msk [tilespmem:v0+s23+$0x0], $0xffff  }
0x186: {  	v19 =	vor.u32 $0x100, v9;
	s11 =	sor.u32 s14, s0;
	s7 =	sor.u32 s4, s7;
	v18 =	vld.idx.msk [tilespmem:v1+s23+$0x0], $0xffff;
	v1 =	vshll.u32 v14, $0x2  }
0x187: {  	v2 =	vor.u32 $0x180, v2;
	s31 =	sor.u32 s31, s0;
	v20 =	vld [tilespmem:s7+$0x0];
	v14 =	vand.u32 $0x7F, v14;
	v1 =	vand.u32 $0xFFFFFE00, v1;
	[tilespmem:s11+$0x0] =	vst v12  }
0x188: {  	v12 =	vor.u32 v14, v1;
	v1 =	vld.idx.msk [tilespmem:v10+s23+$0x0], $0xffff;
	[tilespmem:s31+$0x0] =	vst v13  }
0x189: {  	s5 =	sadd.s32 $0x20, s1;
	v14 =	vor.u32 $0x100, v3;
	[tilespmem:s9+$0x80] =	vst v8;
	v8 =	vshll.u32 v16, $0x2;
	v10 =	vor.u32 $0x100, v4;
	v15 =	vld.idx.msk [tilespmem:v15+s23+$0x0], $0xffff  }
0x18a: {  	p0 =	por !p0, !p0;
	s14 =	sor.u32 $0x100, s5;
	s9 =	simm.s32 $0x1;
	v63 =	vld.idx.msk [tilespmem:v17+s23+$0x0], $0xffff;
	v13 =	vand.u32 $0x7F, v16;
	v8 =	vand.u32 $0xFFFFFE00, v8;
	[tilespmem:s18+$0x80] =	vst v0;
	v0 =	vshll.u32 v6, $0x2  }
0x18b: {  	s2 =	sor.u32 $0x180, s2;
	[tilespmem:s14+$0xE800] =	vst v7;
	s9 =	simm.s32 @!p0 $0x0;
	v7 =	vld.idx.msk [tilespmem:v19+s23+$0x0], $0xffff;
	v16 =	vand.u32 $0xFFFFFE00, v0;
	v0 =	vor.u32 v13, v8  }
0x18c: {  	[tilespmem:s2+$0xE800] =	vst v11;
	s17 =	sshll.u32 s9, $0x6;
	v8 =	vshll.u32 v20, $0x2;
	v19 =	vld.idx.msk [tilespmem:v2+s23+$0x0], $0xffff;
	v2 =	vand.u32 $0x7F, v6;
	v6 =	vor.u32 $0x180, v9  }
0x18d: {  	s25 =	sor.u32 $0x180, s24;
	s24 =	sor.u32 s3, s0;
	s2 =	sadd.s32 $0x100, s17;
	v22 =	vld.idx.msk [tilespmem:v12+s23+$0x0], $0xffff;
	v8 =	vand.u32 $0xFFFFFE00, v8;
	v23 =	vor.u32 v2, v16;
	v2 =	vand.u32 $0x7F, v20;
	[tilespmem:s11+$0x80] =	vst v1  }
0x18e: {  	s3 =	simm.s32 $0x200;
	s7 =	sor.u32 $0x180, s5;
	s28 =	sadd.s32 $0x30, s2;
	v20 =	vor.u32 v2, v8;
	v13 =	vld.idx.msk [tilespmem:v10+s23+$0x0], $0xffff;
	[tilespmem:s31+$0x80] =	vst v15  }
0x18f: {  	s14 =	sor.u32 $0x180, s1;
	v3 =	vor.u32 $0x180, v3;
	[tilespmem:s25+$0xE800] =	vst v18;
	s25 =	simm.s32 $0xC0;
	s30 =	sor.u32 $0x100, s28;
	v14 =	vld.idx.msk [tilespmem:v14+s23+$0x0], $0xffff  }
0x190: {  	v4 =	vor.u32 $0x180, v4;
	s18 =	sor.u32 $0x100, s1;
	s1 =	simm.s32 $0x8;
	s26 =	sadd.s32 $0x10, s2;
	v9 =	vor.u32 $0x80, v12;
	v1 =	vor.u32 $0x180, v5;
	v17 =	vld.idx.msk [tilespmem:v0+s23+$0x0], $0xffff;
	[tilespmem:s30+$0xE800] =	vst v7  }
0x191: {  	s17 =	sor.u32 $0x100, s2;
	s15 =	sor.u32 $0x180, s2;
	s0 =	sor.u32 $0x100, s26;
	v5 =	vor.u32 $0x100, v12;
	[tilespmem:s18+$0xE800] =	vst v63;
	v2 =	vor.u32 $0x180, v12;
	v10 =	vor.u32 $0x80, v23;
	v16 =	vld.idx.msk [tilespmem:v6+s23+$0x0], $0xffff  }
0x192: {  	s16 =	sor.u32 $0x180, s26;
	s31 =	sadd.s32 $0x20, s2;
	v11 =	vor.u32 $0x180, v23;
	s2 =	sand.u32 $0x1E00, s3;
	v12 =	vor.u32 $0x80, v20;
	[tilespmem:s7+$0xE800] =	vst v19;
	v19 =	vor.u32 $0x80, v0;
	v15 =	vld.idx.msk [tilespmem:v23+s23+$0x0], $0xffff  }
0x193: {  	s29 =	sor.u32 $0x100, s31;
	s11 =	sor.u32 $0x180, s31;
	v8 =	vor.u32 $0x180, v20;
	v7 =	vor.u32 $0x100, v20;
	[tilespmem:s24+$0x0] =	vst v22;
	s7 =	simm.s32 $0x80;
	v6 =	vor.u32 $0x100, v23;
	v18 =	vld.idx.msk [tilespmem:v20+s23+$0x0], $0xffff  }
.LBB2_8:
0x194: {  	s8 =	sand.u32 $0x780, s25;
	v20 =	vld [tilespmem:s7+$0x0];
	s2 =	sadd.s32 $0xE800, s2;
	[tilespmem:s0+$0xE800] =	vst v13;
	s26 =	smov.u32 s14  }
0x195: {  	s0 =	sand.u32 $0x40, s25;
	s1 =	sadd.s32 $0x4, s1;
	s7 =	sor.u32 s6, s2;
	v13 =	vld.idx.msk [tilespmem:v9+s23+$0x0], $0xffff;
	[tilespmem:s29+$0xE800] =	vst v14  }
0x196: {  	s9 =	sor.u32 $0x180, s28;
	s6 =	sor.u32 $0x30, s0;
	p1 =	slt.u32 s1, $0x7C;
	[tilespmem:s7+$0x0] =	vst v17;
	v14 =	vld.idx.msk [tilespmem:v4+s23+$0x0], $0xffff;
	v4 =	vmov v11  }
0x197: {  	s14 =	sor.u32 $0x10, s0;
	s28 =	sor.u32 $0x20, s0;
	s29 =	sor.u32 s6, s8;
	v11 =	vld.idx.msk [tilespmem:v19+s23+$0x0], $0xffff;
	[tilespmem:s9+$0xE800] =	vst v16  }
0x198: {  	s9 =	sor.u32 s14, s8;
	s8 =	sor.u32 s28, s8;
	v16 =	vld [tilespmem:s29+$0x0];
	s29 =	sor.u32 s12, s2  }
0x199: {  	s12 =	smov.u32 s0;
	v17 =	vld [tilespmem:s9+$0x0];
	v9 =	vand.u32 $0x7F, v20;
	v19 =	vshll.u32 v20, $0x2;
	s9 =	sor.u32 s13, s2;
	s2 =	sor.u32 s4, s2;
	v20 =	vor.u32 $0x100, v0  }
0x19a: {  	s13 =	smov.u32 s14;
	s4 =	smov.u32 s28;
	s14 =	smov.u32 s15;
	v21 =	vld [tilespmem:s8+$0x0];
	v19 =	vand.u32 $0xFFFFFE00, v19;
	[tilespmem:s9+$0x0] =	vst v15  }
0x19b: {  	v15 =	vor.u32 v9, v19;
	v10 =	vld.idx.msk [tilespmem:v10+s23+$0x0], $0xffff;
	[tilespmem:s2+$0x0] =	vst v18  }
0x19c: {  	v9 =	vor.u32 $0x80, v15;
	v18 =	vor.u32 $0x100, v15;
	v19 =	vor.u32 $0x180, v15;
	v12 =	vld.idx.msk [tilespmem:v12+s23+$0x0], $0xffff;
	[tilespmem:s24+$0x80] =	vst v13;
	s24 =	smov.u32 s29  }
0x19d: {  	p0 =	por !p0, !p0;
	s0 =	simm.s32 $0x1;
	v13 =	vshll.u32 v16, $0x2;
	[tilespmem:s7+$0x80] =	vst v11;
	v22 =	vld.idx.msk [tilespmem:v5+s23+$0x0], $0xffff;
	v5 =	vmov v18  }
0x19e: {  	s0 =	simm.s32 @!p0 $0x0;
	v16 =	vand.u32 $0x7F, v16;
	v11 =	vshll.u32 v17, $0x2;
	v13 =	vand.u32 $0xFFFFFE00, v13;
	v18 =	vld.idx.msk [tilespmem:v20+s23+$0x0], $0xffff;
	[tilespmem:s16+$0xE800] =	vst v14  }
0x19f: {  	s0 =	sshll.u32 s0, $0x6;
	v11 =	vand.u32 $0xFFFFFE00, v11;
	v14 =	vshll.u32 v21, $0x2;
	v16 =	vor.u32 v16, v13;
	v20 =	vld.idx.msk [tilespmem:v3+s23+$0x0], $0xffff;
	v3 =	vmovc v8  }
0x1a0: {  	s7 =	sadd.s32 s0, s3;
	v8 =	vand.u32 $0x7F, v17;
	v13 =	vand.u32 $0xFFFFFE00, v14;
	v23 =	vld.idx.msk [tilespmem:v15+s23+$0x0], $0xffff;
	v15 =	vor.u32 $0x180, v0;
	v0 =	vmovc v16  }
0x1a1: {  	s8 =	sadd.s32 $0x10, s7;
	v24 =	vor.u32 v8, v11;
	v8 =	vand.u32 $0x7F, v21;
	[tilespmem:s9+$0x80] =	vst v10;
	v21 =	vld.idx.msk [tilespmem:v1+s23+$0x0], $0xffff;
	v1 =	vmovc v2;
	v2 =	vmov v19  }
0x1a2: {  	s28 =	sadd.s32 $0x30, s7;
	s0 =	sor.u32 $0x100, s8;
	v10 =	vor.u32 $0x80, v24;
	v25 =	vor.u32 v8, v13;
	v13 =	vld.idx.msk [tilespmem:v6+s23+$0x0], $0xffff;
	v6 =	vor.u32 $0x100, v24;
	[tilespmem:s2+$0x80] =	vst v12;
	s2 =	sadd.s32 $0x20, s7  }
.Ltmp3:
0x1a3: {  	v11 =	vor.u32 $0x180, v24;
	s9 =	sor.u32 $0x100, s28;
	v12 =	vor.u32 $0x80, v25;
	v14 =	vld.idx.msk [tilespmem:v7+s23+$0x0], $0xffff;
	v7 =	vor.u32 $0x100, v25;
	s29 =	sor.u32 $0x100, s2;
	[tilespmem:s17+$0xE800] =	vst v22;
	(pc) =	sbr.rel @p1 .LBB2_8-.Ltmp3, $4  }
0x1a4: {  	s16 =	sor.u32 $0x180, s8;
	v8 =	vor.u32 $0x180, v25;
	s17 =	sor.u32 $0x100, s7;
	s2 =	sor.u32 $0x180, s2;
	v17 =	vld.idx.msk [tilespmem:v16+s23+$0x0], $0xffff;
	[tilespmem:s9+$0xE800] =	vst v18  }
0x1a5: {  	s15 =	sor.u32 $0x180, s7;
	v16 =	vld.idx.msk [tilespmem:v15+s23+$0x0], $0xffff;
	[tilespmem:s11+$0xE800] =	vst v20;
	s11 =	smov.u32 s2  }
0x1a6: {  	s3 =	sadd.s32 $0x100, s3;
	v19 =	vor.u32 $0x80, v0;
	v15 =	vld.idx.msk [tilespmem:v24+s23+$0x0], $0xffff;
	[tilespmem:s24+$0x0] =	vst v23  }
0x1a7: {  	s25 =	sadd.s32 $0x40, s25;
	s7 =	sshra.s32 s3, $0x2;
	s2 =	sand.u32 $0x1E00, s3;
	v18 =	vld.idx.msk [tilespmem:v25+s23+$0x0], $0xffff;
	[tilespmem:s26+$0xE800] =	vst v21  }
0x1a8: {  	v20 =	vld [tilespmem:s7+$0x0];
	_ =	sdelay $0x4  }
0x1a9: {  	v21 =	vshll.u32 v20, $0x2  }
0x1aa: {  	v20 =	vand.u32 $0x7F, v20;
	v21 =	vand.u32 $0xFFFFFE00, v21  }
0x1ab: {  	v20 =	vor.u32 v20, v21;
	_ =	sdelay $0x3  }
0x1ac: {  	s1 =	sadd.s32 $0xE800, s2;
	[tilespmem:s0+$0xE800] =	vst v13  }
0x1ad: {  	[tilespmem:s29+$0xE800] =	vst v14;
	s8 =	sor.u32 s6, s1;
	v51 =	vld.idx.msk [tilespmem:v20+s23+$0x0], $0xffff  }
0x1ae: {  	v9 =	vld.idx.msk [tilespmem:v9+s23+$0x0], $0xffff;
	s9 =	sor.u32 $0x180, s28;
	[tilespmem:s8+$0x0] =	vst v17;
	v52 =	vor.u32 $0x80, v20  }
0x1af: {  	v1 =	vld.idx.msk [tilespmem:v1+s23+$0x0], $0xffff;
	s4 =	sor.u32 s4, s1;
	[tilespmem:s9+$0xE800] =	vst v16  }
0x1b0: {  	s2 =	sor.u32 s13, s1;
	v17 =	vld.idx.msk [tilespmem:v19+s23+$0x0], $0xffff;
	[tilespmem:s4+$0x0] =	vst v18  }
0x1b1: {  	v53 =	vor.u32 $0x100, v0;
	s1 =	sor.u32 s12, s1;
	[tilespmem:s2+$0x0] =	vst v15;
	v12 =	vld.idx.msk [tilespmem:v12+s23+$0x0], $0xffff  }
0x1b2: {  	v10 =	vld.idx.msk [tilespmem:v10+s23+$0x0], $0xffff;
	[tilespmem:s1+$0x0] =	vst v51  }
0x1b3: {  	[tilespmem:s24+$0x80] =	vst v9;
	v54 =	vld.idx.msk [tilespmem:v52+s23+$0x0], $0xffff  }
0x1b4: {  	v4 =	vld.idx.msk [tilespmem:v4+s23+$0x0], $0xffff;
	[tilespmem:s14+$0xE800] =	vst v1;
	v55 =	vor.u32 $0x100, v20  }
0x1b5: {  	p0 =	por !p0, !p0;
	s0 =	simm.s32 $0x1;
	v5 =	vld.idx.msk [tilespmem:v5+s23+$0x0], $0xffff;
	[tilespmem:s8+$0x80] =	vst v17  }
0x1b6: {  	s0 =	simm.s32 @!p0 $0x0;
	v56 =	vld.idx.msk [tilespmem:v53+s23+$0x0], $0xffff;
	[tilespmem:s4+$0x80] =	vst v12  }
0x1b7: {  	v57 =	vor.u32 $0x180, v0;
	s0 =	sshll.u32 s0, $0x6;
	[tilespmem:s2+$0x80] =	vst v10;
	v58 =	vld.idx.msk [tilespmem:v7+s23+$0x0], $0xffff  }
0x1b8: {  	s0 =	sadd.s32 s0, s3;
	v6 =	vld.idx.msk [tilespmem:v6+s23+$0x0], $0xffff;
	[tilespmem:s1+$0x80] =	vst v54  }
0x1b9: {  	s12 =	sadd.s32 $0x30, s0;
	[tilespmem:s16+$0xE800] =	vst v4;
	v59 =	vld.idx.msk [tilespmem:v55+s23+$0x0], $0xffff  }
0x1ba: {  	v3 =	vld.idx.msk [tilespmem:v3+s23+$0x0], $0xffff;
	s18 =	sadd.s32 $0x20, s0;
	s16 =	sor.u32 $0x100, s12;
	v60 =	vor.u32 $0x180, v20;
	[tilespmem:s17+$0xE800] =	vst v5  }
0x1bb: {  	s13 =	sadd.s32 $0x10, s0;
	s25 =	sor.u32 $0x100, s18;
	v2 =	vld.idx.msk [tilespmem:v2+s23+$0x0], $0xffff;
	[tilespmem:s16+$0xE800] =	vst v56  }
0x1bc: {  	s24 =	sor.u32 $0x100, s13;
	v0 =	vld.idx.msk [tilespmem:v57+s23+$0x0], $0xffff;
	[tilespmem:s25+$0xE800] =	vst v58  }
0x1bd: {  	s26 =	sor.u32 $0x100, s0;
	[tilespmem:s24+$0xE800] =	vst v6;
	v62 =	vld.idx.msk [tilespmem:v8+s23+$0x0], $0xffff  }
0x1be: {  	v61 =	vld.idx.msk [tilespmem:v11+s23+$0x0], $0xffff;
	[tilespmem:s26+$0xE800] =	vst v59  }
0x1bf: {  	[tilespmem:s11+$0xE800] =	vst v3;
	v63 =	vld.idx.msk [tilespmem:v60+s23+$0x0], $0xffff  }
0x1c0: {  	s2 =	sor.u32 $0x180, s12;
	[tilespmem:s15+$0xE800] =	vst v2  }
0x1c1: {  	s28 =	sor.u32 $0x180, s18;
	[tilespmem:s2+$0xE800] =	vst v0  }
0x1c2: {  	[tilespmem:s28+$0xE800] =	vst v62;
	s1 =	sor.u32 $0x180, s13  }
0x1c3: {  	s0 =	sor.u32 $0x180, s0;
	[tilespmem:s1+$0xE800] =	vst v61  }
0x1c4: {  	s29 =	simm.s32 $0xE800;
	s31 =	simm.s32 $0x200;
	[tilespmem:s0+$0xE800] =	vst v63  }
0x1c5: {  	[spmem:s10] =	stream.linear.scatter [tilespmem:s29], [sflag:$0x8], $0x2000, $0x38;
	[tilespmem:$0x12800] =	vst v63  }
0x1c6: {  	s12 =	simm.s32 $0x0;
	s13 =	simm.s32 $0x0;
	s30 =	rddreg [dreg:$0xc]  }
0x1c7: {  	[tilespmem:s23], [sflag:$0x4] =	stream.strided.gather [hbm4b:s30+s31], $0x2000, s19, s31, $0x38;
	[tilespmem:$0x12800] =	vst v63  }
.LBB2_10:
0x1c8: {  	s0 =	simm.s32 $0x1  }
0x1c9: {  	_ =	swait.ge [sflag:s0], $0x2000  }
0x1ca: {  	[sflag:s0] =	ssyncset.done $0x0  }
0x1cb: {  	s3 =	simm.s32 $0x5;
	[sflag:s0] =	ssyncadd.s32 $0xFFFFE000  }
0x1cc: {  	s28 =	sand.u32 $0x40, s12;
	_ =	swait.ge [sflag:s3], $0x2000  }
0x1cd: {  	s1 =	sand.u32 $0x780, s12;
	s2 =	sor.u32 $0x30, s28;
	[sflag:s3] =	ssyncset.done $0x0  }
0x1ce: {  	s14 =	sor.u32 s2, s1;
	[sflag:s3] =	ssyncadd.s32 $0xFFFFE000  }
0x1cf: {  	s7 =	sor.u32 $0x10, s28;
	v0 =	vld [tilespmem:s14+$0x0]  }
0x1d0: {  	s8 =	sor.u32 $0x20, s28;
	s15 =	sor.u32 s7, s1  }
0x1d1: {  	s1 =	sor.u32 s8, s1;
	v1 =	vld [tilespmem:s15+$0x0]  }
0x1d2: {  	v2 =	vld [tilespmem:s1+$0x0];
	_ =	sdelay $0x1  }
0x1d3: {  	v3 =	vshll.u32 v0, $0x2  }
0x1d4: {  	v0 =	vand.u32 $0x7F, v0;
	v3 =	vand.u32 $0xFFFFFE00, v3  }
0x1d5: {  	v0 =	vor.u32 v0, v3;
	v3 =	vshll.u32 v1, $0x2  }
0x1d6: {  	v4 =	vshll.u32 v2, $0x2;
	v1 =	vand.u32 $0x7F, v1;
	v3 =	vand.u32 $0xFFFFFE00, v3  }
0x1d7: {  	v2 =	vand.u32 $0x7F, v2;
	v1 =	vor.u32 v1, v3;
	v3 =	vand.u32 $0xFFFFFE00, v4  }
0x1d8: {  	v2 =	vor.u32 v2, v3  }
0x1d9: {  	s17 =	simm.s32 $0x0  }
0x1da: {  	s4 =	simm.s32 $0x40;
	v6 =	vld [tilespmem:s17+$0x0]  }
0x1db: {  	s3 =	sand.u32 $0x40, s4;
	v3 =	vld.idx.msk [tilespmem:v0+s20+$0x0], $0xffff  }
0x1dc: {  	s18 =	sand.u32 $0x780, s4;
	s24 =	sor.u32 $0x30, s3;
	v5 =	vld.idx.msk [tilespmem:v1+s20+$0x0], $0xffff  }
0x1dd: {  	s16 =	sand.u32 $0x1E00, s12;
	s9 =	sor.u32 s24, s18;
	v4 =	vor.u32 $0x80, v0;
	v7 =	vld.idx.msk [tilespmem:v2+s20+$0x0], $0xffff  }
0x1de: {  	s6 =	sadd.s32 $0x8800, s16;
	s11 =	sor.u32 $0x10, s3;
	v9 =	vld [tilespmem:s9+$0x0];
	v8 =	vor.u32 $0x80, v2  }
0x1df: {  	s1 =	sor.u32 s2, s6;
	s15 =	sor.u32 $0x20, s3;
	s14 =	sor.u32 s11, s18  }
0x1e0: {  	s7 =	sor.u32 s7, s6;
	s2 =	sor.u32 s15, s18;
	v10 =	vld [tilespmem:s14+$0x0];
	v11 =	vshll.u32 v6, $0x2;
	[tilespmem:s1+$0x0] =	vst v3;
	v3 =	vor.u32 $0x80, v1  }
0x1e1: {  	s8 =	sor.u32 s8, s6;
	v13 =	vld [tilespmem:s2+$0x0];
	v6 =	vand.u32 $0x7F, v6;
	v11 =	vand.u32 $0xFFFFFE00, v11;
	[tilespmem:s7+$0x0] =	vst v5  }
0x1e2: {  	v4 =	vld.idx.msk [tilespmem:v4+s20+$0x0], $0xffff;
	v5 =	vor.u32 v6, v11;
	[tilespmem:s8+$0x0] =	vst v7  }
0x1e3: {  	v12 =	vor.u32 $0x100, v0;
	v11 =	vshll.u32 v9, $0x2;
	v8 =	vld.idx.msk [tilespmem:v8+s20+$0x0], $0xffff  }
0x1e4: {  	v9 =	vand.u32 $0x7F, v9;
	v7 =	vor.u32 $0x100, v2;
	v11 =	vand.u32 $0xFFFFFE00, v11  }
0x1e5: {  	v9 =	vor.u32 v9, v11;
	v3 =	vld.idx.msk [tilespmem:v3+s20+$0x0], $0xffff  }
0x1e6: {  	v6 =	vor.u32 $0x100, v1  }
0x1e7: {  	p0 =	por $0x0, $0x0;
	v0 =	vor.u32 $0x180, v0;
	[tilespmem:s1+$0x80] =	vst v4;
	v4 =	vshll.u32 v10, $0x2;
	s1 =	simm.s32 $0x1;
	v14 =	vld.idx.msk [tilespmem:v5+s20+$0x0], $0xffff  }
0x1e8: {  	v11 =	vshll.u32 v13, $0x2;
	v10 =	vand.u32 $0x7F, v10;
	v12 =	vld.idx.msk [tilespmem:v12+s20+$0x0], $0xffff;
	v4 =	vand.u32 $0xFFFFFE00, v4;
	s1 =	simm.s32 @!p0 $0x0;
	[tilespmem:s8+$0x80] =	vst v8  }
0x1e9: {  	s9 =	sor.u32 s28, s6;
	s28 =	simm.s32 $0x80;
	v11 =	vand.u32 $0xFFFFFE00, v11;
	s1 =	sshll.u32 s1, $0x6;
	v4 =	vor.u32 v10, v4;
	v10 =	vand.u32 $0x7F, v13;
	v7 =	vld.idx.msk [tilespmem:v7+s20+$0x0], $0xffff  }
0x1ea: {  	s26 =	simm.s32 $0x40;
	s14 =	sand.u32 $0x40, s28;
	s1 =	sadd.s32 $0x0, s1;
	[tilespmem:s7+$0x80] =	vst v3;
	v3 =	vor.u32 v10, v11;
	v10 =	vld.idx.msk [tilespmem:v9+s20+$0x0], $0xffff  }
0x1eb: {  	s6 =	sor.u32 $0x30, s14;
	v8 =	vor.u32 $0x80, v5;
	s2 =	sadd.s32 $0x30, s1;
	s7 =	sand.u32 $0x780, s28;
	v6 =	vld.idx.msk [tilespmem:v6+s20+$0x0], $0xffff  }
0x1ec: {  	s5 =	sor.u32 $0x100, s2;
	s18 =	sor.u32 s6, s7;
	[tilespmem:s9+$0x0] =	vst v14;
	v14 =	vld [tilespmem:s26+$0x0]  }
0x1ed: {  	s8 =	simm.s32 $0x100;
	[tilespmem:s5+$0x8800] =	vst v12;
	v16 =	vld [tilespmem:s18+$0x0]  }
0x1ee: {  	s25 =	sand.u32 $0x1E00, s8;
	v11 =	vld.idx.msk [tilespmem:v0+s20+$0x0], $0xffff;
	v0 =	vor.u32 $0x80, v9  }
0x1ef: {  	v1 =	vor.u32 $0x180, v1;
	s0 =	sadd.s32 $0x8800, s25;
	v12 =	vld.idx.msk [tilespmem:v4+s20+$0x0], $0xffff  }
0x1f0: {  	s17 =	sor.u32 $0x10, s14;
	s16 =	sadd.s32 $0x10, s1;
	s5 =	sor.u32 s24, s0;
	v8 =	vld.idx.msk [tilespmem:v8+s20+$0x0], $0xffff  }
0x1f1: {  	s25 =	sor.u32 s17, s7;
	s24 =	sor.u32 $0x100, s16;
	v13 =	vld.idx.msk [tilespmem:v3+s20+$0x0], $0xffff;
	[tilespmem:s5+$0x0] =	vst v10;
	v10 =	vor.u32 $0x80, v4  }
0x1f2: {  	v15 =	vor.u32 $0x80, v3;
	[tilespmem:s24+$0x8800] =	vst v6;
	v6 =	vld [tilespmem:s25+$0x0]  }
0x1f3: {  	s4 =	sor.u32 $0x20, s14;
	v17 =	vor.u32 $0x100, v5;
	v0 =	vld.idx.msk [tilespmem:v0+s20+$0x0], $0xffff  }
0x1f4: {  	v19 =	vor.u32 $0x100, v9;
	s7 =	sor.u32 s4, s7;
	s11 =	sor.u32 s11, s0;
	v18 =	vld.idx.msk [tilespmem:v1+s20+$0x0], $0xffff;
	v1 =	vshll.u32 v14, $0x2  }
0x1f5: {  	v2 =	vor.u32 $0x180, v2;
	s15 =	sor.u32 s15, s0;
	v20 =	vld [tilespmem:s7+$0x0];
	v14 =	vand.u32 $0x7F, v14;
	v1 =	vand.u32 $0xFFFFFE00, v1;
	[tilespmem:s11+$0x0] =	vst v12  }
0x1f6: {  	v12 =	vor.u32 v14, v1;
	v1 =	vld.idx.msk [tilespmem:v10+s20+$0x0], $0xffff;
	[tilespmem:s15+$0x0] =	vst v13  }
0x1f7: {  	s25 =	sadd.s32 $0x20, s1;
	v14 =	vor.u32 $0x100, v3;
	[tilespmem:s9+$0x80] =	vst v8;
	v8 =	vshll.u32 v16, $0x2;
	v10 =	vor.u32 $0x100, v4;
	v15 =	vld.idx.msk [tilespmem:v15+s20+$0x0], $0xffff  }
0x1f8: {  	p0 =	por !p0, !p0;
	s26 =	sor.u32 $0x100, s25;
	s9 =	simm.s32 $0x1;
	v21 =	vld.idx.msk [tilespmem:v17+s20+$0x0], $0xffff;
	v13 =	vand.u32 $0x7F, v16;
	v8 =	vand.u32 $0xFFFFFE00, v8;
	[tilespmem:s5+$0x80] =	vst v0;
	v0 =	vshll.u32 v6, $0x2  }
0x1f9: {  	s2 =	sor.u32 $0x180, s2;
	[tilespmem:s26+$0x8800] =	vst v7;
	s9 =	simm.s32 @!p0 $0x0;
	v7 =	vld.idx.msk [tilespmem:v19+s20+$0x0], $0xffff;
	v16 =	vand.u32 $0xFFFFFE00, v0;
	v0 =	vor.u32 v13, v8  }
0x1fa: {  	[tilespmem:s2+$0x8800] =	vst v11;
	s28 =	sshll.u32 s9, $0x6;
	v8 =	vshll.u32 v20, $0x2;
	v19 =	vld.idx.msk [tilespmem:v2+s20+$0x0], $0xffff;
	v2 =	vand.u32 $0x7F, v6;
	v6 =	vor.u32 $0x180, v9  }
0x1fb: {  	s18 =	sor.u32 $0x180, s16;
	s29 =	sor.u32 s3, s0;
	s2 =	sadd.s32 $0x100, s28;
	v22 =	vld.idx.msk [tilespmem:v12+s20+$0x0], $0xffff;
	v8 =	vand.u32 $0xFFFFFE00, v8;
	v23 =	vor.u32 v2, v16;
	v2 =	vand.u32 $0x7F, v20;
	[tilespmem:s11+$0x80] =	vst v1  }
0x1fc: {  	s3 =	simm.s32 $0x200;
	s24 =	sor.u32 $0x180, s1;
	s30 =	sadd.s32 $0x30, s2;
	v20 =	vor.u32 v2, v8;
	v13 =	vld.idx.msk [tilespmem:v10+s20+$0x0], $0xffff;
	[tilespmem:s15+$0x80] =	vst v15  }
0x1fd: {  	s7 =	sor.u32 $0x180, s25;
	v3 =	vor.u32 $0x180, v3;
	[tilespmem:s18+$0x8800] =	vst v18;
	s5 =	sor.u32 $0x100, s1;
	s26 =	sor.u32 $0x100, s30;
	v14 =	vld.idx.msk [tilespmem:v14+s20+$0x0], $0xffff  }
0x1fe: {  	v4 =	vor.u32 $0x180, v4;
	s1 =	simm.s32 $0x8;
	s25 =	sadd.s32 $0x10, s2;
	s28 =	sadd.s32 $0x20, s2;
	v9 =	vor.u32 $0x80, v12;
	v1 =	vor.u32 $0x180, v5;
	v17 =	vld.idx.msk [tilespmem:v0+s20+$0x0], $0xffff;
	[tilespmem:s26+$0x8800] =	vst v7  }
0x1ff: {  	s0 =	sor.u32 $0x100, s25;
	s31 =	sor.u32 $0x100, s28;
	s16 =	sor.u32 $0x180, s25;
	v5 =	vor.u32 $0x100, v12;
	[tilespmem:s5+$0x8800] =	vst v21;
	v2 =	vor.u32 $0x180, v12;
	v10 =	vor.u32 $0x80, v23;
	v16 =	vld.idx.msk [tilespmem:v6+s20+$0x0], $0xffff  }
0x200: {  	s25 =	simm.s32 $0xC0;
	s11 =	sor.u32 $0x180, s28;
	v11 =	vor.u32 $0x180, v23;
	s15 =	sor.u32 $0x180, s2;
	v12 =	vor.u32 $0x80, v20;
	[tilespmem:s7+$0x8800] =	vst v19;
	v19 =	vor.u32 $0x80, v0;
	v15 =	vld.idx.msk [tilespmem:v23+s20+$0x0], $0xffff  }
0x201: {  	v8 =	vor.u32 $0x180, v20;
	s26 =	sor.u32 $0x100, s2;
	v7 =	vor.u32 $0x100, v20;
	[tilespmem:s29+$0x0] =	vst v22;
	s7 =	simm.s32 $0x80;
	s2 =	sand.u32 $0x1E00, s3;
	v6 =	vor.u32 $0x100, v23;
	v18 =	vld.idx.msk [tilespmem:v20+s20+$0x0], $0xffff  }
.LBB2_11:
0x202: {  	s8 =	sand.u32 $0x780, s25;
	v20 =	vld [tilespmem:s7+$0x0];
	s2 =	sadd.s32 $0x8800, s2;
	[tilespmem:s0+$0x8800] =	vst v13;
	s28 =	smov.u32 s24  }
0x203: {  	s0 =	sand.u32 $0x40, s25;
	s1 =	sadd.s32 $0x4, s1;
	s7 =	sor.u32 s6, s2;
	v13 =	vld.idx.msk [tilespmem:v9+s20+$0x0], $0xffff;
	[tilespmem:s31+$0x8800] =	vst v14  }
0x204: {  	s9 =	sor.u32 $0x180, s30;
	s6 =	sor.u32 $0x30, s0;
	p1 =	slt.u32 s1, $0x7C;
	[tilespmem:s7+$0x0] =	vst v17;
	v14 =	vld.idx.msk [tilespmem:v4+s20+$0x0], $0xffff;
	v4 =	vmov v11  }
0x205: {  	s24 =	sor.u32 $0x10, s0;
	s30 =	sor.u32 $0x20, s0;
	s31 =	sor.u32 s6, s8;
	v11 =	vld.idx.msk [tilespmem:v19+s20+$0x0], $0xffff;
	[tilespmem:s9+$0x8800] =	vst v16  }
0x206: {  	s9 =	sor.u32 s24, s8;
	s8 =	sor.u32 s30, s8;
	v16 =	vld [tilespmem:s31+$0x0];
	s31 =	sor.u32 s14, s2  }
0x207: {  	s14 =	smov.u32 s0;
	v17 =	vld [tilespmem:s9+$0x0];
	v9 =	vand.u32 $0x7F, v20;
	v19 =	vshll.u32 v20, $0x2;
	s9 =	sor.u32 s17, s2;
	s2 =	sor.u32 s4, s2;
	v20 =	vor.u32 $0x100, v0  }
0x208: {  	s17 =	smov.u32 s24;
	s4 =	smov.u32 s30;
	s24 =	smov.u32 s15;
	v21 =	vld [tilespmem:s8+$0x0];
	v19 =	vand.u32 $0xFFFFFE00, v19;
	[tilespmem:s9+$0x0] =	vst v15  }
0x209: {  	v15 =	vor.u32 v9, v19;
	v10 =	vld.idx.msk [tilespmem:v10+s20+$0x0], $0xffff;
	[tilespmem:s2+$0x0] =	vst v18  }
0x20a: {  	v9 =	vor.u32 $0x80, v15;
	v18 =	vor.u32 $0x100, v15;
	v19 =	vor.u32 $0x180, v15;
	v12 =	vld.idx.msk [tilespmem:v12+s20+$0x0], $0xffff;
	[tilespmem:s29+$0x80] =	vst v13;
	s29 =	smov.u32 s31  }
0x20b: {  	p0 =	por !p0, !p0;
	s0 =	simm.s32 $0x1;
	v13 =	vshll.u32 v16, $0x2;
	[tilespmem:s7+$0x80] =	vst v11;
	v22 =	vld.idx.msk [tilespmem:v5+s20+$0x0], $0xffff;
	v5 =	vmov v18  }
0x20c: {  	s0 =	simm.s32 @!p0 $0x0;
	v16 =	vand.u32 $0x7F, v16;
	v11 =	vshll.u32 v17, $0x2;
	v13 =	vand.u32 $0xFFFFFE00, v13;
	v18 =	vld.idx.msk [tilespmem:v20+s20+$0x0], $0xffff;
	[tilespmem:s16+$0x8800] =	vst v14  }
0x20d: {  	s0 =	sshll.u32 s0, $0x6;
	v11 =	vand.u32 $0xFFFFFE00, v11;
	v14 =	vshll.u32 v21, $0x2;
	v16 =	vor.u32 v16, v13;
	v20 =	vld.idx.msk [tilespmem:v3+s20+$0x0], $0xffff;
	v3 =	vmovc v8  }
0x20e: {  	s7 =	sadd.s32 s0, s3;
	v8 =	vand.u32 $0x7F, v17;
	v13 =	vand.u32 $0xFFFFFE00, v14;
	v23 =	vld.idx.msk [tilespmem:v15+s20+$0x0], $0xffff;
	v15 =	vor.u32 $0x180, v0;
	v0 =	vmovc v16  }
0x20f: {  	s8 =	sadd.s32 $0x10, s7;
	v24 =	vor.u32 v8, v11;
	v8 =	vand.u32 $0x7F, v21;
	[tilespmem:s9+$0x80] =	vst v10;
	v21 =	vld.idx.msk [tilespmem:v1+s20+$0x0], $0xffff;
	v1 =	vmovc v2;
	v2 =	vmov v19  }
0x210: {  	s30 =	sadd.s32 $0x30, s7;
	s0 =	sor.u32 $0x100, s8;
	v10 =	vor.u32 $0x80, v24;
	v25 =	vor.u32 v8, v13;
	v13 =	vld.idx.msk [tilespmem:v6+s20+$0x0], $0xffff;
	v6 =	vor.u32 $0x100, v24;
	[tilespmem:s2+$0x80] =	vst v12;
	s2 =	sadd.s32 $0x20, s7  }
.Ltmp4:
0x211: {  	v11 =	vor.u32 $0x180, v24;
	s9 =	sor.u32 $0x100, s30;
	v12 =	vor.u32 $0x80, v25;
	v14 =	vld.idx.msk [tilespmem:v7+s20+$0x0], $0xffff;
	v7 =	vor.u32 $0x100, v25;
	s31 =	sor.u32 $0x100, s2;
	[tilespmem:s26+$0x8800] =	vst v22;
	(pc) =	sbr.rel @p1 .LBB2_11-.Ltmp4, $4  }
0x212: {  	s16 =	sor.u32 $0x180, s8;
	v8 =	vor.u32 $0x180, v25;
	s26 =	sor.u32 $0x100, s7;
	s2 =	sor.u32 $0x180, s2;
	v17 =	vld.idx.msk [tilespmem:v16+s20+$0x0], $0xffff;
	[tilespmem:s9+$0x8800] =	vst v18  }
0x213: {  	s15 =	sor.u32 $0x180, s7;
	v16 =	vld.idx.msk [tilespmem:v15+s20+$0x0], $0xffff;
	[tilespmem:s11+$0x8800] =	vst v20;
	s11 =	smov.u32 s2  }
0x214: {  	s3 =	sadd.s32 $0x100, s3;
	v19 =	vor.u32 $0x80, v0;
	v15 =	vld.idx.msk [tilespmem:v24+s20+$0x0], $0xffff;
	[tilespmem:s29+$0x0] =	vst v23  }
0x215: {  	s25 =	sadd.s32 $0x40, s25;
	s7 =	sshra.s32 s3, $0x2;
	s2 =	sand.u32 $0x1E00, s3;
	v18 =	vld.idx.msk [tilespmem:v25+s20+$0x0], $0xffff;
	[tilespmem:s28+$0x8800] =	vst v21  }
0x216: {  	v20 =	vld [tilespmem:s7+$0x0];
	_ =	sdelay $0x4  }
0x217: {  	v21 =	vshll.u32 v20, $0x2  }
0x218: {  	v20 =	vand.u32 $0x7F, v20;
	v21 =	vand.u32 $0xFFFFFE00, v21  }
0x219: {  	v20 =	vor.u32 v20, v21;
	_ =	sdelay $0x3  }
0x21a: {  	s1 =	sadd.s32 $0x8800, s2;
	[tilespmem:s0+$0x8800] =	vst v13  }
0x21b: {  	[tilespmem:s31+$0x8800] =	vst v14;
	s8 =	sor.u32 s6, s1;
	v13 =	vld.idx.msk [tilespmem:v20+s20+$0x0], $0xffff  }
0x21c: {  	v9 =	vld.idx.msk [tilespmem:v9+s20+$0x0], $0xffff;
	s4 =	sor.u32 s4, s1;
	[tilespmem:s8+$0x0] =	vst v17;
	v14 =	vor.u32 $0x80, v20  }
0x21d: {  	s2 =	sor.u32 s17, s1;
	v4 =	vld.idx.msk [tilespmem:v4+s20+$0x0], $0xffff;
	[tilespmem:s4+$0x0] =	vst v18  }
0x21e: {  	s9 =	sor.u32 $0x180, s30;
	[tilespmem:s2+$0x0] =	vst v15;
	v12 =	vld.idx.msk [tilespmem:v12+s20+$0x0], $0xffff  }
0x21f: {  	s1 =	sor.u32 s14, s1;
	[tilespmem:s9+$0x8800] =	vst v16;
	v10 =	vld.idx.msk [tilespmem:v10+s20+$0x0], $0xffff  }
0x220: {  	v17 =	vld.idx.msk [tilespmem:v19+s20+$0x0], $0xffff;
	[tilespmem:s1+$0x0] =	vst v13  }
0x221: {  	v15 =	vor.u32 $0x100, v0;
	[tilespmem:s29+$0x80] =	vst v9;
	v9 =	vld.idx.msk [tilespmem:v14+s20+$0x0], $0xffff  }
0x222: {  	v5 =	vld.idx.msk [tilespmem:v5+s20+$0x0], $0xffff;
	[tilespmem:s16+$0x8800] =	vst v4;
	v13 =	vor.u32 $0x100, v20  }
0x223: {  	p0 =	por !p0, !p0;
	s0 =	simm.s32 $0x1;
	v3 =	vld.idx.msk [tilespmem:v3+s20+$0x0], $0xffff;
	[tilespmem:s4+$0x80] =	vst v12  }
0x224: {  	s0 =	simm.s32 @!p0 $0x0;
	[tilespmem:s2+$0x80] =	vst v10;
	v4 =	vld.idx.msk [tilespmem:v7+s20+$0x0], $0xffff  }
0x225: {  	s0 =	sshll.u32 s0, $0x6;
	[tilespmem:s8+$0x80] =	vst v17;
	v6 =	vld.idx.msk [tilespmem:v6+s20+$0x0], $0xffff  }
0x226: {  	s0 =	sadd.s32 s0, s3;
	v14 =	vld.idx.msk [tilespmem:v15+s20+$0x0], $0xffff;
	[tilespmem:s1+$0x80] =	vst v9  }
0x227: {  	v0 =	vor.u32 $0x180, v0;
	[tilespmem:s26+$0x8800] =	vst v5;
	s26 =	sadd.s32 $0x20, s0;
	v5 =	vld.idx.msk [tilespmem:v13+s20+$0x0], $0xffff  }
0x228: {  	v1 =	vld.idx.msk [tilespmem:v1+s20+$0x0], $0xffff;
	s18 =	sadd.s32 $0x10, s0;
	[tilespmem:s11+$0x8800] =	vst v3;
	v7 =	vor.u32 $0x180, v20;
	s5 =	sor.u32 $0x100, s26  }
0x229: {  	s17 =	sadd.s32 $0x30, s0;
	s30 =	sor.u32 $0x100, s18;
	v2 =	vld.idx.msk [tilespmem:v2+s20+$0x0], $0xffff;
	[tilespmem:s5+$0x8800] =	vst v4  }
0x22a: {  	s25 =	sor.u32 $0x100, s17;
	[tilespmem:s30+$0x8800] =	vst v6;
	v3 =	vld.idx.msk [tilespmem:v8+s20+$0x0], $0xffff  }
0x22b: {  	s7 =	sor.u32 $0x100, s0;
	v4 =	vld.idx.msk [tilespmem:v11+s20+$0x0], $0xffff;
	[tilespmem:s25+$0x8800] =	vst v14  }
0x22c: {  	v0 =	vld.idx.msk [tilespmem:v0+s20+$0x0], $0xffff;
	[tilespmem:s7+$0x8800] =	vst v5  }
0x22d: {  	[tilespmem:s24+$0x8800] =	vst v1;
	v1 =	vld.idx.msk [tilespmem:v7+s20+$0x0], $0xffff  }
0x22e: {  	s8 =	sor.u32 $0x180, s26;
	[tilespmem:s15+$0x8800] =	vst v2  }
0x22f: {  	[tilespmem:s8+$0x8800] =	vst v3;
	s1 =	sor.u32 $0x180, s18  }
0x230: {  	s2 =	sor.u32 $0x180, s17;
	[tilespmem:s1+$0x8800] =	vst v4  }
0x231: {  	s0 =	sor.u32 $0x180, s0;
	[tilespmem:s2+$0x8800] =	vst v0  }
0x232: {  	s9 =	simm.s32 $0x8800;
	[tilespmem:s0+$0x8800] =	vst v1  }
0x233: {  	[spmem:s10] =	stream.linear.scatter [tilespmem:s9], [sflag:$0x5], $0x2000, $0x38;
	[tilespmem:$0x12800] =	vst v63  }
0x234: {  	s14 =	sshll.u32 s13, $0x4;
	s11 =	rddreg [dreg:$0xd]  }
0x235: {  	s0 =	sadd.s32 s14, s11  }
0x236: {  	s15 =	rddreg [dreg:$0x0];
	s17 =	sshll.u32 s0, $0x8  }
0x237: {  	s16 =	simm.s32 $0x200;
	s18 =	simm.s32 $0x2;
	s0 =	sadd.s32 s15, s17  }
0x238: {  	[tilespmem:s20], [sflag:$0x1] =	stream.strided.gather [hbm4b:s0+s16], $0x2000, s19, s16, $0x38;
	[tilespmem:$0x12800] =	vst v63  }
0x239: {  	_ =	swait.ge [sflag:s18], $0x2000  }
0x23a: {  	[sflag:s18] =	ssyncset.done $0x0  }
0x23b: {  	s24 =	simm.s32 $0x0;
	s25 =	simm.s32 $0x6;
	[sflag:s18] =	ssyncadd.s32 $0xFFFFE000  }
0x23c: {  	s0 =	sand.u32 $0x40, s24;
	_ =	swait.ge [sflag:s25], $0x2000  }
0x23d: {  	s26 =	sand.u32 $0x780, s24;
	s30 =	sor.u32 $0x30, s0;
	[sflag:s25] =	ssyncset.done $0x0  }
0x23e: {  	s5 =	sor.u32 s30, s26;
	[sflag:s25] =	ssyncadd.s32 $0xFFFFE000  }
0x23f: {  	s6 =	sor.u32 $0x10, s0;
	v0 =	vld [tilespmem:s5+$0x0]  }
0x240: {  	s8 =	sor.u32 $0x20, s0;
	s16 =	sor.u32 s6, s26  }
0x241: {  	s2 =	sor.u32 s8, s26;
	v1 =	vld [tilespmem:s16+$0x0]  }
0x242: {  	v2 =	vld [tilespmem:s2+$0x0];
	_ =	sdelay $0x1  }
0x243: {  	v3 =	vshll.u32 v0, $0x2  }
0x244: {  	v0 =	vand.u32 $0x7F, v0;
	v3 =	vand.u32 $0xFFFFFE00, v3  }
0x245: {  	v0 =	vor.u32 v0, v3;
	v3 =	vshll.u32 v1, $0x2  }
0x246: {  	v4 =	vshll.u32 v2, $0x2;
	v1 =	vand.u32 $0x7F, v1;
	v3 =	vand.u32 $0xFFFFFE00, v3  }
0x247: {  	v2 =	vand.u32 $0x7F, v2;
	v1 =	vor.u32 v1, v3;
	v3 =	vand.u32 $0xFFFFFE00, v4  }
0x248: {  	s1 =	sand.u32 $0x1E00, s24;
	s24 =	simm.s32 $0x40;
	v2 =	vor.u32 v2, v3  }
0x249: {  	s18 =	simm.s32 $0x0;
	s25 =	sadd.s32 $0xA800, s1;
	s1 =	sand.u32 $0x40, s24  }
0x24a: {  	v6 =	vld [tilespmem:s18+$0x0];
	s26 =	sor.u32 s30, s25;
	s30 =	sand.u32 $0x780, s24;
	s4 =	sor.u32 $0x30, s1  }
0x24b: {  	s9 =	sor.u32 s4, s30;
	v3 =	vld.idx.msk [tilespmem:v0+s21+$0x0], $0xffff  }
0x24c: {  	v9 =	vld [tilespmem:s9+$0x0];
	v4 =	vor.u32 $0x80, v0  }
0x24d: {  	v7 =	vld.idx.msk [tilespmem:v2+s21+$0x0], $0xffff  }
0x24e: {  	s15 =	sor.u32 $0x10, s1;
	v8 =	vor.u32 $0x80, v2;
	v5 =	vld.idx.msk [tilespmem:v1+s21+$0x0], $0xffff  }
0x24f: {  	s5 =	sor.u32 s15, s30  }
0x250: {  	s16 =	sor.u32 $0x20, s1;
	v10 =	vld [tilespmem:s5+$0x0];
	[tilespmem:s26+$0x0] =	vst v3;
	v3 =	vor.u32 $0x80, v1  }
0x251: {  	s8 =	sor.u32 s8, s25;
	s3 =	sor.u32 s16, s30;
	v11 =	vshll.u32 v6, $0x2;
	v4 =	vld.idx.msk [tilespmem:v4+s21+$0x0], $0xffff  }
0x252: {  	s7 =	sor.u32 s6, s25;
	v13 =	vld [tilespmem:s3+$0x0];
	v6 =	vand.u32 $0x7F, v6;
	v11 =	vand.u32 $0xFFFFFE00, v11;
	v12 =	vor.u32 $0x100, v0;
	[tilespmem:s8+$0x0] =	vst v7  }
0x253: {  	[tilespmem:s7+$0x0] =	vst v5;
	v5 =	vor.u32 v6, v11;
	v11 =	vshll.u32 v9, $0x2;
	v8 =	vld.idx.msk [tilespmem:v8+s21+$0x0], $0xffff  }
0x254: {  	v9 =	vand.u32 $0x7F, v9;
	v7 =	vor.u32 $0x100, v2;
	v11 =	vand.u32 $0xFFFFFE00, v11  }
0x255: {  	v9 =	vor.u32 v9, v11;
	v3 =	vld.idx.msk [tilespmem:v3+s21+$0x0], $0xffff  }
0x256: {  	p0 =	por $0x0, $0x0;
	s2 =	simm.s32 $0x1;
	v6 =	vor.u32 $0x100, v1;
	[tilespmem:s26+$0x80] =	vst v4  }
0x257: {  	s24 =	simm.s32 $0x100;
	s2 =	simm.s32 @!p0 $0x0;
	v0 =	vor.u32 $0x180, v0;
	v4 =	vshll.u32 v10, $0x2;
	v12 =	vld.idx.msk [tilespmem:v12+s21+$0x0], $0xffff  }
0x258: {  	s0 =	sor.u32 s0, s25;
	s30 =	simm.s32 $0x80;
	s2 =	sshll.u32 s2, $0x6;
	v11 =	vshll.u32 v13, $0x2;
	v10 =	vand.u32 $0x7F, v10;
	v4 =	vand.u32 $0xFFFFFE00, v4;
	v14 =	vld.idx.msk [tilespmem:v5+s21+$0x0], $0xffff;
	[tilespmem:s8+$0x80] =	vst v8  }
0x259: {  	s25 =	sand.u32 $0x1E00, s24;
	s6 =	sand.u32 $0x40, s30;
	s3 =	sadd.s32 $0x0, s2;
	v11 =	vand.u32 $0xFFFFFE00, v11;
	v4 =	vor.u32 v10, v4;
	v10 =	vand.u32 $0x7F, v13;
	v7 =	vld.idx.msk [tilespmem:v7+s21+$0x0], $0xffff  }
0x25a: {  	s24 =	sor.u32 $0x30, s6;
	s2 =	sadd.s32 $0x30, s3;
	s8 =	sand.u32 $0x780, s30;
	[tilespmem:s7+$0x80] =	vst v3;
	v3 =	vor.u32 v10, v11;
	v10 =	vld.idx.msk [tilespmem:v9+s21+$0x0], $0xffff  }
0x25b: {  	s18 =	sor.u32 $0x100, s2;
	v8 =	vor.u32 $0x80, v5;
	s5 =	sor.u32 s24, s8;
	v6 =	vld.idx.msk [tilespmem:v6+s21+$0x0], $0xffff  }
0x25c: {  	s26 =	simm.s32 $0x40;
	v16 =	vld [tilespmem:s5+$0x0];
	[tilespmem:s18+$0xA800] =	vst v12  }
0x25d: {  	[tilespmem:s0+$0x0] =	vst v14;
	v14 =	vld [tilespmem:s26+$0x0]  }
0x25e: {  	v11 =	vld.idx.msk [tilespmem:v0+s21+$0x0], $0xffff;
	v0 =	vor.u32 $0x80, v9  }
0x25f: {  	s25 =	sadd.s32 $0xA800, s25;
	v1 =	vor.u32 $0x180, v1;
	v12 =	vld.idx.msk [tilespmem:v4+s21+$0x0], $0xffff  }
0x260: {  	s9 =	sadd.s32 $0x10, s3;
	s7 =	sor.u32 s4, s25;
	s4 =	sor.u32 $0x10, s6;
	v8 =	vld.idx.msk [tilespmem:v8+s21+$0x0], $0xffff  }
0x261: {  	s28 =	sor.u32 s4, s8;
	s18 =	sor.u32 $0x100, s9;
	v13 =	vld.idx.msk [tilespmem:v3+s21+$0x0], $0xffff;
	[tilespmem:s7+$0x0] =	vst v10;
	v10 =	vor.u32 $0x80, v4  }
0x262: {  	v15 =	vor.u32 $0x80, v3;
	[tilespmem:s18+$0xA800] =	vst v6;
	v6 =	vld [tilespmem:s28+$0x0]  }
0x263: {  	s11 =	sor.u32 $0x20, s6;
	v17 =	vor.u32 $0x100, v5;
	v0 =	vld.idx.msk [tilespmem:v0+s21+$0x0], $0xffff  }
0x264: {  	s15 =	sor.u32 s15, s25;
	v19 =	vor.u32 $0x100, v9;
	s8 =	sor.u32 s11, s8;
	v18 =	vld.idx.msk [tilespmem:v1+s21+$0x0], $0xffff;
	v1 =	vshll.u32 v14, $0x2  }
0x265: {  	s16 =	sor.u32 s16, s25;
	v2 =	vor.u32 $0x180, v2;
	v20 =	vld [tilespmem:s8+$0x0];
	v14 =	vand.u32 $0x7F, v14;
	v1 =	vand.u32 $0xFFFFFE00, v1;
	[tilespmem:s15+$0x0] =	vst v12  }
0x266: {  	v12 =	vor.u32 v14, v1;
	v1 =	vld.idx.msk [tilespmem:v10+s21+$0x0], $0xffff;
	[tilespmem:s16+$0x0] =	vst v13  }
0x267: {  	s8 =	sadd.s32 $0x20, s3;
	v14 =	vor.u32 $0x100, v3;
	[tilespmem:s0+$0x80] =	vst v8;
	v8 =	vshll.u32 v16, $0x2;
	v10 =	vor.u32 $0x100, v4;
	v15 =	vld.idx.msk [tilespmem:v15+s21+$0x0], $0xffff  }
0x268: {  	p0 =	por !p0, !p0;
	s30 =	sor.u32 $0x100, s8;
	v63 =	vld.idx.msk [tilespmem:v17+s21+$0x0], $0xffff;
	v13 =	vand.u32 $0x7F, v16;
	v8 =	vand.u32 $0xFFFFFE00, v8;
	[tilespmem:s7+$0x80] =	vst v0;
	v0 =	vshll.u32 v6, $0x2;
	s7 =	simm.s32 $0x1  }
0x269: {  	s5 =	sor.u32 $0x180, s2;
	[tilespmem:s30+$0xA800] =	vst v7;
	v7 =	vld.idx.msk [tilespmem:v19+s21+$0x0], $0xffff;
	v16 =	vand.u32 $0xFFFFFE00, v0;
	v0 =	vor.u32 v13, v8;
	s7 =	simm.s32 @!p0 $0x0  }
0x26a: {  	[tilespmem:s5+$0xA800] =	vst v11;
	v8 =	vshll.u32 v20, $0x2;
	v19 =	vld.idx.msk [tilespmem:v2+s21+$0x0], $0xffff;
	v2 =	vand.u32 $0x7F, v6;
	v6 =	vor.u32 $0x180, v9;
	s18 =	sshll.u32 s7, $0x6  }
0x26b: {  	s29 =	sor.u32 $0x180, s3;
	s30 =	sor.u32 $0x180, s9;
	v22 =	vld.idx.msk [tilespmem:v12+s21+$0x0], $0xffff;
	v8 =	vand.u32 $0xFFFFFE00, v8;
	v23 =	vor.u32 v2, v16;
	v2 =	vand.u32 $0x7F, v20;
	[tilespmem:s15+$0x80] =	vst v1;
	s9 =	sadd.s32 $0x100, s18  }
0x26c: {  	s26 =	sor.u32 $0x100, s3;
	s3 =	sor.u32 s1, s25;
	v20 =	vor.u32 v2, v8;
	v13 =	vld.idx.msk [tilespmem:v10+s21+$0x0], $0xffff;
	[tilespmem:s16+$0x80] =	vst v15;
	s0 =	sadd.s32 $0x30, s9  }
0x26d: {  	s1 =	simm.s32 $0x200;
	s8 =	sor.u32 $0x180, s8;
	v3 =	vor.u32 $0x180, v3;
	[tilespmem:s30+$0xA800] =	vst v18;
	v14 =	vld.idx.msk [tilespmem:v14+s21+$0x0], $0xffff;
	s18 =	sor.u32 $0x100, s0  }
0x26e: {  	s28 =	simm.s32 $0xC0;
	v4 =	vor.u32 $0x180, v4;
	v9 =	vor.u32 $0x80, v12;
	v1 =	vor.u32 $0x180, v5;
	s15 =	simm.s32 $0x8;
	s5 =	sadd.s32 $0x10, s9;
	v17 =	vld.idx.msk [tilespmem:v0+s21+$0x0], $0xffff;
	[tilespmem:s18+$0xA800] =	vst v7  }
0x26f: {  	v5 =	vor.u32 $0x100, v12;
	[tilespmem:s26+$0xA800] =	vst v63;
	v2 =	vor.u32 $0x180, v12;
	v10 =	vor.u32 $0x80, v23;
	s30 =	sadd.s32 $0x20, s9;
	s31 =	sor.u32 $0x100, s9;
	s16 =	sor.u32 $0x180, s9;
	v16 =	vld.idx.msk [tilespmem:v6+s21+$0x0], $0xffff  }
0x270: {  	v11 =	vor.u32 $0x180, v23;
	v12 =	vor.u32 $0x80, v20;
	s9 =	simm.s32 $0x80;
	s2 =	sor.u32 $0x100, s5;
	s7 =	sor.u32 $0x100, s30;
	[tilespmem:s8+$0xA800] =	vst v19;
	v19 =	vor.u32 $0x80, v0;
	v15 =	vld.idx.msk [tilespmem:v23+s21+$0x0], $0xffff  }
0x271: {  	v8 =	vor.u32 $0x180, v20;
	s25 =	sor.u32 $0x180, s5;
	s26 =	sor.u32 $0x180, s30;
	v7 =	vor.u32 $0x100, v20;
	[tilespmem:s3+$0x0] =	vst v22;
	s8 =	sand.u32 $0x1E00, s1;
	v6 =	vor.u32 $0x100, v23;
	v18 =	vld.idx.msk [tilespmem:v20+s21+$0x0], $0xffff  }
.LBB2_13:
0x272: {  	s5 =	sand.u32 $0x780, s28;
	v20 =	vld [tilespmem:s9+$0x0];
	s8 =	sadd.s32 $0xA800, s8;
	[tilespmem:s2+$0xA800] =	vst v13;
	s30 =	smov.u32 s29  }
0x273: {  	s2 =	sand.u32 $0x40, s28;
	s15 =	sadd.s32 $0x4, s15;
	s9 =	sor.u32 s24, s8;
	v13 =	vld.idx.msk [tilespmem:v9+s21+$0x0], $0xffff;
	[tilespmem:s7+$0xA800] =	vst v14  }
0x274: {  	s0 =	sor.u32 $0x180, s0;
	s24 =	sor.u32 $0x30, s2;
	p1 =	slt.u32 s15, $0x7C;
	[tilespmem:s9+$0x0] =	vst v17;
	v14 =	vld.idx.msk [tilespmem:v4+s21+$0x0], $0xffff;
	v4 =	vmov v11  }
0x275: {  	s7 =	sor.u32 $0x10, s2;
	s29 =	sor.u32 $0x20, s2;
	s18 =	sor.u32 s24, s5;
	v11 =	vld.idx.msk [tilespmem:v19+s21+$0x0], $0xffff;
	[tilespmem:s0+$0xA800] =	vst v16  }
0x276: {  	s0 =	sor.u32 s7, s5;
	s5 =	sor.u32 s29, s5;
	v16 =	vld [tilespmem:s18+$0x0];
	s18 =	sor.u32 s6, s8  }
0x277: {  	s6 =	smov.u32 s2;
	v17 =	vld [tilespmem:s0+$0x0];
	v9 =	vand.u32 $0x7F, v20;
	v19 =	vshll.u32 v20, $0x2;
	s0 =	sor.u32 s4, s8;
	s8 =	sor.u32 s11, s8;
	v20 =	vor.u32 $0x100, v0  }
0x278: {  	s4 =	smov.u32 s7;
	s11 =	smov.u32 s29;
	s29 =	smov.u32 s16;
	v21 =	vld [tilespmem:s5+$0x0];
	v19 =	vand.u32 $0xFFFFFE00, v19;
	[tilespmem:s0+$0x0] =	vst v15  }
0x279: {  	v15 =	vor.u32 v9, v19;
	v10 =	vld.idx.msk [tilespmem:v10+s21+$0x0], $0xffff;
	[tilespmem:s8+$0x0] =	vst v18  }
0x27a: {  	v9 =	vor.u32 $0x80, v15;
	v18 =	vor.u32 $0x100, v15;
	v19 =	vor.u32 $0x180, v15;
	v12 =	vld.idx.msk [tilespmem:v12+s21+$0x0], $0xffff;
	[tilespmem:s3+$0x80] =	vst v13;
	s3 =	smov.u32 s18  }
0x27b: {  	p0 =	por !p0, !p0;
	s2 =	simm.s32 $0x1;
	v13 =	vshll.u32 v16, $0x2;
	[tilespmem:s9+$0x80] =	vst v11;
	v22 =	vld.idx.msk [tilespmem:v5+s21+$0x0], $0xffff;
	v5 =	vmov v18  }
0x27c: {  	s2 =	simm.s32 @!p0 $0x0;
	v16 =	vand.u32 $0x7F, v16;
	v11 =	vshll.u32 v17, $0x2;
	v13 =	vand.u32 $0xFFFFFE00, v13;
	v18 =	vld.idx.msk [tilespmem:v20+s21+$0x0], $0xffff;
	[tilespmem:s25+$0xA800] =	vst v14  }
0x27d: {  	s2 =	sshll.u32 s2, $0x6;
	v11 =	vand.u32 $0xFFFFFE00, v11;
	v14 =	vshll.u32 v21, $0x2;
	v16 =	vor.u32 v16, v13;
	v20 =	vld.idx.msk [tilespmem:v3+s21+$0x0], $0xffff;
	v3 =	vmovc v8  }
0x27e: {  	s5 =	sadd.s32 s2, s1;
	v8 =	vand.u32 $0x7F, v17;
	v13 =	vand.u32 $0xFFFFFE00, v14;
	v23 =	vld.idx.msk [tilespmem:v15+s21+$0x0], $0xffff;
	v15 =	vor.u32 $0x180, v0;
	v0 =	vmovc v16  }
0x27f: {  	s9 =	sadd.s32 $0x10, s5;
	v24 =	vor.u32 v8, v11;
	v8 =	vand.u32 $0x7F, v21;
	[tilespmem:s0+$0x80] =	vst v10;
	v21 =	vld.idx.msk [tilespmem:v1+s21+$0x0], $0xffff;
	v1 =	vmovc v2;
	v2 =	vmov v19  }
0x280: {  	s2 =	sor.u32 $0x100, s9;
	v10 =	vor.u32 $0x80, v24;
	v25 =	vor.u32 v8, v13;
	s0 =	sadd.s32 $0x30, s5;
	v13 =	vld.idx.msk [tilespmem:v6+s21+$0x0], $0xffff;
	v6 =	vor.u32 $0x100, v24;
	[tilespmem:s8+$0x80] =	vst v12;
	s8 =	sadd.s32 $0x20, s5  }
.Ltmp5:
0x281: {  	v11 =	vor.u32 $0x180, v24;
	v12 =	vor.u32 $0x80, v25;
	s16 =	sor.u32 $0x100, s0;
	v14 =	vld.idx.msk [tilespmem:v7+s21+$0x0], $0xffff;
	v7 =	vor.u32 $0x100, v25;
	s7 =	sor.u32 $0x100, s8;
	[tilespmem:s31+$0xA800] =	vst v22;
	(pc) =	sbr.rel @p1 .LBB2_13-.Ltmp5, $4  }
0x282: {  	s25 =	sor.u32 $0x180, s9;
	v8 =	vor.u32 $0x180, v25;
	s31 =	sor.u32 $0x100, s5;
	s8 =	sor.u32 $0x180, s8;
	v17 =	vld.idx.msk [tilespmem:v16+s21+$0x0], $0xffff;
	[tilespmem:s16+$0xA800] =	vst v18  }
0x283: {  	s16 =	sor.u32 $0x180, s5;
	v16 =	vld.idx.msk [tilespmem:v15+s21+$0x0], $0xffff;
	[tilespmem:s26+$0xA800] =	vst v20;
	s26 =	smov.u32 s8  }
0x284: {  	s1 =	sadd.s32 $0x100, s1;
	v19 =	vor.u32 $0x80, v0;
	v15 =	vld.idx.msk [tilespmem:v24+s21+$0x0], $0xffff;
	[tilespmem:s3+$0x0] =	vst v23  }
0x285: {  	s28 =	sadd.s32 $0x40, s28;
	s9 =	sshra.s32 s1, $0x2;
	s8 =	sand.u32 $0x1E00, s1;
	v18 =	vld.idx.msk [tilespmem:v25+s21+$0x0], $0xffff;
	[tilespmem:s30+$0xA800] =	vst v21  }
0x286: {  	v20 =	vld [tilespmem:s9+$0x0];
	_ =	sdelay $0x4  }
0x287: {  	v21 =	vshll.u32 v20, $0x2  }
0x288: {  	v20 =	vand.u32 $0x7F, v20;
	v21 =	vand.u32 $0xFFFFFE00, v21  }
0x289: {  	v20 =	vor.u32 v20, v21;
	_ =	sdelay $0x3  }
0x28a: {  	s5 =	sadd.s32 $0xA800, s8;
	[tilespmem:s2+$0xA800] =	vst v13  }
0x28b: {  	[tilespmem:s7+$0xA800] =	vst v14;
	s18 =	sor.u32 s24, s5;
	v13 =	vld.idx.msk [tilespmem:v20+s21+$0x0], $0xffff  }
0x28c: {  	v9 =	vld.idx.msk [tilespmem:v9+s21+$0x0], $0xffff;
	s4 =	sor.u32 s4, s5;
	[tilespmem:s18+$0x0] =	vst v17;
	v14 =	vor.u32 $0x80, v20  }
0x28d: {  	s24 =	sor.u32 s11, s5;
	v4 =	vld.idx.msk [tilespmem:v4+s21+$0x0], $0xffff;
	[tilespmem:s4+$0x0] =	vst v15  }
0x28e: {  	s0 =	sor.u32 $0x180, s0;
	v10 =	vld.idx.msk [tilespmem:v10+s21+$0x0], $0xffff;
	[tilespmem:s24+$0x0] =	vst v18  }
0x28f: {  	s30 =	sor.u32 s6, s5;
	[tilespmem:s0+$0xA800] =	vst v16;
	v12 =	vld.idx.msk [tilespmem:v12+s21+$0x0], $0xffff  }
0x290: {  	v17 =	vld.idx.msk [tilespmem:v19+s21+$0x0], $0xffff;
	[tilespmem:s30+$0x0] =	vst v13  }
0x291: {  	v15 =	vor.u32 $0x100, v0;
	[tilespmem:s3+$0x80] =	vst v9;
	v9 =	vld.idx.msk [tilespmem:v14+s21+$0x0], $0xffff  }
0x292: {  	v5 =	vld.idx.msk [tilespmem:v5+s21+$0x0], $0xffff;
	[tilespmem:s25+$0xA800] =	vst v4;
	v13 =	vor.u32 $0x100, v20  }
0x293: {  	p0 =	por !p0, !p0;
	s2 =	simm.s32 $0x1;
	v3 =	vld.idx.msk [tilespmem:v3+s21+$0x0], $0xffff;
	[tilespmem:s4+$0x80] =	vst v10  }
0x294: {  	s2 =	simm.s32 @!p0 $0x0;
	v6 =	vld.idx.msk [tilespmem:v6+s21+$0x0], $0xffff;
	[tilespmem:s24+$0x80] =	vst v12  }
0x295: {  	s2 =	sshll.u32 s2, $0x6;
	[tilespmem:s18+$0x80] =	vst v17;
	v4 =	vld.idx.msk [tilespmem:v7+s21+$0x0], $0xffff  }
0x296: {  	s1 =	sadd.s32 s2, s1;
	v14 =	vld.idx.msk [tilespmem:v15+s21+$0x0], $0xffff;
	[tilespmem:s30+$0x80] =	vst v9  }
0x297: {  	v0 =	vor.u32 $0x180, v0;
	s4 =	sadd.s32 $0x10, s1;
	[tilespmem:s31+$0xA800] =	vst v5;
	v5 =	vld.idx.msk [tilespmem:v13+s21+$0x0], $0xffff  }
0x298: {  	v1 =	vld.idx.msk [tilespmem:v1+s21+$0x0], $0xffff;
	s6 =	sadd.s32 $0x20, s1;
	[tilespmem:s26+$0xA800] =	vst v3;
	s7 =	sor.u32 $0x100, s4;
	v7 =	vor.u32 $0x180, v20  }
0x299: {  	s2 =	sadd.s32 $0x30, s1;
	s8 =	sor.u32 $0x100, s6;
	v2 =	vld.idx.msk [tilespmem:v2+s21+$0x0], $0xffff;
	[tilespmem:s7+$0xA800] =	vst v6  }
0x29a: {  	s5 =	sor.u32 $0x100, s2;
	[tilespmem:s8+$0xA800] =	vst v4;
	v4 =	vld.idx.msk [tilespmem:v11+s21+$0x0], $0xffff  }
0x29b: {  	s9 =	sor.u32 $0x100, s1;
	v3 =	vld.idx.msk [tilespmem:v8+s21+$0x0], $0xffff;
	[tilespmem:s5+$0xA800] =	vst v14  }
0x29c: {  	v0 =	vld.idx.msk [tilespmem:v0+s21+$0x0], $0xffff;
	[tilespmem:s9+$0xA800] =	vst v5  }
0x29d: {  	[tilespmem:s29+$0xA800] =	vst v1;
	v1 =	vld.idx.msk [tilespmem:v7+s21+$0x0], $0xffff  }
0x29e: {  	s0 =	sor.u32 $0x180, s4;
	[tilespmem:s16+$0xA800] =	vst v2  }
0x29f: {  	s11 =	sor.u32 $0x180, s6;
	[tilespmem:s0+$0xA800] =	vst v4  }
0x2a0: {  	s2 =	sor.u32 $0x180, s2;
	[tilespmem:s11+$0xA800] =	vst v3  }
0x2a1: {  	s15 =	sor.u32 $0x180, s1;
	[tilespmem:s2+$0xA800] =	vst v0  }
0x2a2: {  	s18 =	simm.s32 $0xA800;
	[tilespmem:s15+$0xA800] =	vst v1  }
0x2a3: {  	[spmem:s10] =	stream.linear.scatter [tilespmem:s18], [sflag:$0x6], $0x2000, $0x38;
	[tilespmem:$0x12800] =	vst v63  }
0x2a4: {  	s24 =	sand.u32 $0x7FF000, s17;
	s25 =	rddreg [dreg:$0x4]  }
0x2a5: {  	s26 =	simm.s32 $0x200;
	s30 =	simm.s32 $0x3;
	s0 =	sadd.s32 s24, s25  }
0x2a6: {  	[tilespmem:s21], [sflag:$0x2] =	stream.strided.gather [hbm4b:s0+s26], $0x2000, s19, s26, $0x38;
	[tilespmem:$0x12800] =	vst v63  }
0x2a7: {  	_ =	swait.ge [sflag:s30], $0x2000  }
0x2a8: {  	[sflag:s30] =	ssyncset.done $0x0  }
0x2a9: {  	s31 =	simm.s32 $0x0;
	s2 =	simm.s32 $0x7;
	[sflag:s30] =	ssyncadd.s32 $0xFFFFE000  }
0x2aa: {  	s0 =	sand.u32 $0x40, s31;
	_ =	swait.ge [sflag:s2], $0x2000  }
0x2ab: {  	s3 =	sand.u32 $0x780, s31;
	s5 =	sor.u32 $0x30, s0;
	[sflag:s2] =	ssyncset.done $0x0  }
0x2ac: {  	s6 =	sor.u32 s5, s3;
	[sflag:s2] =	ssyncadd.s32 $0xFFFFE000  }
0x2ad: {  	s7 =	sor.u32 $0x10, s0;
	v0 =	vld [tilespmem:s6+$0x0]  }
0x2ae: {  	s24 =	sor.u32 $0x20, s0;
	s18 =	sor.u32 s7, s3  }
0x2af: {  	s2 =	sor.u32 s24, s3;
	v1 =	vld [tilespmem:s18+$0x0]  }
0x2b0: {  	v2 =	vld [tilespmem:s2+$0x0];
	_ =	sdelay $0x1  }
0x2b1: {  	v3 =	vshll.u32 v0, $0x2  }
0x2b2: {  	v0 =	vand.u32 $0x7F, v0;
	v3 =	vand.u32 $0xFFFFFE00, v3  }
0x2b3: {  	v0 =	vor.u32 v0, v3;
	v3 =	vshll.u32 v1, $0x2  }
0x2b4: {  	v4 =	vshll.u32 v2, $0x2;
	v1 =	vand.u32 $0x7F, v1;
	v3 =	vand.u32 $0xFFFFFE00, v3  }
0x2b5: {  	v2 =	vand.u32 $0x7F, v2;
	v1 =	vor.u32 v1, v3;
	v3 =	vand.u32 $0xFFFFFE00, v4  }
0x2b6: {  	s1 =	sand.u32 $0x1E00, s31;
	s26 =	simm.s32 $0x40;
	v2 =	vor.u32 v2, v3  }
0x2b7: {  	s25 =	simm.s32 $0x0;
	s30 =	sadd.s32 $0xC800, s1;
	s1 =	sand.u32 $0x40, s26  }
0x2b8: {  	s4 =	sand.u32 $0x780, s26;
	s11 =	sor.u32 $0x30, s1;
	v6 =	vld [tilespmem:s25+$0x0]  }
0x2b9: {  	s16 =	sor.u32 s11, s4;
	v3 =	vld.idx.msk [tilespmem:v0+s22+$0x0], $0xffff  }
0x2ba: {  	v9 =	vld [tilespmem:s16+$0x0];
	v4 =	vor.u32 $0x80, v0  }
0x2bb: {  	v7 =	vld.idx.msk [tilespmem:v2+s22+$0x0], $0xffff  }
0x2bc: {  	s15 =	sor.u32 $0x10, s1;
	v8 =	vor.u32 $0x80, v2;
	v5 =	vld.idx.msk [tilespmem:v1+s22+$0x0], $0xffff  }
0x2bd: {  	s31 =	sor.u32 s5, s30;
	s17 =	sor.u32 s15, s4  }
0x2be: {  	s16 =	sor.u32 $0x20, s1;
	v10 =	vld [tilespmem:s17+$0x0];
	[tilespmem:s31+$0x0] =	vst v3;
	v3 =	vor.u32 $0x80, v1  }
0x2bf: {  	s5 =	sor.u32 s7, s30;
	s7 =	sor.u32 s24, s30;
	s3 =	sor.u32 s16, s4;
	v11 =	vshll.u32 v6, $0x2;
	v4 =	vld.idx.msk [tilespmem:v4+s22+$0x0], $0xffff  }
0x2c0: {  	v13 =	vld [tilespmem:s3+$0x0];
	v6 =	vand.u32 $0x7F, v6;
	v11 =	vand.u32 $0xFFFFFE00, v11;
	v12 =	vor.u32 $0x100, v0;
	[tilespmem:s7+$0x0] =	vst v7  }
0x2c1: {  	[tilespmem:s5+$0x0] =	vst v5;
	v5 =	vor.u32 v6, v11;
	v11 =	vshll.u32 v9, $0x2;
	v8 =	vld.idx.msk [tilespmem:v8+s22+$0x0], $0xffff  }
0x2c2: {  	v9 =	vand.u32 $0x7F, v9;
	v7 =	vor.u32 $0x100, v2;
	v11 =	vand.u32 $0xFFFFFE00, v11  }
0x2c3: {  	v9 =	vor.u32 v9, v11;
	v3 =	vld.idx.msk [tilespmem:v3+s22+$0x0], $0xffff  }
0x2c4: {  	p0 =	por $0x0, $0x0;
	s2 =	simm.s32 $0x1;
	v6 =	vor.u32 $0x100, v1;
	[tilespmem:s31+$0x80] =	vst v4  }
0x2c5: {  	s2 =	simm.s32 @!p0 $0x0;
	v0 =	vor.u32 $0x180, v0;
	v4 =	vshll.u32 v10, $0x2;
	v12 =	vld.idx.msk [tilespmem:v12+s22+$0x0], $0xffff  }
0x2c6: {  	s26 =	simm.s32 $0x80;
	s2 =	sshll.u32 s2, $0x6;
	v11 =	vshll.u32 v13, $0x2;
	v10 =	vand.u32 $0x7F, v10;
	v4 =	vand.u32 $0xFFFFFE00, v4;
	v14 =	vld.idx.msk [tilespmem:v5+s22+$0x0], $0xffff;
	[tilespmem:s7+$0x80] =	vst v8  }
0x2c7: {  	s6 =	sand.u32 $0x40, s26;
	s3 =	sadd.s32 $0x0, s2;
	v11 =	vand.u32 $0xFFFFFE00, v11;
	v4 =	vor.u32 v10, v4;
	v10 =	vand.u32 $0x7F, v13;
	v7 =	vld.idx.msk [tilespmem:v7+s22+$0x0], $0xffff  }
0x2c8: {  	s17 =	sor.u32 $0x30, s6;
	s2 =	sadd.s32 $0x30, s3;
	s7 =	sand.u32 $0x780, s26;
	[tilespmem:s5+$0x80] =	vst v3;
	v3 =	vor.u32 v10, v11;
	v10 =	vld.idx.msk [tilespmem:v9+s22+$0x0], $0xffff  }
0x2c9: {  	s0 =	sor.u32 s0, s30;
	s18 =	sor.u32 $0x100, s2;
	v8 =	vor.u32 $0x80, v5;
	s30 =	sor.u32 s17, s7;
	v6 =	vld.idx.msk [tilespmem:v6+s22+$0x0], $0xffff  }
0x2ca: {  	s25 =	simm.s32 $0x40;
	v16 =	vld [tilespmem:s30+$0x0];
	[tilespmem:s18+$0xC800] =	vst v12  }
0x2cb: {  	s24 =	simm.s32 $0x100;
	[tilespmem:s0+$0x0] =	vst v14;
	v14 =	vld [tilespmem:s25+$0x0]  }
0x2cc: {  	s5 =	sand.u32 $0x1E00, s24;
	v11 =	vld.idx.msk [tilespmem:v0+s22+$0x0], $0xffff;
	v0 =	vor.u32 $0x80, v9  }
0x2cd: {  	v1 =	vor.u32 $0x180, v1;
	s24 =	sadd.s32 $0xC800, s5;
	v12 =	vld.idx.msk [tilespmem:v4+s22+$0x0], $0xffff  }
0x2ce: {  	s4 =	sor.u32 $0x10, s6;
	s8 =	sadd.s32 $0x10, s3;
	s5 =	sor.u32 s11, s24;
	v8 =	vld.idx.msk [tilespmem:v8+s22+$0x0], $0xffff  }
0x2cf: {  	s31 =	sor.u32 $0x100, s8;
	s18 =	sor.u32 s4, s7;
	v13 =	vld.idx.msk [tilespmem:v3+s22+$0x0], $0xffff;
	[tilespmem:s5+$0x0] =	vst v10;
	v10 =	vor.u32 $0x80, v4  }
0x2d0: {  	v15 =	vor.u32 $0x80, v3;
	[tilespmem:s31+$0xC800] =	vst v6;
	v6 =	vld [tilespmem:s18+$0x0]  }
0x2d1: {  	v17 =	vor.u32 $0x100, v5;
	s11 =	sor.u32 $0x20, s6;
	v0 =	vld.idx.msk [tilespmem:v0+s22+$0x0], $0xffff  }
0x2d2: {  	v19 =	vor.u32 $0x100, v9;
	s7 =	sor.u32 s11, s7;
	s18 =	sor.u32 s15, s24;
	v18 =	vld.idx.msk [tilespmem:v1+s22+$0x0], $0xffff;
	v1 =	vshll.u32 v14, $0x2  }
0x2d3: {  	v2 =	vor.u32 $0x180, v2;
	s25 =	sor.u32 s16, s24;
	v20 =	vld [tilespmem:s7+$0x0];
	v14 =	vand.u32 $0x7F, v14;
	v1 =	vand.u32 $0xFFFFFE00, v1;
	[tilespmem:s18+$0x0] =	vst v12  }
0x2d4: {  	v12 =	vor.u32 v14, v1;
	v1 =	vld.idx.msk [tilespmem:v10+s22+$0x0], $0xffff;
	[tilespmem:s25+$0x0] =	vst v13  }
0x2d5: {  	s26 =	sadd.s32 $0x20, s3;
	v14 =	vor.u32 $0x100, v3;
	[tilespmem:s0+$0x80] =	vst v8;
	v8 =	vshll.u32 v16, $0x2;
	v10 =	vor.u32 $0x100, v4;
	v15 =	vld.idx.msk [tilespmem:v15+s22+$0x0], $0xffff  }
0x2d6: {  	p0 =	por !p0, !p0;
	s30 =	sor.u32 $0x100, s26;
	v63 =	vld.idx.msk [tilespmem:v17+s22+$0x0], $0xffff;
	v13 =	vand.u32 $0x7F, v16;
	v8 =	vand.u32 $0xFFFFFE00, v8;
	[tilespmem:s5+$0x80] =	vst v0;
	v0 =	vshll.u32 v6, $0x2;
	s5 =	simm.s32 $0x1  }
0x2d7: {  	[tilespmem:s30+$0xC800] =	vst v7;
	s31 =	sor.u32 $0x180, s2;
	v7 =	vld.idx.msk [tilespmem:v19+s22+$0x0], $0xffff;
	v16 =	vand.u32 $0xFFFFFE00, v0;
	v0 =	vor.u32 v13, v8;
	s5 =	simm.s32 @!p0 $0x0  }
0x2d8: {  	[tilespmem:s31+$0xC800] =	vst v11;
	v8 =	vshll.u32 v20, $0x2;
	v19 =	vld.idx.msk [tilespmem:v2+s22+$0x0], $0xffff;
	v2 =	vand.u32 $0x7F, v6;
	v6 =	vor.u32 $0x180, v9;
	s2 =	sshll.u32 s5, $0x6  }
0x2d9: {  	s28 =	simm.s32 $0xC0;
	s16 =	sor.u32 $0x180, s8;
	v22 =	vld.idx.msk [tilespmem:v12+s22+$0x0], $0xffff;
	v8 =	vand.u32 $0xFFFFFE00, v8;
	v23 =	vor.u32 v2, v16;
	v2 =	vand.u32 $0x7F, v20;
	[tilespmem:s18+$0x80] =	vst v1;
	s8 =	sadd.s32 $0x100, s2  }
0x2da: {  	s9 =	simm.s32 $0x80;
	s15 =	simm.s32 $0x8;
	v20 =	vor.u32 v2, v8;
	v13 =	vld.idx.msk [tilespmem:v10+s22+$0x0], $0xffff;
	[tilespmem:s25+$0x80] =	vst v15;
	s0 =	sadd.s32 $0x30, s8  }
0x2db: {  	v3 =	vor.u32 $0x180, v3;
	[tilespmem:s16+$0xC800] =	vst v18;
	s5 =	sor.u32 $0x100, s3;
	s18 =	sor.u32 $0x180, s26;
	v14 =	vld.idx.msk [tilespmem:v14+s22+$0x0], $0xffff;
	s30 =	sor.u32 $0x100, s0  }
0x2dc: {  	v4 =	vor.u32 $0x180, v4;
	v9 =	vor.u32 $0x80, v12;
	s26 =	sor.u32 $0x180, s3;
	v1 =	vor.u32 $0x180, v5;
	s3 =	sor.u32 s1, s24;
	s1 =	simm.s32 $0x200;
	v17 =	vld.idx.msk [tilespmem:v0+s22+$0x0], $0xffff;
	[tilespmem:s30+$0xC800] =	vst v7  }
0x2dd: {  	v5 =	vor.u32 $0x100, v12;
	v2 =	vor.u32 $0x180, v12;
	v10 =	vor.u32 $0x80, v23;
	[tilespmem:s5+$0xC800] =	vst v63;
	s25 =	sadd.s32 $0x10, s8;
	s31 =	sadd.s32 $0x20, s8;
	s29 =	sor.u32 $0x100, s8;
	v16 =	vld.idx.msk [tilespmem:v6+s22+$0x0], $0xffff  }
0x2de: {  	v11 =	vor.u32 $0x180, v23;
	v12 =	vor.u32 $0x80, v20;
	s16 =	sor.u32 $0x180, s8;
	s8 =	sand.u32 $0x1E00, s1;
	s2 =	sor.u32 $0x100, s25;
	[tilespmem:s18+$0xC800] =	vst v19;
	v19 =	vor.u32 $0x80, v0;
	v15 =	vld.idx.msk [tilespmem:v23+s22+$0x0], $0xffff  }
0x2df: {  	v8 =	vor.u32 $0x180, v20;
	s7 =	sor.u32 $0x100, s31;
	s25 =	sor.u32 $0x180, s25;
	s24 =	sor.u32 $0x180, s31;
	v7 =	vor.u32 $0x100, v20;
	[tilespmem:s3+$0x0] =	vst v22;
	v6 =	vor.u32 $0x100, v23;
	v18 =	vld.idx.msk [tilespmem:v20+s22+$0x0], $0xffff  }
.LBB2_15:
0x2e0: {  	s5 =	sand.u32 $0x780, s28;
	v20 =	vld [tilespmem:s9+$0x0];
	s8 =	sadd.s32 $0xC800, s8;
	[tilespmem:s2+$0xC800] =	vst v13;
	s30 =	smov.u32 s26  }
0x2e1: {  	s2 =	sand.u32 $0x40, s28;
	s15 =	sadd.s32 $0x4, s15;
	s9 =	sor.u32 s17, s8;
	v13 =	vld.idx.msk [tilespmem:v9+s22+$0x0], $0xffff;
	[tilespmem:s7+$0xC800] =	vst v14  }
0x2e2: {  	s0 =	sor.u32 $0x180, s0;
	s17 =	sor.u32 $0x30, s2;
	p1 =	slt.u32 s15, $0x7C;
	[tilespmem:s9+$0x0] =	vst v17;
	v14 =	vld.idx.msk [tilespmem:v4+s22+$0x0], $0xffff;
	v4 =	vmov v11  }
0x2e3: {  	s7 =	sor.u32 $0x10, s2;
	s18 =	sor.u32 $0x20, s2;
	s26 =	sor.u32 s17, s5;
	v11 =	vld.idx.msk [tilespmem:v19+s22+$0x0], $0xffff;
	[tilespmem:s0+$0xC800] =	vst v16  }
0x2e4: {  	s31 =	sor.u32 s6, s8;
	s0 =	sor.u32 s7, s5;
	s5 =	sor.u32 s18, s5;
	v16 =	vld [tilespmem:s26+$0x0]  }
0x2e5: {  	s6 =	smov.u32 s2;
	v17 =	vld [tilespmem:s0+$0x0];
	v9 =	vand.u32 $0x7F, v20;
	v19 =	vshll.u32 v20, $0x2;
	s0 =	sor.u32 s4, s8;
	s8 =	sor.u32 s11, s8;
	v20 =	vor.u32 $0x100, v0  }
0x2e6: {  	s26 =	smov.u32 s16;
	s4 =	smov.u32 s7;
	s11 =	smov.u32 s18;
	v21 =	vld [tilespmem:s5+$0x0];
	v19 =	vand.u32 $0xFFFFFE00, v19;
	[tilespmem:s0+$0x0] =	vst v15  }
0x2e7: {  	v15 =	vor.u32 v9, v19;
	v10 =	vld.idx.msk [tilespmem:v10+s22+$0x0], $0xffff;
	[tilespmem:s8+$0x0] =	vst v18  }
0x2e8: {  	v9 =	vor.u32 $0x80, v15;
	v18 =	vor.u32 $0x100, v15;
	v19 =	vor.u32 $0x180, v15;
	v12 =	vld.idx.msk [tilespmem:v12+s22+$0x0], $0xffff;
	[tilespmem:s3+$0x80] =	vst v13;
	s3 =	smov.u32 s31  }
0x2e9: {  	p0 =	por !p0, !p0;
	s2 =	simm.s32 $0x1;
	v13 =	vshll.u32 v16, $0x2;
	[tilespmem:s9+$0x80] =	vst v11;
	v22 =	vld.idx.msk [tilespmem:v5+s22+$0x0], $0xffff;
	v5 =	vmov v18  }
0x2ea: {  	s2 =	simm.s32 @!p0 $0x0;
	v16 =	vand.u32 $0x7F, v16;
	v11 =	vshll.u32 v17, $0x2;
	v13 =	vand.u32 $0xFFFFFE00, v13;
	v18 =	vld.idx.msk [tilespmem:v20+s22+$0x0], $0xffff;
	[tilespmem:s25+$0xC800] =	vst v14  }
0x2eb: {  	s2 =	sshll.u32 s2, $0x6;
	v11 =	vand.u32 $0xFFFFFE00, v11;
	v14 =	vshll.u32 v21, $0x2;
	v16 =	vor.u32 v16, v13;
	v20 =	vld.idx.msk [tilespmem:v3+s22+$0x0], $0xffff;
	v3 =	vmovc v8  }
0x2ec: {  	s5 =	sadd.s32 s2, s1;
	v8 =	vand.u32 $0x7F, v17;
	v13 =	vand.u32 $0xFFFFFE00, v14;
	v23 =	vld.idx.msk [tilespmem:v15+s22+$0x0], $0xffff;
	v15 =	vor.u32 $0x180, v0;
	v0 =	vmovc v16  }
0x2ed: {  	s9 =	sadd.s32 $0x10, s5;
	v24 =	vor.u32 v8, v11;
	v8 =	vand.u32 $0x7F, v21;
	[tilespmem:s0+$0x80] =	vst v10;
	v21 =	vld.idx.msk [tilespmem:v1+s22+$0x0], $0xffff;
	v1 =	vmovc v2;
	v2 =	vmov v19  }
0x2ee: {  	s2 =	sor.u32 $0x100, s9;
	v10 =	vor.u32 $0x80, v24;
	v25 =	vor.u32 v8, v13;
	s0 =	sadd.s32 $0x30, s5;
	v13 =	vld.idx.msk [tilespmem:v6+s22+$0x0], $0xffff;
	v6 =	vor.u32 $0x100, v24;
	[tilespmem:s8+$0x80] =	vst v12;
	s8 =	sadd.s32 $0x20, s5  }
.Ltmp6:
0x2ef: {  	v11 =	vor.u32 $0x180, v24;
	v12 =	vor.u32 $0x80, v25;
	s16 =	sor.u32 $0x100, s0;
	v14 =	vld.idx.msk [tilespmem:v7+s22+$0x0], $0xffff;
	v7 =	vor.u32 $0x100, v25;
	s7 =	sor.u32 $0x100, s8;
	[tilespmem:s29+$0xC800] =	vst v22;
	(pc) =	sbr.rel @p1 .LBB2_15-.Ltmp6, $4  }
0x2f0: {  	s25 =	sor.u32 $0x180, s9;
	v8 =	vor.u32 $0x180, v25;
	s29 =	sor.u32 $0x100, s5;
	s8 =	sor.u32 $0x180, s8;
	v17 =	vld.idx.msk [tilespmem:v16+s22+$0x0], $0xffff;
	[tilespmem:s16+$0xC800] =	vst v18  }
0x2f1: {  	s16 =	sor.u32 $0x180, s5;
	v16 =	vld.idx.msk [tilespmem:v15+s22+$0x0], $0xffff;
	[tilespmem:s24+$0xC800] =	vst v20;
	s24 =	smov.u32 s8  }
0x2f2: {  	s1 =	sadd.s32 $0x100, s1;
	v19 =	vor.u32 $0x80, v0;
	v15 =	vld.idx.msk [tilespmem:v24+s22+$0x0], $0xffff;
	[tilespmem:s3+$0x0] =	vst v23  }
0x2f3: {  	s28 =	sadd.s32 $0x40, s28;
	s9 =	sshra.s32 s1, $0x2;
	s8 =	sand.u32 $0x1E00, s1;
	v18 =	vld.idx.msk [tilespmem:v25+s22+$0x0], $0xffff;
	[tilespmem:s30+$0xC800] =	vst v21  }
0x2f4: {  	v20 =	vld [tilespmem:s9+$0x0];
	_ =	sdelay $0x4  }
0x2f5: {  	v21 =	vshll.u32 v20, $0x2  }
0x2f6: {  	v20 =	vand.u32 $0x7F, v20;
	v21 =	vand.u32 $0xFFFFFE00, v21  }
0x2f7: {  	v20 =	vor.u32 v20, v21;
	_ =	sdelay $0x3  }
0x2f8: {  	s5 =	sadd.s32 $0xC800, s8;
	[tilespmem:s2+$0xC800] =	vst v13  }
0x2f9: {  	[tilespmem:s7+$0xC800] =	vst v14;
	s18 =	sor.u32 s17, s5;
	v13 =	vld.idx.msk [tilespmem:v20+s22+$0x0], $0xffff  }
0x2fa: {  	v9 =	vld.idx.msk [tilespmem:v9+s22+$0x0], $0xffff;
	s4 =	sor.u32 s4, s5;
	[tilespmem:s18+$0x0] =	vst v17;
	v14 =	vor.u32 $0x80, v20  }
0x2fb: {  	s30 =	sor.u32 s11, s5;
	v4 =	vld.idx.msk [tilespmem:v4+s22+$0x0], $0xffff;
	[tilespmem:s4+$0x0] =	vst v15  }
0x2fc: {  	s0 =	sor.u32 $0x180, s0;
	v10 =	vld.idx.msk [tilespmem:v10+s22+$0x0], $0xffff;
	[tilespmem:s30+$0x0] =	vst v18  }
0x2fd: {  	s31 =	sor.u32 s6, s5;
	[tilespmem:s0+$0xC800] =	vst v16;
	v12 =	vld.idx.msk [tilespmem:v12+s22+$0x0], $0xffff  }
0x2fe: {  	v17 =	vld.idx.msk [tilespmem:v19+s22+$0x0], $0xffff;
	[tilespmem:s31+$0x0] =	vst v13  }
0x2ff: {  	v15 =	vor.u32 $0x100, v0;
	[tilespmem:s3+$0x80] =	vst v9;
	v9 =	vld.idx.msk [tilespmem:v14+s22+$0x0], $0xffff  }
0x300: {  	v5 =	vld.idx.msk [tilespmem:v5+s22+$0x0], $0xffff;
	[tilespmem:s25+$0xC800] =	vst v4;
	v13 =	vor.u32 $0x100, v20  }
0x301: {  	p0 =	por !p0, !p0;
	s2 =	simm.s32 $0x1;
	v3 =	vld.idx.msk [tilespmem:v3+s22+$0x0], $0xffff;
	[tilespmem:s4+$0x80] =	vst v10  }
0x302: {  	s2 =	simm.s32 @!p0 $0x0;
	v6 =	vld.idx.msk [tilespmem:v6+s22+$0x0], $0xffff;
	[tilespmem:s30+$0x80] =	vst v12  }
0x303: {  	s2 =	sshll.u32 s2, $0x6;
	[tilespmem:s18+$0x80] =	vst v17;
	v4 =	vld.idx.msk [tilespmem:v7+s22+$0x0], $0xffff  }
0x304: {  	s1 =	sadd.s32 s2, s1;
	v14 =	vld.idx.msk [tilespmem:v15+s22+$0x0], $0xffff;
	[tilespmem:s31+$0x80] =	vst v9  }
0x305: {  	v0 =	vor.u32 $0x180, v0;
	s4 =	sadd.s32 $0x10, s1;
	[tilespmem:s29+$0xC800] =	vst v5;
	v5 =	vld.idx.msk [tilespmem:v13+s22+$0x0], $0xffff  }
0x306: {  	v1 =	vld.idx.msk [tilespmem:v1+s22+$0x0], $0xffff;
	s7 =	sadd.s32 $0x20, s1;
	[tilespmem:s24+$0xC800] =	vst v3;
	s8 =	sor.u32 $0x100, s4;
	v7 =	vor.u32 $0x180, v20  }
0x307: {  	s2 =	sadd.s32 $0x30, s1;
	s9 =	sor.u32 $0x100, s7;
	v2 =	vld.idx.msk [tilespmem:v2+s22+$0x0], $0xffff;
	[tilespmem:s8+$0xC800] =	vst v6  }
0x308: {  	s6 =	sor.u32 $0x100, s2;
	[tilespmem:s9+$0xC800] =	vst v4;
	v4 =	vld.idx.msk [tilespmem:v11+s22+$0x0], $0xffff  }
0x309: {  	s11 =	sor.u32 $0x100, s1;
	v3 =	vld.idx.msk [tilespmem:v8+s22+$0x0], $0xffff;
	[tilespmem:s6+$0xC800] =	vst v14  }
0x30a: {  	v0 =	vld.idx.msk [tilespmem:v0+s22+$0x0], $0xffff;
	[tilespmem:s11+$0xC800] =	vst v5  }
0x30b: {  	[tilespmem:s26+$0xC800] =	vst v1;
	v1 =	vld.idx.msk [tilespmem:v7+s22+$0x0], $0xffff  }
0x30c: {  	s0 =	sor.u32 $0x180, s4;
	[tilespmem:s16+$0xC800] =	vst v2  }
0x30d: {  	s15 =	sor.u32 $0x180, s7;
	[tilespmem:s0+$0xC800] =	vst v4  }
0x30e: {  	s2 =	sor.u32 $0x180, s2;
	[tilespmem:s15+$0xC800] =	vst v3  }
0x30f: {  	s17 =	sor.u32 $0x180, s1;
	[tilespmem:s2+$0xC800] =	vst v0  }
0x310: {  	s18 =	simm.s32 $0xC800;
	[tilespmem:s17+$0xC800] =	vst v1  }
0x311: {  	[spmem:s10] =	stream.linear.scatter [tilespmem:s18], [sflag:$0x7], $0x2000, $0x38;
	[tilespmem:$0x12800] =	vst v63  }
0x312: {  	s24 =	rddreg [dreg:$0xe]  }
0x313: {  	s0 =	sadd.s32 s14, s24  }
0x314: {  	s25 =	rddreg [dreg:$0x0];
	s14 =	sshll.u32 s0, $0x8  }
0x315: {  	s26 =	simm.s32 $0x200;
	s30 =	simm.s32 $0x4;
	s0 =	sadd.s32 s25, s14  }
0x316: {  	[tilespmem:s22], [sflag:$0x3] =	stream.strided.gather [hbm4b:s0+s26], $0x2000, s19, s26, $0x38;
	[tilespmem:$0x12800] =	vst v63  }
0x317: {  	_ =	swait.ge [sflag:s30], $0x2000  }
0x318: {  	[sflag:s30] =	ssyncset.done $0x0  }
0x319: {  	s31 =	simm.s32 $0x0;
	s2 =	simm.s32 $0x8;
	[sflag:s30] =	ssyncadd.s32 $0xFFFFE000  }
0x31a: {  	s0 =	sand.u32 $0x40, s31;
	_ =	swait.ge [sflag:s2], $0x2000  }
0x31b: {  	s3 =	sand.u32 $0x780, s31;
	s5 =	sor.u32 $0x30, s0;
	[sflag:s2] =	ssyncset.done $0x0  }
0x31c: {  	s6 =	sor.u32 s5, s3;
	[sflag:s2] =	ssyncadd.s32 $0xFFFFE000  }
0x31d: {  	s7 =	sor.u32 $0x10, s0;
	v0 =	vld [tilespmem:s6+$0x0]  }
0x31e: {  	s24 =	sor.u32 $0x20, s0;
	s18 =	sor.u32 s7, s3  }
0x31f: {  	s2 =	sor.u32 s24, s3;
	v1 =	vld [tilespmem:s18+$0x0]  }
0x320: {  	v2 =	vld [tilespmem:s2+$0x0];
	_ =	sdelay $0x1  }
0x321: {  	v3 =	vshll.u32 v0, $0x2  }
0x322: {  	v0 =	vand.u32 $0x7F, v0;
	v3 =	vand.u32 $0xFFFFFE00, v3  }
0x323: {  	v0 =	vor.u32 v0, v3;
	v3 =	vshll.u32 v1, $0x2  }
0x324: {  	v4 =	vshll.u32 v2, $0x2;
	v1 =	vand.u32 $0x7F, v1;
	v3 =	vand.u32 $0xFFFFFE00, v3  }
0x325: {  	v2 =	vand.u32 $0x7F, v2;
	v1 =	vor.u32 v1, v3;
	v3 =	vand.u32 $0xFFFFFE00, v4  }
0x326: {  	s1 =	sand.u32 $0x1E00, s31;
	s26 =	simm.s32 $0x40;
	v2 =	vor.u32 v2, v3  }
0x327: {  	s25 =	simm.s32 $0x0;
	s30 =	sadd.s32 $0xE800, s1;
	s1 =	sand.u32 $0x40, s26  }
0x328: {  	s4 =	sand.u32 $0x780, s26;
	s11 =	sor.u32 $0x30, s1;
	v6 =	vld [tilespmem:s25+$0x0]  }
0x329: {  	s16 =	sor.u32 s11, s4;
	v3 =	vld.idx.msk [tilespmem:v0+s23+$0x0], $0xffff  }
0x32a: {  	v9 =	vld [tilespmem:s16+$0x0];
	v4 =	vor.u32 $0x80, v0  }
0x32b: {  	v7 =	vld.idx.msk [tilespmem:v2+s23+$0x0], $0xffff  }
0x32c: {  	s15 =	sor.u32 $0x10, s1;
	v8 =	vor.u32 $0x80, v2;
	v5 =	vld.idx.msk [tilespmem:v1+s23+$0x0], $0xffff  }
0x32d: {  	s31 =	sor.u32 s5, s30;
	s17 =	sor.u32 s15, s4  }
0x32e: {  	s16 =	sor.u32 $0x20, s1;
	v10 =	vld [tilespmem:s17+$0x0];
	[tilespmem:s31+$0x0] =	vst v3;
	v3 =	vor.u32 $0x80, v1  }
0x32f: {  	s5 =	sor.u32 s7, s30;
	s7 =	sor.u32 s24, s30;
	s3 =	sor.u32 s16, s4;
	v11 =	vshll.u32 v6, $0x2;
	v4 =	vld.idx.msk [tilespmem:v4+s23+$0x0], $0xffff  }
0x330: {  	v13 =	vld [tilespmem:s3+$0x0];
	v6 =	vand.u32 $0x7F, v6;
	v11 =	vand.u32 $0xFFFFFE00, v11;
	v12 =	vor.u32 $0x100, v0;
	[tilespmem:s7+$0x0] =	vst v7  }
0x331: {  	[tilespmem:s5+$0x0] =	vst v5;
	v5 =	vor.u32 v6, v11;
	v11 =	vshll.u32 v9, $0x2;
	v8 =	vld.idx.msk [tilespmem:v8+s23+$0x0], $0xffff  }
0x332: {  	v9 =	vand.u32 $0x7F, v9;
	v7 =	vor.u32 $0x100, v2;
	v11 =	vand.u32 $0xFFFFFE00, v11  }
0x333: {  	v9 =	vor.u32 v9, v11;
	v3 =	vld.idx.msk [tilespmem:v3+s23+$0x0], $0xffff  }
0x334: {  	p0 =	por $0x0, $0x0;
	s2 =	simm.s32 $0x1;
	v6 =	vor.u32 $0x100, v1;
	[tilespmem:s31+$0x80] =	vst v4  }
0x335: {  	s2 =	simm.s32 @!p0 $0x0;
	v0 =	vor.u32 $0x180, v0;
	v4 =	vshll.u32 v10, $0x2;
	v12 =	vld.idx.msk [tilespmem:v12+s23+$0x0], $0xffff  }
0x336: {  	s26 =	simm.s32 $0x80;
	s2 =	sshll.u32 s2, $0x6;
	v11 =	vshll.u32 v13, $0x2;
	v10 =	vand.u32 $0x7F, v10;
	v4 =	vand.u32 $0xFFFFFE00, v4;
	v14 =	vld.idx.msk [tilespmem:v5+s23+$0x0], $0xffff;
	[tilespmem:s7+$0x80] =	vst v8  }
0x337: {  	s6 =	sand.u32 $0x40, s26;
	s3 =	sadd.s32 $0x0, s2;
	v11 =	vand.u32 $0xFFFFFE00, v11;
	v4 =	vor.u32 v10, v4;
	v10 =	vand.u32 $0x7F, v13;
	v7 =	vld.idx.msk [tilespmem:v7+s23+$0x0], $0xffff  }
0x338: {  	s17 =	sor.u32 $0x30, s6;
	s2 =	sadd.s32 $0x30, s3;
	s7 =	sand.u32 $0x780, s26;
	[tilespmem:s5+$0x80] =	vst v3;
	v3 =	vor.u32 v10, v11;
	v10 =	vld.idx.msk [tilespmem:v9+s23+$0x0], $0xffff  }
0x339: {  	s0 =	sor.u32 s0, s30;
	s18 =	sor.u32 $0x100, s2;
	v8 =	vor.u32 $0x80, v5;
	s30 =	sor.u32 s17, s7;
	v6 =	vld.idx.msk [tilespmem:v6+s23+$0x0], $0xffff  }
0x33a: {  	s25 =	simm.s32 $0x40;
	v16 =	vld [tilespmem:s30+$0x0];
	[tilespmem:s18+$0xE800] =	vst v12  }
0x33b: {  	s24 =	simm.s32 $0x100;
	[tilespmem:s0+$0x0] =	vst v14;
	v14 =	vld [tilespmem:s25+$0x0]  }
0x33c: {  	s5 =	sand.u32 $0x1E00, s24;
	v11 =	vld.idx.msk [tilespmem:v0+s23+$0x0], $0xffff;
	v0 =	vor.u32 $0x80, v9  }
0x33d: {  	v1 =	vor.u32 $0x180, v1;
	s24 =	sadd.s32 $0xE800, s5;
	v12 =	vld.idx.msk [tilespmem:v4+s23+$0x0], $0xffff  }
0x33e: {  	s4 =	sor.u32 $0x10, s6;
	s8 =	sadd.s32 $0x10, s3;
	s5 =	sor.u32 s11, s24;
	v8 =	vld.idx.msk [tilespmem:v8+s23+$0x0], $0xffff  }
0x33f: {  	s31 =	sor.u32 $0x100, s8;
	s18 =	sor.u32 s4, s7;
	v13 =	vld.idx.msk [tilespmem:v3+s23+$0x0], $0xffff;
	[tilespmem:s5+$0x0] =	vst v10;
	v10 =	vor.u32 $0x80, v4  }
0x340: {  	v15 =	vor.u32 $0x80, v3;
	[tilespmem:s31+$0xE800] =	vst v6;
	v6 =	vld [tilespmem:s18+$0x0]  }
0x341: {  	v17 =	vor.u32 $0x100, v5;
	s11 =	sor.u32 $0x20, s6;
	v0 =	vld.idx.msk [tilespmem:v0+s23+$0x0], $0xffff  }
0x342: {  	v19 =	vor.u32 $0x100, v9;
	s7 =	sor.u32 s11, s7;
	s18 =	sor.u32 s15, s24;
	v18 =	vld.idx.msk [tilespmem:v1+s23+$0x0], $0xffff;
	v1 =	vshll.u32 v14, $0x2  }
0x343: {  	v2 =	vor.u32 $0x180, v2;
	s25 =	sor.u32 s16, s24;
	v20 =	vld [tilespmem:s7+$0x0];
	v14 =	vand.u32 $0x7F, v14;
	v1 =	vand.u32 $0xFFFFFE00, v1;
	[tilespmem:s18+$0x0] =	vst v12  }
0x344: {  	v12 =	vor.u32 v14, v1;
	v1 =	vld.idx.msk [tilespmem:v10+s23+$0x0], $0xffff;
	[tilespmem:s25+$0x0] =	vst v13  }
0x345: {  	s26 =	sadd.s32 $0x20, s3;
	v14 =	vor.u32 $0x100, v3;
	[tilespmem:s0+$0x80] =	vst v8;
	v8 =	vshll.u32 v16, $0x2;
	v10 =	vor.u32 $0x100, v4;
	v15 =	vld.idx.msk [tilespmem:v15+s23+$0x0], $0xffff  }
0x346: {  	p0 =	por !p0, !p0;
	s30 =	sor.u32 $0x100, s26;
	v63 =	vld.idx.msk [tilespmem:v17+s23+$0x0], $0xffff;
	v13 =	vand.u32 $0x7F, v16;
	v8 =	vand.u32 $0xFFFFFE00, v8;
	[tilespmem:s5+$0x80] =	vst v0;
	v0 =	vshll.u32 v6, $0x2;
	s5 =	simm.s32 $0x1  }
0x347: {  	[tilespmem:s30+$0xE800] =	vst v7;
	s31 =	sor.u32 $0x180, s2;
	v7 =	vld.idx.msk [tilespmem:v19+s23+$0x0], $0xffff;
	v16 =	vand.u32 $0xFFFFFE00, v0;
	v0 =	vor.u32 v13, v8;
	s5 =	simm.s32 @!p0 $0x0  }
0x348: {  	[tilespmem:s31+$0xE800] =	vst v11;
	v8 =	vshll.u32 v20, $0x2;
	v19 =	vld.idx.msk [tilespmem:v2+s23+$0x0], $0xffff;
	v2 =	vand.u32 $0x7F, v6;
	v6 =	vor.u32 $0x180, v9;
	s2 =	sshll.u32 s5, $0x6  }
0x349: {  	s28 =	simm.s32 $0xC0;
	s16 =	sor.u32 $0x180, s8;
	v22 =	vld.idx.msk [tilespmem:v12+s23+$0x0], $0xffff;
	v8 =	vand.u32 $0xFFFFFE00, v8;
	v23 =	vor.u32 v2, v16;
	v2 =	vand.u32 $0x7F, v20;
	[tilespmem:s18+$0x80] =	vst v1;
	s8 =	sadd.s32 $0x100, s2  }
0x34a: {  	s9 =	simm.s32 $0x80;
	s15 =	simm.s32 $0x8;
	v20 =	vor.u32 v2, v8;
	v13 =	vld.idx.msk [tilespmem:v10+s23+$0x0], $0xffff;
	[tilespmem:s25+$0x80] =	vst v15;
	s0 =	sadd.s32 $0x30, s8  }
0x34b: {  	v3 =	vor.u32 $0x180, v3;
	[tilespmem:s16+$0xE800] =	vst v18;
	s5 =	sor.u32 $0x100, s3;
	s18 =	sor.u32 $0x180, s26;
	v14 =	vld.idx.msk [tilespmem:v14+s23+$0x0], $0xffff;
	s30 =	sor.u32 $0x100, s0  }
0x34c: {  	v4 =	vor.u32 $0x180, v4;
	v9 =	vor.u32 $0x80, v12;
	s26 =	sor.u32 $0x180, s3;
	v1 =	vor.u32 $0x180, v5;
	s3 =	sor.u32 s1, s24;
	s1 =	simm.s32 $0x200;
	v17 =	vld.idx.msk [tilespmem:v0+s23+$0x0], $0xffff;
	[tilespmem:s30+$0xE800] =	vst v7  }
0x34d: {  	v5 =	vor.u32 $0x100, v12;
	v2 =	vor.u32 $0x180, v12;
	v10 =	vor.u32 $0x80, v23;
	[tilespmem:s5+$0xE800] =	vst v63;
	s25 =	sadd.s32 $0x10, s8;
	s31 =	sadd.s32 $0x20, s8;
	s29 =	sor.u32 $0x100, s8;
	v16 =	vld.idx.msk [tilespmem:v6+s23+$0x0], $0xffff  }
0x34e: {  	v11 =	vor.u32 $0x180, v23;
	v12 =	vor.u32 $0x80, v20;
	s16 =	sor.u32 $0x180, s8;
	s8 =	sand.u32 $0x1E00, s1;
	s2 =	sor.u32 $0x100, s25;
	[tilespmem:s18+$0xE800] =	vst v19;
	v19 =	vor.u32 $0x80, v0;
	v15 =	vld.idx.msk [tilespmem:v23+s23+$0x0], $0xffff  }
0x34f: {  	v8 =	vor.u32 $0x180, v20;
	s7 =	sor.u32 $0x100, s31;
	s25 =	sor.u32 $0x180, s25;
	s24 =	sor.u32 $0x180, s31;
	v7 =	vor.u32 $0x100, v20;
	[tilespmem:s3+$0x0] =	vst v22;
	v6 =	vor.u32 $0x100, v23;
	v18 =	vld.idx.msk [tilespmem:v20+s23+$0x0], $0xffff  }
.LBB2_17:
0x350: {  	s5 =	sand.u32 $0x780, s28;
	v20 =	vld [tilespmem:s9+$0x0];
	s8 =	sadd.s32 $0xE800, s8;
	[tilespmem:s2+$0xE800] =	vst v13;
	s30 =	smov.u32 s26  }
0x351: {  	s2 =	sand.u32 $0x40, s28;
	s15 =	sadd.s32 $0x4, s15;
	s9 =	sor.u32 s17, s8;
	v13 =	vld.idx.msk [tilespmem:v9+s23+$0x0], $0xffff;
	[tilespmem:s7+$0xE800] =	vst v14  }
0x352: {  	s0 =	sor.u32 $0x180, s0;
	s17 =	sor.u32 $0x30, s2;
	p1 =	slt.u32 s15, $0x7C;
	[tilespmem:s9+$0x0] =	vst v17;
	v14 =	vld.idx.msk [tilespmem:v4+s23+$0x0], $0xffff;
	v4 =	vmov v11  }
0x353: {  	s7 =	sor.u32 $0x10, s2;
	s18 =	sor.u32 $0x20, s2;
	s26 =	sor.u32 s17, s5;
	v11 =	vld.idx.msk [tilespmem:v19+s23+$0x0], $0xffff;
	[tilespmem:s0+$0xE800] =	vst v16  }
0x354: {  	s31 =	sor.u32 s6, s8;
	s0 =	sor.u32 s7, s5;
	s5 =	sor.u32 s18, s5;
	v16 =	vld [tilespmem:s26+$0x0]  }
0x355: {  	s6 =	smov.u32 s2;
	v17 =	vld [tilespmem:s0+$0x0];
	v9 =	vand.u32 $0x7F, v20;
	v19 =	vshll.u32 v20, $0x2;
	s0 =	sor.u32 s4, s8;
	s8 =	sor.u32 s11, s8;
	v20 =	vor.u32 $0x100, v0  }
0x356: {  	s26 =	smov.u32 s16;
	s4 =	smov.u32 s7;
	s11 =	smov.u32 s18;
	v21 =	vld [tilespmem:s5+$0x0];
	v19 =	vand.u32 $0xFFFFFE00, v19;
	[tilespmem:s0+$0x0] =	vst v15  }
0x357: {  	v15 =	vor.u32 v9, v19;
	v10 =	vld.idx.msk [tilespmem:v10+s23+$0x0], $0xffff;
	[tilespmem:s8+$0x0] =	vst v18  }
0x358: {  	v9 =	vor.u32 $0x80, v15;
	v18 =	vor.u32 $0x100, v15;
	v19 =	vor.u32 $0x180, v15;
	v12 =	vld.idx.msk [tilespmem:v12+s23+$0x0], $0xffff;
	[tilespmem:s3+$0x80] =	vst v13;
	s3 =	smov.u32 s31  }
0x359: {  	p0 =	por !p0, !p0;
	s2 =	simm.s32 $0x1;
	v13 =	vshll.u32 v16, $0x2;
	[tilespmem:s9+$0x80] =	vst v11;
	v22 =	vld.idx.msk [tilespmem:v5+s23+$0x0], $0xffff;
	v5 =	vmov v18  }
0x35a: {  	s2 =	simm.s32 @!p0 $0x0;
	v16 =	vand.u32 $0x7F, v16;
	v11 =	vshll.u32 v17, $0x2;
	v13 =	vand.u32 $0xFFFFFE00, v13;
	v18 =	vld.idx.msk [tilespmem:v20+s23+$0x0], $0xffff;
	[tilespmem:s25+$0xE800] =	vst v14  }
0x35b: {  	s2 =	sshll.u32 s2, $0x6;
	v11 =	vand.u32 $0xFFFFFE00, v11;
	v14 =	vshll.u32 v21, $0x2;
	v16 =	vor.u32 v16, v13;
	v20 =	vld.idx.msk [tilespmem:v3+s23+$0x0], $0xffff;
	v3 =	vmovc v8  }
0x35c: {  	s5 =	sadd.s32 s2, s1;
	v8 =	vand.u32 $0x7F, v17;
	v13 =	vand.u32 $0xFFFFFE00, v14;
	v23 =	vld.idx.msk [tilespmem:v15+s23+$0x0], $0xffff;
	v15 =	vor.u32 $0x180, v0;
	v0 =	vmovc v16  }
0x35d: {  	s9 =	sadd.s32 $0x10, s5;
	v24 =	vor.u32 v8, v11;
	v8 =	vand.u32 $0x7F, v21;
	[tilespmem:s0+$0x80] =	vst v10;
	v21 =	vld.idx.msk [tilespmem:v1+s23+$0x0], $0xffff;
	v1 =	vmovc v2;
	v2 =	vmov v19  }
0x35e: {  	s2 =	sor.u32 $0x100, s9;
	v10 =	vor.u32 $0x80, v24;
	v25 =	vor.u32 v8, v13;
	s0 =	sadd.s32 $0x30, s5;
	v13 =	vld.idx.msk [tilespmem:v6+s23+$0x0], $0xffff;
	v6 =	vor.u32 $0x100, v24;
	[tilespmem:s8+$0x80] =	vst v12;
	s8 =	sadd.s32 $0x20, s5  }
.Ltmp7:
0x35f: {  	v11 =	vor.u32 $0x180, v24;
	v12 =	vor.u32 $0x80, v25;
	s16 =	sor.u32 $0x100, s0;
	v14 =	vld.idx.msk [tilespmem:v7+s23+$0x0], $0xffff;
	v7 =	vor.u32 $0x100, v25;
	s7 =	sor.u32 $0x100, s8;
	[tilespmem:s29+$0xE800] =	vst v22;
	(pc) =	sbr.rel @p1 .LBB2_17-.Ltmp7, $4  }
0x360: {  	s25 =	sor.u32 $0x180, s9;
	v8 =	vor.u32 $0x180, v25;
	s29 =	sor.u32 $0x100, s5;
	s8 =	sor.u32 $0x180, s8;
	v17 =	vld.idx.msk [tilespmem:v16+s23+$0x0], $0xffff;
	[tilespmem:s16+$0xE800] =	vst v18  }
0x361: {  	s16 =	sor.u32 $0x180, s5;
	v16 =	vld.idx.msk [tilespmem:v15+s23+$0x0], $0xffff;
	[tilespmem:s24+$0xE800] =	vst v20;
	s24 =	smov.u32 s8  }
0x362: {  	s1 =	sadd.s32 $0x100, s1;
	v19 =	vor.u32 $0x80, v0;
	v15 =	vld.idx.msk [tilespmem:v24+s23+$0x0], $0xffff;
	[tilespmem:s3+$0x0] =	vst v23  }
0x363: {  	s28 =	sadd.s32 $0x40, s28;
	s9 =	sshra.s32 s1, $0x2;
	s8 =	sand.u32 $0x1E00, s1;
	v18 =	vld.idx.msk [tilespmem:v25+s23+$0x0], $0xffff;
	[tilespmem:s30+$0xE800] =	vst v21  }
0x364: {  	v20 =	vld [tilespmem:s9+$0x0];
	_ =	sdelay $0x4  }
0x365: {  	v21 =	vshll.u32 v20, $0x2  }
0x366: {  	v20 =	vand.u32 $0x7F, v20;
	v21 =	vand.u32 $0xFFFFFE00, v21  }
0x367: {  	v20 =	vor.u32 v20, v21;
	_ =	sdelay $0x3  }
0x368: {  	s5 =	sadd.s32 $0xE800, s8;
	[tilespmem:s2+$0xE800] =	vst v13  }
0x369: {  	[tilespmem:s7+$0xE800] =	vst v14;
	s30 =	sor.u32 s17, s5;
	v51 =	vld.idx.msk [tilespmem:v20+s23+$0x0], $0xffff  }
0x36a: {  	v9 =	vld.idx.msk [tilespmem:v9+s23+$0x0], $0xffff;
	s0 =	sor.u32 $0x180, s0;
	[tilespmem:s30+$0x0] =	vst v17;
	v52 =	vor.u32 $0x80, v20  }
0x36b: {  	v1 =	vld.idx.msk [tilespmem:v1+s23+$0x0], $0xffff;
	s4 =	sor.u32 s4, s5;
	[tilespmem:s0+$0xE800] =	vst v16  }
0x36c: {  	s31 =	sor.u32 s11, s5;
	v17 =	vld.idx.msk [tilespmem:v19+s23+$0x0], $0xffff;
	[tilespmem:s4+$0x0] =	vst v15  }
0x36d: {  	v53 =	vor.u32 $0x100, v0;
	s6 =	sor.u32 s6, s5;
	v10 =	vld.idx.msk [tilespmem:v10+s23+$0x0], $0xffff;
	[tilespmem:s31+$0x0] =	vst v18  }
0x36e: {  	v12 =	vld.idx.msk [tilespmem:v12+s23+$0x0], $0xffff;
	[tilespmem:s6+$0x0] =	vst v51  }
0x36f: {  	[tilespmem:s3+$0x80] =	vst v9;
	v54 =	vld.idx.msk [tilespmem:v52+s23+$0x0], $0xffff  }
0x370: {  	v4 =	vld.idx.msk [tilespmem:v4+s23+$0x0], $0xffff;
	[tilespmem:s26+$0xE800] =	vst v1;
	v55 =	vor.u32 $0x100, v20  }
0x371: {  	p0 =	por !p0, !p0;
	s2 =	simm.s32 $0x1;
	v5 =	vld.idx.msk [tilespmem:v5+s23+$0x0], $0xffff;
	[tilespmem:s30+$0x80] =	vst v17  }
0x372: {  	s2 =	simm.s32 @!p0 $0x0;
	v56 =	vld.idx.msk [tilespmem:v53+s23+$0x0], $0xffff;
	[tilespmem:s4+$0x80] =	vst v10  }
0x373: {  	v57 =	vor.u32 $0x180, v0;
	s2 =	sshll.u32 s2, $0x6;
	v6 =	vld.idx.msk [tilespmem:v6+s23+$0x0], $0xffff;
	[tilespmem:s31+$0x80] =	vst v12  }
0x374: {  	s1 =	sadd.s32 s2, s1;
	v58 =	vld.idx.msk [tilespmem:v7+s23+$0x0], $0xffff;
	[tilespmem:s6+$0x80] =	vst v54  }
0x375: {  	s2 =	sadd.s32 $0x30, s1;
	[tilespmem:s25+$0xE800] =	vst v4;
	v59 =	vld.idx.msk [tilespmem:v55+s23+$0x0], $0xffff  }
0x376: {  	v3 =	vld.idx.msk [tilespmem:v3+s23+$0x0], $0xffff;
	s8 =	sadd.s32 $0x10, s1;
	s9 =	sor.u32 $0x100, s2;
	v60 =	vor.u32 $0x180, v20;
	[tilespmem:s29+$0xE800] =	vst v5  }
0x377: {  	s11 =	sadd.s32 $0x20, s1;
	s15 =	sor.u32 $0x100, s8;
	v2 =	vld.idx.msk [tilespmem:v2+s23+$0x0], $0xffff;
	[tilespmem:s9+$0xE800] =	vst v56  }
0x378: {  	s17 =	sor.u32 $0x100, s11;
	v0 =	vld.idx.msk [tilespmem:v57+s23+$0x0], $0xffff;
	[tilespmem:s15+$0xE800] =	vst v6  }
0x379: {  	s18 =	sor.u32 $0x100, s1;
	[tilespmem:s17+$0xE800] =	vst v58;
	v61 =	vld.idx.msk [tilespmem:v11+s23+$0x0], $0xffff  }
0x37a: {  	v62 =	vld.idx.msk [tilespmem:v8+s23+$0x0], $0xffff;
	[tilespmem:s18+$0xE800] =	vst v59  }
0x37b: {  	[tilespmem:s24+$0xE800] =	vst v3;
	v63 =	vld.idx.msk [tilespmem:v60+s23+$0x0], $0xffff  }
0x37c: {  	s2 =	sor.u32 $0x180, s2;
	[tilespmem:s16+$0xE800] =	vst v2  }
0x37d: {  	s0 =	sor.u32 $0x180, s8;
	[tilespmem:s2+$0xE800] =	vst v0  }
0x37e: {  	s13 =	sadd.s32 $0x1, s13;
	s25 =	sor.u32 $0x180, s11;
	[tilespmem:s0+$0xE800] =	vst v61  }
0x37f: {  	p0 =	sne.s32 s13, $0x1E;
	s26 =	sor.u32 $0x180, s1;
	[tilespmem:s25+$0xE800] =	vst v62  }
.Ltmp8:
0x380: {  	s28 =	simm.s32 $0xE800;
	[tilespmem:s26+$0xE800] =	vst v63;
	(pc) =	sbr.rel @p0 .LBB2_10-.Ltmp8, $4  }
0x381: {  	[spmem:s10] =	stream.linear.scatter [tilespmem:s28], [sflag:$0x8], $0x2000, $0x38;
	[tilespmem:$0x12800] =	vst v63  }
0x382: {  	s29 =	sand.u32 $0x7FF800, s14;
	s30 =	rddreg [dreg:$0x4]  }
0x383: {  	s31 =	simm.s32 $0x200;
	s0 =	sadd.s32 s29, s30  }
0x384: {  	[tilespmem:s23], [sflag:$0x4] =	stream.strided.gather [hbm4b:s0+s31], $0x2000, s19, s31, $0x38;
	[tilespmem:$0x12800] =	vst v63  }
0x385: {  	s0 =	simm.s32 $0x1  }
0x386: {  	_ =	swait.ge [sflag:s0], $0x2000  }
0x387: {  	[sflag:s0] =	ssyncset.done $0x0  }
0x388: {  	s1 =	simm.s32 $0x0;
	s4 =	simm.s32 $0x5;
	[sflag:s0] =	ssyncadd.s32 $0xFFFFE000  }
0x389: {  	s31 =	sand.u32 $0x40, s1;
	_ =	swait.ge [sflag:s4], $0x2000  }
0x38a: {  	s2 =	sand.u32 $0x780, s1;
	s3 =	sor.u32 $0x30, s31;
	[sflag:s4] =	ssyncset.done $0x0  }
0x38b: {  	s11 =	sor.u32 s3, s2;
	[sflag:s4] =	ssyncadd.s32 $0xFFFFE000  }
0x38c: {  	s5 =	sor.u32 $0x10, s31;
	v0 =	vld [tilespmem:s11+$0x0]  }
0x38d: {  	s7 =	sor.u32 $0x20, s31;
	s12 =	sor.u32 s5, s2  }
0x38e: {  	s2 =	sor.u32 s7, s2;
	v1 =	vld [tilespmem:s12+$0x0]  }
0x38f: {  	v2 =	vld [tilespmem:s2+$0x0];
	_ =	sdelay $0x1  }
0x390: {  	v3 =	vshll.u32 v0, $0x2  }
0x391: {  	v0 =	vand.u32 $0x7F, v0;
	v3 =	vand.u32 $0xFFFFFE00, v3  }
0x392: {  	v0 =	vor.u32 v0, v3;
	v3 =	vshll.u32 v1, $0x2  }
0x393: {  	v4 =	vshll.u32 v2, $0x2;
	v1 =	vand.u32 $0x7F, v1;
	v3 =	vand.u32 $0xFFFFFE00, v3  }
0x394: {  	v2 =	vand.u32 $0x7F, v2;
	v1 =	vor.u32 v1, v3;
	v3 =	vand.u32 $0xFFFFFE00, v4  }
0x395: {  	s14 =	simm.s32 $0x40;
	s1 =	sand.u32 $0x1E00, s1;
	v2 =	vor.u32 v2, v3  }
0x396: {  	s13 =	simm.s32 $0x0;
	s6 =	sadd.s32 $0x8800, s1;
	s1 =	sand.u32 $0x40, s14  }
0x397: {  	s16 =	sand.u32 $0x780, s14;
	s17 =	sor.u32 $0x30, s1;
	v6 =	vld [tilespmem:s13+$0x0]  }
0x398: {  	s8 =	sor.u32 s17, s16;
	v3 =	vld.idx.msk [tilespmem:v0+s20+$0x0], $0xffff  }
0x399: {  	v9 =	vld [tilespmem:s8+$0x0];
	v4 =	vor.u32 $0x80, v0  }
0x39a: {  	v7 =	vld.idx.msk [tilespmem:v2+s20+$0x0], $0xffff  }
0x39b: {  	s14 =	sor.u32 $0x20, s1;
	v8 =	vor.u32 $0x80, v2;
	v5 =	vld.idx.msk [tilespmem:v1+s20+$0x0], $0xffff  }
0x39c: {  	s15 =	sor.u32 s3, s6;
	s3 =	sor.u32 s14, s16  }
0x39d: {  	s13 =	sor.u32 $0x10, s1;
	v13 =	vld [tilespmem:s3+$0x0];
	[tilespmem:s15+$0x0] =	vst v3;
	v3 =	vor.u32 $0x80, v1  }
0x39e: {  	s7 =	sor.u32 s7, s6;
	s9 =	sor.u32 s13, s16;
	v11 =	vshll.u32 v6, $0x2;
	v4 =	vld.idx.msk [tilespmem:v4+s20+$0x0], $0xffff  }
0x39f: {  	s5 =	sor.u32 s5, s6;
	v10 =	vld [tilespmem:s9+$0x0];
	v6 =	vand.u32 $0x7F, v6;
	v11 =	vand.u32 $0xFFFFFE00, v11;
	v12 =	vor.u32 $0x100, v0;
	[tilespmem:s7+$0x0] =	vst v7  }
0x3a0: {  	[tilespmem:s5+$0x0] =	vst v5;
	v5 =	vor.u32 v6, v11;
	v11 =	vshll.u32 v9, $0x2;
	v8 =	vld.idx.msk [tilespmem:v8+s20+$0x0], $0xffff  }
0x3a1: {  	v9 =	vand.u32 $0x7F, v9;
	v7 =	vor.u32 $0x100, v2;
	v11 =	vand.u32 $0xFFFFFE00, v11  }
0x3a2: {  	v9 =	vor.u32 v9, v11;
	v3 =	vld.idx.msk [tilespmem:v3+s20+$0x0], $0xffff  }
0x3a3: {  	p0 =	por $0x0, $0x0;
	s2 =	simm.s32 $0x1;
	v6 =	vor.u32 $0x100, v1;
	[tilespmem:s15+$0x80] =	vst v4  }
0x3a4: {  	s2 =	simm.s32 @!p0 $0x0;
	v0 =	vor.u32 $0x180, v0;
	v4 =	vshll.u32 v10, $0x2;
	v12 =	vld.idx.msk [tilespmem:v12+s20+$0x0], $0xffff  }
0x3a5: {  	s26 =	simm.s32 $0x80;
	s2 =	sshll.u32 s2, $0x6;
	v11 =	vshll.u32 v13, $0x2;
	v10 =	vand.u32 $0x7F, v10;
	v4 =	vand.u32 $0xFFFFFE00, v4;
	v14 =	vld.idx.msk [tilespmem:v5+s20+$0x0], $0xffff;
	[tilespmem:s7+$0x80] =	vst v8  }
0x3a6: {  	s0 =	sor.u32 s31, s6;
	s6 =	sand.u32 $0x40, s26;
	s3 =	sadd.s32 $0x0, s2;
	v11 =	vand.u32 $0xFFFFFE00, v11;
	v4 =	vor.u32 v10, v4;
	v10 =	vand.u32 $0x7F, v13;
	v7 =	vld.idx.msk [tilespmem:v7+s20+$0x0], $0xffff  }
0x3a7: {  	s12 =	sor.u32 $0x30, s6;
	s2 =	sadd.s32 $0x30, s3;
	s7 =	sand.u32 $0x780, s26;
	[tilespmem:s5+$0x80] =	vst v3;
	v3 =	vor.u32 v10, v11;
	v10 =	vld.idx.msk [tilespmem:v9+s20+$0x0], $0xffff  }
0x3a8: {  	s18 =	sor.u32 $0x100, s2;
	v8 =	vor.u32 $0x80, v5;
	s29 =	sor.u32 s12, s7;
	v6 =	vld.idx.msk [tilespmem:v6+s20+$0x0], $0xffff  }
0x3a9: {  	s25 =	simm.s32 $0x40;
	v16 =	vld [tilespmem:s29+$0x0];
	[tilespmem:s18+$0x8800] =	vst v12  }
0x3aa: {  	s24 =	simm.s32 $0x100;
	[tilespmem:s0+$0x0] =	vst v14;
	v14 =	vld [tilespmem:s25+$0x0]  }
0x3ab: {  	s5 =	sand.u32 $0x1E00, s24;
	v11 =	vld.idx.msk [tilespmem:v0+s20+$0x0], $0xffff;
	v0 =	vor.u32 $0x80, v9  }
0x3ac: {  	v1 =	vor.u32 $0x180, v1;
	s16 =	sadd.s32 $0x8800, s5;
	v12 =	vld.idx.msk [tilespmem:v4+s20+$0x0], $0xffff  }
0x3ad: {  	s4 =	sor.u32 $0x10, s6;
	s28 =	sadd.s32 $0x10, s3;
	s5 =	sor.u32 s17, s16;
	v8 =	vld.idx.msk [tilespmem:v8+s20+$0x0], $0xffff  }
0x3ae: {  	s11 =	sor.u32 $0x100, s28;
	s15 =	sor.u32 s4, s7;
	v13 =	vld.idx.msk [tilespmem:v3+s20+$0x0], $0xffff;
	[tilespmem:s5+$0x0] =	vst v10;
	v10 =	vor.u32 $0x80, v4  }
0x3af: {  	v15 =	vor.u32 $0x80, v3;
	[tilespmem:s11+$0x8800] =	vst v6;
	v6 =	vld [tilespmem:s15+$0x0]  }
0x3b0: {  	v17 =	vor.u32 $0x100, v5;
	s11 =	sor.u32 $0x20, s6;
	v0 =	vld.idx.msk [tilespmem:v0+s20+$0x0], $0xffff  }
0x3b1: {  	v19 =	vor.u32 $0x100, v9;
	s30 =	sor.u32 s13, s16;
	v18 =	vld.idx.msk [tilespmem:v1+s20+$0x0], $0xffff;
	s7 =	sor.u32 s11, s7;
	v1 =	vshll.u32 v14, $0x2  }
0x3b2: {  	v2 =	vor.u32 $0x180, v2;
	s31 =	sor.u32 s14, s16;
	v14 =	vand.u32 $0x7F, v14;
	v20 =	vld [tilespmem:s7+$0x0];
	v1 =	vand.u32 $0xFFFFFE00, v1;
	[tilespmem:s30+$0x0] =	vst v12  }
0x3b3: {  	v12 =	vor.u32 v14, v1;
	v1 =	vld.idx.msk [tilespmem:v10+s20+$0x0], $0xffff;
	[tilespmem:s31+$0x0] =	vst v13  }
0x3b4: {  	s14 =	sadd.s32 $0x20, s3;
	v14 =	vor.u32 $0x100, v3;
	[tilespmem:s0+$0x80] =	vst v8;
	v8 =	vshll.u32 v16, $0x2;
	v10 =	vor.u32 $0x100, v4;
	v15 =	vld.idx.msk [tilespmem:v15+s20+$0x0], $0xffff  }
0x3b5: {  	p0 =	por !p0, !p0;
	s15 =	sor.u32 $0x100, s14;
	v21 =	vld.idx.msk [tilespmem:v17+s20+$0x0], $0xffff;
	v13 =	vand.u32 $0x7F, v16;
	v8 =	vand.u32 $0xFFFFFE00, v8;
	[tilespmem:s5+$0x80] =	vst v0;
	v0 =	vshll.u32 v6, $0x2;
	s5 =	simm.s32 $0x1  }
0x3b6: {  	s17 =	sor.u32 $0x180, s2;
	[tilespmem:s15+$0x8800] =	vst v7;
	v7 =	vld.idx.msk [tilespmem:v19+s20+$0x0], $0xffff;
	v16 =	vand.u32 $0xFFFFFE00, v0;
	v0 =	vor.u32 v13, v8;
	s5 =	simm.s32 @!p0 $0x0  }
0x3b7: {  	[tilespmem:s17+$0x8800] =	vst v11;
	v8 =	vshll.u32 v20, $0x2;
	v19 =	vld.idx.msk [tilespmem:v2+s20+$0x0], $0xffff;
	v2 =	vand.u32 $0x7F, v6;
	v6 =	vor.u32 $0x180, v9;
	s18 =	sshll.u32 s5, $0x6  }
0x3b8: {  	s24 =	sor.u32 $0x100, s3;
	s25 =	sor.u32 $0x180, s28;
	v22 =	vld.idx.msk [tilespmem:v12+s20+$0x0], $0xffff;
	v8 =	vand.u32 $0xFFFFFE00, v8;
	v23 =	vor.u32 v2, v16;
	v2 =	vand.u32 $0x7F, v20;
	[tilespmem:s30+$0x80] =	vst v1;
	s26 =	sadd.s32 $0x100, s18  }
0x3b9: {  	s28 =	sor.u32 $0x180, s14;
	s14 =	sor.u32 $0x180, s3;
	v20 =	vor.u32 v2, v8;
	v13 =	vld.idx.msk [tilespmem:v10+s20+$0x0], $0xffff;
	[tilespmem:s31+$0x80] =	vst v15;
	s0 =	sadd.s32 $0x30, s26  }
0x3ba: {  	s3 =	sor.u32 s1, s16;
	s1 =	simm.s32 $0x200;
	v3 =	vor.u32 $0x180, v3;
	[tilespmem:s25+$0x8800] =	vst v18;
	v14 =	vld.idx.msk [tilespmem:v14+s20+$0x0], $0xffff;
	s30 =	sor.u32 $0x100, s0  }
0x3bb: {  	s9 =	simm.s32 $0x80;
	s15 =	simm.s32 $0x8;
	s8 =	sand.u32 $0x1E00, s1;
	v4 =	vor.u32 $0x180, v4;
	v9 =	vor.u32 $0x80, v12;
	v1 =	vor.u32 $0x180, v5;
	v17 =	vld.idx.msk [tilespmem:v0+s20+$0x0], $0xffff;
	[tilespmem:s30+$0x8800] =	vst v7  }
0x3bc: {  	s25 =	simm.s32 $0xC0;
	v5 =	vor.u32 $0x100, v12;
	[tilespmem:s24+$0x8800] =	vst v21;
	v2 =	vor.u32 $0x180, v12;
	v10 =	vor.u32 $0x80, v23;
	s29 =	sadd.s32 $0x10, s26;
	s31 =	sadd.s32 $0x20, s26;
	v16 =	vld.idx.msk [tilespmem:v6+s20+$0x0], $0xffff  }
0x3bd: {  	v11 =	vor.u32 $0x180, v23;
	s17 =	sor.u32 $0x100, s26;
	v12 =	vor.u32 $0x80, v20;
	s16 =	sor.u32 $0x180, s26;
	s2 =	sor.u32 $0x100, s29;
	[tilespmem:s28+$0x8800] =	vst v19;
	v19 =	vor.u32 $0x80, v0;
	v15 =	vld.idx.msk [tilespmem:v23+s20+$0x0], $0xffff  }
0x3be: {  	v8 =	vor.u32 $0x180, v20;
	s7 =	sor.u32 $0x100, s31;
	s24 =	sor.u32 $0x180, s29;
	s13 =	sor.u32 $0x180, s31;
	v7 =	vor.u32 $0x100, v20;
	[tilespmem:s3+$0x0] =	vst v22;
	v6 =	vor.u32 $0x100, v23;
	v18 =	vld.idx.msk [tilespmem:v20+s20+$0x0], $0xffff  }
.LBB2_20:
0x3bf: {  	s5 =	sand.u32 $0x780, s25;
	v20 =	vld [tilespmem:s9+$0x0];
	s8 =	sadd.s32 $0x8800, s8;
	[tilespmem:s2+$0x8800] =	vst v13;
	s26 =	smov.u32 s14  }
0x3c0: {  	s2 =	sand.u32 $0x40, s25;
	s15 =	sadd.s32 $0x4, s15;
	s9 =	sor.u32 s12, s8;
	v13 =	vld.idx.msk [tilespmem:v9+s20+$0x0], $0xffff;
	[tilespmem:s7+$0x8800] =	vst v14  }
0x3c1: {  	s0 =	sor.u32 $0x180, s0;
	s12 =	sor.u32 $0x30, s2;
	p1 =	slt.u32 s15, $0x7C;
	[tilespmem:s9+$0x0] =	vst v17;
	v14 =	vld.idx.msk [tilespmem:v4+s20+$0x0], $0xffff;
	v4 =	vmov v11  }
0x3c2: {  	s7 =	sor.u32 $0x10, s2;
	s14 =	sor.u32 $0x20, s2;
	s18 =	sor.u32 s12, s5;
	v11 =	vld.idx.msk [tilespmem:v19+s20+$0x0], $0xffff;
	[tilespmem:s0+$0x8800] =	vst v16  }
0x3c3: {  	s0 =	sor.u32 s7, s5;
	s5 =	sor.u32 s14, s5;
	v16 =	vld [tilespmem:s18+$0x0];
	s18 =	sor.u32 s6, s8  }
0x3c4: {  	s6 =	smov.u32 s2;
	v17 =	vld [tilespmem:s0+$0x0];
	v9 =	vand.u32 $0x7F, v20;
	v19 =	vshll.u32 v20, $0x2;
	s0 =	sor.u32 s4, s8;
	s8 =	sor.u32 s11, s8;
	v20 =	vor.u32 $0x100, v0  }
0x3c5: {  	s4 =	smov.u32 s7;
	s11 =	smov.u32 s14;
	s14 =	smov.u32 s16;
	v21 =	vld [tilespmem:s5+$0x0];
	v19 =	vand.u32 $0xFFFFFE00, v19;
	[tilespmem:s0+$0x0] =	vst v15  }
0x3c6: {  	v15 =	vor.u32 v9, v19;
	v10 =	vld.idx.msk [tilespmem:v10+s20+$0x0], $0xffff;
	[tilespmem:s8+$0x0] =	vst v18  }
0x3c7: {  	v9 =	vor.u32 $0x80, v15;
	v18 =	vor.u32 $0x100, v15;
	v19 =	vor.u32 $0x180, v15;
	v12 =	vld.idx.msk [tilespmem:v12+s20+$0x0], $0xffff;
	[tilespmem:s3+$0x80] =	vst v13;
	s3 =	smov.u32 s18  }
0x3c8: {  	p0 =	por !p0, !p0;
	s2 =	simm.s32 $0x1;
	v13 =	vshll.u32 v16, $0x2;
	[tilespmem:s9+$0x80] =	vst v11;
	v22 =	vld.idx.msk [tilespmem:v5+s20+$0x0], $0xffff;
	v5 =	vmov v18  }
0x3c9: {  	s2 =	simm.s32 @!p0 $0x0;
	v16 =	vand.u32 $0x7F, v16;
	v11 =	vshll.u32 v17, $0x2;
	v13 =	vand.u32 $0xFFFFFE00, v13;
	v18 =	vld.idx.msk [tilespmem:v20+s20+$0x0], $0xffff;
	[tilespmem:s24+$0x8800] =	vst v14  }
0x3ca: {  	s2 =	sshll.u32 s2, $0x6;
	v11 =	vand.u32 $0xFFFFFE00, v11;
	v14 =	vshll.u32 v21, $0x2;
	v16 =	vor.u32 v16, v13;
	v20 =	vld.idx.msk [tilespmem:v3+s20+$0x0], $0xffff;
	v3 =	vmovc v8  }
0x3cb: {  	s5 =	sadd.s32 s2, s1;
	v8 =	vand.u32 $0x7F, v17;
	v13 =	vand.u32 $0xFFFFFE00, v14;
	v23 =	vld.idx.msk [tilespmem:v15+s20+$0x0], $0xffff;
	v15 =	vor.u32 $0x180, v0;
	v0 =	vmovc v16  }
0x3cc: {  	s9 =	sadd.s32 $0x10, s5;
	v24 =	vor.u32 v8, v11;
	v8 =	vand.u32 $0x7F, v21;
	[tilespmem:s0+$0x80] =	vst v10;
	v21 =	vld.idx.msk [tilespmem:v1+s20+$0x0], $0xffff;
	v1 =	vmovc v2;
	v2 =	vmov v19  }
0x3cd: {  	s2 =	sor.u32 $0x100, s9;
	v10 =	vor.u32 $0x80, v24;
	v25 =	vor.u32 v8, v13;
	s0 =	sadd.s32 $0x30, s5;
	v13 =	vld.idx.msk [tilespmem:v6+s20+$0x0], $0xffff;
	v6 =	vor.u32 $0x100, v24;
	[tilespmem:s8+$0x80] =	vst v12;
	s8 =	sadd.s32 $0x20, s5  }
.Ltmp9:
0x3ce: {  	v11 =	vor.u32 $0x180, v24;
	v12 =	vor.u32 $0x80, v25;
	s16 =	sor.u32 $0x100, s0;
	v14 =	vld.idx.msk [tilespmem:v7+s20+$0x0], $0xffff;
	v7 =	vor.u32 $0x100, v25;
	s7 =	sor.u32 $0x100, s8;
	[tilespmem:s17+$0x8800] =	vst v22;
	(pc) =	sbr.rel @p1 .LBB2_20-.Ltmp9, $4  }
0x3cf: {  	s24 =	sor.u32 $0x180, s9;
	v8 =	vor.u32 $0x180, v25;
	s17 =	sor.u32 $0x100, s5;
	s8 =	sor.u32 $0x180, s8;
	v17 =	vld.idx.msk [tilespmem:v16+s20+$0x0], $0xffff;
	[tilespmem:s16+$0x8800] =	vst v18  }
0x3d0: {  	s16 =	sor.u32 $0x180, s5;
	v16 =	vld.idx.msk [tilespmem:v15+s20+$0x0], $0xffff;
	[tilespmem:s13+$0x8800] =	vst v20;
	s13 =	smov.u32 s8  }
0x3d1: {  	s1 =	sadd.s32 $0x100, s1;
	v19 =	vor.u32 $0x80, v0;
	v15 =	vld.idx.msk [tilespmem:v24+s20+$0x0], $0xffff;
	[tilespmem:s3+$0x0] =	vst v23  }
0x3d2: {  	s25 =	sadd.s32 $0x40, s25;
	s9 =	sshra.s32 s1, $0x2;
	s8 =	sand.u32 $0x1E00, s1;
	v18 =	vld.idx.msk [tilespmem:v25+s20+$0x0], $0xffff;
	[tilespmem:s26+$0x8800] =	vst v21  }
0x3d3: {  	v20 =	vld [tilespmem:s9+$0x0];
	_ =	sdelay $0x4  }
0x3d4: {  	v21 =	vshll.u32 v20, $0x2  }
0x3d5: {  	v20 =	vand.u32 $0x7F, v20;
	v21 =	vand.u32 $0xFFFFFE00, v21  }
0x3d6: {  	v20 =	vor.u32 v20, v21;
	_ =	sdelay $0x3  }
0x3d7: {  	s5 =	sadd.s32 $0x8800, s8;
	[tilespmem:s2+$0x8800] =	vst v13  }
0x3d8: {  	[tilespmem:s7+$0x8800] =	vst v14;
	s9 =	sor.u32 s12, s5;
	v13 =	vld.idx.msk [tilespmem:v20+s20+$0x0], $0xffff  }
0x3d9: {  	v9 =	vld.idx.msk [tilespmem:v9+s20+$0x0], $0xffff;
	s4 =	sor.u32 s4, s5;
	[tilespmem:s9+$0x0] =	vst v17;
	v14 =	vor.u32 $0x80, v20  }
0x3da: {  	s12 =	sor.u32 s11, s5;
	v4 =	vld.idx.msk [tilespmem:v4+s20+$0x0], $0xffff;
	[tilespmem:s4+$0x0] =	vst v15  }
0x3db: {  	s0 =	sor.u32 $0x180, s0;
	v10 =	vld.idx.msk [tilespmem:v10+s20+$0x0], $0xffff;
	[tilespmem:s12+$0x0] =	vst v18  }
0x3dc: {  	s15 =	sor.u32 s6, s5;
	[tilespmem:s0+$0x8800] =	vst v16;
	v12 =	vld.idx.msk [tilespmem:v12+s20+$0x0], $0xffff  }
0x3dd: {  	v17 =	vld.idx.msk [tilespmem:v19+s20+$0x0], $0xffff;
	[tilespmem:s15+$0x0] =	vst v13  }
0x3de: {  	v15 =	vor.u32 $0x100, v0;
	[tilespmem:s3+$0x80] =	vst v9;
	v9 =	vld.idx.msk [tilespmem:v14+s20+$0x0], $0xffff  }
0x3df: {  	v5 =	vld.idx.msk [tilespmem:v5+s20+$0x0], $0xffff;
	[tilespmem:s24+$0x8800] =	vst v4;
	v13 =	vor.u32 $0x100, v20  }
0x3e0: {  	p0 =	por !p0, !p0;
	s2 =	simm.s32 $0x1;
	v3 =	vld.idx.msk [tilespmem:v3+s20+$0x0], $0xffff;
	[tilespmem:s4+$0x80] =	vst v10  }
0x3e1: {  	s2 =	simm.s32 @!p0 $0x0;
	v6 =	vld.idx.msk [tilespmem:v6+s20+$0x0], $0xffff;
	[tilespmem:s12+$0x80] =	vst v12  }
0x3e2: {  	s2 =	sshll.u32 s2, $0x6;
	[tilespmem:s9+$0x80] =	vst v17;
	v4 =	vld.idx.msk [tilespmem:v7+s20+$0x0], $0xffff  }
0x3e3: {  	s1 =	sadd.s32 s2, s1;
	v14 =	vld.idx.msk [tilespmem:v15+s20+$0x0], $0xffff;
	[tilespmem:s15+$0x80] =	vst v9  }
0x3e4: {  	v0 =	vor.u32 $0x180, v0;
	s18 =	sadd.s32 $0x10, s1;
	[tilespmem:s17+$0x8800] =	vst v5;
	v5 =	vld.idx.msk [tilespmem:v13+s20+$0x0], $0xffff  }
0x3e5: {  	v1 =	vld.idx.msk [tilespmem:v1+s20+$0x0], $0xffff;
	s25 =	sadd.s32 $0x20, s1;
	s26 =	sor.u32 $0x100, s18;
	[tilespmem:s13+$0x8800] =	vst v3;
	v7 =	vor.u32 $0x180, v20  }
0x3e6: {  	s2 =	sadd.s32 $0x30, s1;
	s28 =	sor.u32 $0x100, s25;
	v2 =	vld.idx.msk [tilespmem:v2+s20+$0x0], $0xffff;
	[tilespmem:s26+$0x8800] =	vst v6  }
0x3e7: {  	s24 =	sor.u32 $0x100, s2;
	[tilespmem:s28+$0x8800] =	vst v4;
	v4 =	vld.idx.msk [tilespmem:v11+s20+$0x0], $0xffff  }
0x3e8: {  	s29 =	sor.u32 $0x100, s1;
	v3 =	vld.idx.msk [tilespmem:v8+s20+$0x0], $0xffff;
	[tilespmem:s24+$0x8800] =	vst v14  }
0x3e9: {  	v0 =	vld.idx.msk [tilespmem:v0+s20+$0x0], $0xffff;
	[tilespmem:s29+$0x8800] =	vst v5  }
0x3ea: {  	[tilespmem:s14+$0x8800] =	vst v1;
	v1 =	vld.idx.msk [tilespmem:v7+s20+$0x0], $0xffff  }
0x3eb: {  	s0 =	sor.u32 $0x180, s18;
	[tilespmem:s16+$0x8800] =	vst v2  }
0x3ec: {  	s30 =	sor.u32 $0x180, s25;
	[tilespmem:s0+$0x8800] =	vst v4  }
0x3ed: {  	s2 =	sor.u32 $0x180, s2;
	[tilespmem:s30+$0x8800] =	vst v3  }
0x3ee: {  	s31 =	sor.u32 $0x180, s1;
	[tilespmem:s2+$0x8800] =	vst v0  }
0x3ef: {  	s1 =	simm.s32 $0x8800;
	s2 =	simm.s32 $0x2;
	[tilespmem:s31+$0x8800] =	vst v1  }
0x3f0: {  	[spmem:s10] =	stream.linear.scatter [tilespmem:s1], [sflag:$0x5], $0x2000, $0x38;
	[tilespmem:$0x12800] =	vst v63  }
0x3f1: {  	_ =	swait.ge [sflag:s2], $0x2000  }
0x3f2: {  	[sflag:s2] =	ssyncset.done $0x0  }
0x3f3: {  	s5 =	simm.s32 $0x6;
	s3 =	simm.s32 $0x0;
	[sflag:s2] =	ssyncadd.s32 $0xFFFFE000  }
0x3f4: {  	s6 =	sand.u32 $0x40, s3;
	_ =	swait.ge [sflag:s5], $0x2000  }
0x3f5: {  	s16 =	sor.u32 $0x30, s6;
	s15 =	sand.u32 $0x780, s3;
	[sflag:s5] =	ssyncset.done $0x0  }
0x3f6: {  	s17 =	sor.u32 s16, s15;
	[sflag:s5] =	ssyncadd.s32 $0xFFFFE000  }
0x3f7: {  	s18 =	sor.u32 $0x10, s6;
	v0 =	vld [tilespmem:s17+$0x0]  }
0x3f8: {  	s25 =	sor.u32 $0x20, s6;
	s24 =	sor.u32 s18, s15  }
0x3f9: {  	s2 =	sor.u32 s25, s15;
	v1 =	vld [tilespmem:s24+$0x0]  }
0x3fa: {  	v2 =	vld [tilespmem:s2+$0x0];
	_ =	sdelay $0x1  }
0x3fb: {  	v3 =	vshll.u32 v0, $0x2  }
0x3fc: {  	v0 =	vand.u32 $0x7F, v0;
	v3 =	vand.u32 $0xFFFFFE00, v3  }
0x3fd: {  	v0 =	vor.u32 v0, v3;
	v3 =	vshll.u32 v1, $0x2  }
0x3fe: {  	v4 =	vshll.u32 v2, $0x2;
	v1 =	vand.u32 $0x7F, v1;
	v3 =	vand.u32 $0xFFFFFE00, v3  }
0x3ff: {  	v2 =	vand.u32 $0x7F, v2;
	v1 =	vor.u32 v1, v3;
	v3 =	vand.u32 $0xFFFFFE00, v4  }
0x400: {  	s28 =	simm.s32 $0x40;
	s1 =	sand.u32 $0x1E00, s3;
	v2 =	vor.u32 v2, v3  }
0x401: {  	s26 =	simm.s32 $0x0;
	s29 =	sadd.s32 $0xA800, s1;
	s1 =	sand.u32 $0x40, s28  }
0x402: {  	s12 =	sand.u32 $0x780, s28;
	s13 =	sor.u32 $0x30, s1;
	v6 =	vld [tilespmem:s26+$0x0]  }
0x403: {  	s30 =	sor.u32 s13, s12;
	v3 =	vld.idx.msk [tilespmem:v0+s21+$0x0], $0xffff  }
0x404: {  	v9 =	vld [tilespmem:s30+$0x0];
	v4 =	vor.u32 $0x80, v0  }
0x405: {  	v7 =	vld.idx.msk [tilespmem:v2+s21+$0x0], $0xffff  }
0x406: {  	s14 =	sor.u32 $0x10, s1;
	v8 =	vor.u32 $0x80, v2;
	v5 =	vld.idx.msk [tilespmem:v1+s21+$0x0], $0xffff  }
0x407: {  	s11 =	sor.u32 s16, s29;
	s31 =	sor.u32 s14, s12  }
0x408: {  	s8 =	sor.u32 $0x20, s1;
	v10 =	vld [tilespmem:s31+$0x0];
	[tilespmem:s11+$0x0] =	vst v3;
	v3 =	vor.u32 $0x80, v1  }
0x409: {  	s7 =	sor.u32 s25, s29;
	s3 =	sor.u32 s8, s12;
	v11 =	vshll.u32 v6, $0x2;
	v4 =	vld.idx.msk [tilespmem:v4+s21+$0x0], $0xffff  }
0x40a: {  	s5 =	sor.u32 s18, s29;
	v13 =	vld [tilespmem:s3+$0x0];
	v6 =	vand.u32 $0x7F, v6;
	v11 =	vand.u32 $0xFFFFFE00, v11;
	v12 =	vor.u32 $0x100, v0;
	[tilespmem:s7+$0x0] =	vst v7  }
0x40b: {  	[tilespmem:s5+$0x0] =	vst v5;
	v5 =	vor.u32 v6, v11;
	v11 =	vshll.u32 v9, $0x2;
	v8 =	vld.idx.msk [tilespmem:v8+s21+$0x0], $0xffff  }
0x40c: {  	v9 =	vand.u32 $0x7F, v9;
	v7 =	vor.u32 $0x100, v2;
	v11 =	vand.u32 $0xFFFFFE00, v11  }
0x40d: {  	v9 =	vor.u32 v9, v11;
	v3 =	vld.idx.msk [tilespmem:v3+s21+$0x0], $0xffff  }
0x40e: {  	p0 =	por $0x0, $0x0;
	s2 =	simm.s32 $0x1;
	v6 =	vor.u32 $0x100, v1;
	[tilespmem:s11+$0x80] =	vst v4  }
0x40f: {  	s2 =	simm.s32 @!p0 $0x0;
	v0 =	vor.u32 $0x180, v0;
	v4 =	vshll.u32 v10, $0x2;
	v12 =	vld.idx.msk [tilespmem:v12+s21+$0x0], $0xffff  }
0x410: {  	s25 =	simm.s32 $0x80;
	s2 =	sshll.u32 s2, $0x6;
	v11 =	vshll.u32 v13, $0x2;
	v10 =	vand.u32 $0x7F, v10;
	v4 =	vand.u32 $0xFFFFFE00, v4;
	v14 =	vld.idx.msk [tilespmem:v5+s21+$0x0], $0xffff;
	[tilespmem:s7+$0x80] =	vst v8  }
0x411: {  	s0 =	sor.u32 s6, s29;
	s6 =	sand.u32 $0x40, s25;
	s3 =	sadd.s32 $0x0, s2;
	v11 =	vand.u32 $0xFFFFFE00, v11;
	v4 =	vor.u32 v10, v4;
	v10 =	vand.u32 $0x7F, v13;
	v7 =	vld.idx.msk [tilespmem:v7+s21+$0x0], $0xffff  }
0x412: {  	s12 =	sor.u32 $0x30, s6;
	s2 =	sadd.s32 $0x30, s3;
	s7 =	sand.u32 $0x780, s25;
	[tilespmem:s5+$0x80] =	vst v3;
	v3 =	vor.u32 v10, v11;
	v10 =	vld.idx.msk [tilespmem:v9+s21+$0x0], $0xffff  }
0x413: {  	s17 =	sor.u32 $0x100, s2;
	v8 =	vor.u32 $0x80, v5;
	s28 =	sor.u32 s12, s7;
	v6 =	vld.idx.msk [tilespmem:v6+s21+$0x0], $0xffff  }
0x414: {  	s24 =	simm.s32 $0x40;
	v16 =	vld [tilespmem:s28+$0x0];
	[tilespmem:s17+$0xA800] =	vst v12  }
0x415: {  	s18 =	simm.s32 $0x100;
	[tilespmem:s0+$0x0] =	vst v14;
	v14 =	vld [tilespmem:s24+$0x0]  }
0x416: {  	s5 =	sand.u32 $0x1E00, s18;
	v11 =	vld.idx.msk [tilespmem:v0+s21+$0x0], $0xffff;
	v0 =	vor.u32 $0x80, v9  }
0x417: {  	v1 =	vor.u32 $0x180, v1;
	s16 =	sadd.s32 $0xA800, s5;
	v12 =	vld.idx.msk [tilespmem:v4+s21+$0x0], $0xffff  }
0x418: {  	s4 =	sor.u32 $0x10, s6;
	s26 =	sadd.s32 $0x10, s3;
	s5 =	sor.u32 s13, s16;
	v8 =	vld.idx.msk [tilespmem:v8+s21+$0x0], $0xffff  }
0x419: {  	s29 =	sor.u32 $0x100, s26;
	s15 =	sor.u32 s4, s7;
	v13 =	vld.idx.msk [tilespmem:v3+s21+$0x0], $0xffff;
	[tilespmem:s5+$0x0] =	vst v10;
	v10 =	vor.u32 $0x80, v4  }
0x41a: {  	v15 =	vor.u32 $0x80, v3;
	[tilespmem:s29+$0xA800] =	vst v6;
	v6 =	vld [tilespmem:s15+$0x0]  }
0x41b: {  	v17 =	vor.u32 $0x100, v5;
	s11 =	sor.u32 $0x20, s6;
	v0 =	vld.idx.msk [tilespmem:v0+s21+$0x0], $0xffff  }
0x41c: {  	v19 =	vor.u32 $0x100, v9;
	s7 =	sor.u32 s11, s7;
	s30 =	sor.u32 s14, s16;
	v18 =	vld.idx.msk [tilespmem:v1+s21+$0x0], $0xffff;
	v1 =	vshll.u32 v14, $0x2  }
0x41d: {  	v2 =	vor.u32 $0x180, v2;
	v20 =	vld [tilespmem:s7+$0x0];
	s31 =	sor.u32 s8, s16;
	v14 =	vand.u32 $0x7F, v14;
	v1 =	vand.u32 $0xFFFFFE00, v1;
	[tilespmem:s30+$0x0] =	vst v12  }
0x41e: {  	v12 =	vor.u32 v14, v1;
	v1 =	vld.idx.msk [tilespmem:v10+s21+$0x0], $0xffff;
	[tilespmem:s31+$0x0] =	vst v13  }
0x41f: {  	s14 =	sadd.s32 $0x20, s3;
	v14 =	vor.u32 $0x100, v3;
	[tilespmem:s0+$0x80] =	vst v8;
	v8 =	vshll.u32 v16, $0x2;
	v10 =	vor.u32 $0x100, v4;
	v15 =	vld.idx.msk [tilespmem:v15+s21+$0x0], $0xffff  }
0x420: {  	p0 =	por !p0, !p0;
	s15 =	sor.u32 $0x100, s14;
	v63 =	vld.idx.msk [tilespmem:v17+s21+$0x0], $0xffff;
	v13 =	vand.u32 $0x7F, v16;
	v8 =	vand.u32 $0xFFFFFE00, v8;
	[tilespmem:s5+$0x80] =	vst v0;
	v0 =	vshll.u32 v6, $0x2;
	s5 =	simm.s32 $0x1  }
0x421: {  	s17 =	sor.u32 $0x180, s2;
	[tilespmem:s15+$0xA800] =	vst v7;
	v7 =	vld.idx.msk [tilespmem:v19+s21+$0x0], $0xffff;
	v16 =	vand.u32 $0xFFFFFE00, v0;
	v0 =	vor.u32 v13, v8;
	s5 =	simm.s32 @!p0 $0x0  }
0x422: {  	[tilespmem:s17+$0xA800] =	vst v11;
	v8 =	vshll.u32 v20, $0x2;
	v19 =	vld.idx.msk [tilespmem:v2+s21+$0x0], $0xffff;
	v2 =	vand.u32 $0x7F, v6;
	v6 =	vor.u32 $0x180, v9;
	s18 =	sshll.u32 s5, $0x6  }
0x423: {  	s25 =	sor.u32 $0x180, s26;
	s24 =	sor.u32 $0x100, s3;
	v22 =	vld.idx.msk [tilespmem:v12+s21+$0x0], $0xffff;
	v8 =	vand.u32 $0xFFFFFE00, v8;
	v23 =	vor.u32 v2, v16;
	v2 =	vand.u32 $0x7F, v20;
	[tilespmem:s30+$0x80] =	vst v1;
	s26 =	sadd.s32 $0x100, s18  }
0x424: {  	s28 =	sor.u32 $0x180, s14;
	s14 =	sor.u32 $0x180, s3;
	v20 =	vor.u32 v2, v8;
	v13 =	vld.idx.msk [tilespmem:v10+s21+$0x0], $0xffff;
	[tilespmem:s31+$0x80] =	vst v15;
	s0 =	sadd.s32 $0x30, s26  }
0x425: {  	s3 =	sor.u32 s1, s16;
	s1 =	simm.s32 $0x200;
	v3 =	vor.u32 $0x180, v3;
	[tilespmem:s25+$0xA800] =	vst v18;
	v14 =	vld.idx.msk [tilespmem:v14+s21+$0x0], $0xffff;
	s30 =	sor.u32 $0x100, s0  }
0x426: {  	s9 =	simm.s32 $0x80;
	s15 =	simm.s32 $0x8;
	s8 =	sand.u32 $0x1E00, s1;
	v4 =	vor.u32 $0x180, v4;
	v9 =	vor.u32 $0x80, v12;
	v1 =	vor.u32 $0x180, v5;
	v17 =	vld.idx.msk [tilespmem:v0+s21+$0x0], $0xffff;
	[tilespmem:s30+$0xA800] =	vst v7  }
0x427: {  	s25 =	simm.s32 $0xC0;
	v5 =	vor.u32 $0x100, v12;
	[tilespmem:s24+$0xA800] =	vst v63;
	v2 =	vor.u32 $0x180, v12;
	v10 =	vor.u32 $0x80, v23;
	s29 =	sadd.s32 $0x10, s26;
	s31 =	sadd.s32 $0x20, s26;
	v16 =	vld.idx.msk [tilespmem:v6+s21+$0x0], $0xffff  }
0x428: {  	v11 =	vor.u32 $0x180, v23;
	s17 =	sor.u32 $0x100, s26;
	v12 =	vor.u32 $0x80, v20;
	s16 =	sor.u32 $0x180, s26;
	s2 =	sor.u32 $0x100, s29;
	[tilespmem:s28+$0xA800] =	vst v19;
	v19 =	vor.u32 $0x80, v0;
	v15 =	vld.idx.msk [tilespmem:v23+s21+$0x0], $0xffff  }
0x429: {  	v8 =	vor.u32 $0x180, v20;
	s7 =	sor.u32 $0x100, s31;
	s24 =	sor.u32 $0x180, s29;
	s13 =	sor.u32 $0x180, s31;
	v7 =	vor.u32 $0x100, v20;
	[tilespmem:s3+$0x0] =	vst v22;
	v6 =	vor.u32 $0x100, v23;
	v18 =	vld.idx.msk [tilespmem:v20+s21+$0x0], $0xffff  }
.LBB2_22:
0x42a: {  	s5 =	sand.u32 $0x780, s25;
	v20 =	vld [tilespmem:s9+$0x0];
	s8 =	sadd.s32 $0xA800, s8;
	[tilespmem:s2+$0xA800] =	vst v13;
	s26 =	smov.u32 s14  }
0x42b: {  	s2 =	sand.u32 $0x40, s25;
	s15 =	sadd.s32 $0x4, s15;
	s9 =	sor.u32 s12, s8;
	v13 =	vld.idx.msk [tilespmem:v9+s21+$0x0], $0xffff;
	[tilespmem:s7+$0xA800] =	vst v14  }
0x42c: {  	s0 =	sor.u32 $0x180, s0;
	s12 =	sor.u32 $0x30, s2;
	p1 =	slt.u32 s15, $0x7C;
	[tilespmem:s9+$0x0] =	vst v17;
	v14 =	vld.idx.msk [tilespmem:v4+s21+$0x0], $0xffff;
	v4 =	vmov v11  }
0x42d: {  	s7 =	sor.u32 $0x10, s2;
	s14 =	sor.u32 $0x20, s2;
	s18 =	sor.u32 s12, s5;
	v11 =	vld.idx.msk [tilespmem:v19+s21+$0x0], $0xffff;
	[tilespmem:s0+$0xA800] =	vst v16  }
0x42e: {  	s0 =	sor.u32 s7, s5;
	s5 =	sor.u32 s14, s5;
	v16 =	vld [tilespmem:s18+$0x0];
	s18 =	sor.u32 s6, s8  }
0x42f: {  	s6 =	smov.u32 s2;
	v17 =	vld [tilespmem:s0+$0x0];
	v9 =	vand.u32 $0x7F, v20;
	v19 =	vshll.u32 v20, $0x2;
	s0 =	sor.u32 s4, s8;
	s8 =	sor.u32 s11, s8;
	v20 =	vor.u32 $0x100, v0  }
0x430: {  	s4 =	smov.u32 s7;
	s11 =	smov.u32 s14;
	s14 =	smov.u32 s16;
	v21 =	vld [tilespmem:s5+$0x0];
	v19 =	vand.u32 $0xFFFFFE00, v19;
	[tilespmem:s0+$0x0] =	vst v15  }
0x431: {  	v15 =	vor.u32 v9, v19;
	v10 =	vld.idx.msk [tilespmem:v10+s21+$0x0], $0xffff;
	[tilespmem:s8+$0x0] =	vst v18  }
0x432: {  	v9 =	vor.u32 $0x80, v15;
	v18 =	vor.u32 $0x100, v15;
	v19 =	vor.u32 $0x180, v15;
	v12 =	vld.idx.msk [tilespmem:v12+s21+$0x0], $0xffff;
	[tilespmem:s3+$0x80] =	vst v13;
	s3 =	smov.u32 s18  }
0x433: {  	p0 =	por !p0, !p0;
	s2 =	simm.s32 $0x1;
	v13 =	vshll.u32 v16, $0x2;
	[tilespmem:s9+$0x80] =	vst v11;
	v22 =	vld.idx.msk [tilespmem:v5+s21+$0x0], $0xffff;
	v5 =	vmov v18  }
0x434: {  	s2 =	simm.s32 @!p0 $0x0;
	v16 =	vand.u32 $0x7F, v16;
	v11 =	vshll.u32 v17, $0x2;
	v13 =	vand.u32 $0xFFFFFE00, v13;
	v18 =	vld.idx.msk [tilespmem:v20+s21+$0x0], $0xffff;
	[tilespmem:s24+$0xA800] =	vst v14  }
0x435: {  	s2 =	sshll.u32 s2, $0x6;
	v11 =	vand.u32 $0xFFFFFE00, v11;
	v14 =	vshll.u32 v21, $0x2;
	v16 =	vor.u32 v16, v13;
	v20 =	vld.idx.msk [tilespmem:v3+s21+$0x0], $0xffff;
	v3 =	vmovc v8  }
0x436: {  	s5 =	sadd.s32 s2, s1;
	v8 =	vand.u32 $0x7F, v17;
	v13 =	vand.u32 $0xFFFFFE00, v14;
	v23 =	vld.idx.msk [tilespmem:v15+s21+$0x0], $0xffff;
	v15 =	vor.u32 $0x180, v0;
	v0 =	vmovc v16  }
0x437: {  	s9 =	sadd.s32 $0x10, s5;
	v24 =	vor.u32 v8, v11;
	v8 =	vand.u32 $0x7F, v21;
	[tilespmem:s0+$0x80] =	vst v10;
	v21 =	vld.idx.msk [tilespmem:v1+s21+$0x0], $0xffff;
	v1 =	vmovc v2;
	v2 =	vmov v19  }
0x438: {  	s2 =	sor.u32 $0x100, s9;
	v10 =	vor.u32 $0x80, v24;
	v25 =	vor.u32 v8, v13;
	s0 =	sadd.s32 $0x30, s5;
	v13 =	vld.idx.msk [tilespmem:v6+s21+$0x0], $0xffff;
	v6 =	vor.u32 $0x100, v24;
	[tilespmem:s8+$0x80] =	vst v12;
	s8 =	sadd.s32 $0x20, s5  }
.Ltmp10:
0x439: {  	v11 =	vor.u32 $0x180, v24;
	v12 =	vor.u32 $0x80, v25;
	s16 =	sor.u32 $0x100, s0;
	v14 =	vld.idx.msk [tilespmem:v7+s21+$0x0], $0xffff;
	v7 =	vor.u32 $0x100, v25;
	s7 =	sor.u32 $0x100, s8;
	[tilespmem:s17+$0xA800] =	vst v22;
	(pc) =	sbr.rel @p1 .LBB2_22-.Ltmp10, $4  }
0x43a: {  	s24 =	sor.u32 $0x180, s9;
	v8 =	vor.u32 $0x180, v25;
	s17 =	sor.u32 $0x100, s5;
	s8 =	sor.u32 $0x180, s8;
	v17 =	vld.idx.msk [tilespmem:v16+s21+$0x0], $0xffff;
	[tilespmem:s16+$0xA800] =	vst v18  }
0x43b: {  	s16 =	sor.u32 $0x180, s5;
	v16 =	vld.idx.msk [tilespmem:v15+s21+$0x0], $0xffff;
	[tilespmem:s13+$0xA800] =	vst v20;
	s13 =	smov.u32 s8  }
0x43c: {  	s1 =	sadd.s32 $0x100, s1;
	v19 =	vor.u32 $0x80, v0;
	v15 =	vld.idx.msk [tilespmem:v24+s21+$0x0], $0xffff;
	[tilespmem:s3+$0x0] =	vst v23  }
0x43d: {  	s25 =	sadd.s32 $0x40, s25;
	s9 =	sshra.s32 s1, $0x2;
	s8 =	sand.u32 $0x1E00, s1;
	v18 =	vld.idx.msk [tilespmem:v25+s21+$0x0], $0xffff;
	[tilespmem:s26+$0xA800] =	vst v21  }
0x43e: {  	v20 =	vld [tilespmem:s9+$0x0];
	_ =	sdelay $0x4  }
0x43f: {  	v21 =	vshll.u32 v20, $0x2  }
0x440: {  	v20 =	vand.u32 $0x7F, v20;
	v21 =	vand.u32 $0xFFFFFE00, v21  }
0x441: {  	v20 =	vor.u32 v20, v21;
	_ =	sdelay $0x3  }
0x442: {  	s5 =	sadd.s32 $0xA800, s8;
	[tilespmem:s2+$0xA800] =	vst v13  }
0x443: {  	[tilespmem:s7+$0xA800] =	vst v14;
	s9 =	sor.u32 s12, s5;
	v13 =	vld.idx.msk [tilespmem:v20+s21+$0x0], $0xffff  }
0x444: {  	v9 =	vld.idx.msk [tilespmem:v9+s21+$0x0], $0xffff;
	s4 =	sor.u32 s4, s5;
	[tilespmem:s9+$0x0] =	vst v17;
	v14 =	vor.u32 $0x80, v20  }
0x445: {  	s12 =	sor.u32 s11, s5;
	v4 =	vld.idx.msk [tilespmem:v4+s21+$0x0], $0xffff;
	[tilespmem:s4+$0x0] =	vst v15  }
0x446: {  	s0 =	sor.u32 $0x180, s0;
	v10 =	vld.idx.msk [tilespmem:v10+s21+$0x0], $0xffff;
	[tilespmem:s12+$0x0] =	vst v18  }
0x447: {  	s15 =	sor.u32 s6, s5;
	[tilespmem:s0+$0xA800] =	vst v16;
	v12 =	vld.idx.msk [tilespmem:v12+s21+$0x0], $0xffff  }
0x448: {  	v17 =	vld.idx.msk [tilespmem:v19+s21+$0x0], $0xffff;
	[tilespmem:s15+$0x0] =	vst v13  }
0x449: {  	v15 =	vor.u32 $0x100, v0;
	[tilespmem:s3+$0x80] =	vst v9;
	v9 =	vld.idx.msk [tilespmem:v14+s21+$0x0], $0xffff  }
0x44a: {  	v5 =	vld.idx.msk [tilespmem:v5+s21+$0x0], $0xffff;
	[tilespmem:s24+$0xA800] =	vst v4;
	v13 =	vor.u32 $0x100, v20  }
0x44b: {  	p0 =	por !p0, !p0;
	s2 =	simm.s32 $0x1;
	v3 =	vld.idx.msk [tilespmem:v3+s21+$0x0], $0xffff;
	[tilespmem:s4+$0x80] =	vst v10  }
0x44c: {  	s2 =	simm.s32 @!p0 $0x0;
	v6 =	vld.idx.msk [tilespmem:v6+s21+$0x0], $0xffff;
	[tilespmem:s12+$0x80] =	vst v12  }
0x44d: {  	s2 =	sshll.u32 s2, $0x6;
	[tilespmem:s9+$0x80] =	vst v17;
	v4 =	vld.idx.msk [tilespmem:v7+s21+$0x0], $0xffff  }
0x44e: {  	s1 =	sadd.s32 s2, s1;
	v14 =	vld.idx.msk [tilespmem:v15+s21+$0x0], $0xffff;
	[tilespmem:s15+$0x80] =	vst v9  }
0x44f: {  	v0 =	vor.u32 $0x180, v0;
	s18 =	sadd.s32 $0x10, s1;
	[tilespmem:s17+$0xA800] =	vst v5;
	v5 =	vld.idx.msk [tilespmem:v13+s21+$0x0], $0xffff  }
0x450: {  	v1 =	vld.idx.msk [tilespmem:v1+s21+$0x0], $0xffff;
	s25 =	sadd.s32 $0x20, s1;
	s26 =	sor.u32 $0x100, s18;
	[tilespmem:s13+$0xA800] =	vst v3;
	v7 =	vor.u32 $0x180, v20  }
0x451: {  	s2 =	sadd.s32 $0x30, s1;
	s28 =	sor.u32 $0x100, s25;
	v2 =	vld.idx.msk [tilespmem:v2+s21+$0x0], $0xffff;
	[tilespmem:s26+$0xA800] =	vst v6  }
0x452: {  	s24 =	sor.u32 $0x100, s2;
	[tilespmem:s28+$0xA800] =	vst v4;
	v4 =	vld.idx.msk [tilespmem:v11+s21+$0x0], $0xffff  }
0x453: {  	s29 =	sor.u32 $0x100, s1;
	v3 =	vld.idx.msk [tilespmem:v8+s21+$0x0], $0xffff;
	[tilespmem:s24+$0xA800] =	vst v14  }
0x454: {  	v0 =	vld.idx.msk [tilespmem:v0+s21+$0x0], $0xffff;
	[tilespmem:s29+$0xA800] =	vst v5  }
0x455: {  	[tilespmem:s14+$0xA800] =	vst v1;
	v1 =	vld.idx.msk [tilespmem:v7+s21+$0x0], $0xffff  }
0x456: {  	s0 =	sor.u32 $0x180, s18;
	[tilespmem:s16+$0xA800] =	vst v2  }
0x457: {  	s30 =	sor.u32 $0x180, s25;
	[tilespmem:s0+$0xA800] =	vst v4  }
0x458: {  	s2 =	sor.u32 $0x180, s2;
	[tilespmem:s30+$0xA800] =	vst v3  }
0x459: {  	s31 =	sor.u32 $0x180, s1;
	[tilespmem:s2+$0xA800] =	vst v0  }
0x45a: {  	s1 =	simm.s32 $0xA800;
	s2 =	simm.s32 $0x3;
	[tilespmem:s31+$0xA800] =	vst v1  }
0x45b: {  	[spmem:s10] =	stream.linear.scatter [tilespmem:s1], [sflag:$0x6], $0x2000, $0x38;
	[tilespmem:$0x12800] =	vst v63  }
0x45c: {  	_ =	swait.ge [sflag:s2], $0x2000  }
0x45d: {  	[sflag:s2] =	ssyncset.done $0x0  }
0x45e: {  	s5 =	simm.s32 $0x7;
	s3 =	simm.s32 $0x0;
	[sflag:s2] =	ssyncadd.s32 $0xFFFFE000  }
0x45f: {  	s6 =	sand.u32 $0x40, s3;
	_ =	swait.ge [sflag:s5], $0x2000  }
0x460: {  	s16 =	sor.u32 $0x30, s6;
	s15 =	sand.u32 $0x780, s3;
	[sflag:s5] =	ssyncset.done $0x0  }
0x461: {  	s17 =	sor.u32 s16, s15;
	[sflag:s5] =	ssyncadd.s32 $0xFFFFE000  }
0x462: {  	s18 =	sor.u32 $0x10, s6;
	v0 =	vld [tilespmem:s17+$0x0]  }
0x463: {  	s25 =	sor.u32 $0x20, s6;
	s24 =	sor.u32 s18, s15  }
0x464: {  	s2 =	sor.u32 s25, s15;
	v1 =	vld [tilespmem:s24+$0x0]  }
0x465: {  	v2 =	vld [tilespmem:s2+$0x0];
	_ =	sdelay $0x1  }
0x466: {  	v3 =	vshll.u32 v0, $0x2  }
0x467: {  	v0 =	vand.u32 $0x7F, v0;
	v3 =	vand.u32 $0xFFFFFE00, v3  }
0x468: {  	v0 =	vor.u32 v0, v3;
	v3 =	vshll.u32 v1, $0x2  }
0x469: {  	v4 =	vshll.u32 v2, $0x2;
	v1 =	vand.u32 $0x7F, v1;
	v3 =	vand.u32 $0xFFFFFE00, v3  }
0x46a: {  	v2 =	vand.u32 $0x7F, v2;
	v1 =	vor.u32 v1, v3;
	v3 =	vand.u32 $0xFFFFFE00, v4  }
0x46b: {  	s28 =	simm.s32 $0x40;
	s1 =	sand.u32 $0x1E00, s3;
	v2 =	vor.u32 v2, v3  }
0x46c: {  	s26 =	simm.s32 $0x0;
	s29 =	sadd.s32 $0xC800, s1;
	s1 =	sand.u32 $0x40, s28  }
0x46d: {  	s12 =	sand.u32 $0x780, s28;
	s13 =	sor.u32 $0x30, s1;
	v6 =	vld [tilespmem:s26+$0x0]  }
0x46e: {  	s30 =	sor.u32 s13, s12;
	v3 =	vld.idx.msk [tilespmem:v0+s22+$0x0], $0xffff  }
0x46f: {  	v9 =	vld [tilespmem:s30+$0x0];
	v4 =	vor.u32 $0x80, v0  }
0x470: {  	v7 =	vld.idx.msk [tilespmem:v2+s22+$0x0], $0xffff  }
0x471: {  	s14 =	sor.u32 $0x10, s1;
	v8 =	vor.u32 $0x80, v2;
	v5 =	vld.idx.msk [tilespmem:v1+s22+$0x0], $0xffff  }
0x472: {  	s11 =	sor.u32 s16, s29;
	s31 =	sor.u32 s14, s12  }
0x473: {  	s8 =	sor.u32 $0x20, s1;
	v10 =	vld [tilespmem:s31+$0x0];
	[tilespmem:s11+$0x0] =	vst v3;
	v3 =	vor.u32 $0x80, v1  }
0x474: {  	s7 =	sor.u32 s25, s29;
	s3 =	sor.u32 s8, s12;
	v11 =	vshll.u32 v6, $0x2;
	v4 =	vld.idx.msk [tilespmem:v4+s22+$0x0], $0xffff  }
0x475: {  	s5 =	sor.u32 s18, s29;
	v13 =	vld [tilespmem:s3+$0x0];
	v6 =	vand.u32 $0x7F, v6;
	v11 =	vand.u32 $0xFFFFFE00, v11;
	v12 =	vor.u32 $0x100, v0;
	[tilespmem:s7+$0x0] =	vst v7  }
0x476: {  	[tilespmem:s5+$0x0] =	vst v5;
	v5 =	vor.u32 v6, v11;
	v11 =	vshll.u32 v9, $0x2;
	v8 =	vld.idx.msk [tilespmem:v8+s22+$0x0], $0xffff  }
0x477: {  	v9 =	vand.u32 $0x7F, v9;
	v7 =	vor.u32 $0x100, v2;
	v11 =	vand.u32 $0xFFFFFE00, v11  }
0x478: {  	v9 =	vor.u32 v9, v11;
	v3 =	vld.idx.msk [tilespmem:v3+s22+$0x0], $0xffff  }
0x479: {  	p0 =	por $0x0, $0x0;
	s2 =	simm.s32 $0x1;
	v6 =	vor.u32 $0x100, v1;
	[tilespmem:s11+$0x80] =	vst v4  }
0x47a: {  	s2 =	simm.s32 @!p0 $0x0;
	v0 =	vor.u32 $0x180, v0;
	v4 =	vshll.u32 v10, $0x2;
	v12 =	vld.idx.msk [tilespmem:v12+s22+$0x0], $0xffff  }
0x47b: {  	s25 =	simm.s32 $0x80;
	s2 =	sshll.u32 s2, $0x6;
	v11 =	vshll.u32 v13, $0x2;
	v10 =	vand.u32 $0x7F, v10;
	v4 =	vand.u32 $0xFFFFFE00, v4;
	v14 =	vld.idx.msk [tilespmem:v5+s22+$0x0], $0xffff;
	[tilespmem:s7+$0x80] =	vst v8  }
0x47c: {  	s0 =	sor.u32 s6, s29;
	s6 =	sand.u32 $0x40, s25;
	s3 =	sadd.s32 $0x0, s2;
	v11 =	vand.u32 $0xFFFFFE00, v11;
	v4 =	vor.u32 v10, v4;
	v10 =	vand.u32 $0x7F, v13;
	v7 =	vld.idx.msk [tilespmem:v7+s22+$0x0], $0xffff  }
0x47d: {  	s12 =	sor.u32 $0x30, s6;
	s2 =	sadd.s32 $0x30, s3;
	s7 =	sand.u32 $0x780, s25;
	[tilespmem:s5+$0x80] =	vst v3;
	v3 =	vor.u32 v10, v11;
	v10 =	vld.idx.msk [tilespmem:v9+s22+$0x0], $0xffff  }
0x47e: {  	s17 =	sor.u32 $0x100, s2;
	v8 =	vor.u32 $0x80, v5;
	s28 =	sor.u32 s12, s7;
	v6 =	vld.idx.msk [tilespmem:v6+s22+$0x0], $0xffff  }
0x47f: {  	s24 =	simm.s32 $0x40;
	v16 =	vld [tilespmem:s28+$0x0];
	[tilespmem:s17+$0xC800] =	vst v12  }
0x480: {  	s18 =	simm.s32 $0x100;
	[tilespmem:s0+$0x0] =	vst v14;
	v14 =	vld [tilespmem:s24+$0x0]  }
0x481: {  	s5 =	sand.u32 $0x1E00, s18;
	v11 =	vld.idx.msk [tilespmem:v0+s22+$0x0], $0xffff;
	v0 =	vor.u32 $0x80, v9  }
0x482: {  	v1 =	vor.u32 $0x180, v1;
	s16 =	sadd.s32 $0xC800, s5;
	v12 =	vld.idx.msk [tilespmem:v4+s22+$0x0], $0xffff  }
0x483: {  	s4 =	sor.u32 $0x10, s6;
	s26 =	sadd.s32 $0x10, s3;
	s5 =	sor.u32 s13, s16;
	v8 =	vld.idx.msk [tilespmem:v8+s22+$0x0], $0xffff  }
0x484: {  	s29 =	sor.u32 $0x100, s26;
	s15 =	sor.u32 s4, s7;
	v13 =	vld.idx.msk [tilespmem:v3+s22+$0x0], $0xffff;
	[tilespmem:s5+$0x0] =	vst v10;
	v10 =	vor.u32 $0x80, v4  }
0x485: {  	v15 =	vor.u32 $0x80, v3;
	[tilespmem:s29+$0xC800] =	vst v6;
	v6 =	vld [tilespmem:s15+$0x0]  }
0x486: {  	v17 =	vor.u32 $0x100, v5;
	s11 =	sor.u32 $0x20, s6;
	v0 =	vld.idx.msk [tilespmem:v0+s22+$0x0], $0xffff  }
0x487: {  	v19 =	vor.u32 $0x100, v9;
	s7 =	sor.u32 s11, s7;
	s30 =	sor.u32 s14, s16;
	v18 =	vld.idx.msk [tilespmem:v1+s22+$0x0], $0xffff;
	v1 =	vshll.u32 v14, $0x2  }
0x488: {  	v2 =	vor.u32 $0x180, v2;
	v20 =	vld [tilespmem:s7+$0x0];
	s31 =	sor.u32 s8, s16;
	v14 =	vand.u32 $0x7F, v14;
	v1 =	vand.u32 $0xFFFFFE00, v1;
	[tilespmem:s30+$0x0] =	vst v12  }
0x489: {  	v12 =	vor.u32 v14, v1;
	v1 =	vld.idx.msk [tilespmem:v10+s22+$0x0], $0xffff;
	[tilespmem:s31+$0x0] =	vst v13  }
0x48a: {  	s14 =	sadd.s32 $0x20, s3;
	v14 =	vor.u32 $0x100, v3;
	[tilespmem:s0+$0x80] =	vst v8;
	v8 =	vshll.u32 v16, $0x2;
	v10 =	vor.u32 $0x100, v4;
	v15 =	vld.idx.msk [tilespmem:v15+s22+$0x0], $0xffff  }
0x48b: {  	p0 =	por !p0, !p0;
	s15 =	sor.u32 $0x100, s14;
	v63 =	vld.idx.msk [tilespmem:v17+s22+$0x0], $0xffff;
	v13 =	vand.u32 $0x7F, v16;
	v8 =	vand.u32 $0xFFFFFE00, v8;
	[tilespmem:s5+$0x80] =	vst v0;
	v0 =	vshll.u32 v6, $0x2;
	s5 =	simm.s32 $0x1  }
0x48c: {  	s17 =	sor.u32 $0x180, s2;
	[tilespmem:s15+$0xC800] =	vst v7;
	v7 =	vld.idx.msk [tilespmem:v19+s22+$0x0], $0xffff;
	v16 =	vand.u32 $0xFFFFFE00, v0;
	v0 =	vor.u32 v13, v8;
	s5 =	simm.s32 @!p0 $0x0  }
0x48d: {  	[tilespmem:s17+$0xC800] =	vst v11;
	v8 =	vshll.u32 v20, $0x2;
	v19 =	vld.idx.msk [tilespmem:v2+s22+$0x0], $0xffff;
	v2 =	vand.u32 $0x7F, v6;
	v6 =	vor.u32 $0x180, v9;
	s18 =	sshll.u32 s5, $0x6  }
0x48e: {  	s25 =	sor.u32 $0x180, s26;
	s24 =	sor.u32 $0x100, s3;
	v22 =	vld.idx.msk [tilespmem:v12+s22+$0x0], $0xffff;
	v8 =	vand.u32 $0xFFFFFE00, v8;
	v23 =	vor.u32 v2, v16;
	v2 =	vand.u32 $0x7F, v20;
	[tilespmem:s30+$0x80] =	vst v1;
	s26 =	sadd.s32 $0x100, s18  }
0x48f: {  	s28 =	sor.u32 $0x180, s14;
	s14 =	sor.u32 $0x180, s3;
	v20 =	vor.u32 v2, v8;
	v13 =	vld.idx.msk [tilespmem:v10+s22+$0x0], $0xffff;
	[tilespmem:s31+$0x80] =	vst v15;
	s0 =	sadd.s32 $0x30, s26  }
0x490: {  	s3 =	sor.u32 s1, s16;
	s1 =	simm.s32 $0x200;
	v3 =	vor.u32 $0x180, v3;
	[tilespmem:s25+$0xC800] =	vst v18;
	v14 =	vld.idx.msk [tilespmem:v14+s22+$0x0], $0xffff;
	s30 =	sor.u32 $0x100, s0  }
0x491: {  	s9 =	simm.s32 $0x80;
	s15 =	simm.s32 $0x8;
	s8 =	sand.u32 $0x1E00, s1;
	v4 =	vor.u32 $0x180, v4;
	v9 =	vor.u32 $0x80, v12;
	v1 =	vor.u32 $0x180, v5;
	v17 =	vld.idx.msk [tilespmem:v0+s22+$0x0], $0xffff;
	[tilespmem:s30+$0xC800] =	vst v7  }
0x492: {  	s25 =	simm.s32 $0xC0;
	v5 =	vor.u32 $0x100, v12;
	[tilespmem:s24+$0xC800] =	vst v63;
	v2 =	vor.u32 $0x180, v12;
	v10 =	vor.u32 $0x80, v23;
	s29 =	sadd.s32 $0x10, s26;
	s31 =	sadd.s32 $0x20, s26;
	v16 =	vld.idx.msk [tilespmem:v6+s22+$0x0], $0xffff  }
0x493: {  	v11 =	vor.u32 $0x180, v23;
	s17 =	sor.u32 $0x100, s26;
	v12 =	vor.u32 $0x80, v20;
	s16 =	sor.u32 $0x180, s26;
	s2 =	sor.u32 $0x100, s29;
	[tilespmem:s28+$0xC800] =	vst v19;
	v19 =	vor.u32 $0x80, v0;
	v15 =	vld.idx.msk [tilespmem:v23+s22+$0x0], $0xffff  }
0x494: {  	v8 =	vor.u32 $0x180, v20;
	s7 =	sor.u32 $0x100, s31;
	s24 =	sor.u32 $0x180, s29;
	s13 =	sor.u32 $0x180, s31;
	v7 =	vor.u32 $0x100, v20;
	[tilespmem:s3+$0x0] =	vst v22;
	v6 =	vor.u32 $0x100, v23;
	v18 =	vld.idx.msk [tilespmem:v20+s22+$0x0], $0xffff  }
.LBB2_24:
0x495: {  	s5 =	sand.u32 $0x780, s25;
	v20 =	vld [tilespmem:s9+$0x0];
	s8 =	sadd.s32 $0xC800, s8;
	[tilespmem:s2+$0xC800] =	vst v13;
	s26 =	smov.u32 s14  }
0x496: {  	s2 =	sand.u32 $0x40, s25;
	s15 =	sadd.s32 $0x4, s15;
	s9 =	sor.u32 s12, s8;
	v13 =	vld.idx.msk [tilespmem:v9+s22+$0x0], $0xffff;
	[tilespmem:s7+$0xC800] =	vst v14  }
0x497: {  	s0 =	sor.u32 $0x180, s0;
	s12 =	sor.u32 $0x30, s2;
	p1 =	slt.u32 s15, $0x7C;
	[tilespmem:s9+$0x0] =	vst v17;
	v14 =	vld.idx.msk [tilespmem:v4+s22+$0x0], $0xffff;
	v4 =	vmov v11  }
0x498: {  	s7 =	sor.u32 $0x10, s2;
	s14 =	sor.u32 $0x20, s2;
	s18 =	sor.u32 s12, s5;
	v11 =	vld.idx.msk [tilespmem:v19+s22+$0x0], $0xffff;
	[tilespmem:s0+$0xC800] =	vst v16  }
0x499: {  	s0 =	sor.u32 s7, s5;
	s5 =	sor.u32 s14, s5;
	v16 =	vld [tilespmem:s18+$0x0];
	s18 =	sor.u32 s6, s8  }
0x49a: {  	s6 =	smov.u32 s2;
	v17 =	vld [tilespmem:s0+$0x0];
	v9 =	vand.u32 $0x7F, v20;
	v19 =	vshll.u32 v20, $0x2;
	s0 =	sor.u32 s4, s8;
	s8 =	sor.u32 s11, s8;
	v20 =	vor.u32 $0x100, v0  }
0x49b: {  	s4 =	smov.u32 s7;
	s11 =	smov.u32 s14;
	s14 =	smov.u32 s16;
	v21 =	vld [tilespmem:s5+$0x0];
	v19 =	vand.u32 $0xFFFFFE00, v19;
	[tilespmem:s0+$0x0] =	vst v15  }
0x49c: {  	v15 =	vor.u32 v9, v19;
	v10 =	vld.idx.msk [tilespmem:v10+s22+$0x0], $0xffff;
	[tilespmem:s8+$0x0] =	vst v18  }
0x49d: {  	v9 =	vor.u32 $0x80, v15;
	v18 =	vor.u32 $0x100, v15;
	v19 =	vor.u32 $0x180, v15;
	v12 =	vld.idx.msk [tilespmem:v12+s22+$0x0], $0xffff;
	[tilespmem:s3+$0x80] =	vst v13;
	s3 =	smov.u32 s18  }
0x49e: {  	p0 =	por !p0, !p0;
	s2 =	simm.s32 $0x1;
	v13 =	vshll.u32 v16, $0x2;
	[tilespmem:s9+$0x80] =	vst v11;
	v22 =	vld.idx.msk [tilespmem:v5+s22+$0x0], $0xffff;
	v5 =	vmov v18  }
0x49f: {  	s2 =	simm.s32 @!p0 $0x0;
	v16 =	vand.u32 $0x7F, v16;
	v11 =	vshll.u32 v17, $0x2;
	v13 =	vand.u32 $0xFFFFFE00, v13;
	v18 =	vld.idx.msk [tilespmem:v20+s22+$0x0], $0xffff;
	[tilespmem:s24+$0xC800] =	vst v14  }
0x4a0: {  	s2 =	sshll.u32 s2, $0x6;
	v11 =	vand.u32 $0xFFFFFE00, v11;
	v14 =	vshll.u32 v21, $0x2;
	v16 =	vor.u32 v16, v13;
	v20 =	vld.idx.msk [tilespmem:v3+s22+$0x0], $0xffff;
	v3 =	vmovc v8  }
0x4a1: {  	s5 =	sadd.s32 s2, s1;
	v8 =	vand.u32 $0x7F, v17;
	v13 =	vand.u32 $0xFFFFFE00, v14;
	v23 =	vld.idx.msk [tilespmem:v15+s22+$0x0], $0xffff;
	v15 =	vor.u32 $0x180, v0;
	v0 =	vmovc v16  }
0x4a2: {  	s9 =	sadd.s32 $0x10, s5;
	v24 =	vor.u32 v8, v11;
	v8 =	vand.u32 $0x7F, v21;
	[tilespmem:s0+$0x80] =	vst v10;
	v21 =	vld.idx.msk [tilespmem:v1+s22+$0x0], $0xffff;
	v1 =	vmovc v2;
	v2 =	vmov v19  }
0x4a3: {  	s2 =	sor.u32 $0x100, s9;
	v10 =	vor.u32 $0x80, v24;
	v25 =	vor.u32 v8, v13;
	s0 =	sadd.s32 $0x30, s5;
	v13 =	vld.idx.msk [tilespmem:v6+s22+$0x0], $0xffff;
	v6 =	vor.u32 $0x100, v24;
	[tilespmem:s8+$0x80] =	vst v12;
	s8 =	sadd.s32 $0x20, s5  }
.Ltmp11:
0x4a4: {  	v11 =	vor.u32 $0x180, v24;
	v12 =	vor.u32 $0x80, v25;
	s16 =	sor.u32 $0x100, s0;
	v14 =	vld.idx.msk [tilespmem:v7+s22+$0x0], $0xffff;
	v7 =	vor.u32 $0x100, v25;
	s7 =	sor.u32 $0x100, s8;
	[tilespmem:s17+$0xC800] =	vst v22;
	(pc) =	sbr.rel @p1 .LBB2_24-.Ltmp11, $4  }
0x4a5: {  	s24 =	sor.u32 $0x180, s9;
	v8 =	vor.u32 $0x180, v25;
	s17 =	sor.u32 $0x100, s5;
	s8 =	sor.u32 $0x180, s8;
	v17 =	vld.idx.msk [tilespmem:v16+s22+$0x0], $0xffff;
	[tilespmem:s16+$0xC800] =	vst v18  }
0x4a6: {  	s16 =	sor.u32 $0x180, s5;
	v16 =	vld.idx.msk [tilespmem:v15+s22+$0x0], $0xffff;
	[tilespmem:s13+$0xC800] =	vst v20;
	s13 =	smov.u32 s8  }
0x4a7: {  	s1 =	sadd.s32 $0x100, s1;
	v19 =	vor.u32 $0x80, v0;
	v15 =	vld.idx.msk [tilespmem:v24+s22+$0x0], $0xffff;
	[tilespmem:s3+$0x0] =	vst v23  }
0x4a8: {  	s25 =	sadd.s32 $0x40, s25;
	s9 =	sshra.s32 s1, $0x2;
	s8 =	sand.u32 $0x1E00, s1;
	v18 =	vld.idx.msk [tilespmem:v25+s22+$0x0], $0xffff;
	[tilespmem:s26+$0xC800] =	vst v21  }
0x4a9: {  	v20 =	vld [tilespmem:s9+$0x0];
	_ =	sdelay $0x4  }
0x4aa: {  	v21 =	vshll.u32 v20, $0x2  }
0x4ab: {  	v20 =	vand.u32 $0x7F, v20;
	v21 =	vand.u32 $0xFFFFFE00, v21  }
0x4ac: {  	v20 =	vor.u32 v20, v21;
	_ =	sdelay $0x3  }
0x4ad: {  	s5 =	sadd.s32 $0xC800, s8;
	[tilespmem:s2+$0xC800] =	vst v13  }
0x4ae: {  	[tilespmem:s7+$0xC800] =	vst v14;
	s9 =	sor.u32 s12, s5;
	v13 =	vld.idx.msk [tilespmem:v20+s22+$0x0], $0xffff  }
0x4af: {  	v9 =	vld.idx.msk [tilespmem:v9+s22+$0x0], $0xffff;
	s4 =	sor.u32 s4, s5;
	[tilespmem:s9+$0x0] =	vst v17;
	v14 =	vor.u32 $0x80, v20  }
0x4b0: {  	s12 =	sor.u32 s11, s5;
	v4 =	vld.idx.msk [tilespmem:v4+s22+$0x0], $0xffff;
	[tilespmem:s4+$0x0] =	vst v15  }
0x4b1: {  	s0 =	sor.u32 $0x180, s0;
	v10 =	vld.idx.msk [tilespmem:v10+s22+$0x0], $0xffff;
	[tilespmem:s12+$0x0] =	vst v18  }
0x4b2: {  	s15 =	sor.u32 s6, s5;
	[tilespmem:s0+$0xC800] =	vst v16;
	v12 =	vld.idx.msk [tilespmem:v12+s22+$0x0], $0xffff  }
0x4b3: {  	v17 =	vld.idx.msk [tilespmem:v19+s22+$0x0], $0xffff;
	[tilespmem:s15+$0x0] =	vst v13  }
0x4b4: {  	v15 =	vor.u32 $0x100, v0;
	[tilespmem:s3+$0x80] =	vst v9;
	v9 =	vld.idx.msk [tilespmem:v14+s22+$0x0], $0xffff  }
0x4b5: {  	v5 =	vld.idx.msk [tilespmem:v5+s22+$0x0], $0xffff;
	[tilespmem:s24+$0xC800] =	vst v4;
	v13 =	vor.u32 $0x100, v20  }
0x4b6: {  	p0 =	por !p0, !p0;
	s2 =	simm.s32 $0x1;
	v3 =	vld.idx.msk [tilespmem:v3+s22+$0x0], $0xffff;
	[tilespmem:s4+$0x80] =	vst v10  }
0x4b7: {  	s2 =	simm.s32 @!p0 $0x0;
	v6 =	vld.idx.msk [tilespmem:v6+s22+$0x0], $0xffff;
	[tilespmem:s12+$0x80] =	vst v12  }
0x4b8: {  	s2 =	sshll.u32 s2, $0x6;
	[tilespmem:s9+$0x80] =	vst v17;
	v4 =	vld.idx.msk [tilespmem:v7+s22+$0x0], $0xffff  }
0x4b9: {  	s1 =	sadd.s32 s2, s1;
	v14 =	vld.idx.msk [tilespmem:v15+s22+$0x0], $0xffff;
	[tilespmem:s15+$0x80] =	vst v9  }
0x4ba: {  	v0 =	vor.u32 $0x180, v0;
	s18 =	sadd.s32 $0x10, s1;
	[tilespmem:s17+$0xC800] =	vst v5;
	v5 =	vld.idx.msk [tilespmem:v13+s22+$0x0], $0xffff  }
0x4bb: {  	v1 =	vld.idx.msk [tilespmem:v1+s22+$0x0], $0xffff;
	s25 =	sadd.s32 $0x20, s1;
	s26 =	sor.u32 $0x100, s18;
	[tilespmem:s13+$0xC800] =	vst v3;
	v7 =	vor.u32 $0x180, v20  }
0x4bc: {  	s2 =	sadd.s32 $0x30, s1;
	s28 =	sor.u32 $0x100, s25;
	v2 =	vld.idx.msk [tilespmem:v2+s22+$0x0], $0xffff;
	[tilespmem:s26+$0xC800] =	vst v6  }
0x4bd: {  	s24 =	sor.u32 $0x100, s2;
	[tilespmem:s28+$0xC800] =	vst v4;
	v4 =	vld.idx.msk [tilespmem:v11+s22+$0x0], $0xffff  }
0x4be: {  	s29 =	sor.u32 $0x100, s1;
	v3 =	vld.idx.msk [tilespmem:v8+s22+$0x0], $0xffff;
	[tilespmem:s24+$0xC800] =	vst v14  }
0x4bf: {  	v0 =	vld.idx.msk [tilespmem:v0+s22+$0x0], $0xffff;
	[tilespmem:s29+$0xC800] =	vst v5  }
0x4c0: {  	[tilespmem:s14+$0xC800] =	vst v1;
	v1 =	vld.idx.msk [tilespmem:v7+s22+$0x0], $0xffff  }
0x4c1: {  	s0 =	sor.u32 $0x180, s18;
	[tilespmem:s16+$0xC800] =	vst v2  }
0x4c2: {  	s30 =	sor.u32 $0x180, s25;
	[tilespmem:s0+$0xC800] =	vst v4  }
0x4c3: {  	s2 =	sor.u32 $0x180, s2;
	[tilespmem:s30+$0xC800] =	vst v3  }
0x4c4: {  	s31 =	sor.u32 $0x180, s1;
	[tilespmem:s2+$0xC800] =	vst v0  }
0x4c5: {  	s1 =	simm.s32 $0xC800;
	s2 =	simm.s32 $0x4;
	[tilespmem:s31+$0xC800] =	vst v1  }
0x4c6: {  	[spmem:s10] =	stream.linear.scatter [tilespmem:s1], [sflag:$0x7], $0x2000, $0x38;
	[tilespmem:$0x12800] =	vst v63  }
0x4c7: {  	_ =	swait.ge [sflag:s2], $0x2000  }
0x4c8: {  	[sflag:s2] =	ssyncset.done $0x0  }
0x4c9: {  	s5 =	simm.s32 $0x8;
	s3 =	simm.s32 $0x0;
	[sflag:s2] =	ssyncadd.s32 $0xFFFFE000  }
0x4ca: {  	s6 =	sand.u32 $0x40, s3;
	_ =	swait.ge [sflag:s5], $0x2000  }
0x4cb: {  	s16 =	sor.u32 $0x30, s6;
	s15 =	sand.u32 $0x780, s3;
	[sflag:s5] =	ssyncset.done $0x0  }
0x4cc: {  	s17 =	sor.u32 s16, s15;
	[sflag:s5] =	ssyncadd.s32 $0xFFFFE000  }
0x4cd: {  	s18 =	sor.u32 $0x10, s6;
	v0 =	vld [tilespmem:s17+$0x0]  }
0x4ce: {  	s25 =	sor.u32 $0x20, s6;
	s24 =	sor.u32 s18, s15  }
0x4cf: {  	s2 =	sor.u32 s25, s15;
	v1 =	vld [tilespmem:s24+$0x0]  }
0x4d0: {  	v2 =	vld [tilespmem:s2+$0x0];
	_ =	sdelay $0x1  }
0x4d1: {  	v3 =	vshll.u32 v0, $0x2  }
0x4d2: {  	v0 =	vand.u32 $0x7F, v0;
	v3 =	vand.u32 $0xFFFFFE00, v3  }
0x4d3: {  	v0 =	vor.u32 v0, v3;
	v3 =	vshll.u32 v1, $0x2  }
0x4d4: {  	v4 =	vshll.u32 v2, $0x2;
	v1 =	vand.u32 $0x7F, v1;
	v3 =	vand.u32 $0xFFFFFE00, v3  }
0x4d5: {  	v2 =	vand.u32 $0x7F, v2;
	v1 =	vor.u32 v1, v3;
	v3 =	vand.u32 $0xFFFFFE00, v4  }
0x4d6: {  	s28 =	simm.s32 $0x40;
	s1 =	sand.u32 $0x1E00, s3;
	v2 =	vor.u32 v2, v3  }
0x4d7: {  	s26 =	simm.s32 $0x0;
	s29 =	sadd.s32 $0xE800, s1;
	s1 =	sand.u32 $0x40, s28  }
0x4d8: {  	s12 =	sand.u32 $0x780, s28;
	s13 =	sor.u32 $0x30, s1;
	v6 =	vld [tilespmem:s26+$0x0]  }
0x4d9: {  	s30 =	sor.u32 s13, s12;
	v3 =	vld.idx.msk [tilespmem:v0+s23+$0x0], $0xffff  }
0x4da: {  	v9 =	vld [tilespmem:s30+$0x0];
	v4 =	vor.u32 $0x80, v0  }
0x4db: {  	v7 =	vld.idx.msk [tilespmem:v2+s23+$0x0], $0xffff  }
0x4dc: {  	s14 =	sor.u32 $0x10, s1;
	v8 =	vor.u32 $0x80, v2;
	v5 =	vld.idx.msk [tilespmem:v1+s23+$0x0], $0xffff  }
0x4dd: {  	s11 =	sor.u32 s16, s29;
	s31 =	sor.u32 s14, s12  }
0x4de: {  	s8 =	sor.u32 $0x20, s1;
	v10 =	vld [tilespmem:s31+$0x0];
	[tilespmem:s11+$0x0] =	vst v3;
	v3 =	vor.u32 $0x80, v1  }
0x4df: {  	s7 =	sor.u32 s25, s29;
	s3 =	sor.u32 s8, s12;
	v11 =	vshll.u32 v6, $0x2;
	v4 =	vld.idx.msk [tilespmem:v4+s23+$0x0], $0xffff  }
0x4e0: {  	s5 =	sor.u32 s18, s29;
	v13 =	vld [tilespmem:s3+$0x0];
	v6 =	vand.u32 $0x7F, v6;
	v11 =	vand.u32 $0xFFFFFE00, v11;
	v12 =	vor.u32 $0x100, v0;
	[tilespmem:s7+$0x0] =	vst v7  }
0x4e1: {  	[tilespmem:s5+$0x0] =	vst v5;
	v5 =	vor.u32 v6, v11;
	v11 =	vshll.u32 v9, $0x2;
	v8 =	vld.idx.msk [tilespmem:v8+s23+$0x0], $0xffff  }
0x4e2: {  	v9 =	vand.u32 $0x7F, v9;
	v7 =	vor.u32 $0x100, v2;
	v11 =	vand.u32 $0xFFFFFE00, v11  }
0x4e3: {  	v9 =	vor.u32 v9, v11;
	v3 =	vld.idx.msk [tilespmem:v3+s23+$0x0], $0xffff  }
0x4e4: {  	p0 =	por $0x0, $0x0;
	s2 =	simm.s32 $0x1;
	v6 =	vor.u32 $0x100, v1;
	[tilespmem:s11+$0x80] =	vst v4  }
0x4e5: {  	s2 =	simm.s32 @!p0 $0x0;
	v0 =	vor.u32 $0x180, v0;
	v4 =	vshll.u32 v10, $0x2;
	v12 =	vld.idx.msk [tilespmem:v12+s23+$0x0], $0xffff  }
0x4e6: {  	s25 =	simm.s32 $0x80;
	s2 =	sshll.u32 s2, $0x6;
	v11 =	vshll.u32 v13, $0x2;
	v10 =	vand.u32 $0x7F, v10;
	v4 =	vand.u32 $0xFFFFFE00, v4;
	v14 =	vld.idx.msk [tilespmem:v5+s23+$0x0], $0xffff;
	[tilespmem:s7+$0x80] =	vst v8  }
0x4e7: {  	s0 =	sor.u32 s6, s29;
	s6 =	sand.u32 $0x40, s25;
	s3 =	sadd.s32 $0x0, s2;
	v11 =	vand.u32 $0xFFFFFE00, v11;
	v4 =	vor.u32 v10, v4;
	v10 =	vand.u32 $0x7F, v13;
	v7 =	vld.idx.msk [tilespmem:v7+s23+$0x0], $0xffff  }
0x4e8: {  	s12 =	sor.u32 $0x30, s6;
	s2 =	sadd.s32 $0x30, s3;
	s7 =	sand.u32 $0x780, s25;
	[tilespmem:s5+$0x80] =	vst v3;
	v3 =	vor.u32 v10, v11;
	v10 =	vld.idx.msk [tilespmem:v9+s23+$0x0], $0xffff  }
0x4e9: {  	s17 =	sor.u32 $0x100, s2;
	v8 =	vor.u32 $0x80, v5;
	s28 =	sor.u32 s12, s7;
	v6 =	vld.idx.msk [tilespmem:v6+s23+$0x0], $0xffff  }
0x4ea: {  	s24 =	simm.s32 $0x40;
	v16 =	vld [tilespmem:s28+$0x0];
	[tilespmem:s17+$0xE800] =	vst v12  }
0x4eb: {  	s18 =	simm.s32 $0x100;
	[tilespmem:s0+$0x0] =	vst v14;
	v14 =	vld [tilespmem:s24+$0x0]  }
0x4ec: {  	s5 =	sand.u32 $0x1E00, s18;
	v11 =	vld.idx.msk [tilespmem:v0+s23+$0x0], $0xffff;
	v0 =	vor.u32 $0x80, v9  }
0x4ed: {  	v1 =	vor.u32 $0x180, v1;
	s16 =	sadd.s32 $0xE800, s5;
	v12 =	vld.idx.msk [tilespmem:v4+s23+$0x0], $0xffff  }
0x4ee: {  	s4 =	sor.u32 $0x10, s6;
	s26 =	sadd.s32 $0x10, s3;
	s5 =	sor.u32 s13, s16;
	v8 =	vld.idx.msk [tilespmem:v8+s23+$0x0], $0xffff  }
0x4ef: {  	s29 =	sor.u32 $0x100, s26;
	s15 =	sor.u32 s4, s7;
	v13 =	vld.idx.msk [tilespmem:v3+s23+$0x0], $0xffff;
	[tilespmem:s5+$0x0] =	vst v10;
	v10 =	vor.u32 $0x80, v4  }
0x4f0: {  	v15 =	vor.u32 $0x80, v3;
	[tilespmem:s29+$0xE800] =	vst v6;
	v6 =	vld [tilespmem:s15+$0x0]  }
0x4f1: {  	v17 =	vor.u32 $0x100, v5;
	s11 =	sor.u32 $0x20, s6;
	v0 =	vld.idx.msk [tilespmem:v0+s23+$0x0], $0xffff  }
0x4f2: {  	v19 =	vor.u32 $0x100, v9;
	s7 =	sor.u32 s11, s7;
	s30 =	sor.u32 s14, s16;
	v18 =	vld.idx.msk [tilespmem:v1+s23+$0x0], $0xffff;
	v1 =	vshll.u32 v14, $0x2  }
0x4f3: {  	v2 =	vor.u32 $0x180, v2;
	v20 =	vld [tilespmem:s7+$0x0];
	s31 =	sor.u32 s8, s16;
	v14 =	vand.u32 $0x7F, v14;
	v1 =	vand.u32 $0xFFFFFE00, v1;
	[tilespmem:s30+$0x0] =	vst v12  }
0x4f4: {  	v12 =	vor.u32 v14, v1;
	v1 =	vld.idx.msk [tilespmem:v10+s23+$0x0], $0xffff;
	[tilespmem:s31+$0x0] =	vst v13  }
0x4f5: {  	s14 =	sadd.s32 $0x20, s3;
	v14 =	vor.u32 $0x100, v3;
	[tilespmem:s0+$0x80] =	vst v8;
	v8 =	vshll.u32 v16, $0x2;
	v10 =	vor.u32 $0x100, v4;
	v15 =	vld.idx.msk [tilespmem:v15+s23+$0x0], $0xffff  }
0x4f6: {  	p0 =	por !p0, !p0;
	s15 =	sor.u32 $0x100, s14;
	v63 =	vld.idx.msk [tilespmem:v17+s23+$0x0], $0xffff;
	v13 =	vand.u32 $0x7F, v16;
	v8 =	vand.u32 $0xFFFFFE00, v8;
	[tilespmem:s5+$0x80] =	vst v0;
	v0 =	vshll.u32 v6, $0x2;
	s5 =	simm.s32 $0x1  }
0x4f7: {  	s17 =	sor.u32 $0x180, s2;
	[tilespmem:s15+$0xE800] =	vst v7;
	v7 =	vld.idx.msk [tilespmem:v19+s23+$0x0], $0xffff;
	v16 =	vand.u32 $0xFFFFFE00, v0;
	v0 =	vor.u32 v13, v8;
	s5 =	simm.s32 @!p0 $0x0  }
0x4f8: {  	[tilespmem:s17+$0xE800] =	vst v11;
	v8 =	vshll.u32 v20, $0x2;
	v19 =	vld.idx.msk [tilespmem:v2+s23+$0x0], $0xffff;
	v2 =	vand.u32 $0x7F, v6;
	v6 =	vor.u32 $0x180, v9;
	s18 =	sshll.u32 s5, $0x6  }
0x4f9: {  	s25 =	sor.u32 $0x180, s26;
	s24 =	sor.u32 $0x100, s3;
	v22 =	vld.idx.msk [tilespmem:v12+s23+$0x0], $0xffff;
	v8 =	vand.u32 $0xFFFFFE00, v8;
	v23 =	vor.u32 v2, v16;
	v2 =	vand.u32 $0x7F, v20;
	[tilespmem:s30+$0x80] =	vst v1;
	s26 =	sadd.s32 $0x100, s18  }
0x4fa: {  	s28 =	sor.u32 $0x180, s14;
	s14 =	sor.u32 $0x180, s3;
	v20 =	vor.u32 v2, v8;
	v13 =	vld.idx.msk [tilespmem:v10+s23+$0x0], $0xffff;
	[tilespmem:s31+$0x80] =	vst v15;
	s0 =	sadd.s32 $0x30, s26  }
0x4fb: {  	s3 =	sor.u32 s1, s16;
	s1 =	simm.s32 $0x200;
	v3 =	vor.u32 $0x180, v3;
	[tilespmem:s25+$0xE800] =	vst v18;
	v14 =	vld.idx.msk [tilespmem:v14+s23+$0x0], $0xffff;
	s30 =	sor.u32 $0x100, s0  }
0x4fc: {  	s9 =	simm.s32 $0x80;
	s15 =	simm.s32 $0x8;
	s8 =	sand.u32 $0x1E00, s1;
	v4 =	vor.u32 $0x180, v4;
	v9 =	vor.u32 $0x80, v12;
	v1 =	vor.u32 $0x180, v5;
	v17 =	vld.idx.msk [tilespmem:v0+s23+$0x0], $0xffff;
	[tilespmem:s30+$0xE800] =	vst v7  }
0x4fd: {  	s25 =	simm.s32 $0xC0;
	v5 =	vor.u32 $0x100, v12;
	[tilespmem:s24+$0xE800] =	vst v63;
	v2 =	vor.u32 $0x180, v12;
	v10 =	vor.u32 $0x80, v23;
	s29 =	sadd.s32 $0x10, s26;
	s31 =	sadd.s32 $0x20, s26;
	v16 =	vld.idx.msk [tilespmem:v6+s23+$0x0], $0xffff  }
0x4fe: {  	v11 =	vor.u32 $0x180, v23;
	s17 =	sor.u32 $0x100, s26;
	v12 =	vor.u32 $0x80, v20;
	s16 =	sor.u32 $0x180, s26;
	s2 =	sor.u32 $0x100, s29;
	[tilespmem:s28+$0xE800] =	vst v19;
	v19 =	vor.u32 $0x80, v0;
	v15 =	vld.idx.msk [tilespmem:v23+s23+$0x0], $0xffff  }
0x4ff: {  	v8 =	vor.u32 $0x180, v20;
	s7 =	sor.u32 $0x100, s31;
	s24 =	sor.u32 $0x180, s29;
	s13 =	sor.u32 $0x180, s31;
	v7 =	vor.u32 $0x100, v20;
	[tilespmem:s3+$0x0] =	vst v22;
	v6 =	vor.u32 $0x100, v23;
	v18 =	vld.idx.msk [tilespmem:v20+s23+$0x0], $0xffff  }
.LBB2_26:
0x500: {  	s5 =	sand.u32 $0x780, s25;
	v20 =	vld [tilespmem:s9+$0x0];
	s8 =	sadd.s32 $0xE800, s8;
	[tilespmem:s2+$0xE800] =	vst v13;
	s26 =	smov.u32 s14  }
0x501: {  	s2 =	sand.u32 $0x40, s25;
	s15 =	sadd.s32 $0x4, s15;
	s9 =	sor.u32 s12, s8;
	v13 =	vld.idx.msk [tilespmem:v9+s23+$0x0], $0xffff;
	[tilespmem:s7+$0xE800] =	vst v14  }
0x502: {  	s0 =	sor.u32 $0x180, s0;
	s12 =	sor.u32 $0x30, s2;
	p1 =	slt.u32 s15, $0x7C;
	[tilespmem:s9+$0x0] =	vst v17;
	v14 =	vld.idx.msk [tilespmem:v4+s23+$0x0], $0xffff;
	v4 =	vmov v11  }
0x503: {  	s7 =	sor.u32 $0x10, s2;
	s14 =	sor.u32 $0x20, s2;
	s18 =	sor.u32 s12, s5;
	v11 =	vld.idx.msk [tilespmem:v19+s23+$0x0], $0xffff;
	[tilespmem:s0+$0xE800] =	vst v16  }
0x504: {  	s0 =	sor.u32 s7, s5;
	s5 =	sor.u32 s14, s5;
	v16 =	vld [tilespmem:s18+$0x0];
	s18 =	sor.u32 s6, s8  }
0x505: {  	s6 =	smov.u32 s2;
	v17 =	vld [tilespmem:s0+$0x0];
	v9 =	vand.u32 $0x7F, v20;
	v19 =	vshll.u32 v20, $0x2;
	s0 =	sor.u32 s4, s8;
	s8 =	sor.u32 s11, s8;
	v20 =	vor.u32 $0x100, v0  }
0x506: {  	s4 =	smov.u32 s7;
	s11 =	smov.u32 s14;
	s14 =	smov.u32 s16;
	v21 =	vld [tilespmem:s5+$0x0];
	v19 =	vand.u32 $0xFFFFFE00, v19;
	[tilespmem:s0+$0x0] =	vst v15  }
0x507: {  	v15 =	vor.u32 v9, v19;
	v10 =	vld.idx.msk [tilespmem:v10+s23+$0x0], $0xffff;
	[tilespmem:s8+$0x0] =	vst v18  }
0x508: {  	v9 =	vor.u32 $0x80, v15;
	v18 =	vor.u32 $0x100, v15;
	v19 =	vor.u32 $0x180, v15;
	v12 =	vld.idx.msk [tilespmem:v12+s23+$0x0], $0xffff;
	[tilespmem:s3+$0x80] =	vst v13;
	s3 =	smov.u32 s18  }
0x509: {  	p0 =	por !p0, !p0;
	s2 =	simm.s32 $0x1;
	v13 =	vshll.u32 v16, $0x2;
	[tilespmem:s9+$0x80] =	vst v11;
	v22 =	vld.idx.msk [tilespmem:v5+s23+$0x0], $0xffff;
	v5 =	vmov v18  }
0x50a: {  	s2 =	simm.s32 @!p0 $0x0;
	v16 =	vand.u32 $0x7F, v16;
	v11 =	vshll.u32 v17, $0x2;
	v13 =	vand.u32 $0xFFFFFE00, v13;
	v18 =	vld.idx.msk [tilespmem:v20+s23+$0x0], $0xffff;
	[tilespmem:s24+$0xE800] =	vst v14  }
0x50b: {  	s2 =	sshll.u32 s2, $0x6;
	v11 =	vand.u32 $0xFFFFFE00, v11;
	v14 =	vshll.u32 v21, $0x2;
	v16 =	vor.u32 v16, v13;
	v20 =	vld.idx.msk [tilespmem:v3+s23+$0x0], $0xffff;
	v3 =	vmovc v8  }
0x50c: {  	s5 =	sadd.s32 s2, s1;
	v8 =	vand.u32 $0x7F, v17;
	v13 =	vand.u32 $0xFFFFFE00, v14;
	v23 =	vld.idx.msk [tilespmem:v15+s23+$0x0], $0xffff;
	v15 =	vor.u32 $0x180, v0;
	v0 =	vmovc v16  }
0x50d: {  	s9 =	sadd.s32 $0x10, s5;
	v24 =	vor.u32 v8, v11;
	v8 =	vand.u32 $0x7F, v21;
	[tilespmem:s0+$0x80] =	vst v10;
	v21 =	vld.idx.msk [tilespmem:v1+s23+$0x0], $0xffff;
	v1 =	vmovc v2;
	v2 =	vmov v19  }
0x50e: {  	s2 =	sor.u32 $0x100, s9;
	v10 =	vor.u32 $0x80, v24;
	v25 =	vor.u32 v8, v13;
	s0 =	sadd.s32 $0x30, s5;
	v13 =	vld.idx.msk [tilespmem:v6+s23+$0x0], $0xffff;
	v6 =	vor.u32 $0x100, v24;
	[tilespmem:s8+$0x80] =	vst v12;
	s8 =	sadd.s32 $0x20, s5  }
.Ltmp12:
0x50f: {  	v11 =	vor.u32 $0x180, v24;
	v12 =	vor.u32 $0x80, v25;
	s16 =	sor.u32 $0x100, s0;
	v14 =	vld.idx.msk [tilespmem:v7+s23+$0x0], $0xffff;
	v7 =	vor.u32 $0x100, v25;
	s7 =	sor.u32 $0x100, s8;
	[tilespmem:s17+$0xE800] =	vst v22;
	(pc) =	sbr.rel @p1 .LBB2_26-.Ltmp12, $4  }
0x510: {  	s24 =	sor.u32 $0x180, s9;
	v8 =	vor.u32 $0x180, v25;
	s17 =	sor.u32 $0x100, s5;
	s8 =	sor.u32 $0x180, s8;
	v17 =	vld.idx.msk [tilespmem:v16+s23+$0x0], $0xffff;
	[tilespmem:s16+$0xE800] =	vst v18  }
0x511: {  	s16 =	sor.u32 $0x180, s5;
	v16 =	vld.idx.msk [tilespmem:v15+s23+$0x0], $0xffff;
	[tilespmem:s13+$0xE800] =	vst v20;
	s13 =	smov.u32 s8  }
0x512: {  	s1 =	sadd.s32 $0x100, s1;
	v19 =	vor.u32 $0x80, v0;
	v15 =	vld.idx.msk [tilespmem:v24+s23+$0x0], $0xffff;
	[tilespmem:s3+$0x0] =	vst v23  }
0x513: {  	s25 =	sadd.s32 $0x40, s25;
	s9 =	sshra.s32 s1, $0x2;
	s8 =	sand.u32 $0x1E00, s1;
	v18 =	vld.idx.msk [tilespmem:v25+s23+$0x0], $0xffff;
	[tilespmem:s26+$0xE800] =	vst v21  }
0x514: {  	v20 =	vld [tilespmem:s9+$0x0];
	_ =	sdelay $0x4  }
0x515: {  	v21 =	vshll.u32 v20, $0x2  }
0x516: {  	v20 =	vand.u32 $0x7F, v20;
	v21 =	vand.u32 $0xFFFFFE00, v21  }
0x517: {  	v20 =	vor.u32 v20, v21;
	_ =	sdelay $0x3  }
0x518: {  	s5 =	sadd.s32 $0xE800, s8;
	[tilespmem:s2+$0xE800] =	vst v13  }
0x519: {  	[tilespmem:s7+$0xE800] =	vst v14;
	s30 =	sor.u32 s12, s5;
	v51 =	vld.idx.msk [tilespmem:v20+s23+$0x0], $0xffff  }
0x51a: {  	v9 =	vld.idx.msk [tilespmem:v9+s23+$0x0], $0xffff;
	s0 =	sor.u32 $0x180, s0;
	[tilespmem:s30+$0x0] =	vst v17;
	v52 =	vor.u32 $0x80, v20  }
0x51b: {  	v1 =	vld.idx.msk [tilespmem:v1+s23+$0x0], $0xffff;
	s4 =	sor.u32 s4, s5;
	[tilespmem:s0+$0xE800] =	vst v16  }
0x51c: {  	s31 =	sor.u32 s11, s5;
	v17 =	vld.idx.msk [tilespmem:v19+s23+$0x0], $0xffff;
	[tilespmem:s4+$0x0] =	vst v15  }
0x51d: {  	v53 =	vor.u32 $0x100, v0;
	s6 =	sor.u32 s6, s5;
	v10 =	vld.idx.msk [tilespmem:v10+s23+$0x0], $0xffff;
	[tilespmem:s31+$0x0] =	vst v18  }
0x51e: {  	v12 =	vld.idx.msk [tilespmem:v12+s23+$0x0], $0xffff;
	[tilespmem:s6+$0x0] =	vst v51  }
0x51f: {  	[tilespmem:s3+$0x80] =	vst v9;
	v54 =	vld.idx.msk [tilespmem:v52+s23+$0x0], $0xffff  }
0x520: {  	v4 =	vld.idx.msk [tilespmem:v4+s23+$0x0], $0xffff;
	[tilespmem:s14+$0xE800] =	vst v1;
	v55 =	vor.u32 $0x100, v20  }
0x521: {  	p0 =	por !p0, !p0;
	s2 =	simm.s32 $0x1;
	v5 =	vld.idx.msk [tilespmem:v5+s23+$0x0], $0xffff;
	[tilespmem:s30+$0x80] =	vst v17  }
0x522: {  	s2 =	simm.s32 @!p0 $0x0;
	v56 =	vld.idx.msk [tilespmem:v53+s23+$0x0], $0xffff;
	[tilespmem:s4+$0x80] =	vst v10  }
0x523: {  	v57 =	vor.u32 $0x180, v0;
	s2 =	sshll.u32 s2, $0x6;
	v6 =	vld.idx.msk [tilespmem:v6+s23+$0x0], $0xffff;
	[tilespmem:s31+$0x80] =	vst v12  }
0x524: {  	s1 =	sadd.s32 s2, s1;
	v58 =	vld.idx.msk [tilespmem:v7+s23+$0x0], $0xffff;
	[tilespmem:s6+$0x80] =	vst v54  }
0x525: {  	s2 =	sadd.s32 $0x30, s1;
	[tilespmem:s24+$0xE800] =	vst v4;
	v59 =	vld.idx.msk [tilespmem:v55+s23+$0x0], $0xffff  }
0x526: {  	v3 =	vld.idx.msk [tilespmem:v3+s23+$0x0], $0xffff;
	s7 =	sadd.s32 $0x10, s1;
	s8 =	sor.u32 $0x100, s2;
	v60 =	vor.u32 $0x180, v20;
	[tilespmem:s17+$0xE800] =	vst v5  }
0x527: {  	s9 =	sadd.s32 $0x20, s1;
	s11 =	sor.u32 $0x100, s7;
	v2 =	vld.idx.msk [tilespmem:v2+s23+$0x0], $0xffff;
	[tilespmem:s8+$0xE800] =	vst v56  }
0x528: {  	s12 =	sor.u32 $0x100, s9;
	v0 =	vld.idx.msk [tilespmem:v57+s23+$0x0], $0xffff;
	[tilespmem:s11+$0xE800] =	vst v6  }
0x529: {  	s15 =	sor.u32 $0x100, s1;
	[tilespmem:s12+$0xE800] =	vst v58;
	v61 =	vld.idx.msk [tilespmem:v11+s23+$0x0], $0xffff  }
0x52a: {  	v62 =	vld.idx.msk [tilespmem:v8+s23+$0x0], $0xffff;
	[tilespmem:s15+$0xE800] =	vst v59  }
0x52b: {  	[tilespmem:s13+$0xE800] =	vst v3;
	v63 =	vld.idx.msk [tilespmem:v60+s23+$0x0], $0xffff  }
0x52c: {  	s2 =	sor.u32 $0x180, s2;
	[tilespmem:s16+$0xE800] =	vst v2  }
0x52d: {  	s0 =	sor.u32 $0x180, s7;
	[tilespmem:s2+$0xE800] =	vst v0  }
0x52e: {  	s17 =	sor.u32 $0x180, s9;
	[tilespmem:s0+$0xE800] =	vst v61  }
0x52f: {  	s18 =	sor.u32 $0x180, s1;
	[tilespmem:s17+$0xE800] =	vst v62  }
0x530: {  	s25 =	simm.s32 $0x5;
	s24 =	simm.s32 $0xE800;
	[tilespmem:s18+$0xE800] =	vst v63  }
0x531: {  	[spmem:s10] =	stream.linear.scatter [tilespmem:s24], [sflag:$0x8], $0x2000, $0x38;
	[tilespmem:$0x12800] =	vst v63  }
0x532: {  	_ =	swait.ge [sflag:s25], $0x2000  }
0x533: {  	[sflag:s25] =	ssyncset.done $0x0  }
0x534: {  	s26 =	simm.s32 $0x6;
	[sflag:s25] =	ssyncadd.s32 $0xFFFFE000  }
0x535: {  	_ =	swait.ge [sflag:s26], $0x2000  }
0x536: {  	[sflag:s26] =	ssyncset.done $0x0  }
0x537: {  	s28 =	simm.s32 $0x7;
	[sflag:s26] =	ssyncadd.s32 $0xFFFFE000  }
0x538: {  	_ =	swait.ge [sflag:s28], $0x2000  }
0x539: {  	[sflag:s28] =	ssyncset.done $0x0  }
0x53a: {  	s29 =	simm.s32 $0x8;
	[sflag:s28] =	ssyncadd.s32 $0xFFFFE000  }
0x53b: {  	_ =	swait.ge [sflag:s29], $0x2000  }
0x53c: {  	s30 =	rddreg [dreg:$0x10]  }
0x53d: {  	s31 =	rddreg [dreg:$0xf];
	s2 =	sadd.s32 $0x1, s30  }
0x53e: {  	p0 =	sne.s32 s2, s31  }
.Ltmp13:
0x53f: {  	_ = 	snop;
	(pc) =	sbr.rel @p0 .LBB2_1-.Ltmp13, $3  }
0x540: {  	_ =	sdelay $0x1  }
0x541: {  	[sflag:s29] =	ssyncset.done $0x0  }
0x542: {  	[sflag:s29] =	ssyncadd.s32 $0xFFFFE000  }
0x543: {  	_ =	sfence.sel $0x180000  }
0x544: {  	[bflag:$0x0] =	sbarrier.arrive $0xFFFF  }
0x545: {  	_ =	strace $0x90000047  }
0x546: {  	s0 =	stileid.u32;
	[bflag:$0x2] =	sbarrier.arrive $0xFFFF  }
0x547: {  	p0 =	sne.s32 s0, $0x0;
	s0 =	rddreg [dreg:$0x3]  }
0x548: {  	s0 =	sadd.s32 @!p0 $0x100000, s0  }
0x549: {  	[sflag:s0] =	ssyncadd.tile.s32 @!p0 $0x1;
	_ =	shalt  }
.Lfunc_end2:
_tile_overlayer_lowered:
.L_overlay_start_2:
0x54a: {  	(tag) =	ssettag $0x2  }
0x54b: {  	s0 =	rddreg [dreg:$0x0];
	s2 =	stileid.u32  }
0x54c: {  	s1 =	rddreg [dreg:$0x1];
	p0 =	sne.s32 s2, $0x0  }
0x54d: {  	s3 =	rddreg [dreg:$0x2];
	[bflag:$0x3] =	sbarrier.arrive $0xFFFF;
	s2 =	simm.s32 @!p0 $0x1C09  }
0x54e: {  	[timem:s3], [sflag:s2] =	dma.local @!p0 [hbm:s0], s1  }
0x54f: {  	s0 =	simm.s32 @!p0 $0x9  }
0x550: {  	_ =	swait.ge @!p0 [sflag:s0], s1  }
0x551: {  	s1 =	ssub.s32 @!p0 $0x0, s1;
	[sflag:s0] =	ssyncset.done @!p0 $0x0  }
0x552: {  	[sflag:s0] =	ssyncadd.s32 @!p0 s1  }
0x553: {  	[bflag:$0x3] =	sbarrier.arrive $0xFFFF  }
0x554: {  	_ =	shalt  }

</sc_bundles>
